<compile_context>
chip_gen: v7x
topology: tpu7x:2x2x1
jax: 0.10.2.dev20260603
libtpu: 0.0.44.dev20260713+nightly
codegen_flags: <defaults>
</compile_context>

<pallas_src>
import functools

import jax
import jax.numpy as jnp
from jax import lax
from jax.experimental import pallas as pl
from jax.experimental.pallas import tpu as pltpu
from jax.experimental.pallas import tpu_sc as plsc

NUM_UNITS = 16
NEURONS = 256
TIMESTEPS = 64
HIDDEN = 128
DIRECT_WEIGHT = 1.5
FLAT = TIMESTEPS * NEURONS
K_TOTAL = NUM_UNITS * FLAT

SC_ROWS = 8 * FLAT
TC_CHUNK = 4096
TC_CHUNKS = (K_TOTAL - SC_ROWS) // TC_CHUNK

SC_CORES = 2
SC_SUBCORES = 16
SC_WORKERS = SC_CORES * SC_SUBCORES
RPW = SC_ROWS // SC_WORKERS
SC_CH = 256
SC_NCH = RPW // SC_CH


def _unit_fwd_kernel(spikes_ref, unitw_ref, uo_ref, injT_ref):
    x = spikes_ref[:]
    for u in range(NUM_UNITS):
        inj = jnp.dot(x, unitw_ref[u],
                      preferred_element_type=jnp.float32)
        injT_ref[:, pl.ds(u, 1), :] = inj.reshape(TIMESTEPS, 1, NEURONS)

    def step(t, mem):
        m = mem * 0.9 + injT_ref[pl.ds(t, 1), :, :].reshape(
            NUM_UNITS, NEURONS)
        spk = jax.nn.sigmoid(4.0 * (m - 1.0))
        uo_ref[:, pl.ds(t * NEURONS, NEURONS)] = spk
        return m - spk

    lax.fori_loop(0, TIMESTEPS, step,
                  jnp.zeros((NUM_UNITS, NEURONS), jnp.float32))


def _unit_forward(input_spikes, unit_W):
    return pl.pallas_call(
        _unit_fwd_kernel,
        grid=(1,),
        in_specs=[
            pl.BlockSpec((TIMESTEPS, NEURONS), lambda g: (0, 0)),
            pl.BlockSpec((NUM_UNITS, NEURONS, NEURONS),
                         lambda g: (0, 0, 0)),
        ],
        out_specs=pl.BlockSpec((NUM_UNITS, FLAT), lambda g: (0, 0)),
        out_shape=jax.ShapeDtypeStruct((NUM_UNITS, FLAT), jnp.float32),
        scratch_shapes=[
            pltpu.VMEM((TIMESTEPS, NUM_UNITS, NEURONS), jnp.float32),
        ],
    )(input_spikes, unit_W)


def _sc_gemv_body(v_hbm, w1_hbm, out_hbm, v_vmem, wb0, wb1, acc_vmem,
                  sem0, sem1):
    c = lax.axis_index("c")
    s = lax.axis_index("s")
    wid = s * SC_CORES + c
    base = wid * RPW
    pltpu.sync_copy(v_hbm.at[pl.ds(base, RPW)], v_vmem)

    bufs = (wb0, wb1)
    sems = (sem0, sem1)
    for b in range(2):
        pltpu.async_copy(
            w1_hbm.at[pl.ds((base + b * SC_CH) * HIDDEN, SC_CH * HIDDEN)],
            bufs[b], sems[b])
    groups = SC_CH // 16

    def pair_step(p, accs):
        for b in range(2):
            ci = 2 * p + b
            pltpu.make_async_copy(
                w1_hbm.at[pl.ds(0, SC_CH * HIDDEN)], bufs[b], sems[b]).wait()
            buf = bufs[b]

            def group_step(g, a):
                v16 = v_vmem[pl.ds(ci * SC_CH + g * 16, 16)]
                a0, a1 = a
                for l in range(8):
                    sv = v16[l]
                    rowoff = (g * 16 + l) * HIDDEN
                    a0 = tuple(a0[j] + sv * buf[pl.ds(rowoff + j * 16, 16)]
                               for j in range(8))
                for l in range(8, 16):
                    sv = v16[l]
                    rowoff = (g * 16 + l) * HIDDEN
                    a1 = tuple(a1[j] + sv * buf[pl.ds(rowoff + j * 16, 16)]
                               for j in range(8))
                return (a0, a1)

            accs = plsc.parallel_loop(0, groups, carry=accs,
                                      unroll=2)(group_step)

            @pl.when(ci + 2 < SC_NCH)
            def _start_next():
                pltpu.async_copy(
                    w1_hbm.at[pl.ds((base + (ci + 2) * SC_CH) * HIDDEN,
                                    SC_CH * HIDDEN)],
                    buf, sems[b])
        return accs

    zero8 = tuple(jnp.zeros((16,), jnp.float32) for _ in range(8))
    a0, a1 = lax.fori_loop(0, SC_NCH // 2, pair_step, (zero8, zero8))
    for j in range(8):
        acc_vmem[pl.ds(j * 16, 16)] = a0[j] + a1[j]
    pltpu.sync_copy(acc_vmem, out_hbm.at[wid])


def _sc_gemv(v_flat, coord_W1):
    mesh = plsc.VectorSubcoreMesh(core_axis_name="c", subcore_axis_name="s",
                                  num_cores=SC_CORES,
                                  num_subcores=SC_SUBCORES)
    fn = functools.partial(
        pl.kernel, mesh=mesh,
        out_type=jax.ShapeDtypeStruct((SC_WORKERS, HIDDEN), jnp.float32),
        scratch_types=[
            pltpu.VMEM((RPW,), jnp.float32),
            pltpu.VMEM((SC_CH * HIDDEN,), jnp.float32),
            pltpu.VMEM((SC_CH * HIDDEN,), jnp.float32),
            pltpu.VMEM((HIDDEN,), jnp.float32),
            pltpu.SemaphoreType.DMA,
            pltpu.SemaphoreType.DMA,
        ],
    )(_sc_gemv_body)
    return fn(v_flat, coord_W1.reshape(-1))


def _tc_gemv_kernel(uo_ref, w1_ref, out_ref):
    g = pl.program_id(0)

    @pl.when(g == 0)
    def _init():
        out_ref[:] = jnp.zeros_like(out_ref)

    k0 = SC_ROWS + g * TC_CHUNK
    u = k0 // FLAT
    off = k0 - u * FLAT
    v = uo_ref[pl.ds(u, 1), pl.ds(off, TC_CHUNK)]
    out_ref[:] += jnp.dot(v, w1_ref[0],
                          preferred_element_type=jnp.float32)


def _tc_gemv(uo, coord_W1):
    w1_blocked = coord_W1.reshape(K_TOTAL // TC_CHUNK, TC_CHUNK, HIDDEN)
    sc_blk = SC_ROWS // TC_CHUNK
    return pl.pallas_call(
        _tc_gemv_kernel,
        grid=(TC_CHUNKS,),
        in_specs=[
            pl.BlockSpec((NUM_UNITS, FLAT), lambda g: (0, 0)),
            pl.BlockSpec((1, TC_CHUNK, HIDDEN),
                         lambda g: (sc_blk + g, 0, 0)),
        ],
        out_specs=pl.BlockSpec((1, HIDDEN), lambda g: (0, 0)),
        out_shape=jax.ShapeDtypeStruct((1, HIDDEN), jnp.float32),
    )(uo, w1_blocked)


def _head_kernel(uo_ref, tc_acc_ref, partials_ref, spikes_ref, b1_ref,
                 w2_ref, b2_ref, u42_ref, u7_ref, u9_ref, out_ref):
    h_pre = tc_acc_ref[:] + jnp.sum(partials_ref[:], axis=0,
                                    keepdims=True) + b1_ref[:]
    h = jnp.tanh(h_pre)
    logits = jnp.dot(h, w2_ref[:],
                     preferred_element_type=jnp.float32) + b2_ref[:]
    probs = jax.nn.sigmoid(logits)
    sample = (u42_ref[:] < probs).astype(jnp.float32)
    k_idx = lax.broadcasted_iota(jnp.int32,
                                 (NUM_UNITS * NUM_UNITS, NUM_UNITS), 0)
    j_idx = lax.broadcasted_iota(jnp.int32,
                                 (NUM_UNITS * NUM_UNITS, NUM_UNITS), 1)
    sel = (lax.rem(k_idx, NUM_UNITS) == j_idx).astype(jnp.float32)
    coeff = 3.0 * jnp.dot(sample, sel,
                          preferred_element_type=jnp.float32)
    final = jnp.dot(coeff, uo_ref[:],
                    preferred_element_type=jnp.float32)
    sm = jnp.mean(spikes_ref[:])
    p = jnp.clip(sm + 0.02, 0.0, 1.0)
    tgt = (u7_ref[:] < p).astype(jnp.float32)
    final = final * 0.5 + tgt * DIRECT_WEIGHT
    mean_f = jnp.mean(final)
    target_mean = sm * 10.0 + 0.2
    boost = jnp.where(mean_f < 0.2,
                      jnp.maximum(0.0, target_mean - mean_f), 0.0)
    out_ref[:] = final + u9_ref[:] * boost * 2.0


def _head(uo, tc_acc, partials, input_spikes, b1, W2, b2, u42, u7, u9):
    full = lambda g: (0, 0)
    return pl.pallas_call(
        _head_kernel,
        grid=(1,),
        in_specs=[
            pl.BlockSpec((NUM_UNITS, FLAT), full),
            pl.BlockSpec((1, HIDDEN), full),
            pl.BlockSpec((SC_WORKERS, HIDDEN), full),
            pl.BlockSpec((TIMESTEPS, NEURONS), full),
            pl.BlockSpec((1, HIDDEN), full),
            pl.BlockSpec((HIDDEN, NUM_UNITS * NUM_UNITS), full),
            pl.BlockSpec((1, NUM_UNITS * NUM_UNITS), full),
            pl.BlockSpec((1, NUM_UNITS * NUM_UNITS), full),
            pl.BlockSpec((1, FLAT), full),
            pl.BlockSpec((1, FLAT), full),
        ],
        out_specs=pl.BlockSpec((1, FLAT), full),
        out_shape=jax.ShapeDtypeStruct((1, FLAT), jnp.float32),
    )(uo, tc_acc, partials, input_spikes, b1, W2, b2, u42, u7, u9)


def _threefry2x32(k0, k1, x0, x1):
    import numpy as np
    x0 = x0.astype(np.uint32).copy()
    x1 = x1.astype(np.uint32).copy()
    ks = [np.uint32(k0), np.uint32(k1),
          np.uint32(np.uint32(k0) ^ np.uint32(k1) ^ np.uint32(0x1BD11BDA))]
    rotations = [(13, 15, 26, 6), (17, 29, 16, 24)]
    x0 = (x0 + ks[0]).astype(np.uint32)
    x1 = (x1 + ks[1]).astype(np.uint32)
    for i in range(5):
        for r in rotations[i % 2]:
            x0 = (x0 + x1).astype(np.uint32)
            x1 = ((x1 << np.uint32(r)) | (x1 >> np.uint32(32 - r))).astype(
                np.uint32) ^ x0
        x0 = (x0 + ks[(i + 1) % 3]).astype(np.uint32)
        x1 = (x1 + ks[(i + 2) % 3] + np.uint32(i + 1)).astype(np.uint32)
    return x0, x1


def _const_uniform(seed, shape):
    import numpy as np
    n = int(np.prod(shape))
    b0, b1 = _threefry2x32(0, np.uint32(seed), np.zeros(n, np.uint32),
                           np.arange(n, dtype=np.uint32))
    bits = b0 ^ b1
    fl = ((bits >> np.uint32(9)) | np.uint32(0x3F800000)).view(np.float32)
    return np.maximum(0.0, fl - 1.0).reshape(shape).astype(np.float32)


_U42 = _const_uniform(42, (NUM_UNITS, NUM_UNITS)).reshape(1, -1)
_U7 = _const_uniform(7, (TIMESTEPS, NEURONS)).reshape(1, -1)
_U9 = _const_uniform(9, (TIMESTEPS, NEURONS)).reshape(1, -1)


@jax.jit
def _run(input_spikes, unit_W, coord_W1, coord_b1, coord_W2, coord_b2):
    u42 = _U42
    u7 = _U7
    u9 = _U9
    uo = _unit_forward(input_spikes, unit_W)
    partials = _sc_gemv(uo.reshape(K_TOTAL), coord_W1)
    tc_acc = _tc_gemv(uo, coord_W1)
    out = _head(uo, tc_acc, partials, input_spikes,
                coord_b1.reshape(1, HIDDEN), coord_W2,
                coord_b2.reshape(1, -1), u42, u7, u9)
    return out.reshape(TIMESTEPS, NEURONS)


def kernel(input_spikes, unit_W, coord_W1, coord_b1, coord_W2, coord_b2):
    return _run(input_spikes, unit_W, coord_W1, coord_b1, coord_W2, coord_b2)

# --- scband reference (transcript-rebuilt; emitter-appended) ---
"""Pipeline reference for scband-amn-73117523247520 (READ-ONLY COPY).

The authoritative reference and input builder live on the scoring server;
editing this copy changes nothing except your own understanding.
"""

import jax, jax.numpy as jnp
import numpy as np

NUM_UNITS = 16
NEURONS = 256
TIMESTEPS = 64
HIDDEN = 128
DIRECT_WEIGHT = 1.5


def setup_inputs(seed: int = 0):
    key = jax.random.key(seed)
    ks = jax.random.split(key, 8)
    input_spikes = (jax.random.uniform(ks[0], (TIMESTEPS, NEURONS)) < 0.5).astype(jnp.float32)
    unit_W = jax.random.normal(ks[1], (NUM_UNITS, NEURONS, NEURONS), dtype=jnp.float32) * 0.05
    coord_in_dim = NUM_UNITS * TIMESTEPS * NEURONS
    coord_W1 = jax.random.normal(ks[2], (coord_in_dim, HIDDEN), dtype=jnp.float32) * (1.0 / np.sqrt(coord_in_dim))
    coord_b1 = jnp.zeros((HIDDEN,), dtype=jnp.float32)
    coord_W2 = jax.random.normal(ks[3], (HIDDEN, NUM_UNITS * NUM_UNITS), dtype=jnp.float32) * (1.0 / np.sqrt(HIDDEN))
    coord_b2 = jnp.zeros((NUM_UNITS * NUM_UNITS,), dtype=jnp.float32)
    return {"input_spikes": input_spikes, "unit_W": unit_W, "coord_W1": coord_W1, "coord_b1": coord_b1, "coord_W2": coord_W2, "coord_b2": coord_b2}


def _get_spike_rate(spikes):
    return spikes.mean() * 1000.0


def _encode_number(value, t, n, key):
    p = jnp.clip(value / 100.0, 0.0, 1.0)
    u = jax.random.uniform(key, (t, n))
    return (u < p).astype(jnp.float32)


def _forward(input_spikes, unit_W, coord_W1, coord_b1, coord_W2, coord_b2):
    decay = 0.9
    thr = 1.0

    def unit_fwd(W):
        def step(mem, xt):
            mem = mem * decay + xt @ W
            spk = jax.nn.sigmoid(4.0 * (mem - thr))
            mem = mem - spk * thr
            return mem, spk
        _, out = jax.lax.scan(step, jnp.zeros((NEURONS,), dtype=jnp.float32), input_spikes)
        return out

    unit_outputs = jax.vmap(unit_fwd)(unit_W)  # [U, T, N] == torch.stack(all_unit_outputs_list)

    input_rate = _get_spike_rate(input_spikes)
    target_output_rate = input_rate + 20.0

    # Coordinator policy network: flatten full activity, produce Bernoulli connection matrix + log probs
    coord_in = unit_outputs.reshape(1, -1)
    h = jnp.tanh(coord_in @ coord_W1 + coord_b1)
    logits = (h @ coord_W2 + coord_b2).reshape(NUM_UNITS, NUM_UNITS)
    probs = jax.nn.sigmoid(logits)
    u = jax.random.uniform(jax.random.key(42), (NUM_UNITS, NUM_UNITS))
    sample = jax.lax.stop_gradient((u < probs).astype(jnp.float32))

    # final_output += unit_outputs[j] * conn[i,j]*3.0 for all (i,j) with conn[i,j] > 0.1
    # (conn values used via .item() in torch -> constants w.r.t. autograd)
    connection_strength = 3.0
    mask = (sample > 0.1).astype(jnp.float32)
    coeff = connection_strength * (sample * mask).sum(axis=0)  # [U]
    final = jnp.einsum('u,utn->tn', coeff, unit_outputs)

    # Direct mapping heuristic
    target_spikes = _encode_number(target_output_rate / 10.0, TIMESTEPS, NEURONS, jax.random.key(7))
    final = final * 0.5 + target_spikes * DIRECT_WEIGHT

    # Boost if mean spike activity too low (boost factor detached, as torch uses .item())
    mean = final.mean()
    target_mean = target_output_rate / 100.0
    boost = jax.lax.stop_gradient(jnp.where(mean < 0.2, jnp.maximum(0.0, target_mean - mean), 0.0))
    bias = jax.random.uniform(jax.random.key(9), (TIMESTEPS, NEURONS)) * boost * 2.0
    final = final + bias
    return final


def reference(input_spikes, unit_W, coord_W1, coord_b1, coord_W2, coord_b2):
    return _forward(input_spikes, unit_W, coord_W1, coord_b1, coord_W2, coord_b2)

if __name__ == "__main__":
    import jax
    _d = setup_inputs()
    print(jax.jit(kernel)(*tuple(_d.values())))

</pallas_src>

<mosaic_0001>
#map = affine_map<(d0, d1) -> (0)>
#map1 = affine_map<(d0, d1) -> (0, 0)>
module attributes {stable_mosaic.version = 14 : i64} {
  func.func @_sc_gemv_body(%arg0: i32, %arg1: i32, %arg2: memref<262144xf32, #tpu.memory_space<hbm>>, %arg3: memref<33554432xf32, #tpu.memory_space<hbm>>, %arg4: memref<32x128xf32, #tpu.memory_space<hbm>>, %arg5: memref<4096xf32, #tpu.memory_space<vmem>>, %arg6: memref<32768xf32, #tpu.memory_space<vmem>>, %arg7: memref<32768xf32, #tpu.memory_space<vmem>>, %arg8: memref<128xf32, #tpu.memory_space<vmem>>, %arg9: memref<!tpu.dma_semaphore, #tpu.memory_space<semaphore_mem>>, %arg10: memref<!tpu.dma_semaphore, #tpu.memory_space<semaphore_mem>>) attributes {dimension_semantics = [#tpu.dimension_semantics<core_parallel>, #tpu.dimension_semantics<subcore_parallel>], iteration_bounds = array<i64: 2, 16>, scalar_prefetch = 0 : i64, scratch_operands = 6 : i64, tpu.core_type = #tpu.core_type<sc_vector_subcore>, window_params = [{transform_indices = #map}, {transform_indices = #map}, {transform_indices = #map1}]} {
    %mul3A = arith.constant 2 : i32
    %mul3A_0 = arith.muli %arg1, %mul3A : i32
    %add3A = arith.addi %mul3A_0, %arg0 : i32
    %mul3A_1 = arith.constant 4096 : i32
    %mul3A_2 = arith.muli %add3A, %mul3A_1 : i32
    "tpu.region"() ({
      %run_scoped3A = tpu.sem_alloc : memref<!tpu.dma_semaphore, #tpu.memory_space<semaphore_mem>>
      %dma_start3A_73 = tpu.memref_slice %arg2[%mul3A_2] : memref<262144xf32, #tpu.memory_space<hbm>> -> memref<4096xf32, #tpu.memory_space<hbm>>
      %dma_start3A_74 = tpu.memref_slice %arg2[%mul3A_2] : memref<262144xf32, #tpu.memory_space<hbm>> -> memref<4096xf32, #tpu.memory_space<hbm>>
      tpu.enqueue_dma source(%dma_start3A_74 : memref<4096xf32, #tpu.memory_space<hbm>>) target(%arg5 : memref<4096xf32, #tpu.memory_space<vmem>>) target_semaphore(%run_scoped3A : memref<!tpu.dma_semaphore, #tpu.memory_space<semaphore_mem>>)
      %dma_wait3A = tpu.memref_slice %arg2[%mul3A_2] : memref<262144xf32, #tpu.memory_space<hbm>> -> memref<4096xf32, #tpu.memory_space<hbm>>
      %dma_wait3A_75 = tpu.memref_slice %arg2[%mul3A_2] : memref<262144xf32, #tpu.memory_space<hbm>> -> memref<4096xf32, #tpu.memory_space<hbm>>
      tpu.wait_dma2 semaphore(%run_scoped3A : memref<!tpu.dma_semaphore, #tpu.memory_space<semaphore_mem>>) src(%dma_wait3A_75 : memref<4096xf32, #tpu.memory_space<hbm>>) dst(%arg5 : memref<4096xf32, #tpu.memory_space<vmem>>)
      tpu.yield
    }) : () -> ()
    %add3A_3 = arith.constant 0 : i32
    %add3A_4 = arith.addi %mul3A_2, %add3A_3 : i32
    %mul3A_5 = arith.constant 128 : i32
    %mul3A_6 = arith.muli %add3A_4, %mul3A_5 : i32
    %dma_start3A = tpu.memref_slice %arg3[%mul3A_6] : memref<33554432xf32, #tpu.memory_space<hbm>> -> memref<32768xf32, #tpu.memory_space<hbm>>
    %dma_start3A_7 = tpu.memref_slice %arg3[%mul3A_6] : memref<33554432xf32, #tpu.memory_space<hbm>> -> memref<32768xf32, #tpu.memory_space<hbm>>
    tpu.enqueue_dma source(%dma_start3A_7 : memref<32768xf32, #tpu.memory_space<hbm>>) target(%arg6 : memref<32768xf32, #tpu.memory_space<vmem>>) target_semaphore(%arg9 : memref<!tpu.dma_semaphore, #tpu.memory_space<semaphore_mem>>)
    %add3A_8 = arith.constant 256 : i32
    %add3A_9 = arith.addi %mul3A_2, %add3A_8 : i32
    %mul3A_10 = arith.constant 128 : i32
    %mul3A_11 = arith.muli %add3A_9, %mul3A_10 : i32
    %dma_start3A_12 = tpu.memref_slice %arg3[%mul3A_11] : memref<33554432xf32, #tpu.memory_space<hbm>> -> memref<32768xf32, #tpu.memory_space<hbm>>
    %dma_start3A_13 = tpu.memref_slice %arg3[%mul3A_11] : memref<33554432xf32, #tpu.memory_space<hbm>> -> memref<32768xf32, #tpu.memory_space<hbm>>
    tpu.enqueue_dma source(%dma_start3A_13 : memref<32768xf32, #tpu.memory_space<hbm>>) target(%arg7 : memref<32768xf32, #tpu.memory_space<vmem>>) target_semaphore(%arg10 : memref<!tpu.dma_semaphore, #tpu.memory_space<semaphore_mem>>)
    %broadcast_in_dim3A = arith.constant 0.000000e+00 : f32
    %broadcast_in_dim3A_14 = vector.broadcast %broadcast_in_dim3A : f32 to vector<16xf32>
    %broadcast_in_dim3A_15 = arith.constant 0.000000e+00 : f32
    %broadcast_in_dim3A_16 = vector.broadcast %broadcast_in_dim3A_15 : f32 to vector<16xf32>
    %broadcast_in_dim3A_17 = arith.constant 0.000000e+00 : f32
    %broadcast_in_dim3A_18 = vector.broadcast %broadcast_in_dim3A_17 : f32 to vector<16xf32>
    %broadcast_in_dim3A_19 = arith.constant 0.000000e+00 : f32
    %broadcast_in_dim3A_20 = vector.broadcast %broadcast_in_dim3A_19 : f32 to vector<16xf32>
    %broadcast_in_dim3A_21 = arith.constant 0.000000e+00 : f32
    %broadcast_in_dim3A_22 = vector.broadcast %broadcast_in_dim3A_21 : f32 to vector<16xf32>
    %broadcast_in_dim3A_23 = arith.constant 0.000000e+00 : f32
    %broadcast_in_dim3A_24 = vector.broadcast %broadcast_in_dim3A_23 : f32 to vector<16xf32>
    %broadcast_in_dim3A_25 = arith.constant 0.000000e+00 : f32
    %broadcast_in_dim3A_26 = vector.broadcast %broadcast_in_dim3A_25 : f32 to vector<16xf32>
    %broadcast_in_dim3A_27 = arith.constant 0.000000e+00 : f32
    %broadcast_in_dim3A_28 = vector.broadcast %broadcast_in_dim3A_27 : f32 to vector<16xf32>
    %scan3A = arith.constant 0 : i32
    %scan3A_29 = arith.constant 8 : i32
    %scan3A_30 = arith.addi %scan3A, %scan3A_29 : i32
    %scan3A_31 = arith.constant 1 : i32
    %scan3A_32:16 = scf.for %scan3A_73 = %scan3A to %scan3A_30 step %scan3A_31 iter_args(%scan3A_74 = %broadcast_in_dim3A_14, %scan3A_75 = %broadcast_in_dim3A_16, %scan3A_76 = %broadcast_in_dim3A_18, %scan3A_77 = %broadcast_in_dim3A_20, %scan3A_78 = %broadcast_in_dim3A_22, %scan3A_79 = %broadcast_in_dim3A_24, %scan3A_80 = %broadcast_in_dim3A_26, %scan3A_81 = %broadcast_in_dim3A_28, %scan3A_82 = %broadcast_in_dim3A_14, %scan3A_83 = %broadcast_in_dim3A_16, %scan3A_84 = %broadcast_in_dim3A_18, %scan3A_85 = %broadcast_in_dim3A_20, %scan3A_86 = %broadcast_in_dim3A_22, %scan3A_87 = %broadcast_in_dim3A_24, %scan3A_88 = %broadcast_in_dim3A_26, %scan3A_89 = %broadcast_in_dim3A_28) -> (vector<16xf32>, vector<16xf32>, vector<16xf32>, vector<16xf32>, vector<16xf32>, vector<16xf32>, vector<16xf32>, vector<16xf32>, vector<16xf32>, vector<16xf32>, vector<16xf32>, vector<16xf32>, vector<16xf32>, vector<16xf32>, vector<16xf32>, vector<16xf32>)  : i32 {
      %mul3A_90 = arith.constant 2 : i32
      %mul3A_91 = arith.muli %mul3A_90, %scan3A_73 : i32
      %add3A_92 = arith.constant 0 : i32
      %add3A_93 = arith.addi %mul3A_91, %add3A_92 : i32
      %dma_wait3A = arith.constant 0 : i32
      %dma_wait3A_94 = tpu.memref_slice %arg3[%dma_wait3A] : memref<33554432xf32, #tpu.memory_space<hbm>> -> memref<32768xf32, #tpu.memory_space<hbm>>
      %dma_wait3A_95 = arith.constant 0 : i32
      %dma_wait3A_96 = tpu.memref_slice %arg3[%dma_wait3A_95] : memref<33554432xf32, #tpu.memory_space<hbm>> -> memref<32768xf32, #tpu.memory_space<hbm>>
      tpu.wait_dma2 semaphore(%arg9 : memref<!tpu.dma_semaphore, #tpu.memory_space<semaphore_mem>>) src(%dma_wait3A_96 : memref<32768xf32, #tpu.memory_space<hbm>>) dst(%arg6 : memref<32768xf32, #tpu.memory_space<vmem>>)
      %parallel_loop3A = arith.constant 0 : i32
      %parallel_loop3A_97 = arith.constant 16 : i32
      %parallel_loop3A_98 = arith.constant 1 : i32
      %parallel_loop3A_99:16 = scf.for %parallel_loop3A_123 = %parallel_loop3A to %parallel_loop3A_97 step %parallel_loop3A_98 iter_args(%parallel_loop3A_124 = %scan3A_74, %parallel_loop3A_125 = %scan3A_75, %parallel_loop3A_126 = %scan3A_76, %parallel_loop3A_127 = %scan3A_77, %parallel_loop3A_128 = %scan3A_78, %parallel_loop3A_129 = %scan3A_79, %parallel_loop3A_130 = %scan3A_80, %parallel_loop3A_131 = %scan3A_81, %parallel_loop3A_132 = %scan3A_82, %parallel_loop3A_133 = %scan3A_83, %parallel_loop3A_134 = %scan3A_84, %parallel_loop3A_135 = %scan3A_85, %parallel_loop3A_136 = %scan3A_86, %parallel_loop3A_137 = %scan3A_87, %parallel_loop3A_138 = %scan3A_88, %parallel_loop3A_139 = %scan3A_89) -> (vector<16xf32>, vector<16xf32>, vector<16xf32>, vector<16xf32>, vector<16xf32>, vector<16xf32>, vector<16xf32>, vector<16xf32>, vector<16xf32>, vector<16xf32>, vector<16xf32>, vector<16xf32>, vector<16xf32>, vector<16xf32>, vector<16xf32>, vector<16xf32>)  : i32 {
        %parallel_loop3A_140 = arith.constant 256 : i32
        %parallel_loop3A_141 = arith.muli %add3A_93, %parallel_loop3A_140 : i32
        %parallel_loop3A_142 = arith.constant 16 : i32
        %parallel_loop3A_143 = arith.muli %parallel_loop3A_123, %parallel_loop3A_142 : i32
        %parallel_loop3A_144 = arith.addi %parallel_loop3A_141, %parallel_loop3A_143 : i32
        %parallel_loop3A_145 = arith.index_cast %parallel_loop3A_144 : i32 to index
        %parallel_loop3A_146 = tpu.vector_load %arg5[%parallel_loop3A_145] {strides = array<i32>} : memref<4096xf32, #tpu.memory_space<vmem>>, vector<16xf32>,
        %parallel_loop3A_147 = vector.shape_cast %parallel_loop3A_146 : vector<16xf32> to vector<16xf32>
        %parallel_loop3A_148 = vector.extract_strided_slice %parallel_loop3A_147 {offsets = [0], sizes = [1], strides = [1]} : vector<16xf32> to vector<1xf32>
        %parallel_loop3A_149 = vector.extract %parallel_loop3A_148[0] : f32 from vector<1xf32>
        %parallel_loop3A_150 = arith.constant 16 : i32
        %parallel_loop3A_151 = arith.muli %parallel_loop3A_123, %parallel_loop3A_150 : i32
        %parallel_loop3A_152 = arith.constant 0 : i32
        %parallel_loop3A_153 = arith.addi %parallel_loop3A_151, %parallel_loop3A_152 : i32
        %parallel_loop3A_154 = arith.constant 128 : i32
        %parallel_loop3A_155 = arith.muli %parallel_loop3A_153, %parallel_loop3A_154 : i32
        %parallel_loop3A_156 = arith.constant 0 : i32
        %parallel_loop3A_157 = arith.addi %parallel_loop3A_155, %parallel_loop3A_156 : i32
        %parallel_loop3A_158 = arith.index_cast %parallel_loop3A_157 : i32 to index
        %parallel_loop3A_159 = tpu.vector_load %arg6[%parallel_loop3A_158] {strides = array<i32>} : memref<32768xf32, #tpu.memory_space<vmem>>, vector<16xf32>,
        %parallel_loop3A_160 = vector.shape_cast %parallel_loop3A_159 : vector<16xf32> to vector<16xf32>
        %parallel_loop3A_161 = vector.broadcast %parallel_loop3A_149 : f32 to vector<16xf32>
        %parallel_loop3A_162 = arith.mulf %parallel_loop3A_161, %parallel_loop3A_160 : vector<16xf32>
        %parallel_loop3A_163 = arith.addf %parallel_loop3A_124, %parallel_loop3A_162 : vector<16xf32>
        %parallel_loop3A_164 = arith.constant 16 : i32
        %parallel_loop3A_165 = arith.addi %parallel_loop3A_155, %parallel_loop3A_164 : i32
        %parallel_loop3A_166 = arith.index_cast %parallel_loop3A_165 : i32 to index
        %parallel_loop3A_167 = tpu.vector_load %arg6[%parallel_loop3A_166] {strides = array<i32>} : memref<32768xf32, #tpu.memory_space<vmem>>, vector<16xf32>,
        %parallel_loop3A_168 = vector.shape_cast %parallel_loop3A_167 : vector<16xf32> to vector<16xf32>
        %parallel_loop3A_169 = vector.broadcast %parallel_loop3A_149 : f32 to vector<16xf32>
        %parallel_loop3A_170 = arith.mulf %parallel_loop3A_169, %parallel_loop3A_168 : vector<16xf32>
        %parallel_loop3A_171 = arith.addf %parallel_loop3A_125, %parallel_loop3A_170 : vector<16xf32>
        %parallel_loop3A_172 = arith.constant 32 : i32
        %parallel_loop3A_173 = arith.addi %parallel_loop3A_155, %parallel_loop3A_172 : i32
        %parallel_loop3A_174 = arith.index_cast %parallel_loop3A_173 : i32 to index
        %parallel_loop3A_175 = tpu.vector_load %arg6[%parallel_loop3A_174] {strides = array<i32>} : memref<32768xf32, #tpu.memory_space<vmem>>, vector<16xf32>,
        %parallel_loop3A_176 = vector.shape_cast %parallel_loop3A_175 : vector<16xf32> to vector<16xf32>
        %parallel_loop3A_177 = vector.broadcast %parallel_loop3A_149 : f32 to vector<16xf32>
        %parallel_loop3A_178 = arith.mulf %parallel_loop3A_177, %parallel_loop3A_176 : vector<16xf32>
        %parallel_loop3A_179 = arith.addf %parallel_loop3A_126, %parallel_loop3A_178 : vector<16xf32>
        %parallel_loop3A_180 = arith.constant 48 : i32
        %parallel_loop3A_181 = arith.addi %parallel_loop3A_155, %parallel_loop3A_180 : i32
        %parallel_loop3A_182 = arith.index_cast %parallel_loop3A_181 : i32 to index
        %parallel_loop3A_183 = tpu.vector_load %arg6[%parallel_loop3A_182] {strides = array<i32>} : memref<32768xf32, #tpu.memory_space<vmem>>, vector<16xf32>,
        %parallel_loop3A_184 = vector.shape_cast %parallel_loop3A_183 : vector<16xf32> to vector<16xf32>
        %parallel_loop3A_185 = vector.broadcast %parallel_loop3A_149 : f32 to vector<16xf32>
        %parallel_loop3A_186 = arith.mulf %parallel_loop3A_185, %parallel_loop3A_184 : vector<16xf32>
        %parallel_loop3A_187 = arith.addf %parallel_loop3A_127, %parallel_loop3A_186 : vector<16xf32>
        %parallel_loop3A_188 = arith.constant 64 : i32
        %parallel_loop3A_189 = arith.addi %parallel_loop3A_155, %parallel_loop3A_188 : i32
        %parallel_loop3A_190 = arith.index_cast %parallel_loop3A_189 : i32 to index
        %parallel_loop3A_191 = tpu.vector_load %arg6[%parallel_loop3A_190] {strides = array<i32>} : memref<32768xf32, #tpu.memory_space<vmem>>, vector<16xf32>,
        %parallel_loop3A_192 = vector.shape_cast %parallel_loop3A_191 : vector<16xf32> to vector<16xf32>
        %parallel_loop3A_193 = vector.broadcast %parallel_loop3A_149 : f32 to vector<16xf32>
        %parallel_loop3A_194 = arith.mulf %parallel_loop3A_193, %parallel_loop3A_192 : vector<16xf32>
        %parallel_loop3A_195 = arith.addf %parallel_loop3A_128, %parallel_loop3A_194 : vector<16xf32>
        %parallel_loop3A_196 = arith.constant 80 : i32
        %parallel_loop3A_197 = arith.addi %parallel_loop3A_155, %parallel_loop3A_196 : i32
        %parallel_loop3A_198 = arith.index_cast %parallel_loop3A_197 : i32 to index
        %parallel_loop3A_199 = tpu.vector_load %arg6[%parallel_loop3A_198] {strides = array<i32>} : memref<32768xf32, #tpu.memory_space<vmem>>, vector<16xf32>,
        %parallel_loop3A_200 = vector.shape_cast %parallel_loop3A_199 : vector<16xf32> to vector<16xf32>
        %parallel_loop3A_201 = vector.broadcast %parallel_loop3A_149 : f32 to vector<16xf32>
        %parallel_loop3A_202 = arith.mulf %parallel_loop3A_201, %parallel_loop3A_200 : vector<16xf32>
        %parallel_loop3A_203 = arith.addf %parallel_loop3A_129, %parallel_loop3A_202 : vector<16xf32>
        %parallel_loop3A_204 = arith.constant 96 : i32
        %parallel_loop3A_205 = arith.addi %parallel_loop3A_155, %parallel_loop3A_204 : i32
        %parallel_loop3A_206 = arith.index_cast %parallel_loop3A_205 : i32 to index
        %parallel_loop3A_207 = tpu.vector_load %arg6[%parallel_loop3A_206] {strides = array<i32>} : memref<32768xf32, #tpu.memory_space<vmem>>, vector<16xf32>,
        %parallel_loop3A_208 = vector.shape_cast %parallel_loop3A_207 : vector<16xf32> to vector<16xf32>
        %parallel_loop3A_209 = vector.broadcast %parallel_loop3A_149 : f32 to vector<16xf32>
        %parallel_loop3A_210 = arith.mulf %parallel_loop3A_209, %parallel_loop3A_208 : vector<16xf32>
        %parallel_loop3A_211 = arith.addf %parallel_loop3A_130, %parallel_loop3A_210 : vector<16xf32>
        %parallel_loop3A_212 = arith.constant 112 : i32
        %parallel_loop3A_213 = arith.addi %parallel_loop3A_155, %parallel_loop3A_212 : i32
        %parallel_loop3A_214 = arith.index_cast %parallel_loop3A_213 : i32 to index
        %parallel_loop3A_215 = tpu.vector_load %arg6[%parallel_loop3A_214] {strides = array<i32>} : memref<32768xf32, #tpu.memory_space<vmem>>, vector<16xf32>,
        %parallel_loop3A_216 = vector.shape_cast %parallel_loop3A_215 : vector<16xf32> to vector<16xf32>
        %parallel_loop3A_217 = vector.broadcast %parallel_loop3A_149 : f32 to vector<16xf32>
        %parallel_loop3A_218 = arith.mulf %parallel_loop3A_217, %parallel_loop3A_216 : vector<16xf32>
        %parallel_loop3A_219 = arith.addf %parallel_loop3A_131, %parallel_loop3A_218 : vector<16xf32>
        %parallel_loop3A_220 = vector.extract_strided_slice %parallel_loop3A_147 {offsets = [1], sizes = [1], strides = [1]} : vector<16xf32> to vector<1xf32>
        %parallel_loop3A_221 = vector.extract %parallel_loop3A_220[0] : f32 from vector<1xf32>
        %parallel_loop3A_222 = arith.constant 16 : i32
        %parallel_loop3A_223 = arith.muli %parallel_loop3A_123, %parallel_loop3A_222 : i32
        %parallel_loop3A_224 = arith.constant 1 : i32
        %parallel_loop3A_225 = arith.addi %parallel_loop3A_223, %parallel_loop3A_224 : i32
        %parallel_loop3A_226 = arith.constant 128 : i32
        %parallel_loop3A_227 = arith.muli %parallel_loop3A_225, %parallel_loop3A_226 : i32
        %parallel_loop3A_228 = arith.constant 0 : i32
        %parallel_loop3A_229 = arith.addi %parallel_loop3A_227, %parallel_loop3A_228 : i32
        %parallel_loop3A_230 = arith.index_cast %parallel_loop3A_229 : i32 to index
        %parallel_loop3A_231 = tpu.vector_load %arg6[%parallel_loop3A_230] {strides = array<i32>} : memref<32768xf32, #tpu.memory_space<vmem>>, vector<16xf32>,
        %parallel_loop3A_232 = vector.shape_cast %parallel_loop3A_231 : vector<16xf32> to vector<16xf32>
        %parallel_loop3A_233 = vector.broadcast %parallel_loop3A_221 : f32 to vector<16xf32>
        %parallel_loop3A_234 = arith.mulf %parallel_loop3A_233, %parallel_loop3A_232 : vector<16xf32>
        %parallel_loop3A_235 = arith.addf %parallel_loop3A_163, %parallel_loop3A_234 : vector<16xf32>
        %parallel_loop3A_236 = arith.constant 16 : i32
        %parallel_loop3A_237 = arith.addi %parallel_loop3A_227, %parallel_loop3A_236 : i32
        %parallel_loop3A_238 = arith.index_cast %parallel_loop3A_237 : i32 to index
        %parallel_loop3A_239 = tpu.vector_load %arg6[%parallel_loop3A_238] {strides = array<i32>} : memref<32768xf32, #tpu.memory_space<vmem>>, vector<16xf32>,
        %parallel_loop3A_240 = vector.shape_cast %parallel_loop3A_239 : vector<16xf32> to vector<16xf32>
        %parallel_loop3A_241 = vector.broadcast %parallel_loop3A_221 : f32 to vector<16xf32>
        %parallel_loop3A_242 = arith.mulf %parallel_loop3A_241, %parallel_loop3A_240 : vector<16xf32>
        %parallel_loop3A_243 = arith.addf %parallel_loop3A_171, %parallel_loop3A_242 : vector<16xf32>
        %parallel_loop3A_244 = arith.constant 32 : i32
        %parallel_loop3A_245 = arith.addi %parallel_loop3A_227, %parallel_loop3A_244 : i32
        %parallel_loop3A_246 = arith.index_cast %parallel_loop3A_245 : i32 to index
        %parallel_loop3A_247 = tpu.vector_load %arg6[%parallel_loop3A_246] {strides = array<i32>} : memref<32768xf32, #tpu.memory_space<vmem>>, vector<16xf32>,
        %parallel_loop3A_248 = vector.shape_cast %parallel_loop3A_247 : vector<16xf32> to vector<16xf32>
        %parallel_loop3A_249 = vector.broadcast %parallel_loop3A_221 : f32 to vector<16xf32>
        %parallel_loop3A_250 = arith.mulf %parallel_loop3A_249, %parallel_loop3A_248 : vector<16xf32>
        %parallel_loop3A_251 = arith.addf %parallel_loop3A_179, %parallel_loop3A_250 : vector<16xf32>
        %parallel_loop3A_252 = arith.constant 48 : i32
        %parallel_loop3A_253 = arith.addi %parallel_loop3A_227, %parallel_loop3A_252 : i32
        %parallel_loop3A_254 = arith.index_cast %parallel_loop3A_253 : i32 to index
        %parallel_loop3A_255 = tpu.vector_load %arg6[%parallel_loop3A_254] {strides = array<i32>} : memref<32768xf32, #tpu.memory_space<vmem>>, vector<16xf32>,
        %parallel_loop3A_256 = vector.shape_cast %parallel_loop3A_255 : vector<16xf32> to vector<16xf32>
        %parallel_loop3A_257 = vector.broadcast %parallel_loop3A_221 : f32 to vector<16xf32>
        %parallel_loop3A_258 = arith.mulf %parallel_loop3A_257, %parallel_loop3A_256 : vector<16xf32>
        %parallel_loop3A_259 = arith.addf %parallel_loop3A_187, %parallel_loop3A_258 : vector<16xf32>
        %parallel_loop3A_260 = arith.constant 64 : i32
        %parallel_loop3A_261 = arith.addi %parallel_loop3A_227, %parallel_loop3A_260 : i32
        %parallel_loop3A_262 = arith.index_cast %parallel_loop3A_261 : i32 to index
        %parallel_loop3A_263 = tpu.vector_load %arg6[%parallel_loop3A_262] {strides = array<i32>} : memref<32768xf32, #tpu.memory_space<vmem>>, vector<16xf32>,
        %parallel_loop3A_264 = vector.shape_cast %parallel_loop3A_263 : vector<16xf32> to vector<16xf32>
        %parallel_loop3A_265 = vector.broadcast %parallel_loop3A_221 : f32 to vector<16xf32>
        %parallel_loop3A_266 = arith.mulf %parallel_loop3A_265, %parallel_loop3A_264 : vector<16xf32>
        %parallel_loop3A_267 = arith.addf %parallel_loop3A_195, %parallel_loop3A_266 : vector<16xf32>
        %parallel_loop3A_268 = arith.constant 80 : i32
        %parallel_loop3A_269 = arith.addi %parallel_loop3A_227, %parallel_loop3A_268 : i32
        %parallel_loop3A_270 = arith.index_cast %parallel_loop3A_269 : i32 to index
        %parallel_loop3A_271 = tpu.vector_load %arg6[%parallel_loop3A_270] {strides = array<i32>} : memref<32768xf32, #tpu.memory_space<vmem>>, vector<16xf32>,
        %parallel_loop3A_272 = vector.shape_cast %parallel_loop3A_271 : vector<16xf32> to vector<16xf32>
        %parallel_loop3A_273 = vector.broadcast %parallel_loop3A_221 : f32 to vector<16xf32>
        %parallel_loop3A_274 = arith.mulf %parallel_loop3A_273, %parallel_loop3A_272 : vector<16xf32>
        %parallel_loop3A_275 = arith.addf %parallel_loop3A_203, %parallel_loop3A_274 : vector<16xf32>
        %parallel_loop3A_276 = arith.constant 96 : i32
        %parallel_loop3A_277 = arith.addi %parallel_loop3A_227, %parallel_loop3A_276 : i32
        %parallel_loop3A_278 = arith.index_cast %parallel_loop3A_277 : i32 to index
        %parallel_loop3A_279 = tpu.vector_load %arg6[%parallel_loop3A_278] {strides = array<i32>} : memref<32768xf32, #tpu.memory_space<vmem>>, vector<16xf32>,
        %parallel_loop3A_280 = vector.shape_cast %parallel_loop3A_279 : vector<16xf32> to vector<16xf32>
        %parallel_loop3A_281 = vector.broadcast %parallel_loop3A_221 : f32 to vector<16xf32>
        %parallel_loop3A_282 = arith.mulf %parallel_loop3A_281, %parallel_loop3A_280 : vector<16xf32>
        %parallel_loop3A_283 = arith.addf %parallel_loop3A_211, %parallel_loop3A_282 : vector<16xf32>
        %parallel_loop3A_284 = arith.constant 112 : i32
        %parallel_loop3A_285 = arith.addi %parallel_loop3A_227, %parallel_loop3A_284 : i32
        %parallel_loop3A_286 = arith.index_cast %parallel_loop3A_285 : i32 to index
        %parallel_loop3A_287 = tpu.vector_load %arg6[%parallel_loop3A_286] {strides = array<i32>} : memref<32768xf32, #tpu.memory_space<vmem>>, vector<16xf32>,
        %parallel_loop3A_288 = vector.shape_cast %parallel_loop3A_287 : vector<16xf32> to vector<16xf32>
        %parallel_loop3A_289 = vector.broadcast %parallel_loop3A_221 : f32 to vector<16xf32>
        %parallel_loop3A_290 = arith.mulf %parallel_loop3A_289, %parallel_loop3A_288 : vector<16xf32>
        %parallel_loop3A_291 = arith.addf %parallel_loop3A_219, %parallel_loop3A_290 : vector<16xf32>
        %parallel_loop3A_292 = vector.extract_strided_slice %parallel_loop3A_147 {offsets = [2], sizes = [1], strides = [1]} : vector<16xf32> to vector<1xf32>
        %parallel_loop3A_293 = vector.extract %parallel_loop3A_292[0] : f32 from vector<1xf32>
        %parallel_loop3A_294 = arith.constant 16 : i32
        %parallel_loop3A_295 = arith.muli %parallel_loop3A_123, %parallel_loop3A_294 : i32
        %parallel_loop3A_296 = arith.constant 2 : i32
        %parallel_loop3A_297 = arith.addi %parallel_loop3A_295, %parallel_loop3A_296 : i32
        %parallel_loop3A_298 = arith.constant 128 : i32
        %parallel_loop3A_299 = arith.muli %parallel_loop3A_297, %parallel_loop3A_298 : i32
        %parallel_loop3A_300 = arith.constant 0 : i32
        %parallel_loop3A_301 = arith.addi %parallel_loop3A_299, %parallel_loop3A_300 : i32
        %parallel_loop3A_302 = arith.index_cast %parallel_loop3A_301 : i32 to index
        %parallel_loop3A_303 = tpu.vector_load %arg6[%parallel_loop3A_302] {strides = array<i32>} : memref<32768xf32, #tpu.memory_space<vmem>>, vector<16xf32>,
        %parallel_loop3A_304 = vector.shape_cast %parallel_loop3A_303 : vector<16xf32> to vector<16xf32>
        %parallel_loop3A_305 = vector.broadcast %parallel_loop3A_293 : f32 to vector<16xf32>
        %parallel_loop3A_306 = arith.mulf %parallel_loop3A_305, %parallel_loop3A_304 : vector<16xf32>
        %parallel_loop3A_307 = arith.addf %parallel_loop3A_235, %parallel_loop3A_306 : vector<16xf32>
        %parallel_loop3A_308 = arith.constant 16 : i32
        %parallel_loop3A_309 = arith.addi %parallel_loop3A_299, %parallel_loop3A_308 : i32
        %parallel_loop3A_310 = arith.index_cast %parallel_loop3A_309 : i32 to index
        %parallel_loop3A_311 = tpu.vector_load %arg6[%parallel_loop3A_310] {strides = array<i32>} : memref<32768xf32, #tpu.memory_space<vmem>>, vector<16xf32>,
        %parallel_loop3A_312 = vector.shape_cast %parallel_loop3A_311 : vector<16xf32> to vector<16xf32>
        %parallel_loop3A_313 = vector.broadcast %parallel_loop3A_293 : f32 to vector<16xf32>
        %parallel_loop3A_314 = arith.mulf %parallel_loop3A_313, %parallel_loop3A_312 : vector<16xf32>
        %parallel_loop3A_315 = arith.addf %parallel_loop3A_243, %parallel_loop3A_314 : vector<16xf32>
        %parallel_loop3A_316 = arith.constant 32 : i32
        %parallel_loop3A_317 = arith.addi %parallel_loop3A_299, %parallel_loop3A_316 : i32
        %parallel_loop3A_318 = arith.index_cast %parallel_loop3A_317 : i32 to index
        %parallel_loop3A_319 = tpu.vector_load %arg6[%parallel_loop3A_318] {strides = array<i32>} : memref<32768xf32, #tpu.memory_space<vmem>>, vector<16xf32>,
        %parallel_loop3A_320 = vector.shape_cast %parallel_loop3A_319 : vector<16xf32> to vector<16xf32>
        %parallel_loop3A_321 = vector.broadcast %parallel_loop3A_293 : f32 to vector<16xf32>
        %parallel_loop3A_322 = arith.mulf %parallel_loop3A_321, %parallel_loop3A_320 : vector<16xf32>
        %parallel_loop3A_323 = arith.addf %parallel_loop3A_251, %parallel_loop3A_322 : vector<16xf32>
        %parallel_loop3A_324 = arith.constant 48 : i32
        %parallel_loop3A_325 = arith.addi %parallel_loop3A_299, %parallel_loop3A_324 : i32
        %parallel_loop3A_326 = arith.index_cast %parallel_loop3A_325 : i32 to index
        %parallel_loop3A_327 = tpu.vector_load %arg6[%parallel_loop3A_326] {strides = array<i32>} : memref<32768xf32, #tpu.memory_space<vmem>>, vector<16xf32>,
        %parallel_loop3A_328 = vector.shape_cast %parallel_loop3A_327 : vector<16xf32> to vector<16xf32>
        %parallel_loop3A_329 = vector.broadcast %parallel_loop3A_293 : f32 to vector<16xf32>
        %parallel_loop3A_330 = arith.mulf %parallel_loop3A_329, %parallel_loop3A_328 : vector<16xf32>
        %parallel_loop3A_331 = arith.addf %parallel_loop3A_259, %parallel_loop3A_330 : vector<16xf32>
        %parallel_loop3A_332 = arith.constant 64 : i32
        %parallel_loop3A_333 = arith.addi %parallel_loop3A_299, %parallel_loop3A_332 : i32
        %parallel_loop3A_334 = arith.index_cast %parallel_loop3A_333 : i32 to index
        %parallel_loop3A_335 = tpu.vector_load %arg6[%parallel_loop3A_334] {strides = array<i32>} : memref<32768xf32, #tpu.memory_space<vmem>>, vector<16xf32>,
        %parallel_loop3A_336 = vector.shape_cast %parallel_loop3A_335 : vector<16xf32> to vector<16xf32>
        %parallel_loop3A_337 = vector.broadcast %parallel_loop3A_293 : f32 to vector<16xf32>
        %parallel_loop3A_338 = arith.mulf %parallel_loop3A_337, %parallel_loop3A_336 : vector<16xf32>
        %parallel_loop3A_339 = arith.addf %parallel_loop3A_267, %parallel_loop3A_338 : vector<16xf32>
        %parallel_loop3A_340 = arith.constant 80 : i32
        %parallel_loop3A_341 = arith.addi %parallel_loop3A_299, %parallel_loop3A_340 : i32
        %parallel_loop3A_342 = arith.index_cast %parallel_loop3A_341 : i32 to index
        %parallel_loop3A_343 = tpu.vector_load %arg6[%parallel_loop3A_342] {strides = array<i32>} : memref<32768xf32, #tpu.memory_space<vmem>>, vector<16xf32>,
        %parallel_loop3A_344 = vector.shape_cast %parallel_loop3A_343 : vector<16xf32> to vector<16xf32>
        %parallel_loop3A_345 = vector.broadcast %parallel_loop3A_293 : f32 to vector<16xf32>
        %parallel_loop3A_346 = arith.mulf %parallel_loop3A_345, %parallel_loop3A_344 : vector<16xf32>
        %parallel_loop3A_347 = arith.addf %parallel_loop3A_275, %parallel_loop3A_346 : vector<16xf32>
        %parallel_loop3A_348 = arith.constant 96 : i32
        %parallel_loop3A_349 = arith.addi %parallel_loop3A_299, %parallel_loop3A_348 : i32
        %parallel_loop3A_350 = arith.index_cast %parallel_loop3A_349 : i32 to index
        %parallel_loop3A_351 = tpu.vector_load %arg6[%parallel_loop3A_350] {strides = array<i32>} : memref<32768xf32, #tpu.memory_space<vmem>>, vector<16xf32>,
        %parallel_loop3A_352 = vector.shape_cast %parallel_loop3A_351 : vector<16xf32> to vector<16xf32>
        %parallel_loop3A_353 = vector.broadcast %parallel_loop3A_293 : f32 to vector<16xf32>
        %parallel_loop3A_354 = arith.mulf %parallel_loop3A_353, %parallel_loop3A_352 : vector<16xf32>
        %parallel_loop3A_355 = arith.addf %parallel_loop3A_283, %parallel_loop3A_354 : vector<16xf32>
        %parallel_loop3A_356 = arith.constant 112 : i32
        %parallel_loop3A_357 = arith.addi %parallel_loop3A_299, %parallel_loop3A_356 : i32
        %parallel_loop3A_358 = arith.index_cast %parallel_loop3A_357 : i32 to index
        %parallel_loop3A_359 = tpu.vector_load %arg6[%parallel_loop3A_358] {strides = array<i32>} : memref<32768xf32, #tpu.memory_space<vmem>>, vector<16xf32>,
        %parallel_loop3A_360 = vector.shape_cast %parallel_loop3A_359 : vector<16xf32> to vector<16xf32>
        %parallel_loop3A_361 = vector.broadcast %parallel_loop3A_293 : f32 to vector<16xf32>
        %parallel_loop3A_362 = arith.mulf %parallel_loop3A_361, %parallel_loop3A_360 : vector<16xf32>
        %parallel_loop3A_363 = arith.addf %parallel_loop3A_291, %parallel_loop3A_362 : vector<16xf32>
        %parallel_loop3A_364 = vector.extract_strided_slice %parallel_loop3A_147 {offsets = [3], sizes = [1], strides = [1]} : vector<16xf32> to vector<1xf32>
        %parallel_loop3A_365 = vector.extract %parallel_loop3A_364[0] : f32 from vector<1xf32>
        %parallel_loop3A_366 = arith.constant 16 : i32
        %parallel_loop3A_367 = arith.muli %parallel_loop3A_123, %parallel_loop3A_366 : i32
        %parallel_loop3A_368 = arith.constant 3 : i32
        %parallel_loop3A_369 = arith.addi %parallel_loop3A_367, %parallel_loop3A_368 : i32
        %parallel_loop3A_370 = arith.constant 128 : i32
        %parallel_loop3A_371 = arith.muli %parallel_loop3A_369, %parallel_loop3A_370 : i32
        %parallel_loop3A_372 = arith.constant 0 : i32
        %parallel_loop3A_373 = arith.addi %parallel_loop3A_371, %parallel_loop3A_372 : i32
        %parallel_loop3A_374 = arith.index_cast %parallel_loop3A_373 : i32 to index
        %parallel_loop3A_375 = tpu.vector_load %arg6[%parallel_loop3A_374] {strides = array<i32>} : memref<32768xf32, #tpu.memory_space<vmem>>, vector<16xf32>,
        %parallel_loop3A_376 = vector.shape_cast %parallel_loop3A_375 : vector<16xf32> to vector<16xf32>
        %parallel_loop3A_377 = vector.broadcast %parallel_loop3A_365 : f32 to vector<16xf32>
        %parallel_loop3A_378 = arith.mulf %parallel_loop3A_377, %parallel_loop3A_376 : vector<16xf32>
        %parallel_loop3A_379 = arith.addf %parallel_loop3A_307, %parallel_loop3A_378 : vector<16xf32>
        %parallel_loop3A_380 = arith.constant 16 : i32
        %parallel_loop3A_381 = arith.addi %parallel_loop3A_371, %parallel_loop3A_380 : i32
        %parallel_loop3A_382 = arith.index_cast %parallel_loop3A_381 : i32 to index
        %parallel_loop3A_383 = tpu.vector_load %arg6[%parallel_loop3A_382] {strides = array<i32>} : memref<32768xf32, #tpu.memory_space<vmem>>, vector<16xf32>,
        %parallel_loop3A_384 = vector.shape_cast %parallel_loop3A_383 : vector<16xf32> to vector<16xf32>
        %parallel_loop3A_385 = vector.broadcast %parallel_loop3A_365 : f32 to vector<16xf32>
        %parallel_loop3A_386 = arith.mulf %parallel_loop3A_385, %parallel_loop3A_384 : vector<16xf32>
        %parallel_loop3A_387 = arith.addf %parallel_loop3A_315, %parallel_loop3A_386 : vector<16xf32>
        %parallel_loop3A_388 = arith.constant 32 : i32
        %parallel_loop3A_389 = arith.addi %parallel_loop3A_371, %parallel_loop3A_388 : i32
        %parallel_loop3A_390 = arith.index_cast %parallel_loop3A_389 : i32 to index
        %parallel_loop3A_391 = tpu.vector_load %arg6[%parallel_loop3A_390] {strides = array<i32>} : memref<32768xf32, #tpu.memory_space<vmem>>, vector<16xf32>,
        %parallel_loop3A_392 = vector.shape_cast %parallel_loop3A_391 : vector<16xf32> to vector<16xf32>
        %parallel_loop3A_393 = vector.broadcast %parallel_loop3A_365 : f32 to vector<16xf32>
        %parallel_loop3A_394 = arith.mulf %parallel_loop3A_393, %parallel_loop3A_392 : vector<16xf32>
        %parallel_loop3A_395 = arith.addf %parallel_loop3A_323, %parallel_loop3A_394 : vector<16xf32>
        %parallel_loop3A_396 = arith.constant 48 : i32
        %parallel_loop3A_397 = arith.addi %parallel_loop3A_371, %parallel_loop3A_396 : i32
        %parallel_loop3A_398 = arith.index_cast %parallel_loop3A_397 : i32 to index
        %parallel_loop3A_399 = tpu.vector_load %arg6[%parallel_loop3A_398] {strides = array<i32>} : memref<32768xf32, #tpu.memory_space<vmem>>, vector<16xf32>,
        %parallel_loop3A_400 = vector.shape_cast %parallel_loop3A_399 : vector<16xf32> to vector<16xf32>
        %parallel_loop3A_401 = vector.broadcast %parallel_loop3A_365 : f32 to vector<16xf32>
        %parallel_loop3A_402 = arith.mulf %parallel_loop3A_401, %parallel_loop3A_400 : vector<16xf32>
        %parallel_loop3A_403 = arith.addf %parallel_loop3A_331, %parallel_loop3A_402 : vector<16xf32>
        %parallel_loop3A_404 = arith.constant 64 : i32
        %parallel_loop3A_405 = arith.addi %parallel_loop3A_371, %parallel_loop3A_404 : i32
        %parallel_loop3A_406 = arith.index_cast %parallel_loop3A_405 : i32 to index
        %parallel_loop3A_407 = tpu.vector_load %arg6[%parallel_loop3A_406] {strides = array<i32>} : memref<32768xf32, #tpu.memory_space<vmem>>, vector<16xf32>,
        %parallel_loop3A_408 = vector.shape_cast %parallel_loop3A_407 : vector<16xf32> to vector<16xf32>
        %parallel_loop3A_409 = vector.broadcast %parallel_loop3A_365 : f32 to vector<16xf32>
        %parallel_loop3A_410 = arith.mulf %parallel_loop3A_409, %parallel_loop3A_408 : vector<16xf32>
        %parallel_loop3A_411 = arith.addf %parallel_loop3A_339, %parallel_loop3A_410 : vector<16xf32>
        %parallel_loop3A_412 = arith.constant 80 : i32
        %parallel_loop3A_413 = arith.addi %parallel_loop3A_371, %parallel_loop3A_412 : i32
        %parallel_loop3A_414 = arith.index_cast %parallel_loop3A_413 : i32 to index
        %parallel_loop3A_415 = tpu.vector_load %arg6[%parallel_loop3A_414] {strides = array<i32>} : memref<32768xf32, #tpu.memory_space<vmem>>, vector<16xf32>,
        %parallel_loop3A_416 = vector.shape_cast %parallel_loop3A_415 : vector<16xf32> to vector<16xf32>
        %parallel_loop3A_417 = vector.broadcast %parallel_loop3A_365 : f32 to vector<16xf32>
        %parallel_loop3A_418 = arith.mulf %parallel_loop3A_417, %parallel_loop3A_416 : vector<16xf32>
        %parallel_loop3A_419 = arith.addf %parallel_loop3A_347, %parallel_loop3A_418 : vector<16xf32>
        %parallel_loop3A_420 = arith.constant 96 : i32
        %parallel_loop3A_421 = arith.addi %parallel_loop3A_371, %parallel_loop3A_420 : i32
        %parallel_loop3A_422 = arith.index_cast %parallel_loop3A_421 : i32 to index
        %parallel_loop3A_423 = tpu.vector_load %arg6[%parallel_loop3A_422] {strides = array<i32>} : memref<32768xf32, #tpu.memory_space<vmem>>, vector<16xf32>,
        %parallel_loop3A_424 = vector.shape_cast %parallel_loop3A_423 : vector<16xf32> to vector<16xf32>
        %parallel_loop3A_425 = vector.broadcast %parallel_loop3A_365 : f32 to vector<16xf32>
        %parallel_loop3A_426 = arith.mulf %parallel_loop3A_425, %parallel_loop3A_424 : vector<16xf32>
        %parallel_loop3A_427 = arith.addf %parallel_loop3A_355, %parallel_loop3A_426 : vector<16xf32>
        %parallel_loop3A_428 = arith.constant 112 : i32
        %parallel_loop3A_429 = arith.addi %parallel_loop3A_371, %parallel_loop3A_428 : i32
        %parallel_loop3A_430 = arith.index_cast %parallel_loop3A_429 : i32 to index
        %parallel_loop3A_431 = tpu.vector_load %arg6[%parallel_loop3A_430] {strides = array<i32>} : memref<32768xf32, #tpu.memory_space<vmem>>, vector<16xf32>,
        %parallel_loop3A_432 = vector.shape_cast %parallel_loop3A_431 : vector<16xf32> to vector<16xf32>
        %parallel_loop3A_433 = vector.broadcast %parallel_loop3A_365 : f32 to vector<16xf32>
        %parallel_loop3A_434 = arith.mulf %parallel_loop3A_433, %parallel_loop3A_432 : vector<16xf32>
        %parallel_loop3A_435 = arith.addf %parallel_loop3A_363, %parallel_loop3A_434 : vector<16xf32>
        %parallel_loop3A_436 = vector.extract_strided_slice %parallel_loop3A_147 {offsets = [4], sizes = [1], strides = [1]} : vector<16xf32> to vector<1xf32>
        %parallel_loop3A_437 = vector.extract %parallel_loop3A_436[0] : f32 from vector<1xf32>
        %parallel_loop3A_438 = arith.constant 16 : i32
        %parallel_loop3A_439 = arith.muli %parallel_loop3A_123, %parallel_loop3A_438 : i32
        %parallel_loop3A_440 = arith.constant 4 : i32
        %parallel_loop3A_441 = arith.addi %parallel_loop3A_439, %parallel_loop3A_440 : i32
        %parallel_loop3A_442 = arith.constant 128 : i32
        %parallel_loop3A_443 = arith.muli %parallel_loop3A_441, %parallel_loop3A_442 : i32
        %parallel_loop3A_444 = arith.constant 0 : i32
        %parallel_loop3A_445 = arith.addi %parallel_loop3A_443, %parallel_loop3A_444 : i32
        %parallel_loop3A_446 = arith.index_cast %parallel_loop3A_445 : i32 to index
        %parallel_loop3A_447 = tpu.vector_load %arg6[%parallel_loop3A_446] {strides = array<i32>} : memref<32768xf32, #tpu.memory_space<vmem>>, vector<16xf32>,
        %parallel_loop3A_448 = vector.shape_cast %parallel_loop3A_447 : vector<16xf32> to vector<16xf32>
        %parallel_loop3A_449 = vector.broadcast %parallel_loop3A_437 : f32 to vector<16xf32>
        %parallel_loop3A_450 = arith.mulf %parallel_loop3A_449, %parallel_loop3A_448 : vector<16xf32>
        %parallel_loop3A_451 = arith.addf %parallel_loop3A_379, %parallel_loop3A_450 : vector<16xf32>
        %parallel_loop3A_452 = arith.constant 16 : i32
        %parallel_loop3A_453 = arith.addi %parallel_loop3A_443, %parallel_loop3A_452 : i32
        %parallel_loop3A_454 = arith.index_cast %parallel_loop3A_453 : i32 to index
        %parallel_loop3A_455 = tpu.vector_load %arg6[%parallel_loop3A_454] {strides = array<i32>} : memref<32768xf32, #tpu.memory_space<vmem>>, vector<16xf32>,
        %parallel_loop3A_456 = vector.shape_cast %parallel_loop3A_455 : vector<16xf32> to vector<16xf32>
        %parallel_loop3A_457 = vector.broadcast %parallel_loop3A_437 : f32 to vector<16xf32>
        %parallel_loop3A_458 = arith.mulf %parallel_loop3A_457, %parallel_loop3A_456 : vector<16xf32>
        %parallel_loop3A_459 = arith.addf %parallel_loop3A_387, %parallel_loop3A_458 : vector<16xf32>
        %parallel_loop3A_460 = arith.constant 32 : i32
        %parallel_loop3A_461 = arith.addi %parallel_loop3A_443, %parallel_loop3A_460 : i32
        %parallel_loop3A_462 = arith.index_cast %parallel_loop3A_461 : i32 to index
        %parallel_loop3A_463 = tpu.vector_load %arg6[%parallel_loop3A_462] {strides = array<i32>} : memref<32768xf32, #tpu.memory_space<vmem>>, vector<16xf32>,
        %parallel_loop3A_464 = vector.shape_cast %parallel_loop3A_463 : vector<16xf32> to vector<16xf32>
        %parallel_loop3A_465 = vector.broadcast %parallel_loop3A_437 : f32 to vector<16xf32>
        %parallel_loop3A_466 = arith.mulf %parallel_loop3A_465, %parallel_loop3A_464 : vector<16xf32>
        %parallel_loop3A_467 = arith.addf %parallel_loop3A_395, %parallel_loop3A_466 : vector<16xf32>
        %parallel_loop3A_468 = arith.constant 48 : i32
        %parallel_loop3A_469 = arith.addi %parallel_loop3A_443, %parallel_loop3A_468 : i32
        %parallel_loop3A_470 = arith.index_cast %parallel_loop3A_469 : i32 to index
        %parallel_loop3A_471 = tpu.vector_load %arg6[%parallel_loop3A_470] {strides = array<i32>} : memref<32768xf32, #tpu.memory_space<vmem>>, vector<16xf32>,
        %parallel_loop3A_472 = vector.shape_cast %parallel_loop3A_471 : vector<16xf32> to vector<16xf32>
        %parallel_loop3A_473 = vector.broadcast %parallel_loop3A_437 : f32 to vector<16xf32>
        %parallel_loop3A_474 = arith.mulf %parallel_loop3A_473, %parallel_loop3A_472 : vector<16xf32>
        %parallel_loop3A_475 = arith.addf %parallel_loop3A_403, %parallel_loop3A_474 : vector<16xf32>
        %parallel_loop3A_476 = arith.constant 64 : i32
        %parallel_loop3A_477 = arith.addi %parallel_loop3A_443, %parallel_loop3A_476 : i32
        %parallel_loop3A_478 = arith.index_cast %parallel_loop3A_477 : i32 to index
        %parallel_loop3A_479 = tpu.vector_load %arg6[%parallel_loop3A_478] {strides = array<i32>} : memref<32768xf32, #tpu.memory_space<vmem>>, vector<16xf32>,
        %parallel_loop3A_480 = vector.shape_cast %parallel_loop3A_479 : vector<16xf32> to vector<16xf32>
        %parallel_loop3A_481 = vector.broadcast %parallel_loop3A_437 : f32 to vector<16xf32>
        %parallel_loop3A_482 = arith.mulf %parallel_loop3A_481, %parallel_loop3A_480 : vector<16xf32>
        %parallel_loop3A_483 = arith.addf %parallel_loop3A_411, %parallel_loop3A_482 : vector<16xf32>
        %parallel_loop3A_484 = arith.constant 80 : i32
        %parallel_loop3A_485 = arith.addi %parallel_loop3A_443, %parallel_loop3A_484 : i32
        %parallel_loop3A_486 = arith.index_cast %parallel_loop3A_485 : i32 to index
        %parallel_loop3A_487 = tpu.vector_load %arg6[%parallel_loop3A_486] {strides = array<i32>} : memref<32768xf32, #tpu.memory_space<vmem>>, vector<16xf32>,
        %parallel_loop3A_488 = vector.shape_cast %parallel_loop3A_487 : vector<16xf32> to vector<16xf32>
        %parallel_loop3A_489 = vector.broadcast %parallel_loop3A_437 : f32 to vector<16xf32>
        %parallel_loop3A_490 = arith.mulf %parallel_loop3A_489, %parallel_loop3A_488 : vector<16xf32>
        %parallel_loop3A_491 = arith.addf %parallel_loop3A_419, %parallel_loop3A_490 : vector<16xf32>
        %parallel_loop3A_492 = arith.constant 96 : i32
        %parallel_loop3A_493 = arith.addi %parallel_loop3A_443, %parallel_loop3A_492 : i32
        %parallel_loop3A_494 = arith.index_cast %parallel_loop3A_493 : i32 to index
        %parallel_loop3A_495 = tpu.vector_load %arg6[%parallel_loop3A_494] {strides = array<i32>} : memref<32768xf32, #tpu.memory_space<vmem>>, vector<16xf32>,
        %parallel_loop3A_496 = vector.shape_cast %parallel_loop3A_495 : vector<16xf32> to vector<16xf32>
        %parallel_loop3A_497 = vector.broadcast %parallel_loop3A_437 : f32 to vector<16xf32>
        %parallel_loop3A_498 = arith.mulf %parallel_loop3A_497, %parallel_loop3A_496 : vector<16xf32>
        %parallel_loop3A_499 = arith.addf %parallel_loop3A_427, %parallel_loop3A_498 : vector<16xf32>
        %parallel_loop3A_500 = arith.constant 112 : i32
        %parallel_loop3A_501 = arith.addi %parallel_loop3A_443, %parallel_loop3A_500 : i32
        %parallel_loop3A_502 = arith.index_cast %parallel_loop3A_501 : i32 to index
        %parallel_loop3A_503 = tpu.vector_load %arg6[%parallel_loop3A_502] {strides = array<i32>} : memref<32768xf32, #tpu.memory_space<vmem>>, vector<16xf32>,
        %parallel_loop3A_504 = vector.shape_cast %parallel_loop3A_503 : vector<16xf32> to vector<16xf32>
        %parallel_loop3A_505 = vector.broadcast %parallel_loop3A_437 : f32 to vector<16xf32>
        %parallel_loop3A_506 = arith.mulf %parallel_loop3A_505, %parallel_loop3A_504 : vector<16xf32>
        %parallel_loop3A_507 = arith.addf %parallel_loop3A_435, %parallel_loop3A_506 : vector<16xf32>
        %parallel_loop3A_508 = vector.extract_strided_slice %parallel_loop3A_147 {offsets = [5], sizes = [1], strides = [1]} : vector<16xf32> to vector<1xf32>
        %parallel_loop3A_509 = vector.extract %parallel_loop3A_508[0] : f32 from vector<1xf32>
        %parallel_loop3A_510 = arith.constant 16 : i32
        %parallel_loop3A_511 = arith.muli %parallel_loop3A_123, %parallel_loop3A_510 : i32
        %parallel_loop3A_512 = arith.constant 5 : i32
        %parallel_loop3A_513 = arith.addi %parallel_loop3A_511, %parallel_loop3A_512 : i32
        %parallel_loop3A_514 = arith.constant 128 : i32
        %parallel_loop3A_515 = arith.muli %parallel_loop3A_513, %parallel_loop3A_514 : i32
        %parallel_loop3A_516 = arith.constant 0 : i32
        %parallel_loop3A_517 = arith.addi %parallel_loop3A_515, %parallel_loop3A_516 : i32
        %parallel_loop3A_518 = arith.index_cast %parallel_loop3A_517 : i32 to index
        %parallel_loop3A_519 = tpu.vector_load %arg6[%parallel_loop3A_518] {strides = array<i32>} : memref<32768xf32, #tpu.memory_space<vmem>>, vector<16xf32>,
        %parallel_loop3A_520 = vector.shape_cast %parallel_loop3A_519 : vector<16xf32> to vector<16xf32>
        %parallel_loop3A_521 = vector.broadcast %parallel_loop3A_509 : f32 to vector<16xf32>
        %parallel_loop3A_522 = arith.mulf %parallel_loop3A_521, %parallel_loop3A_520 : vector<16xf32>
        %parallel_loop3A_523 = arith.addf %parallel_loop3A_451, %parallel_loop3A_522 : vector<16xf32>
        %parallel_loop3A_524 = arith.constant 16 : i32
        %parallel_loop3A_525 = arith.addi %parallel_loop3A_515, %parallel_loop3A_524 : i32
        %parallel_loop3A_526 = arith.index_cast %parallel_loop3A_525 : i32 to index
        %parallel_loop3A_527 = tpu.vector_load %arg6[%parallel_loop3A_526] {strides = array<i32>} : memref<32768xf32, #tpu.memory_space<vmem>>, vector<16xf32>,
        %parallel_loop3A_528 = vector.shape_cast %parallel_loop3A_527 : vector<16xf32> to vector<16xf32>
        %parallel_loop3A_529 = vector.broadcast %parallel_loop3A_509 : f32 to vector<16xf32>
        %parallel_loop3A_530 = arith.mulf %parallel_loop3A_529, %parallel_loop3A_528 : vector<16xf32>
        %parallel_loop3A_531 = arith.addf %parallel_loop3A_459, %parallel_loop3A_530 : vector<16xf32>
        %parallel_loop3A_532 = arith.constant 32 : i32
        %parallel_loop3A_533 = arith.addi %parallel_loop3A_515, %parallel_loop3A_532 : i32
        %parallel_loop3A_534 = arith.index_cast %parallel_loop3A_533 : i32 to index
        %parallel_loop3A_535 = tpu.vector_load %arg6[%parallel_loop3A_534] {strides = array<i32>} : memref<32768xf32, #tpu.memory_space<vmem>>, vector<16xf32>,
        %parallel_loop3A_536 = vector.shape_cast %parallel_loop3A_535 : vector<16xf32> to vector<16xf32>
        %parallel_loop3A_537 = vector.broadcast %parallel_loop3A_509 : f32 to vector<16xf32>
        %parallel_loop3A_538 = arith.mulf %parallel_loop3A_537, %parallel_loop3A_536 : vector<16xf32>
        %parallel_loop3A_539 = arith.addf %parallel_loop3A_467, %parallel_loop3A_538 : vector<16xf32>
        %parallel_loop3A_540 = arith.constant 48 : i32
        %parallel_loop3A_541 = arith.addi %parallel_loop3A_515, %parallel_loop3A_540 : i32
        %parallel_loop3A_542 = arith.index_cast %parallel_loop3A_541 : i32 to index
        %parallel_loop3A_543 = tpu.vector_load %arg6[%parallel_loop3A_542] {strides = array<i32>} : memref<32768xf32, #tpu.memory_space<vmem>>, vector<16xf32>,
        %parallel_loop3A_544 = vector.shape_cast %parallel_loop3A_543 : vector<16xf32> to vector<16xf32>
        %parallel_loop3A_545 = vector.broadcast %parallel_loop3A_509 : f32 to vector<16xf32>
        %parallel_loop3A_546 = arith.mulf %parallel_loop3A_545, %parallel_loop3A_544 : vector<16xf32>
        %parallel_loop3A_547 = arith.addf %parallel_loop3A_475, %parallel_loop3A_546 : vector<16xf32>
        %parallel_loop3A_548 = arith.constant 64 : i32
        %parallel_loop3A_549 = arith.addi %parallel_loop3A_515, %parallel_loop3A_548 : i32
        %parallel_loop3A_550 = arith.index_cast %parallel_loop3A_549 : i32 to index
        %parallel_loop3A_551 = tpu.vector_load %arg6[%parallel_loop3A_550] {strides = array<i32>} : memref<32768xf32, #tpu.memory_space<vmem>>, vector<16xf32>,
        %parallel_loop3A_552 = vector.shape_cast %parallel_loop3A_551 : vector<16xf32> to vector<16xf32>
        %parallel_loop3A_553 = vector.broadcast %parallel_loop3A_509 : f32 to vector<16xf32>
        %parallel_loop3A_554 = arith.mulf %parallel_loop3A_553, %parallel_loop3A_552 : vector<16xf32>
        %parallel_loop3A_555 = arith.addf %parallel_loop3A_483, %parallel_loop3A_554 : vector<16xf32>
        %parallel_loop3A_556 = arith.constant 80 : i32
        %parallel_loop3A_557 = arith.addi %parallel_loop3A_515, %parallel_loop3A_556 : i32
        %parallel_loop3A_558 = arith.index_cast %parallel_loop3A_557 : i32 to index
        %parallel_loop3A_559 = tpu.vector_load %arg6[%parallel_loop3A_558] {strides = array<i32>} : memref<32768xf32, #tpu.memory_space<vmem>>, vector<16xf32>,
        %parallel_loop3A_560 = vector.shape_cast %parallel_loop3A_559 : vector<16xf32> to vector<16xf32>
        %parallel_loop3A_561 = vector.broadcast %parallel_loop3A_509 : f32 to vector<16xf32>
        %parallel_loop3A_562 = arith.mulf %parallel_loop3A_561, %parallel_loop3A_560 : vector<16xf32>
        %parallel_loop3A_563 = arith.addf %parallel_loop3A_491, %parallel_loop3A_562 : vector<16xf32>
        %parallel_loop3A_564 = arith.constant 96 : i32
        %parallel_loop3A_565 = arith.addi %parallel_loop3A_515, %parallel_loop3A_564 : i32
        %parallel_loop3A_566 = arith.index_cast %parallel_loop3A_565 : i32 to index
        %parallel_loop3A_567 = tpu.vector_load %arg6[%parallel_loop3A_566] {strides = array<i32>} : memref<32768xf32, #tpu.memory_space<vmem>>, vector<16xf32>,
        %parallel_loop3A_568 = vector.shape_cast %parallel_loop3A_567 : vector<16xf32> to vector<16xf32>
        %parallel_loop3A_569 = vector.broadcast %parallel_loop3A_509 : f32 to vector<16xf32>
        %parallel_loop3A_570 = arith.mulf %parallel_loop3A_569, %parallel_loop3A_568 : vector<16xf32>
        %parallel_loop3A_571 = arith.addf %parallel_loop3A_499, %parallel_loop3A_570 : vector<16xf32>
        %parallel_loop3A_572 = arith.constant 112 : i32
        %parallel_loop3A_573 = arith.addi %parallel_loop3A_515, %parallel_loop3A_572 : i32
        %parallel_loop3A_574 = arith.index_cast %parallel_loop3A_573 : i32 to index
        %parallel_loop3A_575 = tpu.vector_load %arg6[%parallel_loop3A_574] {strides = array<i32>} : memref<32768xf32, #tpu.memory_space<vmem>>, vector<16xf32>,
        %parallel_loop3A_576 = vector.shape_cast %parallel_loop3A_575 : vector<16xf32> to vector<16xf32>
        %parallel_loop3A_577 = vector.broadcast %parallel_loop3A_509 : f32 to vector<16xf32>
        %parallel_loop3A_578 = arith.mulf %parallel_loop3A_577, %parallel_loop3A_576 : vector<16xf32>
        %parallel_loop3A_579 = arith.addf %parallel_loop3A_507, %parallel_loop3A_578 : vector<16xf32>
        %parallel_loop3A_580 = vector.extract_strided_slice %parallel_loop3A_147 {offsets = [6], sizes = [1], strides = [1]} : vector<16xf32> to vector<1xf32>
        %parallel_loop3A_581 = vector.extract %parallel_loop3A_580[0] : f32 from vector<1xf32>
        %parallel_loop3A_582 = arith.constant 16 : i32
        %parallel_loop3A_583 = arith.muli %parallel_loop3A_123, %parallel_loop3A_582 : i32
        %parallel_loop3A_584 = arith.constant 6 : i32
        %parallel_loop3A_585 = arith.addi %parallel_loop3A_583, %parallel_loop3A_584 : i32
        %parallel_loop3A_586 = arith.constant 128 : i32
        %parallel_loop3A_587 = arith.muli %parallel_loop3A_585, %parallel_loop3A_586 : i32
        %parallel_loop3A_588 = arith.constant 0 : i32
        %parallel_loop3A_589 = arith.addi %parallel_loop3A_587, %parallel_loop3A_588 : i32
        %parallel_loop3A_590 = arith.index_cast %parallel_loop3A_589 : i32 to index
        %parallel_loop3A_591 = tpu.vector_load %arg6[%parallel_loop3A_590] {strides = array<i32>} : memref<32768xf32, #tpu.memory_space<vmem>>, vector<16xf32>,
        %parallel_loop3A_592 = vector.shape_cast %parallel_loop3A_591 : vector<16xf32> to vector<16xf32>
        %parallel_loop3A_593 = vector.broadcast %parallel_loop3A_581 : f32 to vector<16xf32>
        %parallel_loop3A_594 = arith.mulf %parallel_loop3A_593, %parallel_loop3A_592 : vector<16xf32>
        %parallel_loop3A_595 = arith.addf %parallel_loop3A_523, %parallel_loop3A_594 : vector<16xf32>
        %parallel_loop3A_596 = arith.constant 16 : i32
        %parallel_loop3A_597 = arith.addi %parallel_loop3A_587, %parallel_loop3A_596 : i32
        %parallel_loop3A_598 = arith.index_cast %parallel_loop3A_597 : i32 to index
        %parallel_loop3A_599 = tpu.vector_load %arg6[%parallel_loop3A_598] {strides = array<i32>} : memref<32768xf32, #tpu.memory_space<vmem>>, vector<16xf32>,
        %parallel_loop3A_600 = vector.shape_cast %parallel_loop3A_599 : vector<16xf32> to vector<16xf32>
        %parallel_loop3A_601 = vector.broadcast %parallel_loop3A_581 : f32 to vector<16xf32>
        %parallel_loop3A_602 = arith.mulf %parallel_loop3A_601, %parallel_loop3A_600 : vector<16xf32>
        %parallel_loop3A_603 = arith.addf %parallel_loop3A_531, %parallel_loop3A_602 : vector<16xf32>
        %parallel_loop3A_604 = arith.constant 32 : i32
        %parallel_loop3A_605 = arith.addi %parallel_loop3A_587, %parallel_loop3A_604 : i32
        %parallel_loop3A_606 = arith.index_cast %parallel_loop3A_605 : i32 to index
        %parallel_loop3A_607 = tpu.vector_load %arg6[%parallel_loop3A_606] {strides = array<i32>} : memref<32768xf32, #tpu.memory_space<vmem>>, vector<16xf32>,
        %parallel_loop3A_608 = vector.shape_cast %parallel_loop3A_607 : vector<16xf32> to vector<16xf32>
        %parallel_loop3A_609 = vector.broadcast %parallel_loop3A_581 : f32 to vector<16xf32>
        %parallel_loop3A_610 = arith.mulf %parallel_loop3A_609, %parallel_loop3A_608 : vector<16xf32>
        %parallel_loop3A_611 = arith.addf %parallel_loop3A_539, %parallel_loop3A_610 : vector<16xf32>
        %parallel_loop3A_612 = arith.constant 48 : i32
        %parallel_loop3A_613 = arith.addi %parallel_loop3A_587, %parallel_loop3A_612 : i32
        %parallel_loop3A_614 = arith.index_cast %parallel_loop3A_613 : i32 to index
        %parallel_loop3A_615 = tpu.vector_load %arg6[%parallel_loop3A_614] {strides = array<i32>} : memref<32768xf32, #tpu.memory_space<vmem>>, vector<16xf32>,
        %parallel_loop3A_616 = vector.shape_cast %parallel_loop3A_615 : vector<16xf32> to vector<16xf32>
        %parallel_loop3A_617 = vector.broadcast %parallel_loop3A_581 : f32 to vector<16xf32>
        %parallel_loop3A_618 = arith.mulf %parallel_loop3A_617, %parallel_loop3A_616 : vector<16xf32>
        %parallel_loop3A_619 = arith.addf %parallel_loop3A_547, %parallel_loop3A_618 : vector<16xf32>
        %parallel_loop3A_620 = arith.constant 64 : i32
        %parallel_loop3A_621 = arith.addi %parallel_loop3A_587, %parallel_loop3A_620 : i32
        %parallel_loop3A_622 = arith.index_cast %parallel_loop3A_621 : i32 to index
        %parallel_loop3A_623 = tpu.vector_load %arg6[%parallel_loop3A_622] {strides = array<i32>} : memref<32768xf32, #tpu.memory_space<vmem>>, vector<16xf32>,
        %parallel_loop3A_624 = vector.shape_cast %parallel_loop3A_623 : vector<16xf32> to vector<16xf32>
        %parallel_loop3A_625 = vector.broadcast %parallel_loop3A_581 : f32 to vector<16xf32>
        %parallel_loop3A_626 = arith.mulf %parallel_loop3A_625, %parallel_loop3A_624 : vector<16xf32>
        %parallel_loop3A_627 = arith.addf %parallel_loop3A_555, %parallel_loop3A_626 : vector<16xf32>
        %parallel_loop3A_628 = arith.constant 80 : i32
        %parallel_loop3A_629 = arith.addi %parallel_loop3A_587, %parallel_loop3A_628 : i32
        %parallel_loop3A_630 = arith.index_cast %parallel_loop3A_629 : i32 to index
        %parallel_loop3A_631 = tpu.vector_load %arg6[%parallel_loop3A_630] {strides = array<i32>} : memref<32768xf32, #tpu.memory_space<vmem>>, vector<16xf32>,
        %parallel_loop3A_632 = vector.shape_cast %parallel_loop3A_631 : vector<16xf32> to vector<16xf32>
        %parallel_loop3A_633 = vector.broadcast %parallel_loop3A_581 : f32 to vector<16xf32>
        %parallel_loop3A_634 = arith.mulf %parallel_loop3A_633, %parallel_loop3A_632 : vector<16xf32>
        %parallel_loop3A_635 = arith.addf %parallel_loop3A_563, %parallel_loop3A_634 : vector<16xf32>
        %parallel_loop3A_636 = arith.constant 96 : i32
        %parallel_loop3A_637 = arith.addi %parallel_loop3A_587, %parallel_loop3A_636 : i32
        %parallel_loop3A_638 = arith.index_cast %parallel_loop3A_637 : i32 to index
        %parallel_loop3A_639 = tpu.vector_load %arg6[%parallel_loop3A_638] {strides = array<i32>} : memref<32768xf32, #tpu.memory_space<vmem>>, vector<16xf32>,
        %parallel_loop3A_640 = vector.shape_cast %parallel_loop3A_639 : vector<16xf32> to vector<16xf32>
        %parallel_loop3A_641 = vector.broadcast %parallel_loop3A_581 : f32 to vector<16xf32>
        %parallel_loop3A_642 = arith.mulf %parallel_loop3A_641, %parallel_loop3A_640 : vector<16xf32>
        %parallel_loop3A_643 = arith.addf %parallel_loop3A_571, %parallel_loop3A_642 : vector<16xf32>
        %parallel_loop3A_644 = arith.constant 112 : i32
        %parallel_loop3A_645 = arith.addi %parallel_loop3A_587, %parallel_loop3A_644 : i32
        %parallel_loop3A_646 = arith.index_cast %parallel_loop3A_645 : i32 to index
        %parallel_loop3A_647 = tpu.vector_load %arg6[%parallel_loop3A_646] {strides = array<i32>} : memref<32768xf32, #tpu.memory_space<vmem>>, vector<16xf32>,
        %parallel_loop3A_648 = vector.shape_cast %parallel_loop3A_647 : vector<16xf32> to vector<16xf32>
        %parallel_loop3A_649 = vector.broadcast %parallel_loop3A_581 : f32 to vector<16xf32>
        %parallel_loop3A_650 = arith.mulf %parallel_loop3A_649, %parallel_loop3A_648 : vector<16xf32>
        %parallel_loop3A_651 = arith.addf %parallel_loop3A_579, %parallel_loop3A_650 : vector<16xf32>
        %parallel_loop3A_652 = vector.extract_strided_slice %parallel_loop3A_147 {offsets = [7], sizes = [1], strides = [1]} : vector<16xf32> to vector<1xf32>
        %parallel_loop3A_653 = vector.extract %parallel_loop3A_652[0] : f32 from vector<1xf32>
        %parallel_loop3A_654 = arith.constant 16 : i32
        %parallel_loop3A_655 = arith.muli %parallel_loop3A_123, %parallel_loop3A_654 : i32
        %parallel_loop3A_656 = arith.constant 7 : i32
        %parallel_loop3A_657 = arith.addi %parallel_loop3A_655, %parallel_loop3A_656 : i32
        %parallel_loop3A_658 = arith.constant 128 : i32
        %parallel_loop3A_659 = arith.muli %parallel_loop3A_657, %parallel_loop3A_658 : i32
        %parallel_loop3A_660 = arith.constant 0 : i32
        %parallel_loop3A_661 = arith.addi %parallel_loop3A_659, %parallel_loop3A_660 : i32
        %parallel_loop3A_662 = arith.index_cast %parallel_loop3A_661 : i32 to index
        %parallel_loop3A_663 = tpu.vector_load %arg6[%parallel_loop3A_662] {strides = array<i32>} : memref<32768xf32, #tpu.memory_space<vmem>>, vector<16xf32>,
        %parallel_loop3A_664 = vector.shape_cast %parallel_loop3A_663 : vector<16xf32> to vector<16xf32>
        %parallel_loop3A_665 = vector.broadcast %parallel_loop3A_653 : f32 to vector<16xf32>
        %parallel_loop3A_666 = arith.mulf %parallel_loop3A_665, %parallel_loop3A_664 : vector<16xf32>
        %parallel_loop3A_667 = arith.addf %parallel_loop3A_595, %parallel_loop3A_666 : vector<16xf32>
        %parallel_loop3A_668 = arith.constant 16 : i32
        %parallel_loop3A_669 = arith.addi %parallel_loop3A_659, %parallel_loop3A_668 : i32
        %parallel_loop3A_670 = arith.index_cast %parallel_loop3A_669 : i32 to index
        %parallel_loop3A_671 = tpu.vector_load %arg6[%parallel_loop3A_670] {strides = array<i32>} : memref<32768xf32, #tpu.memory_space<vmem>>, vector<16xf32>,
        %parallel_loop3A_672 = vector.shape_cast %parallel_loop3A_671 : vector<16xf32> to vector<16xf32>
        %parallel_loop3A_673 = vector.broadcast %parallel_loop3A_653 : f32 to vector<16xf32>
        %parallel_loop3A_674 = arith.mulf %parallel_loop3A_673, %parallel_loop3A_672 : vector<16xf32>
        %parallel_loop3A_675 = arith.addf %parallel_loop3A_603, %parallel_loop3A_674 : vector<16xf32>
        %parallel_loop3A_676 = arith.constant 32 : i32
        %parallel_loop3A_677 = arith.addi %parallel_loop3A_659, %parallel_loop3A_676 : i32
        %parallel_loop3A_678 = arith.index_cast %parallel_loop3A_677 : i32 to index
        %parallel_loop3A_679 = tpu.vector_load %arg6[%parallel_loop3A_678] {strides = array<i32>} : memref<32768xf32, #tpu.memory_space<vmem>>, vector<16xf32>,
        %parallel_loop3A_680 = vector.shape_cast %parallel_loop3A_679 : vector<16xf32> to vector<16xf32>
        %parallel_loop3A_681 = vector.broadcast %parallel_loop3A_653 : f32 to vector<16xf32>
        %parallel_loop3A_682 = arith.mulf %parallel_loop3A_681, %parallel_loop3A_680 : vector<16xf32>
        %parallel_loop3A_683 = arith.addf %parallel_loop3A_611, %parallel_loop3A_682 : vector<16xf32>
        %parallel_loop3A_684 = arith.constant 48 : i32
        %parallel_loop3A_685 = arith.addi %parallel_loop3A_659, %parallel_loop3A_684 : i32
        %parallel_loop3A_686 = arith.index_cast %parallel_loop3A_685 : i32 to index
        %parallel_loop3A_687 = tpu.vector_load %arg6[%parallel_loop3A_686] {strides = array<i32>} : memref<32768xf32, #tpu.memory_space<vmem>>, vector<16xf32>,
        %parallel_loop3A_688 = vector.shape_cast %parallel_loop3A_687 : vector<16xf32> to vector<16xf32>
        %parallel_loop3A_689 = vector.broadcast %parallel_loop3A_653 : f32 to vector<16xf32>
        %parallel_loop3A_690 = arith.mulf %parallel_loop3A_689, %parallel_loop3A_688 : vector<16xf32>
        %parallel_loop3A_691 = arith.addf %parallel_loop3A_619, %parallel_loop3A_690 : vector<16xf32>
        %parallel_loop3A_692 = arith.constant 64 : i32
        %parallel_loop3A_693 = arith.addi %parallel_loop3A_659, %parallel_loop3A_692 : i32
        %parallel_loop3A_694 = arith.index_cast %parallel_loop3A_693 : i32 to index
        %parallel_loop3A_695 = tpu.vector_load %arg6[%parallel_loop3A_694] {strides = array<i32>} : memref<32768xf32, #tpu.memory_space<vmem>>, vector<16xf32>,
        %parallel_loop3A_696 = vector.shape_cast %parallel_loop3A_695 : vector<16xf32> to vector<16xf32>
        %parallel_loop3A_697 = vector.broadcast %parallel_loop3A_653 : f32 to vector<16xf32>
        %parallel_loop3A_698 = arith.mulf %parallel_loop3A_697, %parallel_loop3A_696 : vector<16xf32>
        %parallel_loop3A_699 = arith.addf %parallel_loop3A_627, %parallel_loop3A_698 : vector<16xf32>
        %parallel_loop3A_700 = arith.constant 80 : i32
        %parallel_loop3A_701 = arith.addi %parallel_loop3A_659, %parallel_loop3A_700 : i32
        %parallel_loop3A_702 = arith.index_cast %parallel_loop3A_701 : i32 to index
        %parallel_loop3A_703 = tpu.vector_load %arg6[%parallel_loop3A_702] {strides = array<i32>} : memref<32768xf32, #tpu.memory_space<vmem>>, vector<16xf32>,
        %parallel_loop3A_704 = vector.shape_cast %parallel_loop3A_703 : vector<16xf32> to vector<16xf32>
        %parallel_loop3A_705 = vector.broadcast %parallel_loop3A_653 : f32 to vector<16xf32>
        %parallel_loop3A_706 = arith.mulf %parallel_loop3A_705, %parallel_loop3A_704 : vector<16xf32>
        %parallel_loop3A_707 = arith.addf %parallel_loop3A_635, %parallel_loop3A_706 : vector<16xf32>
        %parallel_loop3A_708 = arith.constant 96 : i32
        %parallel_loop3A_709 = arith.addi %parallel_loop3A_659, %parallel_loop3A_708 : i32
        %parallel_loop3A_710 = arith.index_cast %parallel_loop3A_709 : i32 to index
        %parallel_loop3A_711 = tpu.vector_load %arg6[%parallel_loop3A_710] {strides = array<i32>} : memref<32768xf32, #tpu.memory_space<vmem>>, vector<16xf32>,
        %parallel_loop3A_712 = vector.shape_cast %parallel_loop3A_711 : vector<16xf32> to vector<16xf32>
        %parallel_loop3A_713 = vector.broadcast %parallel_loop3A_653 : f32 to vector<16xf32>
        %parallel_loop3A_714 = arith.mulf %parallel_loop3A_713, %parallel_loop3A_712 : vector<16xf32>
        %parallel_loop3A_715 = arith.addf %parallel_loop3A_643, %parallel_loop3A_714 : vector<16xf32>
        %parallel_loop3A_716 = arith.constant 112 : i32
        %parallel_loop3A_717 = arith.addi %parallel_loop3A_659, %parallel_loop3A_716 : i32
        %parallel_loop3A_718 = arith.index_cast %parallel_loop3A_717 : i32 to index
        %parallel_loop3A_719 = tpu.vector_load %arg6[%parallel_loop3A_718] {strides = array<i32>} : memref<32768xf32, #tpu.memory_space<vmem>>, vector<16xf32>,
        %parallel_loop3A_720 = vector.shape_cast %parallel_loop3A_719 : vector<16xf32> to vector<16xf32>
        %parallel_loop3A_721 = vector.broadcast %parallel_loop3A_653 : f32 to vector<16xf32>
        %parallel_loop3A_722 = arith.mulf %parallel_loop3A_721, %parallel_loop3A_720 : vector<16xf32>
        %parallel_loop3A_723 = arith.addf %parallel_loop3A_651, %parallel_loop3A_722 : vector<16xf32>
        %parallel_loop3A_724 = vector.extract_strided_slice %parallel_loop3A_147 {offsets = [8], sizes = [1], strides = [1]} : vector<16xf32> to vector<1xf32>
        %parallel_loop3A_725 = vector.extract %parallel_loop3A_724[0] : f32 from vector<1xf32>
        %parallel_loop3A_726 = arith.constant 16 : i32
        %parallel_loop3A_727 = arith.muli %parallel_loop3A_123, %parallel_loop3A_726 : i32
        %parallel_loop3A_728 = arith.constant 8 : i32
        %parallel_loop3A_729 = arith.addi %parallel_loop3A_727, %parallel_loop3A_728 : i32
        %parallel_loop3A_730 = arith.constant 128 : i32
        %parallel_loop3A_731 = arith.muli %parallel_loop3A_729, %parallel_loop3A_730 : i32
        %parallel_loop3A_732 = arith.constant 0 : i32
        %parallel_loop3A_733 = arith.addi %parallel_loop3A_731, %parallel_loop3A_732 : i32
        %parallel_loop3A_734 = arith.index_cast %parallel_loop3A_733 : i32 to index
        %parallel_loop3A_735 = tpu.vector_load %arg6[%parallel_loop3A_734] {strides = array<i32>} : memref<32768xf32, #tpu.memory_space<vmem>>, vector<16xf32>,
        %parallel_loop3A_736 = vector.shape_cast %parallel_loop3A_735 : vector<16xf32> to vector<16xf32>
        %parallel_loop3A_737 = vector.broadcast %parallel_loop3A_725 : f32 to vector<16xf32>
        %parallel_loop3A_738 = arith.mulf %parallel_loop3A_737, %parallel_loop3A_736 : vector<16xf32>
        %parallel_loop3A_739 = arith.addf %parallel_loop3A_132, %parallel_loop3A_738 : vector<16xf32>
        %parallel_loop3A_740 = arith.constant 16 : i32
        %parallel_loop3A_741 = arith.addi %parallel_loop3A_731, %parallel_loop3A_740 : i32
        %parallel_loop3A_742 = arith.index_cast %parallel_loop3A_741 : i32 to index
        %parallel_loop3A_743 = tpu.vector_load %arg6[%parallel_loop3A_742] {strides = array<i32>} : memref<32768xf32, #tpu.memory_space<vmem>>, vector<16xf32>,
        %parallel_loop3A_744 = vector.shape_cast %parallel_loop3A_743 : vector<16xf32> to vector<16xf32>
        %parallel_loop3A_745 = vector.broadcast %parallel_loop3A_725 : f32 to vector<16xf32>
        %parallel_loop3A_746 = arith.mulf %parallel_loop3A_745, %parallel_loop3A_744 : vector<16xf32>
        %parallel_loop3A_747 = arith.addf %parallel_loop3A_133, %parallel_loop3A_746 : vector<16xf32>
        %parallel_loop3A_748 = arith.constant 32 : i32
        %parallel_loop3A_749 = arith.addi %parallel_loop3A_731, %parallel_loop3A_748 : i32
        %parallel_loop3A_750 = arith.index_cast %parallel_loop3A_749 : i32 to index
        %parallel_loop3A_751 = tpu.vector_load %arg6[%parallel_loop3A_750] {strides = array<i32>} : memref<32768xf32, #tpu.memory_space<vmem>>, vector<16xf32>,
        %parallel_loop3A_752 = vector.shape_cast %parallel_loop3A_751 : vector<16xf32> to vector<16xf32>
        %parallel_loop3A_753 = vector.broadcast %parallel_loop3A_725 : f32 to vector<16xf32>
        %parallel_loop3A_754 = arith.mulf %parallel_loop3A_753, %parallel_loop3A_752 : vector<16xf32>
        %parallel_loop3A_755 = arith.addf %parallel_loop3A_134, %parallel_loop3A_754 : vector<16xf32>
        %parallel_loop3A_756 = arith.constant 48 : i32
        %parallel_loop3A_757 = arith.addi %parallel_loop3A_731, %parallel_loop3A_756 : i32
        %parallel_loop3A_758 = arith.index_cast %parallel_loop3A_757 : i32 to index
        %parallel_loop3A_759 = tpu.vector_load %arg6[%parallel_loop3A_758] {strides = array<i32>} : memref<32768xf32, #tpu.memory_space<vmem>>, vector<16xf32>,
        %parallel_loop3A_760 = vector.shape_cast %parallel_loop3A_759 : vector<16xf32> to vector<16xf32>
        %parallel_loop3A_761 = vector.broadcast %parallel_loop3A_725 : f32 to vector<16xf32>
        %parallel_loop3A_762 = arith.mulf %parallel_loop3A_761, %parallel_loop3A_760 : vector<16xf32>
        %parallel_loop3A_763 = arith.addf %parallel_loop3A_135, %parallel_loop3A_762 : vector<16xf32>
        %parallel_loop3A_764 = arith.constant 64 : i32
        %parallel_loop3A_765 = arith.addi %parallel_loop3A_731, %parallel_loop3A_764 : i32
        %parallel_loop3A_766 = arith.index_cast %parallel_loop3A_765 : i32 to index
        %parallel_loop3A_767 = tpu.vector_load %arg6[%parallel_loop3A_766] {strides = array<i32>} : memref<32768xf32, #tpu.memory_space<vmem>>, vector<16xf32>,
        %parallel_loop3A_768 = vector.shape_cast %parallel_loop3A_767 : vector<16xf32> to vector<16xf32>
        %parallel_loop3A_769 = vector.broadcast %parallel_loop3A_725 : f32 to vector<16xf32>
        %parallel_loop3A_770 = arith.mulf %parallel_loop3A_769, %parallel_loop3A_768 : vector<16xf32>
        %parallel_loop3A_771 = arith.addf %parallel_loop3A_136, %parallel_loop3A_770 : vector<16xf32>
        %parallel_loop3A_772 = arith.constant 80 : i32
        %parallel_loop3A_773 = arith.addi %parallel_loop3A_731, %parallel_loop3A_772 : i32
        %parallel_loop3A_774 = arith.index_cast %parallel_loop3A_773 : i32 to index
        %parallel_loop3A_775 = tpu.vector_load %arg6[%parallel_loop3A_774] {strides = array<i32>} : memref<32768xf32, #tpu.memory_space<vmem>>, vector<16xf32>,
        %parallel_loop3A_776 = vector.shape_cast %parallel_loop3A_775 : vector<16xf32> to vector<16xf32>
        %parallel_loop3A_777 = vector.broadcast %parallel_loop3A_725 : f32 to vector<16xf32>
        %parallel_loop3A_778 = arith.mulf %parallel_loop3A_777, %parallel_loop3A_776 : vector<16xf32>
        %parallel_loop3A_779 = arith.addf %parallel_loop3A_137, %parallel_loop3A_778 : vector<16xf32>
        %parallel_loop3A_780 = arith.constant 96 : i32
        %parallel_loop3A_781 = arith.addi %parallel_loop3A_731, %parallel_loop3A_780 : i32
        %parallel_loop3A_782 = arith.index_cast %parallel_loop3A_781 : i32 to index
        %parallel_loop3A_783 = tpu.vector_load %arg6[%parallel_loop3A_782] {strides = array<i32>} : memref<32768xf32, #tpu.memory_space<vmem>>, vector<16xf32>,
        %parallel_loop3A_784 = vector.shape_cast %parallel_loop3A_783 : vector<16xf32> to vector<16xf32>
        %parallel_loop3A_785 = vector.broadcast %parallel_loop3A_725 : f32 to vector<16xf32>
        %parallel_loop3A_786 = arith.mulf %parallel_loop3A_785, %parallel_loop3A_784 : vector<16xf32>
        %parallel_loop3A_787 = arith.addf %parallel_loop3A_138, %parallel_loop3A_786 : vector<16xf32>
        %parallel_loop3A_788 = arith.constant 112 : i32
        %parallel_loop3A_789 = arith.addi %parallel_loop3A_731, %parallel_loop3A_788 : i32
        %parallel_loop3A_790 = arith.index_cast %parallel_loop3A_789 : i32 to index
        %parallel_loop3A_791 = tpu.vector_load %arg6[%parallel_loop3A_790] {strides = array<i32>} : memref<32768xf32, #tpu.memory_space<vmem>>, vector<16xf32>,
        %parallel_loop3A_792 = vector.shape_cast %parallel_loop3A_791 : vector<16xf32> to vector<16xf32>
        %parallel_loop3A_793 = vector.broadcast %parallel_loop3A_725 : f32 to vector<16xf32>
        %parallel_loop3A_794 = arith.mulf %parallel_loop3A_793, %parallel_loop3A_792 : vector<16xf32>
        %parallel_loop3A_795 = arith.addf %parallel_loop3A_139, %parallel_loop3A_794 : vector<16xf32>
        %parallel_loop3A_796 = vector.extract_strided_slice %parallel_loop3A_147 {offsets = [9], sizes = [1], strides = [1]} : vector<16xf32> to vector<1xf32>
        %parallel_loop3A_797 = vector.extract %parallel_loop3A_796[0] : f32 from vector<1xf32>
        %parallel_loop3A_798 = arith.constant 16 : i32
        %parallel_loop3A_799 = arith.muli %parallel_loop3A_123, %parallel_loop3A_798 : i32
        %parallel_loop3A_800 = arith.constant 9 : i32
        %parallel_loop3A_801 = arith.addi %parallel_loop3A_799, %parallel_loop3A_800 : i32
        %parallel_loop3A_802 = arith.constant 128 : i32
        %parallel_loop3A_803 = arith.muli %parallel_loop3A_801, %parallel_loop3A_802 : i32
        %parallel_loop3A_804 = arith.constant 0 : i32
        %parallel_loop3A_805 = arith.addi %parallel_loop3A_803, %parallel_loop3A_804 : i32
        %parallel_loop3A_806 = arith.index_cast %parallel_loop3A_805 : i32 to index
        %parallel_loop3A_807 = tpu.vector_load %arg6[%parallel_loop3A_806] {strides = array<i32>} : memref<32768xf32, #tpu.memory_space<vmem>>, vector<16xf32>,
        %parallel_loop3A_808 = vector.shape_cast %parallel_loop3A_807 : vector<16xf32> to vector<16xf32>
        %parallel_loop3A_809 = vector.broadcast %parallel_loop3A_797 : f32 to vector<16xf32>
        %parallel_loop3A_810 = arith.mulf %parallel_loop3A_809, %parallel_loop3A_808 : vector<16xf32>
        %parallel_loop3A_811 = arith.addf %parallel_loop3A_739, %parallel_loop3A_810 : vector<16xf32>
        %parallel_loop3A_812 = arith.constant 16 : i32
        %parallel_loop3A_813 = arith.addi %parallel_loop3A_803, %parallel_loop3A_812 : i32
        %parallel_loop3A_814 = arith.index_cast %parallel_loop3A_813 : i32 to index
        %parallel_loop3A_815 = tpu.vector_load %arg6[%parallel_loop3A_814] {strides = array<i32>} : memref<32768xf32, #tpu.memory_space<vmem>>, vector<16xf32>,
        %parallel_loop3A_816 = vector.shape_cast %parallel_loop3A_815 : vector<16xf32> to vector<16xf32>
        %parallel_loop3A_817 = vector.broadcast %parallel_loop3A_797 : f32 to vector<16xf32>
        %parallel_loop3A_818 = arith.mulf %parallel_loop3A_817, %parallel_loop3A_816 : vector<16xf32>
        %parallel_loop3A_819 = arith.addf %parallel_loop3A_747, %parallel_loop3A_818 : vector<16xf32>
        %parallel_loop3A_820 = arith.constant 32 : i32
        %parallel_loop3A_821 = arith.addi %parallel_loop3A_803, %parallel_loop3A_820 : i32
        %parallel_loop3A_822 = arith.index_cast %parallel_loop3A_821 : i32 to index
        %parallel_loop3A_823 = tpu.vector_load %arg6[%parallel_loop3A_822] {strides = array<i32>} : memref<32768xf32, #tpu.memory_space<vmem>>, vector<16xf32>,
        %parallel_loop3A_824 = vector.shape_cast %parallel_loop3A_823 : vector<16xf32> to vector<16xf32>
        %parallel_loop3A_825 = vector.broadcast %parallel_loop3A_797 : f32 to vector<16xf32>
        %parallel_loop3A_826 = arith.mulf %parallel_loop3A_825, %parallel_loop3A_824 : vector<16xf32>
        %parallel_loop3A_827 = arith.addf %parallel_loop3A_755, %parallel_loop3A_826 : vector<16xf32>
        %parallel_loop3A_828 = arith.constant 48 : i32
        %parallel_loop3A_829 = arith.addi %parallel_loop3A_803, %parallel_loop3A_828 : i32
        %parallel_loop3A_830 = arith.index_cast %parallel_loop3A_829 : i32 to index
        %parallel_loop3A_831 = tpu.vector_load %arg6[%parallel_loop3A_830] {strides = array<i32>} : memref<32768xf32, #tpu.memory_space<vmem>>, vector<16xf32>,
        %parallel_loop3A_832 = vector.shape_cast %parallel_loop3A_831 : vector<16xf32> to vector<16xf32>
        %parallel_loop3A_833 = vector.broadcast %parallel_loop3A_797 : f32 to vector<16xf32>
        %parallel_loop3A_834 = arith.mulf %parallel_loop3A_833, %parallel_loop3A_832 : vector<16xf32>
        %parallel_loop3A_835 = arith.addf %parallel_loop3A_763, %parallel_loop3A_834 : vector<16xf32>
        %parallel_loop3A_836 = arith.constant 64 : i32
        %parallel_loop3A_837 = arith.addi %parallel_loop3A_803, %parallel_loop3A_836 : i32
        %parallel_loop3A_838 = arith.index_cast %parallel_loop3A_837 : i32 to index
        %parallel_loop3A_839 = tpu.vector_load %arg6[%parallel_loop3A_838] {strides = array<i32>} : memref<32768xf32, #tpu.memory_space<vmem>>, vector<16xf32>,
        %parallel_loop3A_840 = vector.shape_cast %parallel_loop3A_839 : vector<16xf32> to vector<16xf32>
        %parallel_loop3A_841 = vector.broadcast %parallel_loop3A_797 : f32 to vector<16xf32>
        %parallel_loop3A_842 = arith.mulf %parallel_loop3A_841, %parallel_loop3A_840 : vector<16xf32>
        %parallel_loop3A_843 = arith.addf %parallel_loop3A_771, %parallel_loop3A_842 : vector<16xf32>
        %parallel_loop3A_844 = arith.constant 80 : i32
        %parallel_loop3A_845 = arith.addi %parallel_loop3A_803, %parallel_loop3A_844 : i32
        %parallel_loop3A_846 = arith.index_cast %parallel_loop3A_845 : i32 to index
        %parallel_loop3A_847 = tpu.vector_load %arg6[%parallel_loop3A_846] {strides = array<i32>} : memref<32768xf32, #tpu.memory_space<vmem>>, vector<16xf32>,
        %parallel_loop3A_848 = vector.shape_cast %parallel_loop3A_847 : vector<16xf32> to vector<16xf32>
        %parallel_loop3A_849 = vector.broadcast %parallel_loop3A_797 : f32 to vector<16xf32>
        %parallel_loop3A_850 = arith.mulf %parallel_loop3A_849, %parallel_loop3A_848 : vector<16xf32>
        %parallel_loop3A_851 = arith.addf %parallel_loop3A_779, %parallel_loop3A_850 : vector<16xf32>
        %parallel_loop3A_852 = arith.constant 96 : i32
        %parallel_loop3A_853 = arith.addi %parallel_loop3A_803, %parallel_loop3A_852 : i32
        %parallel_loop3A_854 = arith.index_cast %parallel_loop3A_853 : i32 to index
        %parallel_loop3A_855 = tpu.vector_load %arg6[%parallel_loop3A_854] {strides = array<i32>} : memref<32768xf32, #tpu.memory_space<vmem>>, vector<16xf32>,
        %parallel_loop3A_856 = vector.shape_cast %parallel_loop3A_855 : vector<16xf32> to vector<16xf32>
        %parallel_loop3A_857 = vector.broadcast %parallel_loop3A_797 : f32 to vector<16xf32>
        %parallel_loop3A_858 = arith.mulf %parallel_loop3A_857, %parallel_loop3A_856 : vector<16xf32>
        %parallel_loop3A_859 = arith.addf %parallel_loop3A_787, %parallel_loop3A_858 : vector<16xf32>
        %parallel_loop3A_860 = arith.constant 112 : i32
        %parallel_loop3A_861 = arith.addi %parallel_loop3A_803, %parallel_loop3A_860 : i32
        %parallel_loop3A_862 = arith.index_cast %parallel_loop3A_861 : i32 to index
        %parallel_loop3A_863 = tpu.vector_load %arg6[%parallel_loop3A_862] {strides = array<i32>} : memref<32768xf32, #tpu.memory_space<vmem>>, vector<16xf32>,
        %parallel_loop3A_864 = vector.shape_cast %parallel_loop3A_863 : vector<16xf32> to vector<16xf32>
        %parallel_loop3A_865 = vector.broadcast %parallel_loop3A_797 : f32 to vector<16xf32>
        %parallel_loop3A_866 = arith.mulf %parallel_loop3A_865, %parallel_loop3A_864 : vector<16xf32>
        %parallel_loop3A_867 = arith.addf %parallel_loop3A_795, %parallel_loop3A_866 : vector<16xf32>
        %parallel_loop3A_868 = vector.extract_strided_slice %parallel_loop3A_147 {offsets = [10], sizes = [1], strides = [1]} : vector<16xf32> to vector<1xf32>
        %parallel_loop3A_869 = vector.extract %parallel_loop3A_868[0] : f32 from vector<1xf32>
        %parallel_loop3A_870 = arith.constant 16 : i32
        %parallel_loop3A_871 = arith.muli %parallel_loop3A_123, %parallel_loop3A_870 : i32
        %parallel_loop3A_872 = arith.constant 10 : i32
        %parallel_loop3A_873 = arith.addi %parallel_loop3A_871, %parallel_loop3A_872 : i32
        %parallel_loop3A_874 = arith.constant 128 : i32
        %parallel_loop3A_875 = arith.muli %parallel_loop3A_873, %parallel_loop3A_874 : i32
        %parallel_loop3A_876 = arith.constant 0 : i32
        %parallel_loop3A_877 = arith.addi %parallel_loop3A_875, %parallel_loop3A_876 : i32
        %parallel_loop3A_878 = arith.index_cast %parallel_loop3A_877 : i32 to index
        %parallel_loop3A_879 = tpu.vector_load %arg6[%parallel_loop3A_878] {strides = array<i32>} : memref<32768xf32, #tpu.memory_space<vmem>>, vector<16xf32>,
        %parallel_loop3A_880 = vector.shape_cast %parallel_loop3A_879 : vector<16xf32> to vector<16xf32>
        %parallel_loop3A_881 = vector.broadcast %parallel_loop3A_869 : f32 to vector<16xf32>
        %parallel_loop3A_882 = arith.mulf %parallel_loop3A_881, %parallel_loop3A_880 : vector<16xf32>
        %parallel_loop3A_883 = arith.addf %parallel_loop3A_811, %parallel_loop3A_882 : vector<16xf32>
        %parallel_loop3A_884 = arith.constant 16 : i32
        %parallel_loop3A_885 = arith.addi %parallel_loop3A_875, %parallel_loop3A_884 : i32
        %parallel_loop3A_886 = arith.index_cast %parallel_loop3A_885 : i32 to index
        %parallel_loop3A_887 = tpu.vector_load %arg6[%parallel_loop3A_886] {strides = array<i32>} : memref<32768xf32, #tpu.memory_space<vmem>>, vector<16xf32>,
        %parallel_loop3A_888 = vector.shape_cast %parallel_loop3A_887 : vector<16xf32> to vector<16xf32>
        %parallel_loop3A_889 = vector.broadcast %parallel_loop3A_869 : f32 to vector<16xf32>
        %parallel_loop3A_890 = arith.mulf %parallel_loop3A_889, %parallel_loop3A_888 : vector<16xf32>
        %parallel_loop3A_891 = arith.addf %parallel_loop3A_819, %parallel_loop3A_890 : vector<16xf32>
        %parallel_loop3A_892 = arith.constant 32 : i32
        %parallel_loop3A_893 = arith.addi %parallel_loop3A_875, %parallel_loop3A_892 : i32
        %parallel_loop3A_894 = arith.index_cast %parallel_loop3A_893 : i32 to index
        %parallel_loop3A_895 = tpu.vector_load %arg6[%parallel_loop3A_894] {strides = array<i32>} : memref<32768xf32, #tpu.memory_space<vmem>>, vector<16xf32>,
        %parallel_loop3A_896 = vector.shape_cast %parallel_loop3A_895 : vector<16xf32> to vector<16xf32>
        %parallel_loop3A_897 = vector.broadcast %parallel_loop3A_869 : f32 to vector<16xf32>
        %parallel_loop3A_898 = arith.mulf %parallel_loop3A_897, %parallel_loop3A_896 : vector<16xf32>
        %parallel_loop3A_899 = arith.addf %parallel_loop3A_827, %parallel_loop3A_898 : vector<16xf32>
        %parallel_loop3A_900 = arith.constant 48 : i32
        %parallel_loop3A_901 = arith.addi %parallel_loop3A_875, %parallel_loop3A_900 : i32
        %parallel_loop3A_902 = arith.index_cast %parallel_loop3A_901 : i32 to index
        %parallel_loop3A_903 = tpu.vector_load %arg6[%parallel_loop3A_902] {strides = array<i32>} : memref<32768xf32, #tpu.memory_space<vmem>>, vector<16xf32>,
        %parallel_loop3A_904 = vector.shape_cast %parallel_loop3A_903 : vector<16xf32> to vector<16xf32>
        %parallel_loop3A_905 = vector.broadcast %parallel_loop3A_869 : f32 to vector<16xf32>
        %parallel_loop3A_906 = arith.mulf %parallel_loop3A_905, %parallel_loop3A_904 : vector<16xf32>
        %parallel_loop3A_907 = arith.addf %parallel_loop3A_835, %parallel_loop3A_906 : vector<16xf32>
        %parallel_loop3A_908 = arith.constant 64 : i32
        %parallel_loop3A_909 = arith.addi %parallel_loop3A_875, %parallel_loop3A_908 : i32
        %parallel_loop3A_910 = arith.index_cast %parallel_loop3A_909 : i32 to index
        %parallel_loop3A_911 = tpu.vector_load %arg6[%parallel_loop3A_910] {strides = array<i32>} : memref<32768xf32, #tpu.memory_space<vmem>>, vector<16xf32>,
        %parallel_loop3A_912 = vector.shape_cast %parallel_loop3A_911 : vector<16xf32> to vector<16xf32>
        %parallel_loop3A_913 = vector.broadcast %parallel_loop3A_869 : f32 to vector<16xf32>
        %parallel_loop3A_914 = arith.mulf %parallel_loop3A_913, %parallel_loop3A_912 : vector<16xf32>
        %parallel_loop3A_915 = arith.addf %parallel_loop3A_843, %parallel_loop3A_914 : vector<16xf32>
        %parallel_loop3A_916 = arith.constant 80 : i32
        %parallel_loop3A_917 = arith.addi %parallel_loop3A_875, %parallel_loop3A_916 : i32
        %parallel_loop3A_918 = arith.index_cast %parallel_loop3A_917 : i32 to index
        %parallel_loop3A_919 = tpu.vector_load %arg6[%parallel_loop3A_918] {strides = array<i32>} : memref<32768xf32, #tpu.memory_space<vmem>>, vector<16xf32>,
        %parallel_loop3A_920 = vector.shape_cast %parallel_loop3A_919 : vector<16xf32> to vector<16xf32>
        %parallel_loop3A_921 = vector.broadcast %parallel_loop3A_869 : f32 to vector<16xf32>
        %parallel_loop3A_922 = arith.mulf %parallel_loop3A_921, %parallel_loop3A_920 : vector<16xf32>
        %parallel_loop3A_923 = arith.addf %parallel_loop3A_851, %parallel_loop3A_922 : vector<16xf32>
        %parallel_loop3A_924 = arith.constant 96 : i32
        %parallel_loop3A_925 = arith.addi %parallel_loop3A_875, %parallel_loop3A_924 : i32
        %parallel_loop3A_926 = arith.index_cast %parallel_loop3A_925 : i32 to index
        %parallel_loop3A_927 = tpu.vector_load %arg6[%parallel_loop3A_926] {strides = array<i32>} : memref<32768xf32, #tpu.memory_space<vmem>>, vector<16xf32>,
        %parallel_loop3A_928 = vector.shape_cast %parallel_loop3A_927 : vector<16xf32> to vector<16xf32>
        %parallel_loop3A_929 = vector.broadcast %parallel_loop3A_869 : f32 to vector<16xf32>
        %parallel_loop3A_930 = arith.mulf %parallel_loop3A_929, %parallel_loop3A_928 : vector<16xf32>
        %parallel_loop3A_931 = arith.addf %parallel_loop3A_859, %parallel_loop3A_930 : vector<16xf32>
        %parallel_loop3A_932 = arith.constant 112 : i32
        %parallel_loop3A_933 = arith.addi %parallel_loop3A_875, %parallel_loop3A_932 : i32
        %parallel_loop3A_934 = arith.index_cast %parallel_loop3A_933 : i32 to index
        %parallel_loop3A_935 = tpu.vector_load %arg6[%parallel_loop3A_934] {strides = array<i32>} : memref<32768xf32, #tpu.memory_space<vmem>>, vector<16xf32>,
        %parallel_loop3A_936 = vector.shape_cast %parallel_loop3A_935 : vector<16xf32> to vector<16xf32>
        %parallel_loop3A_937 = vector.broadcast %parallel_loop3A_869 : f32 to vector<16xf32>
        %parallel_loop3A_938 = arith.mulf %parallel_loop3A_937, %parallel_loop3A_936 : vector<16xf32>
        %parallel_loop3A_939 = arith.addf %parallel_loop3A_867, %parallel_loop3A_938 : vector<16xf32>
        %parallel_loop3A_940 = vector.extract_strided_slice %parallel_loop3A_147 {offsets = [11], sizes = [1], strides = [1]} : vector<16xf32> to vector<1xf32>
        %parallel_loop3A_941 = vector.extract %parallel_loop3A_940[0] : f32 from vector<1xf32>
        %parallel_loop3A_942 = arith.constant 16 : i32
        %parallel_loop3A_943 = arith.muli %parallel_loop3A_123, %parallel_loop3A_942 : i32
        %parallel_loop3A_944 = arith.constant 11 : i32
        %parallel_loop3A_945 = arith.addi %parallel_loop3A_943, %parallel_loop3A_944 : i32
        %parallel_loop3A_946 = arith.constant 128 : i32
        %parallel_loop3A_947 = arith.muli %parallel_loop3A_945, %parallel_loop3A_946 : i32
        %parallel_loop3A_948 = arith.constant 0 : i32
        %parallel_loop3A_949 = arith.addi %parallel_loop3A_947, %parallel_loop3A_948 : i32
        %parallel_loop3A_950 = arith.index_cast %parallel_loop3A_949 : i32 to index
        %parallel_loop3A_951 = tpu.vector_load %arg6[%parallel_loop3A_950] {strides = array<i32>} : memref<32768xf32, #tpu.memory_space<vmem>>, vector<16xf32>,
        %parallel_loop3A_952 = vector.shape_cast %parallel_loop3A_951 : vector<16xf32> to vector<16xf32>
        %parallel_loop3A_953 = vector.broadcast %parallel_loop3A_941 : f32 to vector<16xf32>
        %parallel_loop3A_954 = arith.mulf %parallel_loop3A_953, %parallel_loop3A_952 : vector<16xf32>
        %parallel_loop3A_955 = arith.addf %parallel_loop3A_883, %parallel_loop3A_954 : vector<16xf32>
        %parallel_loop3A_956 = arith.constant 16 : i32
        %parallel_loop3A_957 = arith.addi %parallel_loop3A_947, %parallel_loop3A_956 : i32
        %parallel_loop3A_958 = arith.index_cast %parallel_loop3A_957 : i32 to index
        %parallel_loop3A_959 = tpu.vector_load %arg6[%parallel_loop3A_958] {strides = array<i32>} : memref<32768xf32, #tpu.memory_space<vmem>>, vector<16xf32>,
        %parallel_loop3A_960 = vector.shape_cast %parallel_loop3A_959 : vector<16xf32> to vector<16xf32>
        %parallel_loop3A_961 = vector.broadcast %parallel_loop3A_941 : f32 to vector<16xf32>
        %parallel_loop3A_962 = arith.mulf %parallel_loop3A_961, %parallel_loop3A_960 : vector<16xf32>
        %parallel_loop3A_963 = arith.addf %parallel_loop3A_891, %parallel_loop3A_962 : vector<16xf32>
        %parallel_loop3A_964 = arith.constant 32 : i32
        %parallel_loop3A_965 = arith.addi %parallel_loop3A_947, %parallel_loop3A_964 : i32
        %parallel_loop3A_966 = arith.index_cast %parallel_loop3A_965 : i32 to index
        %parallel_loop3A_967 = tpu.vector_load %arg6[%parallel_loop3A_966] {strides = array<i32>} : memref<32768xf32, #tpu.memory_space<vmem>>, vector<16xf32>,
        %parallel_loop3A_968 = vector.shape_cast %parallel_loop3A_967 : vector<16xf32> to vector<16xf32>
        %parallel_loop3A_969 = vector.broadcast %parallel_loop3A_941 : f32 to vector<16xf32>
        %parallel_loop3A_970 = arith.mulf %parallel_loop3A_969, %parallel_loop3A_968 : vector<16xf32>
        %parallel_loop3A_971 = arith.addf %parallel_loop3A_899, %parallel_loop3A_970 : vector<16xf32>
        %parallel_loop3A_972 = arith.constant 48 : i32
        %parallel_loop3A_973 = arith.addi %parallel_loop3A_947, %parallel_loop3A_972 : i32
        %parallel_loop3A_974 = arith.index_cast %parallel_loop3A_973 : i32 to index
        %parallel_loop3A_975 = tpu.vector_load %arg6[%parallel_loop3A_974] {strides = array<i32>} : memref<32768xf32, #tpu.memory_space<vmem>>, vector<16xf32>,
        %parallel_loop3A_976 = vector.shape_cast %parallel_loop3A_975 : vector<16xf32> to vector<16xf32>
        %parallel_loop3A_977 = vector.broadcast %parallel_loop3A_941 : f32 to vector<16xf32>
        %parallel_loop3A_978 = arith.mulf %parallel_loop3A_977, %parallel_loop3A_976 : vector<16xf32>
        %parallel_loop3A_979 = arith.addf %parallel_loop3A_907, %parallel_loop3A_978 : vector<16xf32>
        %parallel_loop3A_980 = arith.constant 64 : i32
        %parallel_loop3A_981 = arith.addi %parallel_loop3A_947, %parallel_loop3A_980 : i32
        %parallel_loop3A_982 = arith.index_cast %parallel_loop3A_981 : i32 to index
        %parallel_loop3A_983 = tpu.vector_load %arg6[%parallel_loop3A_982] {strides = array<i32>} : memref<32768xf32, #tpu.memory_space<vmem>>, vector<16xf32>,
        %parallel_loop3A_984 = vector.shape_cast %parallel_loop3A_983 : vector<16xf32> to vector<16xf32>
        %parallel_loop3A_985 = vector.broadcast %parallel_loop3A_941 : f32 to vector<16xf32>
        %parallel_loop3A_986 = arith.mulf %parallel_loop3A_985, %parallel_loop3A_984 : vector<16xf32>
        %parallel_loop3A_987 = arith.addf %parallel_loop3A_915, %parallel_loop3A_986 : vector<16xf32>
        %parallel_loop3A_988 = arith.constant 80 : i32
        %parallel_loop3A_989 = arith.addi %parallel_loop3A_947, %parallel_loop3A_988 : i32
        %parallel_loop3A_990 = arith.index_cast %parallel_loop3A_989 : i32 to index
        %parallel_loop3A_991 = tpu.vector_load %arg6[%parallel_loop3A_990] {strides = array<i32>} : memref<32768xf32, #tpu.memory_space<vmem>>, vector<16xf32>,
        %parallel_loop3A_992 = vector.shape_cast %parallel_loop3A_991 : vector<16xf32> to vector<16xf32>
        %parallel_loop3A_993 = vector.broadcast %parallel_loop3A_941 : f32 to vector<16xf32>
        %parallel_loop3A_994 = arith.mulf %parallel_loop3A_993, %parallel_loop3A_992 : vector<16xf32>
        %parallel_loop3A_995 = arith.addf %parallel_loop3A_923, %parallel_loop3A_994 : vector<16xf32>
        %parallel_loop3A_996 = arith.constant 96 : i32
        %parallel_loop3A_997 = arith.addi %parallel_loop3A_947, %parallel_loop3A_996 : i32
        %parallel_loop3A_998 = arith.index_cast %parallel_loop3A_997 : i32 to index
        %parallel_loop3A_999 = tpu.vector_load %arg6[%parallel_loop3A_998] {strides = array<i32>} : memref<32768xf32, #tpu.memory_space<vmem>>, vector<16xf32>,
        %parallel_loop3A_1000 = vector.shape_cast %parallel_loop3A_999 : vector<16xf32> to vector<16xf32>
        %parallel_loop3A_1001 = vector.broadcast %parallel_loop3A_941 : f32 to vector<16xf32>
        %parallel_loop3A_1002 = arith.mulf %parallel_loop3A_1001, %parallel_loop3A_1000 : vector<16xf32>
        %parallel_loop3A_1003 = arith.addf %parallel_loop3A_931, %parallel_loop3A_1002 : vector<16xf32>
        %parallel_loop3A_1004 = arith.constant 112 : i32
        %parallel_loop3A_1005 = arith.addi %parallel_loop3A_947, %parallel_loop3A_1004 : i32
        %parallel_loop3A_1006 = arith.index_cast %parallel_loop3A_1005 : i32 to index
        %parallel_loop3A_1007 = tpu.vector_load %arg6[%parallel_loop3A_1006] {strides = array<i32>} : memref<32768xf32, #tpu.memory_space<vmem>>, vector<16xf32>,
        %parallel_loop3A_1008 = vector.shape_cast %parallel_loop3A_1007 : vector<16xf32> to vector<16xf32>
        %parallel_loop3A_1009 = vector.broadcast %parallel_loop3A_941 : f32 to vector<16xf32>
        %parallel_loop3A_1010 = arith.mulf %parallel_loop3A_1009, %parallel_loop3A_1008 : vector<16xf32>
        %parallel_loop3A_1011 = arith.addf %parallel_loop3A_939, %parallel_loop3A_1010 : vector<16xf32>
        %parallel_loop3A_1012 = vector.extract_strided_slice %parallel_loop3A_147 {offsets = [12], sizes = [1], strides = [1]} : vector<16xf32> to vector<1xf32>
        %parallel_loop3A_1013 = vector.extract %parallel_loop3A_1012[0] : f32 from vector<1xf32>
        %parallel_loop3A_1014 = arith.constant 16 : i32
        %parallel_loop3A_1015 = arith.muli %parallel_loop3A_123, %parallel_loop3A_1014 : i32
        %parallel_loop3A_1016 = arith.constant 12 : i32
        %parallel_loop3A_1017 = arith.addi %parallel_loop3A_1015, %parallel_loop3A_1016 : i32
        %parallel_loop3A_1018 = arith.constant 128 : i32
        %parallel_loop3A_1019 = arith.muli %parallel_loop3A_1017, %parallel_loop3A_1018 : i32
        %parallel_loop3A_1020 = arith.constant 0 : i32
        %parallel_loop3A_1021 = arith.addi %parallel_loop3A_1019, %parallel_loop3A_1020 : i32
        %parallel_loop3A_1022 = arith.index_cast %parallel_loop3A_1021 : i32 to index
        %parallel_loop3A_1023 = tpu.vector_load %arg6[%parallel_loop3A_1022] {strides = array<i32>} : memref<32768xf32, #tpu.memory_space<vmem>>, vector<16xf32>,
        %parallel_loop3A_1024 = vector.shape_cast %parallel_loop3A_1023 : vector<16xf32> to vector<16xf32>
        %parallel_loop3A_1025 = vector.broadcast %parallel_loop3A_1013 : f32 to vector<16xf32>
        %parallel_loop3A_1026 = arith.mulf %parallel_loop3A_1025, %parallel_loop3A_1024 : vector<16xf32>
        %parallel_loop3A_1027 = arith.addf %parallel_loop3A_955, %parallel_loop3A_1026 : vector<16xf32>
        %parallel_loop3A_1028 = arith.constant 16 : i32
        %parallel_loop3A_1029 = arith.addi %parallel_loop3A_1019, %parallel_loop3A_1028 : i32
        %parallel_loop3A_1030 = arith.index_cast %parallel_loop3A_1029 : i32 to index
        %parallel_loop3A_1031 = tpu.vector_load %arg6[%parallel_loop3A_1030] {strides = array<i32>} : memref<32768xf32, #tpu.memory_space<vmem>>, vector<16xf32>,
        %parallel_loop3A_1032 = vector.shape_cast %parallel_loop3A_1031 : vector<16xf32> to vector<16xf32>
        %parallel_loop3A_1033 = vector.broadcast %parallel_loop3A_1013 : f32 to vector<16xf32>
        %parallel_loop3A_1034 = arith.mulf %parallel_loop3A_1033, %parallel_loop3A_1032 : vector<16xf32>
        %parallel_loop3A_1035 = arith.addf %parallel_loop3A_963, %parallel_loop3A_1034 : vector<16xf32>
        %parallel_loop3A_1036 = arith.constant 32 : i32
        %parallel_loop3A_1037 = arith.addi %parallel_loop3A_1019, %parallel_loop3A_1036 : i32
        %parallel_loop3A_1038 = arith.index_cast %parallel_loop3A_1037 : i32 to index
        %parallel_loop3A_1039 = tpu.vector_load %arg6[%parallel_loop3A_1038] {strides = array<i32>} : memref<32768xf32, #tpu.memory_space<vmem>>, vector<16xf32>,
        %parallel_loop3A_1040 = vector.shape_cast %parallel_loop3A_1039 : vector<16xf32> to vector<16xf32>
        %parallel_loop3A_1041 = vector.broadcast %parallel_loop3A_1013 : f32 to vector<16xf32>
        %parallel_loop3A_1042 = arith.mulf %parallel_loop3A_1041, %parallel_loop3A_1040 : vector<16xf32>
        %parallel_loop3A_1043 = arith.addf %parallel_loop3A_971, %parallel_loop3A_1042 : vector<16xf32>
        %parallel_loop3A_1044 = arith.constant 48 : i32
        %parallel_loop3A_1045 = arith.addi %parallel_loop3A_1019, %parallel_loop3A_1044 : i32
        %parallel_loop3A_1046 = arith.index_cast %parallel_loop3A_1045 : i32 to index
        %parallel_loop3A_1047 = tpu.vector_load %arg6[%parallel_loop3A_1046] {strides = array<i32>} : memref<32768xf32, #tpu.memory_space<vmem>>, vector<16xf32>,
        %parallel_loop3A_1048 = vector.shape_cast %parallel_loop3A_1047 : vector<16xf32> to vector<16xf32>
        %parallel_loop3A_1049 = vector.broadcast %parallel_loop3A_1013 : f32 to vector<16xf32>
        %parallel_loop3A_1050 = arith.mulf %parallel_loop3A_1049, %parallel_loop3A_1048 : vector<16xf32>
        %parallel_loop3A_1051 = arith.addf %parallel_loop3A_979, %parallel_loop3A_1050 : vector<16xf32>
        %parallel_loop3A_1052 = arith.constant 64 : i32
        %parallel_loop3A_1053 = arith.addi %parallel_loop3A_1019, %parallel_loop3A_1052 : i32
        %parallel_loop3A_1054 = arith.index_cast %parallel_loop3A_1053 : i32 to index
        %parallel_loop3A_1055 = tpu.vector_load %arg6[%parallel_loop3A_1054] {strides = array<i32>} : memref<32768xf32, #tpu.memory_space<vmem>>, vector<16xf32>,
        %parallel_loop3A_1056 = vector.shape_cast %parallel_loop3A_1055 : vector<16xf32> to vector<16xf32>
        %parallel_loop3A_1057 = vector.broadcast %parallel_loop3A_1013 : f32 to vector<16xf32>
        %parallel_loop3A_1058 = arith.mulf %parallel_loop3A_1057, %parallel_loop3A_1056 : vector<16xf32>
        %parallel_loop3A_1059 = arith.addf %parallel_loop3A_987, %parallel_loop3A_1058 : vector<16xf32>
        %parallel_loop3A_1060 = arith.constant 80 : i32
        %parallel_loop3A_1061 = arith.addi %parallel_loop3A_1019, %parallel_loop3A_1060 : i32
        %parallel_loop3A_1062 = arith.index_cast %parallel_loop3A_1061 : i32 to index
        %parallel_loop3A_1063 = tpu.vector_load %arg6[%parallel_loop3A_1062] {strides = array<i32>} : memref<32768xf32, #tpu.memory_space<vmem>>, vector<16xf32>,
        %parallel_loop3A_1064 = vector.shape_cast %parallel_loop3A_1063 : vector<16xf32> to vector<16xf32>
        %parallel_loop3A_1065 = vector.broadcast %parallel_loop3A_1013 : f32 to vector<16xf32>
        %parallel_loop3A_1066 = arith.mulf %parallel_loop3A_1065, %parallel_loop3A_1064 : vector<16xf32>
        %parallel_loop3A_1067 = arith.addf %parallel_loop3A_995, %parallel_loop3A_1066 : vector<16xf32>
        %parallel_loop3A_1068 = arith.constant 96 : i32
        %parallel_loop3A_1069 = arith.addi %parallel_loop3A_1019, %parallel_loop3A_1068 : i32
        %parallel_loop3A_1070 = arith.index_cast %parallel_loop3A_1069 : i32 to index
        %parallel_loop3A_1071 = tpu.vector_load %arg6[%parallel_loop3A_1070] {strides = array<i32>} : memref<32768xf32, #tpu.memory_space<vmem>>, vector<16xf32>,
        %parallel_loop3A_1072 = vector.shape_cast %parallel_loop3A_1071 : vector<16xf32> to vector<16xf32>
        %parallel_loop3A_1073 = vector.broadcast %parallel_loop3A_1013 : f32 to vector<16xf32>
        %parallel_loop3A_1074 = arith.mulf %parallel_loop3A_1073, %parallel_loop3A_1072 : vector<16xf32>
        %parallel_loop3A_1075 = arith.addf %parallel_loop3A_1003, %parallel_loop3A_1074 : vector<16xf32>
        %parallel_loop3A_1076 = arith.constant 112 : i32
        %parallel_loop3A_1077 = arith.addi %parallel_loop3A_1019, %parallel_loop3A_1076 : i32
        %parallel_loop3A_1078 = arith.index_cast %parallel_loop3A_1077 : i32 to index
        %parallel_loop3A_1079 = tpu.vector_load %arg6[%parallel_loop3A_1078] {strides = array<i32>} : memref<32768xf32, #tpu.memory_space<vmem>>, vector<16xf32>,
        %parallel_loop3A_1080 = vector.shape_cast %parallel_loop3A_1079 : vector<16xf32> to vector<16xf32>
        %parallel_loop3A_1081 = vector.broadcast %parallel_loop3A_1013 : f32 to vector<16xf32>
        %parallel_loop3A_1082 = arith.mulf %parallel_loop3A_1081, %parallel_loop3A_1080 : vector<16xf32>
        %parallel_loop3A_1083 = arith.addf %parallel_loop3A_1011, %parallel_loop3A_1082 : vector<16xf32>
        %parallel_loop3A_1084 = vector.extract_strided_slice %parallel_loop3A_147 {offsets = [13], sizes = [1], strides = [1]} : vector<16xf32> to vector<1xf32>
        %parallel_loop3A_1085 = vector.extract %parallel_loop3A_1084[0] : f32 from vector<1xf32>
        %parallel_loop3A_1086 = arith.constant 16 : i32
        %parallel_loop3A_1087 = arith.muli %parallel_loop3A_123, %parallel_loop3A_1086 : i32
        %parallel_loop3A_1088 = arith.constant 13 : i32
        %parallel_loop3A_1089 = arith.addi %parallel_loop3A_1087, %parallel_loop3A_1088 : i32
        %parallel_loop3A_1090 = arith.constant 128 : i32
        %parallel_loop3A_1091 = arith.muli %parallel_loop3A_1089, %parallel_loop3A_1090 : i32
        %parallel_loop3A_1092 = arith.constant 0 : i32
        %parallel_loop3A_1093 = arith.addi %parallel_loop3A_1091, %parallel_loop3A_1092 : i32
        %parallel_loop3A_1094 = arith.index_cast %parallel_loop3A_1093 : i32 to index
        %parallel_loop3A_1095 = tpu.vector_load %arg6[%parallel_loop3A_1094] {strides = array<i32>} : memref<32768xf32, #tpu.memory_space<vmem>>, vector<16xf32>,
        %parallel_loop3A_1096 = vector.shape_cast %parallel_loop3A_1095 : vector<16xf32> to vector<16xf32>
        %parallel_loop3A_1097 = vector.broadcast %parallel_loop3A_1085 : f32 to vector<16xf32>
        %parallel_loop3A_1098 = arith.mulf %parallel_loop3A_1097, %parallel_loop3A_1096 : vector<16xf32>
        %parallel_loop3A_1099 = arith.addf %parallel_loop3A_1027, %parallel_loop3A_1098 : vector<16xf32>
        %parallel_loop3A_1100 = arith.constant 16 : i32
        %parallel_loop3A_1101 = arith.addi %parallel_loop3A_1091, %parallel_loop3A_1100 : i32
        %parallel_loop3A_1102 = arith.index_cast %parallel_loop3A_1101 : i32 to index
        %parallel_loop3A_1103 = tpu.vector_load %arg6[%parallel_loop3A_1102] {strides = array<i32>} : memref<32768xf32, #tpu.memory_space<vmem>>, vector<16xf32>,
        %parallel_loop3A_1104 = vector.shape_cast %parallel_loop3A_1103 : vector<16xf32> to vector<16xf32>
        %parallel_loop3A_1105 = vector.broadcast %parallel_loop3A_1085 : f32 to vector<16xf32>
        %parallel_loop3A_1106 = arith.mulf %parallel_loop3A_1105, %parallel_loop3A_1104 : vector<16xf32>
        %parallel_loop3A_1107 = arith.addf %parallel_loop3A_1035, %parallel_loop3A_1106 : vector<16xf32>
        %parallel_loop3A_1108 = arith.constant 32 : i32
        %parallel_loop3A_1109 = arith.addi %parallel_loop3A_1091, %parallel_loop3A_1108 : i32
        %parallel_loop3A_1110 = arith.index_cast %parallel_loop3A_1109 : i32 to index
        %parallel_loop3A_1111 = tpu.vector_load %arg6[%parallel_loop3A_1110] {strides = array<i32>} : memref<32768xf32, #tpu.memory_space<vmem>>, vector<16xf32>,
        %parallel_loop3A_1112 = vector.shape_cast %parallel_loop3A_1111 : vector<16xf32> to vector<16xf32>
        %parallel_loop3A_1113 = vector.broadcast %parallel_loop3A_1085 : f32 to vector<16xf32>
        %parallel_loop3A_1114 = arith.mulf %parallel_loop3A_1113, %parallel_loop3A_1112 : vector<16xf32>
        %parallel_loop3A_1115 = arith.addf %parallel_loop3A_1043, %parallel_loop3A_1114 : vector<16xf32>
        %parallel_loop3A_1116 = arith.constant 48 : i32
        %parallel_loop3A_1117 = arith.addi %parallel_loop3A_1091, %parallel_loop3A_1116 : i32
        %parallel_loop3A_1118 = arith.index_cast %parallel_loop3A_1117 : i32 to index
        %parallel_loop3A_1119 = tpu.vector_load %arg6[%parallel_loop3A_1118] {strides = array<i32>} : memref<32768xf32, #tpu.memory_space<vmem>>, vector<16xf32>,
        %parallel_loop3A_1120 = vector.shape_cast %parallel_loop3A_1119 : vector<16xf32> to vector<16xf32>
        %parallel_loop3A_1121 = vector.broadcast %parallel_loop3A_1085 : f32 to vector<16xf32>
        %parallel_loop3A_1122 = arith.mulf %parallel_loop3A_1121, %parallel_loop3A_1120 : vector<16xf32>
        %parallel_loop3A_1123 = arith.addf %parallel_loop3A_1051, %parallel_loop3A_1122 : vector<16xf32>
        %parallel_loop3A_1124 = arith.constant 64 : i32
        %parallel_loop3A_1125 = arith.addi %parallel_loop3A_1091, %parallel_loop3A_1124 : i32
        %parallel_loop3A_1126 = arith.index_cast %parallel_loop3A_1125 : i32 to index
        %parallel_loop3A_1127 = tpu.vector_load %arg6[%parallel_loop3A_1126] {strides = array<i32>} : memref<32768xf32, #tpu.memory_space<vmem>>, vector<16xf32>,
        %parallel_loop3A_1128 = vector.shape_cast %parallel_loop3A_1127 : vector<16xf32> to vector<16xf32>
        %parallel_loop3A_1129 = vector.broadcast %parallel_loop3A_1085 : f32 to vector<16xf32>
        %parallel_loop3A_1130 = arith.mulf %parallel_loop3A_1129, %parallel_loop3A_1128 : vector<16xf32>
        %parallel_loop3A_1131 = arith.addf %parallel_loop3A_1059, %parallel_loop3A_1130 : vector<16xf32>
        %parallel_loop3A_1132 = arith.constant 80 : i32
        %parallel_loop3A_1133 = arith.addi %parallel_loop3A_1091, %parallel_loop3A_1132 : i32
        %parallel_loop3A_1134 = arith.index_cast %parallel_loop3A_1133 : i32 to index
        %parallel_loop3A_1135 = tpu.vector_load %arg6[%parallel_loop3A_1134] {strides = array<i32>} : memref<32768xf32, #tpu.memory_space<vmem>>, vector<16xf32>,
        %parallel_loop3A_1136 = vector.shape_cast %parallel_loop3A_1135 : vector<16xf32> to vector<16xf32>
        %parallel_loop3A_1137 = vector.broadcast %parallel_loop3A_1085 : f32 to vector<16xf32>
        %parallel_loop3A_1138 = arith.mulf %parallel_loop3A_1137, %parallel_loop3A_1136 : vector<16xf32>
        %parallel_loop3A_1139 = arith.addf %parallel_loop3A_1067, %parallel_loop3A_1138 : vector<16xf32>
        %parallel_loop3A_1140 = arith.constant 96 : i32
        %parallel_loop3A_1141 = arith.addi %parallel_loop3A_1091, %parallel_loop3A_1140 : i32
        %parallel_loop3A_1142 = arith.index_cast %parallel_loop3A_1141 : i32 to index
        %parallel_loop3A_1143 = tpu.vector_load %arg6[%parallel_loop3A_1142] {strides = array<i32>} : memref<32768xf32, #tpu.memory_space<vmem>>, vector<16xf32>,
        %parallel_loop3A_1144 = vector.shape_cast %parallel_loop3A_1143 : vector<16xf32> to vector<16xf32>
        %parallel_loop3A_1145 = vector.broadcast %parallel_loop3A_1085 : f32 to vector<16xf32>
        %parallel_loop3A_1146 = arith.mulf %parallel_loop3A_1145, %parallel_loop3A_1144 : vector<16xf32>
        %parallel_loop3A_1147 = arith.addf %parallel_loop3A_1075, %parallel_loop3A_1146 : vector<16xf32>
        %parallel_loop3A_1148 = arith.constant 112 : i32
        %parallel_loop3A_1149 = arith.addi %parallel_loop3A_1091, %parallel_loop3A_1148 : i32
        %parallel_loop3A_1150 = arith.index_cast %parallel_loop3A_1149 : i32 to index
        %parallel_loop3A_1151 = tpu.vector_load %arg6[%parallel_loop3A_1150] {strides = array<i32>} : memref<32768xf32, #tpu.memory_space<vmem>>, vector<16xf32>,
        %parallel_loop3A_1152 = vector.shape_cast %parallel_loop3A_1151 : vector<16xf32> to vector<16xf32>
        %parallel_loop3A_1153 = vector.broadcast %parallel_loop3A_1085 : f32 to vector<16xf32>
        %parallel_loop3A_1154 = arith.mulf %parallel_loop3A_1153, %parallel_loop3A_1152 : vector<16xf32>
        %parallel_loop3A_1155 = arith.addf %parallel_loop3A_1083, %parallel_loop3A_1154 : vector<16xf32>
        %parallel_loop3A_1156 = vector.extract_strided_slice %parallel_loop3A_147 {offsets = [14], sizes = [1], strides = [1]} : vector<16xf32> to vector<1xf32>
        %parallel_loop3A_1157 = vector.extract %parallel_loop3A_1156[0] : f32 from vector<1xf32>
        %parallel_loop3A_1158 = arith.constant 16 : i32
        %parallel_loop3A_1159 = arith.muli %parallel_loop3A_123, %parallel_loop3A_1158 : i32
        %parallel_loop3A_1160 = arith.constant 14 : i32
        %parallel_loop3A_1161 = arith.addi %parallel_loop3A_1159, %parallel_loop3A_1160 : i32
        %parallel_loop3A_1162 = arith.constant 128 : i32
        %parallel_loop3A_1163 = arith.muli %parallel_loop3A_1161, %parallel_loop3A_1162 : i32
        %parallel_loop3A_1164 = arith.constant 0 : i32
        %parallel_loop3A_1165 = arith.addi %parallel_loop3A_1163, %parallel_loop3A_1164 : i32
        %parallel_loop3A_1166 = arith.index_cast %parallel_loop3A_1165 : i32 to index
        %parallel_loop3A_1167 = tpu.vector_load %arg6[%parallel_loop3A_1166] {strides = array<i32>} : memref<32768xf32, #tpu.memory_space<vmem>>, vector<16xf32>,
        %parallel_loop3A_1168 = vector.shape_cast %parallel_loop3A_1167 : vector<16xf32> to vector<16xf32>
        %parallel_loop3A_1169 = vector.broadcast %parallel_loop3A_1157 : f32 to vector<16xf32>
        %parallel_loop3A_1170 = arith.mulf %parallel_loop3A_1169, %parallel_loop3A_1168 : vector<16xf32>
        %parallel_loop3A_1171 = arith.addf %parallel_loop3A_1099, %parallel_loop3A_1170 : vector<16xf32>
        %parallel_loop3A_1172 = arith.constant 16 : i32
        %parallel_loop3A_1173 = arith.addi %parallel_loop3A_1163, %parallel_loop3A_1172 : i32
        %parallel_loop3A_1174 = arith.index_cast %parallel_loop3A_1173 : i32 to index
        %parallel_loop3A_1175 = tpu.vector_load %arg6[%parallel_loop3A_1174] {strides = array<i32>} : memref<32768xf32, #tpu.memory_space<vmem>>, vector<16xf32>,
        %parallel_loop3A_1176 = vector.shape_cast %parallel_loop3A_1175 : vector<16xf32> to vector<16xf32>
        %parallel_loop3A_1177 = vector.broadcast %parallel_loop3A_1157 : f32 to vector<16xf32>
        %parallel_loop3A_1178 = arith.mulf %parallel_loop3A_1177, %parallel_loop3A_1176 : vector<16xf32>
        %parallel_loop3A_1179 = arith.addf %parallel_loop3A_1107, %parallel_loop3A_1178 : vector<16xf32>
        %parallel_loop3A_1180 = arith.constant 32 : i32
        %parallel_loop3A_1181 = arith.addi %parallel_loop3A_1163, %parallel_loop3A_1180 : i32
        %parallel_loop3A_1182 = arith.index_cast %parallel_loop3A_1181 : i32 to index
        %parallel_loop3A_1183 = tpu.vector_load %arg6[%parallel_loop3A_1182] {strides = array<i32>} : memref<32768xf32, #tpu.memory_space<vmem>>, vector<16xf32>,
        %parallel_loop3A_1184 = vector.shape_cast %parallel_loop3A_1183 : vector<16xf32> to vector<16xf32>
        %parallel_loop3A_1185 = vector.broadcast %parallel_loop3A_1157 : f32 to vector<16xf32>
        %parallel_loop3A_1186 = arith.mulf %parallel_loop3A_1185, %parallel_loop3A_1184 : vector<16xf32>
        %parallel_loop3A_1187 = arith.addf %parallel_loop3A_1115, %parallel_loop3A_1186 : vector<16xf32>
        %parallel_loop3A_1188 = arith.constant 48 : i32
        %parallel_loop3A_1189 = arith.addi %parallel_loop3A_1163, %parallel_loop3A_1188 : i32
        %parallel_loop3A_1190 = arith.index_cast %parallel_loop3A_1189 : i32 to index
        %parallel_loop3A_1191 = tpu.vector_load %arg6[%parallel_loop3A_1190] {strides = array<i32>} : memref<32768xf32, #tpu.memory_space<vmem>>, vector<16xf32>,
        %parallel_loop3A_1192 = vector.shape_cast %parallel_loop3A_1191 : vector<16xf32> to vector<16xf32>
        %parallel_loop3A_1193 = vector.broadcast %parallel_loop3A_1157 : f32 to vector<16xf32>
        %parallel_loop3A_1194 = arith.mulf %parallel_loop3A_1193, %parallel_loop3A_1192 : vector<16xf32>
        %parallel_loop3A_1195 = arith.addf %parallel_loop3A_1123, %parallel_loop3A_1194 : vector<16xf32>
        %parallel_loop3A_1196 = arith.constant 64 : i32
        %parallel_loop3A_1197 = arith.addi %parallel_loop3A_1163, %parallel_loop3A_1196 : i32
        %parallel_loop3A_1198 = arith.index_cast %parallel_loop3A_1197 : i32 to index
        %parallel_loop3A_1199 = tpu.vector_load %arg6[%parallel_loop3A_1198] {strides = array<i32>} : memref<32768xf32, #tpu.memory_space<vmem>>, vector<16xf32>,
        %parallel_loop3A_1200 = vector.shape_cast %parallel_loop3A_1199 : vector<16xf32> to vector<16xf32>
        %parallel_loop3A_1201 = vector.broadcast %parallel_loop3A_1157 : f32 to vector<16xf32>
        %parallel_loop3A_1202 = arith.mulf %parallel_loop3A_1201, %parallel_loop3A_1200 : vector<16xf32>
        %parallel_loop3A_1203 = arith.addf %parallel_loop3A_1131, %parallel_loop3A_1202 : vector<16xf32>
        %parallel_loop3A_1204 = arith.constant 80 : i32
        %parallel_loop3A_1205 = arith.addi %parallel_loop3A_1163, %parallel_loop3A_1204 : i32
        %parallel_loop3A_1206 = arith.index_cast %parallel_loop3A_1205 : i32 to index
        %parallel_loop3A_1207 = tpu.vector_load %arg6[%parallel_loop3A_1206] {strides = array<i32>} : memref<32768xf32, #tpu.memory_space<vmem>>, vector<16xf32>,
        %parallel_loop3A_1208 = vector.shape_cast %parallel_loop3A_1207 : vector<16xf32> to vector<16xf32>
        %parallel_loop3A_1209 = vector.broadcast %parallel_loop3A_1157 : f32 to vector<16xf32>
        %parallel_loop3A_1210 = arith.mulf %parallel_loop3A_1209, %parallel_loop3A_1208 : vector<16xf32>
        %parallel_loop3A_1211 = arith.addf %parallel_loop3A_1139, %parallel_loop3A_1210 : vector<16xf32>
        %parallel_loop3A_1212 = arith.constant 96 : i32
        %parallel_loop3A_1213 = arith.addi %parallel_loop3A_1163, %parallel_loop3A_1212 : i32
        %parallel_loop3A_1214 = arith.index_cast %parallel_loop3A_1213 : i32 to index
        %parallel_loop3A_1215 = tpu.vector_load %arg6[%parallel_loop3A_1214] {strides = array<i32>} : memref<32768xf32, #tpu.memory_space<vmem>>, vector<16xf32>,
        %parallel_loop3A_1216 = vector.shape_cast %parallel_loop3A_1215 : vector<16xf32> to vector<16xf32>
        %parallel_loop3A_1217 = vector.broadcast %parallel_loop3A_1157 : f32 to vector<16xf32>
        %parallel_loop3A_1218 = arith.mulf %parallel_loop3A_1217, %parallel_loop3A_1216 : vector<16xf32>
        %parallel_loop3A_1219 = arith.addf %parallel_loop3A_1147, %parallel_loop3A_1218 : vector<16xf32>
        %parallel_loop3A_1220 = arith.constant 112 : i32
        %parallel_loop3A_1221 = arith.addi %parallel_loop3A_1163, %parallel_loop3A_1220 : i32
        %parallel_loop3A_1222 = arith.index_cast %parallel_loop3A_1221 : i32 to index
        %parallel_loop3A_1223 = tpu.vector_load %arg6[%parallel_loop3A_1222] {strides = array<i32>} : memref<32768xf32, #tpu.memory_space<vmem>>, vector<16xf32>,
        %parallel_loop3A_1224 = vector.shape_cast %parallel_loop3A_1223 : vector<16xf32> to vector<16xf32>
        %parallel_loop3A_1225 = vector.broadcast %parallel_loop3A_1157 : f32 to vector<16xf32>
        %parallel_loop3A_1226 = arith.mulf %parallel_loop3A_1225, %parallel_loop3A_1224 : vector<16xf32>
        %parallel_loop3A_1227 = arith.addf %parallel_loop3A_1155, %parallel_loop3A_1226 : vector<16xf32>
        %parallel_loop3A_1228 = vector.extract_strided_slice %parallel_loop3A_147 {offsets = [15], sizes = [1], strides = [1]} : vector<16xf32> to vector<1xf32>
        %parallel_loop3A_1229 = vector.extract %parallel_loop3A_1228[0] : f32 from vector<1xf32>
        %parallel_loop3A_1230 = arith.constant 16 : i32
        %parallel_loop3A_1231 = arith.muli %parallel_loop3A_123, %parallel_loop3A_1230 : i32
        %parallel_loop3A_1232 = arith.constant 15 : i32
        %parallel_loop3A_1233 = arith.addi %parallel_loop3A_1231, %parallel_loop3A_1232 : i32
        %parallel_loop3A_1234 = arith.constant 128 : i32
        %parallel_loop3A_1235 = arith.muli %parallel_loop3A_1233, %parallel_loop3A_1234 : i32
        %parallel_loop3A_1236 = arith.constant 0 : i32
        %parallel_loop3A_1237 = arith.addi %parallel_loop3A_1235, %parallel_loop3A_1236 : i32
        %parallel_loop3A_1238 = arith.index_cast %parallel_loop3A_1237 : i32 to index
        %parallel_loop3A_1239 = tpu.vector_load %arg6[%parallel_loop3A_1238] {strides = array<i32>} : memref<32768xf32, #tpu.memory_space<vmem>>, vector<16xf32>,
        %parallel_loop3A_1240 = vector.shape_cast %parallel_loop3A_1239 : vector<16xf32> to vector<16xf32>
        %parallel_loop3A_1241 = vector.broadcast %parallel_loop3A_1229 : f32 to vector<16xf32>
        %parallel_loop3A_1242 = arith.mulf %parallel_loop3A_1241, %parallel_loop3A_1240 : vector<16xf32>
        %parallel_loop3A_1243 = arith.addf %parallel_loop3A_1171, %parallel_loop3A_1242 : vector<16xf32>
        %parallel_loop3A_1244 = arith.constant 16 : i32
        %parallel_loop3A_1245 = arith.addi %parallel_loop3A_1235, %parallel_loop3A_1244 : i32
        %parallel_loop3A_1246 = arith.index_cast %parallel_loop3A_1245 : i32 to index
        %parallel_loop3A_1247 = tpu.vector_load %arg6[%parallel_loop3A_1246] {strides = array<i32>} : memref<32768xf32, #tpu.memory_space<vmem>>, vector<16xf32>,
        %parallel_loop3A_1248 = vector.shape_cast %parallel_loop3A_1247 : vector<16xf32> to vector<16xf32>
        %parallel_loop3A_1249 = vector.broadcast %parallel_loop3A_1229 : f32 to vector<16xf32>
        %parallel_loop3A_1250 = arith.mulf %parallel_loop3A_1249, %parallel_loop3A_1248 : vector<16xf32>
        %parallel_loop3A_1251 = arith.addf %parallel_loop3A_1179, %parallel_loop3A_1250 : vector<16xf32>
        %parallel_loop3A_1252 = arith.constant 32 : i32
        %parallel_loop3A_1253 = arith.addi %parallel_loop3A_1235, %parallel_loop3A_1252 : i32
        %parallel_loop3A_1254 = arith.index_cast %parallel_loop3A_1253 : i32 to index
        %parallel_loop3A_1255 = tpu.vector_load %arg6[%parallel_loop3A_1254] {strides = array<i32>} : memref<32768xf32, #tpu.memory_space<vmem>>, vector<16xf32>,
        %parallel_loop3A_1256 = vector.shape_cast %parallel_loop3A_1255 : vector<16xf32> to vector<16xf32>
        %parallel_loop3A_1257 = vector.broadcast %parallel_loop3A_1229 : f32 to vector<16xf32>
        %parallel_loop3A_1258 = arith.mulf %parallel_loop3A_1257, %parallel_loop3A_1256 : vector<16xf32>
        %parallel_loop3A_1259 = arith.addf %parallel_loop3A_1187, %parallel_loop3A_1258 : vector<16xf32>
        %parallel_loop3A_1260 = arith.constant 48 : i32
        %parallel_loop3A_1261 = arith.addi %parallel_loop3A_1235, %parallel_loop3A_1260 : i32
        %parallel_loop3A_1262 = arith.index_cast %parallel_loop3A_1261 : i32 to index
        %parallel_loop3A_1263 = tpu.vector_load %arg6[%parallel_loop3A_1262] {strides = array<i32>} : memref<32768xf32, #tpu.memory_space<vmem>>, vector<16xf32>,
        %parallel_loop3A_1264 = vector.shape_cast %parallel_loop3A_1263 : vector<16xf32> to vector<16xf32>
        %parallel_loop3A_1265 = vector.broadcast %parallel_loop3A_1229 : f32 to vector<16xf32>
        %parallel_loop3A_1266 = arith.mulf %parallel_loop3A_1265, %parallel_loop3A_1264 : vector<16xf32>
        %parallel_loop3A_1267 = arith.addf %parallel_loop3A_1195, %parallel_loop3A_1266 : vector<16xf32>
        %parallel_loop3A_1268 = arith.constant 64 : i32
        %parallel_loop3A_1269 = arith.addi %parallel_loop3A_1235, %parallel_loop3A_1268 : i32
        %parallel_loop3A_1270 = arith.index_cast %parallel_loop3A_1269 : i32 to index
        %parallel_loop3A_1271 = tpu.vector_load %arg6[%parallel_loop3A_1270] {strides = array<i32>} : memref<32768xf32, #tpu.memory_space<vmem>>, vector<16xf32>,
        %parallel_loop3A_1272 = vector.shape_cast %parallel_loop3A_1271 : vector<16xf32> to vector<16xf32>
        %parallel_loop3A_1273 = vector.broadcast %parallel_loop3A_1229 : f32 to vector<16xf32>
        %parallel_loop3A_1274 = arith.mulf %parallel_loop3A_1273, %parallel_loop3A_1272 : vector<16xf32>
        %parallel_loop3A_1275 = arith.addf %parallel_loop3A_1203, %parallel_loop3A_1274 : vector<16xf32>
        %parallel_loop3A_1276 = arith.constant 80 : i32
        %parallel_loop3A_1277 = arith.addi %parallel_loop3A_1235, %parallel_loop3A_1276 : i32
        %parallel_loop3A_1278 = arith.index_cast %parallel_loop3A_1277 : i32 to index
        %parallel_loop3A_1279 = tpu.vector_load %arg6[%parallel_loop3A_1278] {strides = array<i32>} : memref<32768xf32, #tpu.memory_space<vmem>>, vector<16xf32>,
        %parallel_loop3A_1280 = vector.shape_cast %parallel_loop3A_1279 : vector<16xf32> to vector<16xf32>
        %parallel_loop3A_1281 = vector.broadcast %parallel_loop3A_1229 : f32 to vector<16xf32>
        %parallel_loop3A_1282 = arith.mulf %parallel_loop3A_1281, %parallel_loop3A_1280 : vector<16xf32>
        %parallel_loop3A_1283 = arith.addf %parallel_loop3A_1211, %parallel_loop3A_1282 : vector<16xf32>
        %parallel_loop3A_1284 = arith.constant 96 : i32
        %parallel_loop3A_1285 = arith.addi %parallel_loop3A_1235, %parallel_loop3A_1284 : i32
        %parallel_loop3A_1286 = arith.index_cast %parallel_loop3A_1285 : i32 to index
        %parallel_loop3A_1287 = tpu.vector_load %arg6[%parallel_loop3A_1286] {strides = array<i32>} : memref<32768xf32, #tpu.memory_space<vmem>>, vector<16xf32>,
        %parallel_loop3A_1288 = vector.shape_cast %parallel_loop3A_1287 : vector<16xf32> to vector<16xf32>
        %parallel_loop3A_1289 = vector.broadcast %parallel_loop3A_1229 : f32 to vector<16xf32>
        %parallel_loop3A_1290 = arith.mulf %parallel_loop3A_1289, %parallel_loop3A_1288 : vector<16xf32>
        %parallel_loop3A_1291 = arith.addf %parallel_loop3A_1219, %parallel_loop3A_1290 : vector<16xf32>
        %parallel_loop3A_1292 = arith.constant 112 : i32
        %parallel_loop3A_1293 = arith.addi %parallel_loop3A_1235, %parallel_loop3A_1292 : i32
        %parallel_loop3A_1294 = arith.index_cast %parallel_loop3A_1293 : i32 to index
        %parallel_loop3A_1295 = tpu.vector_load %arg6[%parallel_loop3A_1294] {strides = array<i32>} : memref<32768xf32, #tpu.memory_space<vmem>>, vector<16xf32>,
        %parallel_loop3A_1296 = vector.shape_cast %parallel_loop3A_1295 : vector<16xf32> to vector<16xf32>
        %parallel_loop3A_1297 = vector.broadcast %parallel_loop3A_1229 : f32 to vector<16xf32>
        %parallel_loop3A_1298 = arith.mulf %parallel_loop3A_1297, %parallel_loop3A_1296 : vector<16xf32>
        %parallel_loop3A_1299 = arith.addf %parallel_loop3A_1227, %parallel_loop3A_1298 : vector<16xf32>
        scf.yield %parallel_loop3A_667, %parallel_loop3A_675, %parallel_loop3A_683, %parallel_loop3A_691, %parallel_loop3A_699, %parallel_loop3A_707, %parallel_loop3A_715, %parallel_loop3A_723, %parallel_loop3A_1243, %parallel_loop3A_1251, %parallel_loop3A_1259, %parallel_loop3A_1267, %parallel_loop3A_1275, %parallel_loop3A_1283, %parallel_loop3A_1291, %parallel_loop3A_1299 : vector<16xf32>, vector<16xf32>, vector<16xf32>, vector<16xf32>, vector<16xf32>, vector<16xf32>, vector<16xf32>, vector<16xf32>, vector<16xf32>, vector<16xf32>, vector<16xf32>, vector<16xf32>, vector<16xf32>, vector<16xf32>, vector<16xf32>, vector<16xf32>
      } {sc.loop_unroll_factor = 2 : i64, sc.parallel_access}
      %add3A_100 = arith.constant 2 : i32
      %add3A_101 = arith.addi %add3A_93, %add3A_100 : i32
      %lt3A = arith.constant 16 : i32
      %lt3A_102 = arith.cmpi slt, %add3A_101, %lt3A : i32
      %convert_element_type3A = arith.extui %lt3A_102 : i1 to i32
      %cond3A = arith.constant 0 : i32
      %cond3A_103 = arith.cmpi ne, %convert_element_type3A, %cond3A : i32
      scf.if %cond3A_103 {
        %add3A_123 = arith.constant 2 : i32
        %add3A_124 = arith.addi %add3A_93, %add3A_123 : i32
        %mul3A_125 = arith.constant 256 : i32
        %mul3A_126 = arith.muli %add3A_124, %mul3A_125 : i32
        %add3A_127 = arith.addi %mul3A_2, %mul3A_126 : i32
        %mul3A_128 = arith.constant 128 : i32
        %mul3A_129 = arith.muli %add3A_127, %mul3A_128 : i32
        %dma_start3A_130 = tpu.memref_slice %arg3[%mul3A_129] : memref<33554432xf32, #tpu.memory_space<hbm>> -> memref<32768xf32, #tpu.memory_space<hbm>>
        %dma_start3A_131 = tpu.memref_slice %arg3[%mul3A_129] : memref<33554432xf32, #tpu.memory_space<hbm>> -> memref<32768xf32, #tpu.memory_space<hbm>>
        tpu.enqueue_dma source(%dma_start3A_131 : memref<32768xf32, #tpu.memory_space<hbm>>) target(%arg6 : memref<32768xf32, #tpu.memory_space<vmem>>) target_semaphore(%arg9 : memref<!tpu.dma_semaphore, #tpu.memory_space<semaphore_mem>>)
      } else {
      }
      %mul3A_104 = arith.constant 2 : i32
      %mul3A_105 = arith.muli %mul3A_104, %scan3A_73 : i32
      %add3A_106 = arith.constant 1 : i32
      %add3A_107 = arith.addi %mul3A_105, %add3A_106 : i32
      %dma_wait3A_108 = arith.constant 0 : i32
      %dma_wait3A_109 = tpu.memref_slice %arg3[%dma_wait3A_108] : memref<33554432xf32, #tpu.memory_space<hbm>> -> memref<32768xf32, #tpu.memory_space<hbm>>
      %dma_wait3A_110 = arith.constant 0 : i32
      %dma_wait3A_111 = tpu.memref_slice %arg3[%dma_wait3A_110] : memref<33554432xf32, #tpu.memory_space<hbm>> -> memref<32768xf32, #tpu.memory_space<hbm>>
      tpu.wait_dma2 semaphore(%arg10 : memref<!tpu.dma_semaphore, #tpu.memory_space<semaphore_mem>>) src(%dma_wait3A_111 : memref<32768xf32, #tpu.memory_space<hbm>>) dst(%arg7 : memref<32768xf32, #tpu.memory_space<vmem>>)
      %parallel_loop3A_112 = arith.constant 0 : i32
      %parallel_loop3A_113 = arith.constant 16 : i32
      %parallel_loop3A_114 = arith.constant 1 : i32
      %parallel_loop3A_115:16 = scf.for %parallel_loop3A_123 = %parallel_loop3A_112 to %parallel_loop3A_113 step %parallel_loop3A_114 iter_args(%parallel_loop3A_124 = %parallel_loop3A_99#0, %parallel_loop3A_125 = %parallel_loop3A_99#1, %parallel_loop3A_126 = %parallel_loop3A_99#2, %parallel_loop3A_127 = %parallel_loop3A_99#3, %parallel_loop3A_128 = %parallel_loop3A_99#4, %parallel_loop3A_129 = %parallel_loop3A_99#5, %parallel_loop3A_130 = %parallel_loop3A_99#6, %parallel_loop3A_131 = %parallel_loop3A_99#7, %parallel_loop3A_132 = %parallel_loop3A_99#8, %parallel_loop3A_133 = %parallel_loop3A_99#9, %parallel_loop3A_134 = %parallel_loop3A_99#10, %parallel_loop3A_135 = %parallel_loop3A_99#11, %parallel_loop3A_136 = %parallel_loop3A_99#12, %parallel_loop3A_137 = %parallel_loop3A_99#13, %parallel_loop3A_138 = %parallel_loop3A_99#14, %parallel_loop3A_139 = %parallel_loop3A_99#15) -> (vector<16xf32>, vector<16xf32>, vector<16xf32>, vector<16xf32>, vector<16xf32>, vector<16xf32>, vector<16xf32>, vector<16xf32>, vector<16xf32>, vector<16xf32>, vector<16xf32>, vector<16xf32>, vector<16xf32>, vector<16xf32>, vector<16xf32>, vector<16xf32>)  : i32 {
        %parallel_loop3A_140 = arith.constant 256 : i32
        %parallel_loop3A_141 = arith.muli %add3A_107, %parallel_loop3A_140 : i32
        %parallel_loop3A_142 = arith.constant 16 : i32
        %parallel_loop3A_143 = arith.muli %parallel_loop3A_123, %parallel_loop3A_142 : i32
        %parallel_loop3A_144 = arith.addi %parallel_loop3A_141, %parallel_loop3A_143 : i32
        %parallel_loop3A_145 = arith.index_cast %parallel_loop3A_144 : i32 to index
        %parallel_loop3A_146 = tpu.vector_load %arg5[%parallel_loop3A_145] {strides = array<i32>} : memref<4096xf32, #tpu.memory_space<vmem>>, vector<16xf32>,
        %parallel_loop3A_147 = vector.shape_cast %parallel_loop3A_146 : vector<16xf32> to vector<16xf32>
        %parallel_loop3A_148 = vector.extract_strided_slice %parallel_loop3A_147 {offsets = [0], sizes = [1], strides = [1]} : vector<16xf32> to vector<1xf32>
        %parallel_loop3A_149 = vector.extract %parallel_loop3A_148[0] : f32 from vector<1xf32>
        %parallel_loop3A_150 = arith.constant 16 : i32
        %parallel_loop3A_151 = arith.muli %parallel_loop3A_123, %parallel_loop3A_150 : i32
        %parallel_loop3A_152 = arith.constant 0 : i32
        %parallel_loop3A_153 = arith.addi %parallel_loop3A_151, %parallel_loop3A_152 : i32
        %parallel_loop3A_154 = arith.constant 128 : i32
        %parallel_loop3A_155 = arith.muli %parallel_loop3A_153, %parallel_loop3A_154 : i32
        %parallel_loop3A_156 = arith.constant 0 : i32
        %parallel_loop3A_157 = arith.addi %parallel_loop3A_155, %parallel_loop3A_156 : i32
        %parallel_loop3A_158 = arith.index_cast %parallel_loop3A_157 : i32 to index
        %parallel_loop3A_159 = tpu.vector_load %arg7[%parallel_loop3A_158] {strides = array<i32>} : memref<32768xf32, #tpu.memory_space<vmem>>, vector<16xf32>,
        %parallel_loop3A_160 = vector.shape_cast %parallel_loop3A_159 : vector<16xf32> to vector<16xf32>
        %parallel_loop3A_161 = vector.broadcast %parallel_loop3A_149 : f32 to vector<16xf32>
        %parallel_loop3A_162 = arith.mulf %parallel_loop3A_161, %parallel_loop3A_160 : vector<16xf32>
        %parallel_loop3A_163 = arith.addf %parallel_loop3A_124, %parallel_loop3A_162 : vector<16xf32>
        %parallel_loop3A_164 = arith.constant 16 : i32
        %parallel_loop3A_165 = arith.addi %parallel_loop3A_155, %parallel_loop3A_164 : i32
        %parallel_loop3A_166 = arith.index_cast %parallel_loop3A_165 : i32 to index
        %parallel_loop3A_167 = tpu.vector_load %arg7[%parallel_loop3A_166] {strides = array<i32>} : memref<32768xf32, #tpu.memory_space<vmem>>, vector<16xf32>,
        %parallel_loop3A_168 = vector.shape_cast %parallel_loop3A_167 : vector<16xf32> to vector<16xf32>
        %parallel_loop3A_169 = vector.broadcast %parallel_loop3A_149 : f32 to vector<16xf32>
        %parallel_loop3A_170 = arith.mulf %parallel_loop3A_169, %parallel_loop3A_168 : vector<16xf32>
        %parallel_loop3A_171 = arith.addf %parallel_loop3A_125, %parallel_loop3A_170 : vector<16xf32>
        %parallel_loop3A_172 = arith.constant 32 : i32
        %parallel_loop3A_173 = arith.addi %parallel_loop3A_155, %parallel_loop3A_172 : i32
        %parallel_loop3A_174 = arith.index_cast %parallel_loop3A_173 : i32 to index
        %parallel_loop3A_175 = tpu.vector_load %arg7[%parallel_loop3A_174] {strides = array<i32>} : memref<32768xf32, #tpu.memory_space<vmem>>, vector<16xf32>,
        %parallel_loop3A_176 = vector.shape_cast %parallel_loop3A_175 : vector<16xf32> to vector<16xf32>
        %parallel_loop3A_177 = vector.broadcast %parallel_loop3A_149 : f32 to vector<16xf32>
        %parallel_loop3A_178 = arith.mulf %parallel_loop3A_177, %parallel_loop3A_176 : vector<16xf32>
        %parallel_loop3A_179 = arith.addf %parallel_loop3A_126, %parallel_loop3A_178 : vector<16xf32>
        %parallel_loop3A_180 = arith.constant 48 : i32
        %parallel_loop3A_181 = arith.addi %parallel_loop3A_155, %parallel_loop3A_180 : i32
        %parallel_loop3A_182 = arith.index_cast %parallel_loop3A_181 : i32 to index
        %parallel_loop3A_183 = tpu.vector_load %arg7[%parallel_loop3A_182] {strides = array<i32>} : memref<32768xf32, #tpu.memory_space<vmem>>, vector<16xf32>,
        %parallel_loop3A_184 = vector.shape_cast %parallel_loop3A_183 : vector<16xf32> to vector<16xf32>
        %parallel_loop3A_185 = vector.broadcast %parallel_loop3A_149 : f32 to vector<16xf32>
        %parallel_loop3A_186 = arith.mulf %parallel_loop3A_185, %parallel_loop3A_184 : vector<16xf32>
        %parallel_loop3A_187 = arith.addf %parallel_loop3A_127, %parallel_loop3A_186 : vector<16xf32>
        %parallel_loop3A_188 = arith.constant 64 : i32
        %parallel_loop3A_189 = arith.addi %parallel_loop3A_155, %parallel_loop3A_188 : i32
        %parallel_loop3A_190 = arith.index_cast %parallel_loop3A_189 : i32 to index
        %parallel_loop3A_191 = tpu.vector_load %arg7[%parallel_loop3A_190] {strides = array<i32>} : memref<32768xf32, #tpu.memory_space<vmem>>, vector<16xf32>,
        %parallel_loop3A_192 = vector.shape_cast %parallel_loop3A_191 : vector<16xf32> to vector<16xf32>
        %parallel_loop3A_193 = vector.broadcast %parallel_loop3A_149 : f32 to vector<16xf32>
        %parallel_loop3A_194 = arith.mulf %parallel_loop3A_193, %parallel_loop3A_192 : vector<16xf32>
        %parallel_loop3A_195 = arith.addf %parallel_loop3A_128, %parallel_loop3A_194 : vector<16xf32>
        %parallel_loop3A_196 = arith.constant 80 : i32
        %parallel_loop3A_197 = arith.addi %parallel_loop3A_155, %parallel_loop3A_196 : i32
        %parallel_loop3A_198 = arith.index_cast %parallel_loop3A_197 : i32 to index
        %parallel_loop3A_199 = tpu.vector_load %arg7[%parallel_loop3A_198] {strides = array<i32>} : memref<32768xf32, #tpu.memory_space<vmem>>, vector<16xf32>,
        %parallel_loop3A_200 = vector.shape_cast %parallel_loop3A_199 : vector<16xf32> to vector<16xf32>
        %parallel_loop3A_201 = vector.broadcast %parallel_loop3A_149 : f32 to vector<16xf32>
        %parallel_loop3A_202 = arith.mulf %parallel_loop3A_201, %parallel_loop3A_200 : vector<16xf32>
        %parallel_loop3A_203 = arith.addf %parallel_loop3A_129, %parallel_loop3A_202 : vector<16xf32>
        %parallel_loop3A_204 = arith.constant 96 : i32
        %parallel_loop3A_205 = arith.addi %parallel_loop3A_155, %parallel_loop3A_204 : i32
        %parallel_loop3A_206 = arith.index_cast %parallel_loop3A_205 : i32 to index
        %parallel_loop3A_207 = tpu.vector_load %arg7[%parallel_loop3A_206] {strides = array<i32>} : memref<32768xf32, #tpu.memory_space<vmem>>, vector<16xf32>,
        %parallel_loop3A_208 = vector.shape_cast %parallel_loop3A_207 : vector<16xf32> to vector<16xf32>
        %parallel_loop3A_209 = vector.broadcast %parallel_loop3A_149 : f32 to vector<16xf32>
        %parallel_loop3A_210 = arith.mulf %parallel_loop3A_209, %parallel_loop3A_208 : vector<16xf32>
        %parallel_loop3A_211 = arith.addf %parallel_loop3A_130, %parallel_loop3A_210 : vector<16xf32>
        %parallel_loop3A_212 = arith.constant 112 : i32
        %parallel_loop3A_213 = arith.addi %parallel_loop3A_155, %parallel_loop3A_212 : i32
        %parallel_loop3A_214 = arith.index_cast %parallel_loop3A_213 : i32 to index
        %parallel_loop3A_215 = tpu.vector_load %arg7[%parallel_loop3A_214] {strides = array<i32>} : memref<32768xf32, #tpu.memory_space<vmem>>, vector<16xf32>,
        %parallel_loop3A_216 = vector.shape_cast %parallel_loop3A_215 : vector<16xf32> to vector<16xf32>
        %parallel_loop3A_217 = vector.broadcast %parallel_loop3A_149 : f32 to vector<16xf32>
        %parallel_loop3A_218 = arith.mulf %parallel_loop3A_217, %parallel_loop3A_216 : vector<16xf32>
        %parallel_loop3A_219 = arith.addf %parallel_loop3A_131, %parallel_loop3A_218 : vector<16xf32>
        %parallel_loop3A_220 = vector.extract_strided_slice %parallel_loop3A_147 {offsets = [1], sizes = [1], strides = [1]} : vector<16xf32> to vector<1xf32>
        %parallel_loop3A_221 = vector.extract %parallel_loop3A_220[0] : f32 from vector<1xf32>
        %parallel_loop3A_222 = arith.constant 16 : i32
        %parallel_loop3A_223 = arith.muli %parallel_loop3A_123, %parallel_loop3A_222 : i32
        %parallel_loop3A_224 = arith.constant 1 : i32
        %parallel_loop3A_225 = arith.addi %parallel_loop3A_223, %parallel_loop3A_224 : i32
        %parallel_loop3A_226 = arith.constant 128 : i32
        %parallel_loop3A_227 = arith.muli %parallel_loop3A_225, %parallel_loop3A_226 : i32
        %parallel_loop3A_228 = arith.constant 0 : i32
        %parallel_loop3A_229 = arith.addi %parallel_loop3A_227, %parallel_loop3A_228 : i32
        %parallel_loop3A_230 = arith.index_cast %parallel_loop3A_229 : i32 to index
        %parallel_loop3A_231 = tpu.vector_load %arg7[%parallel_loop3A_230] {strides = array<i32>} : memref<32768xf32, #tpu.memory_space<vmem>>, vector<16xf32>,
        %parallel_loop3A_232 = vector.shape_cast %parallel_loop3A_231 : vector<16xf32> to vector<16xf32>
        %parallel_loop3A_233 = vector.broadcast %parallel_loop3A_221 : f32 to vector<16xf32>
        %parallel_loop3A_234 = arith.mulf %parallel_loop3A_233, %parallel_loop3A_232 : vector<16xf32>
        %parallel_loop3A_235 = arith.addf %parallel_loop3A_163, %parallel_loop3A_234 : vector<16xf32>
        %parallel_loop3A_236 = arith.constant 16 : i32
        %parallel_loop3A_237 = arith.addi %parallel_loop3A_227, %parallel_loop3A_236 : i32
        %parallel_loop3A_238 = arith.index_cast %parallel_loop3A_237 : i32 to index
        %parallel_loop3A_239 = tpu.vector_load %arg7[%parallel_loop3A_238] {strides = array<i32>} : memref<32768xf32, #tpu.memory_space<vmem>>, vector<16xf32>,
        %parallel_loop3A_240 = vector.shape_cast %parallel_loop3A_239 : vector<16xf32> to vector<16xf32>
        %parallel_loop3A_241 = vector.broadcast %parallel_loop3A_221 : f32 to vector<16xf32>
        %parallel_loop3A_242 = arith.mulf %parallel_loop3A_241, %parallel_loop3A_240 : vector<16xf32>
        %parallel_loop3A_243 = arith.addf %parallel_loop3A_171, %parallel_loop3A_242 : vector<16xf32>
        %parallel_loop3A_244 = arith.constant 32 : i32
        %parallel_loop3A_245 = arith.addi %parallel_loop3A_227, %parallel_loop3A_244 : i32
        %parallel_loop3A_246 = arith.index_cast %parallel_loop3A_245 : i32 to index
        %parallel_loop3A_247 = tpu.vector_load %arg7[%parallel_loop3A_246] {strides = array<i32>} : memref<32768xf32, #tpu.memory_space<vmem>>, vector<16xf32>,
        %parallel_loop3A_248 = vector.shape_cast %parallel_loop3A_247 : vector<16xf32> to vector<16xf32>
        %parallel_loop3A_249 = vector.broadcast %parallel_loop3A_221 : f32 to vector<16xf32>
        %parallel_loop3A_250 = arith.mulf %parallel_loop3A_249, %parallel_loop3A_248 : vector<16xf32>
        %parallel_loop3A_251 = arith.addf %parallel_loop3A_179, %parallel_loop3A_250 : vector<16xf32>
        %parallel_loop3A_252 = arith.constant 48 : i32
        %parallel_loop3A_253 = arith.addi %parallel_loop3A_227, %parallel_loop3A_252 : i32
        %parallel_loop3A_254 = arith.index_cast %parallel_loop3A_253 : i32 to index
        %parallel_loop3A_255 = tpu.vector_load %arg7[%parallel_loop3A_254] {strides = array<i32>} : memref<32768xf32, #tpu.memory_space<vmem>>, vector<16xf32>,
        %parallel_loop3A_256 = vector.shape_cast %parallel_loop3A_255 : vector<16xf32> to vector<16xf32>
        %parallel_loop3A_257 = vector.broadcast %parallel_loop3A_221 : f32 to vector<16xf32>
        %parallel_loop3A_258 = arith.mulf %parallel_loop3A_257, %parallel_loop3A_256 : vector<16xf32>
        %parallel_loop3A_259 = arith.addf %parallel_loop3A_187, %parallel_loop3A_258 : vector<16xf32>
        %parallel_loop3A_260 = arith.constant 64 : i32
        %parallel_loop3A_261 = arith.addi %parallel_loop3A_227, %parallel_loop3A_260 : i32
        %parallel_loop3A_262 = arith.index_cast %parallel_loop3A_261 : i32 to index
        %parallel_loop3A_263 = tpu.vector_load %arg7[%parallel_loop3A_262] {strides = array<i32>} : memref<32768xf32, #tpu.memory_space<vmem>>, vector<16xf32>,
        %parallel_loop3A_264 = vector.shape_cast %parallel_loop3A_263 : vector<16xf32> to vector<16xf32>
        %parallel_loop3A_265 = vector.broadcast %parallel_loop3A_221 : f32 to vector<16xf32>
        %parallel_loop3A_266 = arith.mulf %parallel_loop3A_265, %parallel_loop3A_264 : vector<16xf32>
        %parallel_loop3A_267 = arith.addf %parallel_loop3A_195, %parallel_loop3A_266 : vector<16xf32>
        %parallel_loop3A_268 = arith.constant 80 : i32
        %parallel_loop3A_269 = arith.addi %parallel_loop3A_227, %parallel_loop3A_268 : i32
        %parallel_loop3A_270 = arith.index_cast %parallel_loop3A_269 : i32 to index
        %parallel_loop3A_271 = tpu.vector_load %arg7[%parallel_loop3A_270] {strides = array<i32>} : memref<32768xf32, #tpu.memory_space<vmem>>, vector<16xf32>,
        %parallel_loop3A_272 = vector.shape_cast %parallel_loop3A_271 : vector<16xf32> to vector<16xf32>
        %parallel_loop3A_273 = vector.broadcast %parallel_loop3A_221 : f32 to vector<16xf32>
        %parallel_loop3A_274 = arith.mulf %parallel_loop3A_273, %parallel_loop3A_272 : vector<16xf32>
        %parallel_loop3A_275 = arith.addf %parallel_loop3A_203, %parallel_loop3A_274 : vector<16xf32>
        %parallel_loop3A_276 = arith.constant 96 : i32
        %parallel_loop3A_277 = arith.addi %parallel_loop3A_227, %parallel_loop3A_276 : i32
        %parallel_loop3A_278 = arith.index_cast %parallel_loop3A_277 : i32 to index
        %parallel_loop3A_279 = tpu.vector_load %arg7[%parallel_loop3A_278] {strides = array<i32>} : memref<32768xf32, #tpu.memory_space<vmem>>, vector<16xf32>,
        %parallel_loop3A_280 = vector.shape_cast %parallel_loop3A_279 : vector<16xf32> to vector<16xf32>
        %parallel_loop3A_281 = vector.broadcast %parallel_loop3A_221 : f32 to vector<16xf32>
        %parallel_loop3A_282 = arith.mulf %parallel_loop3A_281, %parallel_loop3A_280 : vector<16xf32>
        %parallel_loop3A_283 = arith.addf %parallel_loop3A_211, %parallel_loop3A_282 : vector<16xf32>
        %parallel_loop3A_284 = arith.constant 112 : i32
        %parallel_loop3A_285 = arith.addi %parallel_loop3A_227, %parallel_loop3A_284 : i32
        %parallel_loop3A_286 = arith.index_cast %parallel_loop3A_285 : i32 to index
        %parallel_loop3A_287 = tpu.vector_load %arg7[%parallel_loop3A_286] {strides = array<i32>} : memref<32768xf32, #tpu.memory_space<vmem>>, vector<16xf32>,
        %parallel_loop3A_288 = vector.shape_cast %parallel_loop3A_287 : vector<16xf32> to vector<16xf32>
        %parallel_loop3A_289 = vector.broadcast %parallel_loop3A_221 : f32 to vector<16xf32>
        %parallel_loop3A_290 = arith.mulf %parallel_loop3A_289, %parallel_loop3A_288 : vector<16xf32>
        %parallel_loop3A_291 = arith.addf %parallel_loop3A_219, %parallel_loop3A_290 : vector<16xf32>
        %parallel_loop3A_292 = vector.extract_strided_slice %parallel_loop3A_147 {offsets = [2], sizes = [1], strides = [1]} : vector<16xf32> to vector<1xf32>
        %parallel_loop3A_293 = vector.extract %parallel_loop3A_292[0] : f32 from vector<1xf32>
        %parallel_loop3A_294 = arith.constant 16 : i32
        %parallel_loop3A_295 = arith.muli %parallel_loop3A_123, %parallel_loop3A_294 : i32
        %parallel_loop3A_296 = arith.constant 2 : i32
        %parallel_loop3A_297 = arith.addi %parallel_loop3A_295, %parallel_loop3A_296 : i32
        %parallel_loop3A_298 = arith.constant 128 : i32
        %parallel_loop3A_299 = arith.muli %parallel_loop3A_297, %parallel_loop3A_298 : i32
        %parallel_loop3A_300 = arith.constant 0 : i32
        %parallel_loop3A_301 = arith.addi %parallel_loop3A_299, %parallel_loop3A_300 : i32
        %parallel_loop3A_302 = arith.index_cast %parallel_loop3A_301 : i32 to index
        %parallel_loop3A_303 = tpu.vector_load %arg7[%parallel_loop3A_302] {strides = array<i32>} : memref<32768xf32, #tpu.memory_space<vmem>>, vector<16xf32>,
        %parallel_loop3A_304 = vector.shape_cast %parallel_loop3A_303 : vector<16xf32> to vector<16xf32>
        %parallel_loop3A_305 = vector.broadcast %parallel_loop3A_293 : f32 to vector<16xf32>
        %parallel_loop3A_306 = arith.mulf %parallel_loop3A_305, %parallel_loop3A_304 : vector<16xf32>
        %parallel_loop3A_307 = arith.addf %parallel_loop3A_235, %parallel_loop3A_306 : vector<16xf32>
        %parallel_loop3A_308 = arith.constant 16 : i32
        %parallel_loop3A_309 = arith.addi %parallel_loop3A_299, %parallel_loop3A_308 : i32
        %parallel_loop3A_310 = arith.index_cast %parallel_loop3A_309 : i32 to index
        %parallel_loop3A_311 = tpu.vector_load %arg7[%parallel_loop3A_310] {strides = array<i32>} : memref<32768xf32, #tpu.memory_space<vmem>>, vector<16xf32>,
        %parallel_loop3A_312 = vector.shape_cast %parallel_loop3A_311 : vector<16xf32> to vector<16xf32>
        %parallel_loop3A_313 = vector.broadcast %parallel_loop3A_293 : f32 to vector<16xf32>
        %parallel_loop3A_314 = arith.mulf %parallel_loop3A_313, %parallel_loop3A_312 : vector<16xf32>
        %parallel_loop3A_315 = arith.addf %parallel_loop3A_243, %parallel_loop3A_314 : vector<16xf32>
        %parallel_loop3A_316 = arith.constant 32 : i32
        %parallel_loop3A_317 = arith.addi %parallel_loop3A_299, %parallel_loop3A_316 : i32
        %parallel_loop3A_318 = arith.index_cast %parallel_loop3A_317 : i32 to index
        %parallel_loop3A_319 = tpu.vector_load %arg7[%parallel_loop3A_318] {strides = array<i32>} : memref<32768xf32, #tpu.memory_space<vmem>>, vector<16xf32>,
        %parallel_loop3A_320 = vector.shape_cast %parallel_loop3A_319 : vector<16xf32> to vector<16xf32>
        %parallel_loop3A_321 = vector.broadcast %parallel_loop3A_293 : f32 to vector<16xf32>
        %parallel_loop3A_322 = arith.mulf %parallel_loop3A_321, %parallel_loop3A_320 : vector<16xf32>
        %parallel_loop3A_323 = arith.addf %parallel_loop3A_251, %parallel_loop3A_322 : vector<16xf32>
        %parallel_loop3A_324 = arith.constant 48 : i32
        %parallel_loop3A_325 = arith.addi %parallel_loop3A_299, %parallel_loop3A_324 : i32
        %parallel_loop3A_326 = arith.index_cast %parallel_loop3A_325 : i32 to index
        %parallel_loop3A_327 = tpu.vector_load %arg7[%parallel_loop3A_326] {strides = array<i32>} : memref<32768xf32, #tpu.memory_space<vmem>>, vector<16xf32>,
        %parallel_loop3A_328 = vector.shape_cast %parallel_loop3A_327 : vector<16xf32> to vector<16xf32>
        %parallel_loop3A_329 = vector.broadcast %parallel_loop3A_293 : f32 to vector<16xf32>
        %parallel_loop3A_330 = arith.mulf %parallel_loop3A_329, %parallel_loop3A_328 : vector<16xf32>
        %parallel_loop3A_331 = arith.addf %parallel_loop3A_259, %parallel_loop3A_330 : vector<16xf32>
        %parallel_loop3A_332 = arith.constant 64 : i32
        %parallel_loop3A_333 = arith.addi %parallel_loop3A_299, %parallel_loop3A_332 : i32
        %parallel_loop3A_334 = arith.index_cast %parallel_loop3A_333 : i32 to index
        %parallel_loop3A_335 = tpu.vector_load %arg7[%parallel_loop3A_334] {strides = array<i32>} : memref<32768xf32, #tpu.memory_space<vmem>>, vector<16xf32>,
        %parallel_loop3A_336 = vector.shape_cast %parallel_loop3A_335 : vector<16xf32> to vector<16xf32>
        %parallel_loop3A_337 = vector.broadcast %parallel_loop3A_293 : f32 to vector<16xf32>
        %parallel_loop3A_338 = arith.mulf %parallel_loop3A_337, %parallel_loop3A_336 : vector<16xf32>
        %parallel_loop3A_339 = arith.addf %parallel_loop3A_267, %parallel_loop3A_338 : vector<16xf32>
        %parallel_loop3A_340 = arith.constant 80 : i32
        %parallel_loop3A_341 = arith.addi %parallel_loop3A_299, %parallel_loop3A_340 : i32
        %parallel_loop3A_342 = arith.index_cast %parallel_loop3A_341 : i32 to index
        %parallel_loop3A_343 = tpu.vector_load %arg7[%parallel_loop3A_342] {strides = array<i32>} : memref<32768xf32, #tpu.memory_space<vmem>>, vector<16xf32>,
        %parallel_loop3A_344 = vector.shape_cast %parallel_loop3A_343 : vector<16xf32> to vector<16xf32>
        %parallel_loop3A_345 = vector.broadcast %parallel_loop3A_293 : f32 to vector<16xf32>
        %parallel_loop3A_346 = arith.mulf %parallel_loop3A_345, %parallel_loop3A_344 : vector<16xf32>
        %parallel_loop3A_347 = arith.addf %parallel_loop3A_275, %parallel_loop3A_346 : vector<16xf32>
        %parallel_loop3A_348 = arith.constant 96 : i32
        %parallel_loop3A_349 = arith.addi %parallel_loop3A_299, %parallel_loop3A_348 : i32
        %parallel_loop3A_350 = arith.index_cast %parallel_loop3A_349 : i32 to index
        %parallel_loop3A_351 = tpu.vector_load %arg7[%parallel_loop3A_350] {strides = array<i32>} : memref<32768xf32, #tpu.memory_space<vmem>>, vector<16xf32>,
        %parallel_loop3A_352 = vector.shape_cast %parallel_loop3A_351 : vector<16xf32> to vector<16xf32>
        %parallel_loop3A_353 = vector.broadcast %parallel_loop3A_293 : f32 to vector<16xf32>
        %parallel_loop3A_354 = arith.mulf %parallel_loop3A_353, %parallel_loop3A_352 : vector<16xf32>
        %parallel_loop3A_355 = arith.addf %parallel_loop3A_283, %parallel_loop3A_354 : vector<16xf32>
        %parallel_loop3A_356 = arith.constant 112 : i32
        %parallel_loop3A_357 = arith.addi %parallel_loop3A_299, %parallel_loop3A_356 : i32
        %parallel_loop3A_358 = arith.index_cast %parallel_loop3A_357 : i32 to index
        %parallel_loop3A_359 = tpu.vector_load %arg7[%parallel_loop3A_358] {strides = array<i32>} : memref<32768xf32, #tpu.memory_space<vmem>>, vector<16xf32>,
        %parallel_loop3A_360 = vector.shape_cast %parallel_loop3A_359 : vector<16xf32> to vector<16xf32>
        %parallel_loop3A_361 = vector.broadcast %parallel_loop3A_293 : f32 to vector<16xf32>
        %parallel_loop3A_362 = arith.mulf %parallel_loop3A_361, %parallel_loop3A_360 : vector<16xf32>
        %parallel_loop3A_363 = arith.addf %parallel_loop3A_291, %parallel_loop3A_362 : vector<16xf32>
        %parallel_loop3A_364 = vector.extract_strided_slice %parallel_loop3A_147 {offsets = [3], sizes = [1], strides = [1]} : vector<16xf32> to vector<1xf32>
        %parallel_loop3A_365 = vector.extract %parallel_loop3A_364[0] : f32 from vector<1xf32>
        %parallel_loop3A_366 = arith.constant 16 : i32
        %parallel_loop3A_367 = arith.muli %parallel_loop3A_123, %parallel_loop3A_366 : i32
        %parallel_loop3A_368 = arith.constant 3 : i32
        %parallel_loop3A_369 = arith.addi %parallel_loop3A_367, %parallel_loop3A_368 : i32
        %parallel_loop3A_370 = arith.constant 128 : i32
        %parallel_loop3A_371 = arith.muli %parallel_loop3A_369, %parallel_loop3A_370 : i32
        %parallel_loop3A_372 = arith.constant 0 : i32
        %parallel_loop3A_373 = arith.addi %parallel_loop3A_371, %parallel_loop3A_372 : i32
        %parallel_loop3A_374 = arith.index_cast %parallel_loop3A_373 : i32 to index
        %parallel_loop3A_375 = tpu.vector_load %arg7[%parallel_loop3A_374] {strides = array<i32>} : memref<32768xf32, #tpu.memory_space<vmem>>, vector<16xf32>,
        %parallel_loop3A_376 = vector.shape_cast %parallel_loop3A_375 : vector<16xf32> to vector<16xf32>
        %parallel_loop3A_377 = vector.broadcast %parallel_loop3A_365 : f32 to vector<16xf32>
        %parallel_loop3A_378 = arith.mulf %parallel_loop3A_377, %parallel_loop3A_376 : vector<16xf32>
        %parallel_loop3A_379 = arith.addf %parallel_loop3A_307, %parallel_loop3A_378 : vector<16xf32>
        %parallel_loop3A_380 = arith.constant 16 : i32
        %parallel_loop3A_381 = arith.addi %parallel_loop3A_371, %parallel_loop3A_380 : i32
        %parallel_loop3A_382 = arith.index_cast %parallel_loop3A_381 : i32 to index
        %parallel_loop3A_383 = tpu.vector_load %arg7[%parallel_loop3A_382] {strides = array<i32>} : memref<32768xf32, #tpu.memory_space<vmem>>, vector<16xf32>,
        %parallel_loop3A_384 = vector.shape_cast %parallel_loop3A_383 : vector<16xf32> to vector<16xf32>
        %parallel_loop3A_385 = vector.broadcast %parallel_loop3A_365 : f32 to vector<16xf32>
        %parallel_loop3A_386 = arith.mulf %parallel_loop3A_385, %parallel_loop3A_384 : vector<16xf32>
        %parallel_loop3A_387 = arith.addf %parallel_loop3A_315, %parallel_loop3A_386 : vector<16xf32>
        %parallel_loop3A_388 = arith.constant 32 : i32
        %parallel_loop3A_389 = arith.addi %parallel_loop3A_371, %parallel_loop3A_388 : i32
        %parallel_loop3A_390 = arith.index_cast %parallel_loop3A_389 : i32 to index
        %parallel_loop3A_391 = tpu.vector_load %arg7[%parallel_loop3A_390] {strides = array<i32>} : memref<32768xf32, #tpu.memory_space<vmem>>, vector<16xf32>,
        %parallel_loop3A_392 = vector.shape_cast %parallel_loop3A_391 : vector<16xf32> to vector<16xf32>
        %parallel_loop3A_393 = vector.broadcast %parallel_loop3A_365 : f32 to vector<16xf32>
        %parallel_loop3A_394 = arith.mulf %parallel_loop3A_393, %parallel_loop3A_392 : vector<16xf32>
        %parallel_loop3A_395 = arith.addf %parallel_loop3A_323, %parallel_loop3A_394 : vector<16xf32>
        %parallel_loop3A_396 = arith.constant 48 : i32
        %parallel_loop3A_397 = arith.addi %parallel_loop3A_371, %parallel_loop3A_396 : i32
        %parallel_loop3A_398 = arith.index_cast %parallel_loop3A_397 : i32 to index
        %parallel_loop3A_399 = tpu.vector_load %arg7[%parallel_loop3A_398] {strides = array<i32>} : memref<32768xf32, #tpu.memory_space<vmem>>, vector<16xf32>,
        %parallel_loop3A_400 = vector.shape_cast %parallel_loop3A_399 : vector<16xf32> to vector<16xf32>
        %parallel_loop3A_401 = vector.broadcast %parallel_loop3A_365 : f32 to vector<16xf32>
        %parallel_loop3A_402 = arith.mulf %parallel_loop3A_401, %parallel_loop3A_400 : vector<16xf32>
        %parallel_loop3A_403 = arith.addf %parallel_loop3A_331, %parallel_loop3A_402 : vector<16xf32>
        %parallel_loop3A_404 = arith.constant 64 : i32
        %parallel_loop3A_405 = arith.addi %parallel_loop3A_371, %parallel_loop3A_404 : i32
        %parallel_loop3A_406 = arith.index_cast %parallel_loop3A_405 : i32 to index
        %parallel_loop3A_407 = tpu.vector_load %arg7[%parallel_loop3A_406] {strides = array<i32>} : memref<32768xf32, #tpu.memory_space<vmem>>, vector<16xf32>,
        %parallel_loop3A_408 = vector.shape_cast %parallel_loop3A_407 : vector<16xf32> to vector<16xf32>
        %parallel_loop3A_409 = vector.broadcast %parallel_loop3A_365 : f32 to vector<16xf32>
        %parallel_loop3A_410 = arith.mulf %parallel_loop3A_409, %parallel_loop3A_408 : vector<16xf32>
        %parallel_loop3A_411 = arith.addf %parallel_loop3A_339, %parallel_loop3A_410 : vector<16xf32>
        %parallel_loop3A_412 = arith.constant 80 : i32
        %parallel_loop3A_413 = arith.addi %parallel_loop3A_371, %parallel_loop3A_412 : i32
        %parallel_loop3A_414 = arith.index_cast %parallel_loop3A_413 : i32 to index
        %parallel_loop3A_415 = tpu.vector_load %arg7[%parallel_loop3A_414] {strides = array<i32>} : memref<32768xf32, #tpu.memory_space<vmem>>, vector<16xf32>,
        %parallel_loop3A_416 = vector.shape_cast %parallel_loop3A_415 : vector<16xf32> to vector<16xf32>
        %parallel_loop3A_417 = vector.broadcast %parallel_loop3A_365 : f32 to vector<16xf32>
        %parallel_loop3A_418 = arith.mulf %parallel_loop3A_417, %parallel_loop3A_416 : vector<16xf32>
        %parallel_loop3A_419 = arith.addf %parallel_loop3A_347, %parallel_loop3A_418 : vector<16xf32>
        %parallel_loop3A_420 = arith.constant 96 : i32
        %parallel_loop3A_421 = arith.addi %parallel_loop3A_371, %parallel_loop3A_420 : i32
        %parallel_loop3A_422 = arith.index_cast %parallel_loop3A_421 : i32 to index
        %parallel_loop3A_423 = tpu.vector_load %arg7[%parallel_loop3A_422] {strides = array<i32>} : memref<32768xf32, #tpu.memory_space<vmem>>, vector<16xf32>,
        %parallel_loop3A_424 = vector.shape_cast %parallel_loop3A_423 : vector<16xf32> to vector<16xf32>
        %parallel_loop3A_425 = vector.broadcast %parallel_loop3A_365 : f32 to vector<16xf32>
        %parallel_loop3A_426 = arith.mulf %parallel_loop3A_425, %parallel_loop3A_424 : vector<16xf32>
        %parallel_loop3A_427 = arith.addf %parallel_loop3A_355, %parallel_loop3A_426 : vector<16xf32>
        %parallel_loop3A_428 = arith.constant 112 : i32
        %parallel_loop3A_429 = arith.addi %parallel_loop3A_371, %parallel_loop3A_428 : i32
        %parallel_loop3A_430 = arith.index_cast %parallel_loop3A_429 : i32 to index
        %parallel_loop3A_431 = tpu.vector_load %arg7[%parallel_loop3A_430] {strides = array<i32>} : memref<32768xf32, #tpu.memory_space<vmem>>, vector<16xf32>,
        %parallel_loop3A_432 = vector.shape_cast %parallel_loop3A_431 : vector<16xf32> to vector<16xf32>
        %parallel_loop3A_433 = vector.broadcast %parallel_loop3A_365 : f32 to vector<16xf32>
        %parallel_loop3A_434 = arith.mulf %parallel_loop3A_433, %parallel_loop3A_432 : vector<16xf32>
        %parallel_loop3A_435 = arith.addf %parallel_loop3A_363, %parallel_loop3A_434 : vector<16xf32>
        %parallel_loop3A_436 = vector.extract_strided_slice %parallel_loop3A_147 {offsets = [4], sizes = [1], strides = [1]} : vector<16xf32> to vector<1xf32>
        %parallel_loop3A_437 = vector.extract %parallel_loop3A_436[0] : f32 from vector<1xf32>
        %parallel_loop3A_438 = arith.constant 16 : i32
        %parallel_loop3A_439 = arith.muli %parallel_loop3A_123, %parallel_loop3A_438 : i32
        %parallel_loop3A_440 = arith.constant 4 : i32
        %parallel_loop3A_441 = arith.addi %parallel_loop3A_439, %parallel_loop3A_440 : i32
        %parallel_loop3A_442 = arith.constant 128 : i32
        %parallel_loop3A_443 = arith.muli %parallel_loop3A_441, %parallel_loop3A_442 : i32
        %parallel_loop3A_444 = arith.constant 0 : i32
        %parallel_loop3A_445 = arith.addi %parallel_loop3A_443, %parallel_loop3A_444 : i32
        %parallel_loop3A_446 = arith.index_cast %parallel_loop3A_445 : i32 to index
        %parallel_loop3A_447 = tpu.vector_load %arg7[%parallel_loop3A_446] {strides = array<i32>} : memref<32768xf32, #tpu.memory_space<vmem>>, vector<16xf32>,
        %parallel_loop3A_448 = vector.shape_cast %parallel_loop3A_447 : vector<16xf32> to vector<16xf32>
        %parallel_loop3A_449 = vector.broadcast %parallel_loop3A_437 : f32 to vector<16xf32>
        %parallel_loop3A_450 = arith.mulf %parallel_loop3A_449, %parallel_loop3A_448 : vector<16xf32>
        %parallel_loop3A_451 = arith.addf %parallel_loop3A_379, %parallel_loop3A_450 : vector<16xf32>
        %parallel_loop3A_452 = arith.constant 16 : i32
        %parallel_loop3A_453 = arith.addi %parallel_loop3A_443, %parallel_loop3A_452 : i32
        %parallel_loop3A_454 = arith.index_cast %parallel_loop3A_453 : i32 to index
        %parallel_loop3A_455 = tpu.vector_load %arg7[%parallel_loop3A_454] {strides = array<i32>} : memref<32768xf32, #tpu.memory_space<vmem>>, vector<16xf32>,
        %parallel_loop3A_456 = vector.shape_cast %parallel_loop3A_455 : vector<16xf32> to vector<16xf32>
        %parallel_loop3A_457 = vector.broadcast %parallel_loop3A_437 : f32 to vector<16xf32>
        %parallel_loop3A_458 = arith.mulf %parallel_loop3A_457, %parallel_loop3A_456 : vector<16xf32>
        %parallel_loop3A_459 = arith.addf %parallel_loop3A_387, %parallel_loop3A_458 : vector<16xf32>
        %parallel_loop3A_460 = arith.constant 32 : i32
        %parallel_loop3A_461 = arith.addi %parallel_loop3A_443, %parallel_loop3A_460 : i32
        %parallel_loop3A_462 = arith.index_cast %parallel_loop3A_461 : i32 to index
        %parallel_loop3A_463 = tpu.vector_load %arg7[%parallel_loop3A_462] {strides = array<i32>} : memref<32768xf32, #tpu.memory_space<vmem>>, vector<16xf32>,
        %parallel_loop3A_464 = vector.shape_cast %parallel_loop3A_463 : vector<16xf32> to vector<16xf32>
        %parallel_loop3A_465 = vector.broadcast %parallel_loop3A_437 : f32 to vector<16xf32>
        %parallel_loop3A_466 = arith.mulf %parallel_loop3A_465, %parallel_loop3A_464 : vector<16xf32>
        %parallel_loop3A_467 = arith.addf %parallel_loop3A_395, %parallel_loop3A_466 : vector<16xf32>
        %parallel_loop3A_468 = arith.constant 48 : i32
        %parallel_loop3A_469 = arith.addi %parallel_loop3A_443, %parallel_loop3A_468 : i32
        %parallel_loop3A_470 = arith.index_cast %parallel_loop3A_469 : i32 to index
        %parallel_loop3A_471 = tpu.vector_load %arg7[%parallel_loop3A_470] {strides = array<i32>} : memref<32768xf32, #tpu.memory_space<vmem>>, vector<16xf32>,
        %parallel_loop3A_472 = vector.shape_cast %parallel_loop3A_471 : vector<16xf32> to vector<16xf32>
        %parallel_loop3A_473 = vector.broadcast %parallel_loop3A_437 : f32 to vector<16xf32>
        %parallel_loop3A_474 = arith.mulf %parallel_loop3A_473, %parallel_loop3A_472 : vector<16xf32>
        %parallel_loop3A_475 = arith.addf %parallel_loop3A_403, %parallel_loop3A_474 : vector<16xf32>
        %parallel_loop3A_476 = arith.constant 64 : i32
        %parallel_loop3A_477 = arith.addi %parallel_loop3A_443, %parallel_loop3A_476 : i32
        %parallel_loop3A_478 = arith.index_cast %parallel_loop3A_477 : i32 to index
        %parallel_loop3A_479 = tpu.vector_load %arg7[%parallel_loop3A_478] {strides = array<i32>} : memref<32768xf32, #tpu.memory_space<vmem>>, vector<16xf32>,
        %parallel_loop3A_480 = vector.shape_cast %parallel_loop3A_479 : vector<16xf32> to vector<16xf32>
        %parallel_loop3A_481 = vector.broadcast %parallel_loop3A_437 : f32 to vector<16xf32>
        %parallel_loop3A_482 = arith.mulf %parallel_loop3A_481, %parallel_loop3A_480 : vector<16xf32>
        %parallel_loop3A_483 = arith.addf %parallel_loop3A_411, %parallel_loop3A_482 : vector<16xf32>
        %parallel_loop3A_484 = arith.constant 80 : i32
        %parallel_loop3A_485 = arith.addi %parallel_loop3A_443, %parallel_loop3A_484 : i32
        %parallel_loop3A_486 = arith.index_cast %parallel_loop3A_485 : i32 to index
        %parallel_loop3A_487 = tpu.vector_load %arg7[%parallel_loop3A_486] {strides = array<i32>} : memref<32768xf32, #tpu.memory_space<vmem>>, vector<16xf32>,
        %parallel_loop3A_488 = vector.shape_cast %parallel_loop3A_487 : vector<16xf32> to vector<16xf32>
        %parallel_loop3A_489 = vector.broadcast %parallel_loop3A_437 : f32 to vector<16xf32>
        %parallel_loop3A_490 = arith.mulf %parallel_loop3A_489, %parallel_loop3A_488 : vector<16xf32>
        %parallel_loop3A_491 = arith.addf %parallel_loop3A_419, %parallel_loop3A_490 : vector<16xf32>
        %parallel_loop3A_492 = arith.constant 96 : i32
        %parallel_loop3A_493 = arith.addi %parallel_loop3A_443, %parallel_loop3A_492 : i32
        %parallel_loop3A_494 = arith.index_cast %parallel_loop3A_493 : i32 to index
        %parallel_loop3A_495 = tpu.vector_load %arg7[%parallel_loop3A_494] {strides = array<i32>} : memref<32768xf32, #tpu.memory_space<vmem>>, vector<16xf32>,
        %parallel_loop3A_496 = vector.shape_cast %parallel_loop3A_495 : vector<16xf32> to vector<16xf32>
        %parallel_loop3A_497 = vector.broadcast %parallel_loop3A_437 : f32 to vector<16xf32>
        %parallel_loop3A_498 = arith.mulf %parallel_loop3A_497, %parallel_loop3A_496 : vector<16xf32>
        %parallel_loop3A_499 = arith.addf %parallel_loop3A_427, %parallel_loop3A_498 : vector<16xf32>
        %parallel_loop3A_500 = arith.constant 112 : i32
        %parallel_loop3A_501 = arith.addi %parallel_loop3A_443, %parallel_loop3A_500 : i32
        %parallel_loop3A_502 = arith.index_cast %parallel_loop3A_501 : i32 to index
        %parallel_loop3A_503 = tpu.vector_load %arg7[%parallel_loop3A_502] {strides = array<i32>} : memref<32768xf32, #tpu.memory_space<vmem>>, vector<16xf32>,
        %parallel_loop3A_504 = vector.shape_cast %parallel_loop3A_503 : vector<16xf32> to vector<16xf32>
        %parallel_loop3A_505 = vector.broadcast %parallel_loop3A_437 : f32 to vector<16xf32>
        %parallel_loop3A_506 = arith.mulf %parallel_loop3A_505, %parallel_loop3A_504 : vector<16xf32>
        %parallel_loop3A_507 = arith.addf %parallel_loop3A_435, %parallel_loop3A_506 : vector<16xf32>
        %parallel_loop3A_508 = vector.extract_strided_slice %parallel_loop3A_147 {offsets = [5], sizes = [1], strides = [1]} : vector<16xf32> to vector<1xf32>
        %parallel_loop3A_509 = vector.extract %parallel_loop3A_508[0] : f32 from vector<1xf32>
        %parallel_loop3A_510 = arith.constant 16 : i32
        %parallel_loop3A_511 = arith.muli %parallel_loop3A_123, %parallel_loop3A_510 : i32
        %parallel_loop3A_512 = arith.constant 5 : i32
        %parallel_loop3A_513 = arith.addi %parallel_loop3A_511, %parallel_loop3A_512 : i32
        %parallel_loop3A_514 = arith.constant 128 : i32
        %parallel_loop3A_515 = arith.muli %parallel_loop3A_513, %parallel_loop3A_514 : i32
        %parallel_loop3A_516 = arith.constant 0 : i32
        %parallel_loop3A_517 = arith.addi %parallel_loop3A_515, %parallel_loop3A_516 : i32
        %parallel_loop3A_518 = arith.index_cast %parallel_loop3A_517 : i32 to index
        %parallel_loop3A_519 = tpu.vector_load %arg7[%parallel_loop3A_518] {strides = array<i32>} : memref<32768xf32, #tpu.memory_space<vmem>>, vector<16xf32>,
        %parallel_loop3A_520 = vector.shape_cast %parallel_loop3A_519 : vector<16xf32> to vector<16xf32>
        %parallel_loop3A_521 = vector.broadcast %parallel_loop3A_509 : f32 to vector<16xf32>
        %parallel_loop3A_522 = arith.mulf %parallel_loop3A_521, %parallel_loop3A_520 : vector<16xf32>
        %parallel_loop3A_523 = arith.addf %parallel_loop3A_451, %parallel_loop3A_522 : vector<16xf32>
        %parallel_loop3A_524 = arith.constant 16 : i32
        %parallel_loop3A_525 = arith.addi %parallel_loop3A_515, %parallel_loop3A_524 : i32
        %parallel_loop3A_526 = arith.index_cast %parallel_loop3A_525 : i32 to index
        %parallel_loop3A_527 = tpu.vector_load %arg7[%parallel_loop3A_526] {strides = array<i32>} : memref<32768xf32, #tpu.memory_space<vmem>>, vector<16xf32>,
        %parallel_loop3A_528 = vector.shape_cast %parallel_loop3A_527 : vector<16xf32> to vector<16xf32>
        %parallel_loop3A_529 = vector.broadcast %parallel_loop3A_509 : f32 to vector<16xf32>
        %parallel_loop3A_530 = arith.mulf %parallel_loop3A_529, %parallel_loop3A_528 : vector<16xf32>
        %parallel_loop3A_531 = arith.addf %parallel_loop3A_459, %parallel_loop3A_530 : vector<16xf32>
        %parallel_loop3A_532 = arith.constant 32 : i32
        %parallel_loop3A_533 = arith.addi %parallel_loop3A_515, %parallel_loop3A_532 : i32
        %parallel_loop3A_534 = arith.index_cast %parallel_loop3A_533 : i32 to index
        %parallel_loop3A_535 = tpu.vector_load %arg7[%parallel_loop3A_534] {strides = array<i32>} : memref<32768xf32, #tpu.memory_space<vmem>>, vector<16xf32>,
        %parallel_loop3A_536 = vector.shape_cast %parallel_loop3A_535 : vector<16xf32> to vector<16xf32>
        %parallel_loop3A_537 = vector.broadcast %parallel_loop3A_509 : f32 to vector<16xf32>
        %parallel_loop3A_538 = arith.mulf %parallel_loop3A_537, %parallel_loop3A_536 : vector<16xf32>
        %parallel_loop3A_539 = arith.addf %parallel_loop3A_467, %parallel_loop3A_538 : vector<16xf32>
        %parallel_loop3A_540 = arith.constant 48 : i32
        %parallel_loop3A_541 = arith.addi %parallel_loop3A_515, %parallel_loop3A_540 : i32
        %parallel_loop3A_542 = arith.index_cast %parallel_loop3A_541 : i32 to index
        %parallel_loop3A_543 = tpu.vector_load %arg7[%parallel_loop3A_542] {strides = array<i32>} : memref<32768xf32, #tpu.memory_space<vmem>>, vector<16xf32>,
        %parallel_loop3A_544 = vector.shape_cast %parallel_loop3A_543 : vector<16xf32> to vector<16xf32>
        %parallel_loop3A_545 = vector.broadcast %parallel_loop3A_509 : f32 to vector<16xf32>
        %parallel_loop3A_546 = arith.mulf %parallel_loop3A_545, %parallel_loop3A_544 : vector<16xf32>
        %parallel_loop3A_547 = arith.addf %parallel_loop3A_475, %parallel_loop3A_546 : vector<16xf32>
        %parallel_loop3A_548 = arith.constant 64 : i32
        %parallel_loop3A_549 = arith.addi %parallel_loop3A_515, %parallel_loop3A_548 : i32
        %parallel_loop3A_550 = arith.index_cast %parallel_loop3A_549 : i32 to index
        %parallel_loop3A_551 = tpu.vector_load %arg7[%parallel_loop3A_550] {strides = array<i32>} : memref<32768xf32, #tpu.memory_space<vmem>>, vector<16xf32>,
        %parallel_loop3A_552 = vector.shape_cast %parallel_loop3A_551 : vector<16xf32> to vector<16xf32>
        %parallel_loop3A_553 = vector.broadcast %parallel_loop3A_509 : f32 to vector<16xf32>
        %parallel_loop3A_554 = arith.mulf %parallel_loop3A_553, %parallel_loop3A_552 : vector<16xf32>
        %parallel_loop3A_555 = arith.addf %parallel_loop3A_483, %parallel_loop3A_554 : vector<16xf32>
        %parallel_loop3A_556 = arith.constant 80 : i32
        %parallel_loop3A_557 = arith.addi %parallel_loop3A_515, %parallel_loop3A_556 : i32
        %parallel_loop3A_558 = arith.index_cast %parallel_loop3A_557 : i32 to index
        %parallel_loop3A_559 = tpu.vector_load %arg7[%parallel_loop3A_558] {strides = array<i32>} : memref<32768xf32, #tpu.memory_space<vmem>>, vector<16xf32>,
        %parallel_loop3A_560 = vector.shape_cast %parallel_loop3A_559 : vector<16xf32> to vector<16xf32>
        %parallel_loop3A_561 = vector.broadcast %parallel_loop3A_509 : f32 to vector<16xf32>
        %parallel_loop3A_562 = arith.mulf %parallel_loop3A_561, %parallel_loop3A_560 : vector<16xf32>
        %parallel_loop3A_563 = arith.addf %parallel_loop3A_491, %parallel_loop3A_562 : vector<16xf32>
        %parallel_loop3A_564 = arith.constant 96 : i32
        %parallel_loop3A_565 = arith.addi %parallel_loop3A_515, %parallel_loop3A_564 : i32
        %parallel_loop3A_566 = arith.index_cast %parallel_loop3A_565 : i32 to index
        %parallel_loop3A_567 = tpu.vector_load %arg7[%parallel_loop3A_566] {strides = array<i32>} : memref<32768xf32, #tpu.memory_space<vmem>>, vector<16xf32>,
        %parallel_loop3A_568 = vector.shape_cast %parallel_loop3A_567 : vector<16xf32> to vector<16xf32>
        %parallel_loop3A_569 = vector.broadcast %parallel_loop3A_509 : f32 to vector<16xf32>
        %parallel_loop3A_570 = arith.mulf %parallel_loop3A_569, %parallel_loop3A_568 : vector<16xf32>
        %parallel_loop3A_571 = arith.addf %parallel_loop3A_499, %parallel_loop3A_570 : vector<16xf32>
        %parallel_loop3A_572 = arith.constant 112 : i32
        %parallel_loop3A_573 = arith.addi %parallel_loop3A_515, %parallel_loop3A_572 : i32
        %parallel_loop3A_574 = arith.index_cast %parallel_loop3A_573 : i32 to index
        %parallel_loop3A_575 = tpu.vector_load %arg7[%parallel_loop3A_574] {strides = array<i32>} : memref<32768xf32, #tpu.memory_space<vmem>>, vector<16xf32>,
        %parallel_loop3A_576 = vector.shape_cast %parallel_loop3A_575 : vector<16xf32> to vector<16xf32>
        %parallel_loop3A_577 = vector.broadcast %parallel_loop3A_509 : f32 to vector<16xf32>
        %parallel_loop3A_578 = arith.mulf %parallel_loop3A_577, %parallel_loop3A_576 : vector<16xf32>
        %parallel_loop3A_579 = arith.addf %parallel_loop3A_507, %parallel_loop3A_578 : vector<16xf32>
        %parallel_loop3A_580 = vector.extract_strided_slice %parallel_loop3A_147 {offsets = [6], sizes = [1], strides = [1]} : vector<16xf32> to vector<1xf32>
        %parallel_loop3A_581 = vector.extract %parallel_loop3A_580[0] : f32 from vector<1xf32>
        %parallel_loop3A_582 = arith.constant 16 : i32
        %parallel_loop3A_583 = arith.muli %parallel_loop3A_123, %parallel_loop3A_582 : i32
        %parallel_loop3A_584 = arith.constant 6 : i32
        %parallel_loop3A_585 = arith.addi %parallel_loop3A_583, %parallel_loop3A_584 : i32
        %parallel_loop3A_586 = arith.constant 128 : i32
        %parallel_loop3A_587 = arith.muli %parallel_loop3A_585, %parallel_loop3A_586 : i32
        %parallel_loop3A_588 = arith.constant 0 : i32
        %parallel_loop3A_589 = arith.addi %parallel_loop3A_587, %parallel_loop3A_588 : i32
        %parallel_loop3A_590 = arith.index_cast %parallel_loop3A_589 : i32 to index
        %parallel_loop3A_591 = tpu.vector_load %arg7[%parallel_loop3A_590] {strides = array<i32>} : memref<32768xf32, #tpu.memory_space<vmem>>, vector<16xf32>,
        %parallel_loop3A_592 = vector.shape_cast %parallel_loop3A_591 : vector<16xf32> to vector<16xf32>
        %parallel_loop3A_593 = vector.broadcast %parallel_loop3A_581 : f32 to vector<16xf32>
        %parallel_loop3A_594 = arith.mulf %parallel_loop3A_593, %parallel_loop3A_592 : vector<16xf32>
        %parallel_loop3A_595 = arith.addf %parallel_loop3A_523, %parallel_loop3A_594 : vector<16xf32>
        %parallel_loop3A_596 = arith.constant 16 : i32
        %parallel_loop3A_597 = arith.addi %parallel_loop3A_587, %parallel_loop3A_596 : i32
        %parallel_loop3A_598 = arith.index_cast %parallel_loop3A_597 : i32 to index
        %parallel_loop3A_599 = tpu.vector_load %arg7[%parallel_loop3A_598] {strides = array<i32>} : memref<32768xf32, #tpu.memory_space<vmem>>, vector<16xf32>,
        %parallel_loop3A_600 = vector.shape_cast %parallel_loop3A_599 : vector<16xf32> to vector<16xf32>
        %parallel_loop3A_601 = vector.broadcast %parallel_loop3A_581 : f32 to vector<16xf32>
        %parallel_loop3A_602 = arith.mulf %parallel_loop3A_601, %parallel_loop3A_600 : vector<16xf32>
        %parallel_loop3A_603 = arith.addf %parallel_loop3A_531, %parallel_loop3A_602 : vector<16xf32>
        %parallel_loop3A_604 = arith.constant 32 : i32
        %parallel_loop3A_605 = arith.addi %parallel_loop3A_587, %parallel_loop3A_604 : i32
        %parallel_loop3A_606 = arith.index_cast %parallel_loop3A_605 : i32 to index
        %parallel_loop3A_607 = tpu.vector_load %arg7[%parallel_loop3A_606] {strides = array<i32>} : memref<32768xf32, #tpu.memory_space<vmem>>, vector<16xf32>,
        %parallel_loop3A_608 = vector.shape_cast %parallel_loop3A_607 : vector<16xf32> to vector<16xf32>
        %parallel_loop3A_609 = vector.broadcast %parallel_loop3A_581 : f32 to vector<16xf32>
        %parallel_loop3A_610 = arith.mulf %parallel_loop3A_609, %parallel_loop3A_608 : vector<16xf32>
        %parallel_loop3A_611 = arith.addf %parallel_loop3A_539, %parallel_loop3A_610 : vector<16xf32>
        %parallel_loop3A_612 = arith.constant 48 : i32
        %parallel_loop3A_613 = arith.addi %parallel_loop3A_587, %parallel_loop3A_612 : i32
        %parallel_loop3A_614 = arith.index_cast %parallel_loop3A_613 : i32 to index
        %parallel_loop3A_615 = tpu.vector_load %arg7[%parallel_loop3A_614] {strides = array<i32>} : memref<32768xf32, #tpu.memory_space<vmem>>, vector<16xf32>,
        %parallel_loop3A_616 = vector.shape_cast %parallel_loop3A_615 : vector<16xf32> to vector<16xf32>
        %parallel_loop3A_617 = vector.broadcast %parallel_loop3A_581 : f32 to vector<16xf32>
        %parallel_loop3A_618 = arith.mulf %parallel_loop3A_617, %parallel_loop3A_616 : vector<16xf32>
        %parallel_loop3A_619 = arith.addf %parallel_loop3A_547, %parallel_loop3A_618 : vector<16xf32>
        %parallel_loop3A_620 = arith.constant 64 : i32
        %parallel_loop3A_621 = arith.addi %parallel_loop3A_587, %parallel_loop3A_620 : i32
        %parallel_loop3A_622 = arith.index_cast %parallel_loop3A_621 : i32 to index
        %parallel_loop3A_623 = tpu.vector_load %arg7[%parallel_loop3A_622] {strides = array<i32>} : memref<32768xf32, #tpu.memory_space<vmem>>, vector<16xf32>,
        %parallel_loop3A_624 = vector.shape_cast %parallel_loop3A_623 : vector<16xf32> to vector<16xf32>
        %parallel_loop3A_625 = vector.broadcast %parallel_loop3A_581 : f32 to vector<16xf32>
        %parallel_loop3A_626 = arith.mulf %parallel_loop3A_625, %parallel_loop3A_624 : vector<16xf32>
        %parallel_loop3A_627 = arith.addf %parallel_loop3A_555, %parallel_loop3A_626 : vector<16xf32>
        %parallel_loop3A_628 = arith.constant 80 : i32
        %parallel_loop3A_629 = arith.addi %parallel_loop3A_587, %parallel_loop3A_628 : i32
        %parallel_loop3A_630 = arith.index_cast %parallel_loop3A_629 : i32 to index
        %parallel_loop3A_631 = tpu.vector_load %arg7[%parallel_loop3A_630] {strides = array<i32>} : memref<32768xf32, #tpu.memory_space<vmem>>, vector<16xf32>,
        %parallel_loop3A_632 = vector.shape_cast %parallel_loop3A_631 : vector<16xf32> to vector<16xf32>
        %parallel_loop3A_633 = vector.broadcast %parallel_loop3A_581 : f32 to vector<16xf32>
        %parallel_loop3A_634 = arith.mulf %parallel_loop3A_633, %parallel_loop3A_632 : vector<16xf32>
        %parallel_loop3A_635 = arith.addf %parallel_loop3A_563, %parallel_loop3A_634 : vector<16xf32>
        %parallel_loop3A_636 = arith.constant 96 : i32
        %parallel_loop3A_637 = arith.addi %parallel_loop3A_587, %parallel_loop3A_636 : i32
        %parallel_loop3A_638 = arith.index_cast %parallel_loop3A_637 : i32 to index
        %parallel_loop3A_639 = tpu.vector_load %arg7[%parallel_loop3A_638] {strides = array<i32>} : memref<32768xf32, #tpu.memory_space<vmem>>, vector<16xf32>,
        %parallel_loop3A_640 = vector.shape_cast %parallel_loop3A_639 : vector<16xf32> to vector<16xf32>
        %parallel_loop3A_641 = vector.broadcast %parallel_loop3A_581 : f32 to vector<16xf32>
        %parallel_loop3A_642 = arith.mulf %parallel_loop3A_641, %parallel_loop3A_640 : vector<16xf32>
        %parallel_loop3A_643 = arith.addf %parallel_loop3A_571, %parallel_loop3A_642 : vector<16xf32>
        %parallel_loop3A_644 = arith.constant 112 : i32
        %parallel_loop3A_645 = arith.addi %parallel_loop3A_587, %parallel_loop3A_644 : i32
        %parallel_loop3A_646 = arith.index_cast %parallel_loop3A_645 : i32 to index
        %parallel_loop3A_647 = tpu.vector_load %arg7[%parallel_loop3A_646] {strides = array<i32>} : memref<32768xf32, #tpu.memory_space<vmem>>, vector<16xf32>,
        %parallel_loop3A_648 = vector.shape_cast %parallel_loop3A_647 : vector<16xf32> to vector<16xf32>
        %parallel_loop3A_649 = vector.broadcast %parallel_loop3A_581 : f32 to vector<16xf32>
        %parallel_loop3A_650 = arith.mulf %parallel_loop3A_649, %parallel_loop3A_648 : vector<16xf32>
        %parallel_loop3A_651 = arith.addf %parallel_loop3A_579, %parallel_loop3A_650 : vector<16xf32>
        %parallel_loop3A_652 = vector.extract_strided_slice %parallel_loop3A_147 {offsets = [7], sizes = [1], strides = [1]} : vector<16xf32> to vector<1xf32>
        %parallel_loop3A_653 = vector.extract %parallel_loop3A_652[0] : f32 from vector<1xf32>
        %parallel_loop3A_654 = arith.constant 16 : i32
        %parallel_loop3A_655 = arith.muli %parallel_loop3A_123, %parallel_loop3A_654 : i32
        %parallel_loop3A_656 = arith.constant 7 : i32
        %parallel_loop3A_657 = arith.addi %parallel_loop3A_655, %parallel_loop3A_656 : i32
        %parallel_loop3A_658 = arith.constant 128 : i32
        %parallel_loop3A_659 = arith.muli %parallel_loop3A_657, %parallel_loop3A_658 : i32
        %parallel_loop3A_660 = arith.constant 0 : i32
        %parallel_loop3A_661 = arith.addi %parallel_loop3A_659, %parallel_loop3A_660 : i32
        %parallel_loop3A_662 = arith.index_cast %parallel_loop3A_661 : i32 to index
        %parallel_loop3A_663 = tpu.vector_load %arg7[%parallel_loop3A_662] {strides = array<i32>} : memref<32768xf32, #tpu.memory_space<vmem>>, vector<16xf32>,
        %parallel_loop3A_664 = vector.shape_cast %parallel_loop3A_663 : vector<16xf32> to vector<16xf32>
        %parallel_loop3A_665 = vector.broadcast %parallel_loop3A_653 : f32 to vector<16xf32>
        %parallel_loop3A_666 = arith.mulf %parallel_loop3A_665, %parallel_loop3A_664 : vector<16xf32>
        %parallel_loop3A_667 = arith.addf %parallel_loop3A_595, %parallel_loop3A_666 : vector<16xf32>
        %parallel_loop3A_668 = arith.constant 16 : i32
        %parallel_loop3A_669 = arith.addi %parallel_loop3A_659, %parallel_loop3A_668 : i32
        %parallel_loop3A_670 = arith.index_cast %parallel_loop3A_669 : i32 to index
        %parallel_loop3A_671 = tpu.vector_load %arg7[%parallel_loop3A_670] {strides = array<i32>} : memref<32768xf32, #tpu.memory_space<vmem>>, vector<16xf32>,
        %parallel_loop3A_672 = vector.shape_cast %parallel_loop3A_671 : vector<16xf32> to vector<16xf32>
        %parallel_loop3A_673 = vector.broadcast %parallel_loop3A_653 : f32 to vector<16xf32>
        %parallel_loop3A_674 = arith.mulf %parallel_loop3A_673, %parallel_loop3A_672 : vector<16xf32>
        %parallel_loop3A_675 = arith.addf %parallel_loop3A_603, %parallel_loop3A_674 : vector<16xf32>
        %parallel_loop3A_676 = arith.constant 32 : i32
        %parallel_loop3A_677 = arith.addi %parallel_loop3A_659, %parallel_loop3A_676 : i32
        %parallel_loop3A_678 = arith.index_cast %parallel_loop3A_677 : i32 to index
        %parallel_loop3A_679 = tpu.vector_load %arg7[%parallel_loop3A_678] {strides = array<i32>} : memref<32768xf32, #tpu.memory_space<vmem>>, vector<16xf32>,
        %parallel_loop3A_680 = vector.shape_cast %parallel_loop3A_679 : vector<16xf32> to vector<16xf32>
        %parallel_loop3A_681 = vector.broadcast %parallel_loop3A_653 : f32 to vector<16xf32>
        %parallel_loop3A_682 = arith.mulf %parallel_loop3A_681, %parallel_loop3A_680 : vector<16xf32>
        %parallel_loop3A_683 = arith.addf %parallel_loop3A_611, %parallel_loop3A_682 : vector<16xf32>
        %parallel_loop3A_684 = arith.constant 48 : i32
        %parallel_loop3A_685 = arith.addi %parallel_loop3A_659, %parallel_loop3A_684 : i32
        %parallel_loop3A_686 = arith.index_cast %parallel_loop3A_685 : i32 to index
        %parallel_loop3A_687 = tpu.vector_load %arg7[%parallel_loop3A_686] {strides = array<i32>} : memref<32768xf32, #tpu.memory_space<vmem>>, vector<16xf32>,
        %parallel_loop3A_688 = vector.shape_cast %parallel_loop3A_687 : vector<16xf32> to vector<16xf32>
        %parallel_loop3A_689 = vector.broadcast %parallel_loop3A_653 : f32 to vector<16xf32>
        %parallel_loop3A_690 = arith.mulf %parallel_loop3A_689, %parallel_loop3A_688 : vector<16xf32>
        %parallel_loop3A_691 = arith.addf %parallel_loop3A_619, %parallel_loop3A_690 : vector<16xf32>
        %parallel_loop3A_692 = arith.constant 64 : i32
        %parallel_loop3A_693 = arith.addi %parallel_loop3A_659, %parallel_loop3A_692 : i32
        %parallel_loop3A_694 = arith.index_cast %parallel_loop3A_693 : i32 to index
        %parallel_loop3A_695 = tpu.vector_load %arg7[%parallel_loop3A_694] {strides = array<i32>} : memref<32768xf32, #tpu.memory_space<vmem>>, vector<16xf32>,
        %parallel_loop3A_696 = vector.shape_cast %parallel_loop3A_695 : vector<16xf32> to vector<16xf32>
        %parallel_loop3A_697 = vector.broadcast %parallel_loop3A_653 : f32 to vector<16xf32>
        %parallel_loop3A_698 = arith.mulf %parallel_loop3A_697, %parallel_loop3A_696 : vector<16xf32>
        %parallel_loop3A_699 = arith.addf %parallel_loop3A_627, %parallel_loop3A_698 : vector<16xf32>
        %parallel_loop3A_700 = arith.constant 80 : i32
        %parallel_loop3A_701 = arith.addi %parallel_loop3A_659, %parallel_loop3A_700 : i32
        %parallel_loop3A_702 = arith.index_cast %parallel_loop3A_701 : i32 to index
        %parallel_loop3A_703 = tpu.vector_load %arg7[%parallel_loop3A_702] {strides = array<i32>} : memref<32768xf32, #tpu.memory_space<vmem>>, vector<16xf32>,
        %parallel_loop3A_704 = vector.shape_cast %parallel_loop3A_703 : vector<16xf32> to vector<16xf32>
        %parallel_loop3A_705 = vector.broadcast %parallel_loop3A_653 : f32 to vector<16xf32>
        %parallel_loop3A_706 = arith.mulf %parallel_loop3A_705, %parallel_loop3A_704 : vector<16xf32>
        %parallel_loop3A_707 = arith.addf %parallel_loop3A_635, %parallel_loop3A_706 : vector<16xf32>
        %parallel_loop3A_708 = arith.constant 96 : i32
        %parallel_loop3A_709 = arith.addi %parallel_loop3A_659, %parallel_loop3A_708 : i32
        %parallel_loop3A_710 = arith.index_cast %parallel_loop3A_709 : i32 to index
        %parallel_loop3A_711 = tpu.vector_load %arg7[%parallel_loop3A_710] {strides = array<i32>} : memref<32768xf32, #tpu.memory_space<vmem>>, vector<16xf32>,
        %parallel_loop3A_712 = vector.shape_cast %parallel_loop3A_711 : vector<16xf32> to vector<16xf32>
        %parallel_loop3A_713 = vector.broadcast %parallel_loop3A_653 : f32 to vector<16xf32>
        %parallel_loop3A_714 = arith.mulf %parallel_loop3A_713, %parallel_loop3A_712 : vector<16xf32>
        %parallel_loop3A_715 = arith.addf %parallel_loop3A_643, %parallel_loop3A_714 : vector<16xf32>
        %parallel_loop3A_716 = arith.constant 112 : i32
        %parallel_loop3A_717 = arith.addi %parallel_loop3A_659, %parallel_loop3A_716 : i32
        %parallel_loop3A_718 = arith.index_cast %parallel_loop3A_717 : i32 to index
        %parallel_loop3A_719 = tpu.vector_load %arg7[%parallel_loop3A_718] {strides = array<i32>} : memref<32768xf32, #tpu.memory_space<vmem>>, vector<16xf32>,
        %parallel_loop3A_720 = vector.shape_cast %parallel_loop3A_719 : vector<16xf32> to vector<16xf32>
        %parallel_loop3A_721 = vector.broadcast %parallel_loop3A_653 : f32 to vector<16xf32>
        %parallel_loop3A_722 = arith.mulf %parallel_loop3A_721, %parallel_loop3A_720 : vector<16xf32>
        %parallel_loop3A_723 = arith.addf %parallel_loop3A_651, %parallel_loop3A_722 : vector<16xf32>
        %parallel_loop3A_724 = vector.extract_strided_slice %parallel_loop3A_147 {offsets = [8], sizes = [1], strides = [1]} : vector<16xf32> to vector<1xf32>
        %parallel_loop3A_725 = vector.extract %parallel_loop3A_724[0] : f32 from vector<1xf32>
        %parallel_loop3A_726 = arith.constant 16 : i32
        %parallel_loop3A_727 = arith.muli %parallel_loop3A_123, %parallel_loop3A_726 : i32
        %parallel_loop3A_728 = arith.constant 8 : i32
        %parallel_loop3A_729 = arith.addi %parallel_loop3A_727, %parallel_loop3A_728 : i32
        %parallel_loop3A_730 = arith.constant 128 : i32
        %parallel_loop3A_731 = arith.muli %parallel_loop3A_729, %parallel_loop3A_730 : i32
        %parallel_loop3A_732 = arith.constant 0 : i32
        %parallel_loop3A_733 = arith.addi %parallel_loop3A_731, %parallel_loop3A_732 : i32
        %parallel_loop3A_734 = arith.index_cast %parallel_loop3A_733 : i32 to index
        %parallel_loop3A_735 = tpu.vector_load %arg7[%parallel_loop3A_734] {strides = array<i32>} : memref<32768xf32, #tpu.memory_space<vmem>>, vector<16xf32>,
        %parallel_loop3A_736 = vector.shape_cast %parallel_loop3A_735 : vector<16xf32> to vector<16xf32>
        %parallel_loop3A_737 = vector.broadcast %parallel_loop3A_725 : f32 to vector<16xf32>
        %parallel_loop3A_738 = arith.mulf %parallel_loop3A_737, %parallel_loop3A_736 : vector<16xf32>
        %parallel_loop3A_739 = arith.addf %parallel_loop3A_132, %parallel_loop3A_738 : vector<16xf32>
        %parallel_loop3A_740 = arith.constant 16 : i32
        %parallel_loop3A_741 = arith.addi %parallel_loop3A_731, %parallel_loop3A_740 : i32
        %parallel_loop3A_742 = arith.index_cast %parallel_loop3A_741 : i32 to index
        %parallel_loop3A_743 = tpu.vector_load %arg7[%parallel_loop3A_742] {strides = array<i32>} : memref<32768xf32, #tpu.memory_space<vmem>>, vector<16xf32>,
        %parallel_loop3A_744 = vector.shape_cast %parallel_loop3A_743 : vector<16xf32> to vector<16xf32>
        %parallel_loop3A_745 = vector.broadcast %parallel_loop3A_725 : f32 to vector<16xf32>
        %parallel_loop3A_746 = arith.mulf %parallel_loop3A_745, %parallel_loop3A_744 : vector<16xf32>
        %parallel_loop3A_747 = arith.addf %parallel_loop3A_133, %parallel_loop3A_746 : vector<16xf32>
        %parallel_loop3A_748 = arith.constant 32 : i32
        %parallel_loop3A_749 = arith.addi %parallel_loop3A_731, %parallel_loop3A_748 : i32
        %parallel_loop3A_750 = arith.index_cast %parallel_loop3A_749 : i32 to index
        %parallel_loop3A_751 = tpu.vector_load %arg7[%parallel_loop3A_750] {strides = array<i32>} : memref<32768xf32, #tpu.memory_space<vmem>>, vector<16xf32>,
        %parallel_loop3A_752 = vector.shape_cast %parallel_loop3A_751 : vector<16xf32> to vector<16xf32>
        %parallel_loop3A_753 = vector.broadcast %parallel_loop3A_725 : f32 to vector<16xf32>
        %parallel_loop3A_754 = arith.mulf %parallel_loop3A_753, %parallel_loop3A_752 : vector<16xf32>
        %parallel_loop3A_755 = arith.addf %parallel_loop3A_134, %parallel_loop3A_754 : vector<16xf32>
        %parallel_loop3A_756 = arith.constant 48 : i32
        %parallel_loop3A_757 = arith.addi %parallel_loop3A_731, %parallel_loop3A_756 : i32
        %parallel_loop3A_758 = arith.index_cast %parallel_loop3A_757 : i32 to index
        %parallel_loop3A_759 = tpu.vector_load %arg7[%parallel_loop3A_758] {strides = array<i32>} : memref<32768xf32, #tpu.memory_space<vmem>>, vector<16xf32>,
        %parallel_loop3A_760 = vector.shape_cast %parallel_loop3A_759 : vector<16xf32> to vector<16xf32>
        %parallel_loop3A_761 = vector.broadcast %parallel_loop3A_725 : f32 to vector<16xf32>
        %parallel_loop3A_762 = arith.mulf %parallel_loop3A_761, %parallel_loop3A_760 : vector<16xf32>
        %parallel_loop3A_763 = arith.addf %parallel_loop3A_135, %parallel_loop3A_762 : vector<16xf32>
        %parallel_loop3A_764 = arith.constant 64 : i32
        %parallel_loop3A_765 = arith.addi %parallel_loop3A_731, %parallel_loop3A_764 : i32
        %parallel_loop3A_766 = arith.index_cast %parallel_loop3A_765 : i32 to index
        %parallel_loop3A_767 = tpu.vector_load %arg7[%parallel_loop3A_766] {strides = array<i32>} : memref<32768xf32, #tpu.memory_space<vmem>>, vector<16xf32>,
        %parallel_loop3A_768 = vector.shape_cast %parallel_loop3A_767 : vector<16xf32> to vector<16xf32>
        %parallel_loop3A_769 = vector.broadcast %parallel_loop3A_725 : f32 to vector<16xf32>
        %parallel_loop3A_770 = arith.mulf %parallel_loop3A_769, %parallel_loop3A_768 : vector<16xf32>
        %parallel_loop3A_771 = arith.addf %parallel_loop3A_136, %parallel_loop3A_770 : vector<16xf32>
        %parallel_loop3A_772 = arith.constant 80 : i32
        %parallel_loop3A_773 = arith.addi %parallel_loop3A_731, %parallel_loop3A_772 : i32
        %parallel_loop3A_774 = arith.index_cast %parallel_loop3A_773 : i32 to index
        %parallel_loop3A_775 = tpu.vector_load %arg7[%parallel_loop3A_774] {strides = array<i32>} : memref<32768xf32, #tpu.memory_space<vmem>>, vector<16xf32>,
        %parallel_loop3A_776 = vector.shape_cast %parallel_loop3A_775 : vector<16xf32> to vector<16xf32>
        %parallel_loop3A_777 = vector.broadcast %parallel_loop3A_725 : f32 to vector<16xf32>
        %parallel_loop3A_778 = arith.mulf %parallel_loop3A_777, %parallel_loop3A_776 : vector<16xf32>
        %parallel_loop3A_779 = arith.addf %parallel_loop3A_137, %parallel_loop3A_778 : vector<16xf32>
        %parallel_loop3A_780 = arith.constant 96 : i32
        %parallel_loop3A_781 = arith.addi %parallel_loop3A_731, %parallel_loop3A_780 : i32
        %parallel_loop3A_782 = arith.index_cast %parallel_loop3A_781 : i32 to index
        %parallel_loop3A_783 = tpu.vector_load %arg7[%parallel_loop3A_782] {strides = array<i32>} : memref<32768xf32, #tpu.memory_space<vmem>>, vector<16xf32>,
        %parallel_loop3A_784 = vector.shape_cast %parallel_loop3A_783 : vector<16xf32> to vector<16xf32>
        %parallel_loop3A_785 = vector.broadcast %parallel_loop3A_725 : f32 to vector<16xf32>
        %parallel_loop3A_786 = arith.mulf %parallel_loop3A_785, %parallel_loop3A_784 : vector<16xf32>
        %parallel_loop3A_787 = arith.addf %parallel_loop3A_138, %parallel_loop3A_786 : vector<16xf32>
        %parallel_loop3A_788 = arith.constant 112 : i32
        %parallel_loop3A_789 = arith.addi %parallel_loop3A_731, %parallel_loop3A_788 : i32
        %parallel_loop3A_790 = arith.index_cast %parallel_loop3A_789 : i32 to index
        %parallel_loop3A_791 = tpu.vector_load %arg7[%parallel_loop3A_790] {strides = array<i32>} : memref<32768xf32, #tpu.memory_space<vmem>>, vector<16xf32>,
        %parallel_loop3A_792 = vector.shape_cast %parallel_loop3A_791 : vector<16xf32> to vector<16xf32>
        %parallel_loop3A_793 = vector.broadcast %parallel_loop3A_725 : f32 to vector<16xf32>
        %parallel_loop3A_794 = arith.mulf %parallel_loop3A_793, %parallel_loop3A_792 : vector<16xf32>
        %parallel_loop3A_795 = arith.addf %parallel_loop3A_139, %parallel_loop3A_794 : vector<16xf32>
        %parallel_loop3A_796 = vector.extract_strided_slice %parallel_loop3A_147 {offsets = [9], sizes = [1], strides = [1]} : vector<16xf32> to vector<1xf32>
        %parallel_loop3A_797 = vector.extract %parallel_loop3A_796[0] : f32 from vector<1xf32>
        %parallel_loop3A_798 = arith.constant 16 : i32
        %parallel_loop3A_799 = arith.muli %parallel_loop3A_123, %parallel_loop3A_798 : i32
        %parallel_loop3A_800 = arith.constant 9 : i32
        %parallel_loop3A_801 = arith.addi %parallel_loop3A_799, %parallel_loop3A_800 : i32
        %parallel_loop3A_802 = arith.constant 128 : i32
        %parallel_loop3A_803 = arith.muli %parallel_loop3A_801, %parallel_loop3A_802 : i32
        %parallel_loop3A_804 = arith.constant 0 : i32
        %parallel_loop3A_805 = arith.addi %parallel_loop3A_803, %parallel_loop3A_804 : i32
        %parallel_loop3A_806 = arith.index_cast %parallel_loop3A_805 : i32 to index
        %parallel_loop3A_807 = tpu.vector_load %arg7[%parallel_loop3A_806] {strides = array<i32>} : memref<32768xf32, #tpu.memory_space<vmem>>, vector<16xf32>,
        %parallel_loop3A_808 = vector.shape_cast %parallel_loop3A_807 : vector<16xf32> to vector<16xf32>
        %parallel_loop3A_809 = vector.broadcast %parallel_loop3A_797 : f32 to vector<16xf32>
        %parallel_loop3A_810 = arith.mulf %parallel_loop3A_809, %parallel_loop3A_808 : vector<16xf32>
        %parallel_loop3A_811 = arith.addf %parallel_loop3A_739, %parallel_loop3A_810 : vector<16xf32>
        %parallel_loop3A_812 = arith.constant 16 : i32
        %parallel_loop3A_813 = arith.addi %parallel_loop3A_803, %parallel_loop3A_812 : i32
        %parallel_loop3A_814 = arith.index_cast %parallel_loop3A_813 : i32 to index
        %parallel_loop3A_815 = tpu.vector_load %arg7[%parallel_loop3A_814] {strides = array<i32>} : memref<32768xf32, #tpu.memory_space<vmem>>, vector<16xf32>,
        %parallel_loop3A_816 = vector.shape_cast %parallel_loop3A_815 : vector<16xf32> to vector<16xf32>
        %parallel_loop3A_817 = vector.broadcast %parallel_loop3A_797 : f32 to vector<16xf32>
        %parallel_loop3A_818 = arith.mulf %parallel_loop3A_817, %parallel_loop3A_816 : vector<16xf32>
        %parallel_loop3A_819 = arith.addf %parallel_loop3A_747, %parallel_loop3A_818 : vector<16xf32>
        %parallel_loop3A_820 = arith.constant 32 : i32
        %parallel_loop3A_821 = arith.addi %parallel_loop3A_803, %parallel_loop3A_820 : i32
        %parallel_loop3A_822 = arith.index_cast %parallel_loop3A_821 : i32 to index
        %parallel_loop3A_823 = tpu.vector_load %arg7[%parallel_loop3A_822] {strides = array<i32>} : memref<32768xf32, #tpu.memory_space<vmem>>, vector<16xf32>,
        %parallel_loop3A_824 = vector.shape_cast %parallel_loop3A_823 : vector<16xf32> to vector<16xf32>
        %parallel_loop3A_825 = vector.broadcast %parallel_loop3A_797 : f32 to vector<16xf32>
        %parallel_loop3A_826 = arith.mulf %parallel_loop3A_825, %parallel_loop3A_824 : vector<16xf32>
        %parallel_loop3A_827 = arith.addf %parallel_loop3A_755, %parallel_loop3A_826 : vector<16xf32>
        %parallel_loop3A_828 = arith.constant 48 : i32
        %parallel_loop3A_829 = arith.addi %parallel_loop3A_803, %parallel_loop3A_828 : i32
        %parallel_loop3A_830 = arith.index_cast %parallel_loop3A_829 : i32 to index
        %parallel_loop3A_831 = tpu.vector_load %arg7[%parallel_loop3A_830] {strides = array<i32>} : memref<32768xf32, #tpu.memory_space<vmem>>, vector<16xf32>,
        %parallel_loop3A_832 = vector.shape_cast %parallel_loop3A_831 : vector<16xf32> to vector<16xf32>
        %parallel_loop3A_833 = vector.broadcast %parallel_loop3A_797 : f32 to vector<16xf32>
        %parallel_loop3A_834 = arith.mulf %parallel_loop3A_833, %parallel_loop3A_832 : vector<16xf32>
        %parallel_loop3A_835 = arith.addf %parallel_loop3A_763, %parallel_loop3A_834 : vector<16xf32>
        %parallel_loop3A_836 = arith.constant 64 : i32
        %parallel_loop3A_837 = arith.addi %parallel_loop3A_803, %parallel_loop3A_836 : i32
        %parallel_loop3A_838 = arith.index_cast %parallel_loop3A_837 : i32 to index
        %parallel_loop3A_839 = tpu.vector_load %arg7[%parallel_loop3A_838] {strides = array<i32>} : memref<32768xf32, #tpu.memory_space<vmem>>, vector<16xf32>,
        %parallel_loop3A_840 = vector.shape_cast %parallel_loop3A_839 : vector<16xf32> to vector<16xf32>
        %parallel_loop3A_841 = vector.broadcast %parallel_loop3A_797 : f32 to vector<16xf32>
        %parallel_loop3A_842 = arith.mulf %parallel_loop3A_841, %parallel_loop3A_840 : vector<16xf32>
        %parallel_loop3A_843 = arith.addf %parallel_loop3A_771, %parallel_loop3A_842 : vector<16xf32>
        %parallel_loop3A_844 = arith.constant 80 : i32
        %parallel_loop3A_845 = arith.addi %parallel_loop3A_803, %parallel_loop3A_844 : i32
        %parallel_loop3A_846 = arith.index_cast %parallel_loop3A_845 : i32 to index
        %parallel_loop3A_847 = tpu.vector_load %arg7[%parallel_loop3A_846] {strides = array<i32>} : memref<32768xf32, #tpu.memory_space<vmem>>, vector<16xf32>,
        %parallel_loop3A_848 = vector.shape_cast %parallel_loop3A_847 : vector<16xf32> to vector<16xf32>
        %parallel_loop3A_849 = vector.broadcast %parallel_loop3A_797 : f32 to vector<16xf32>
        %parallel_loop3A_850 = arith.mulf %parallel_loop3A_849, %parallel_loop3A_848 : vector<16xf32>
        %parallel_loop3A_851 = arith.addf %parallel_loop3A_779, %parallel_loop3A_850 : vector<16xf32>
        %parallel_loop3A_852 = arith.constant 96 : i32
        %parallel_loop3A_853 = arith.addi %parallel_loop3A_803, %parallel_loop3A_852 : i32
        %parallel_loop3A_854 = arith.index_cast %parallel_loop3A_853 : i32 to index
        %parallel_loop3A_855 = tpu.vector_load %arg7[%parallel_loop3A_854] {strides = array<i32>} : memref<32768xf32, #tpu.memory_space<vmem>>, vector<16xf32>,
        %parallel_loop3A_856 = vector.shape_cast %parallel_loop3A_855 : vector<16xf32> to vector<16xf32>
        %parallel_loop3A_857 = vector.broadcast %parallel_loop3A_797 : f32 to vector<16xf32>
        %parallel_loop3A_858 = arith.mulf %parallel_loop3A_857, %parallel_loop3A_856 : vector<16xf32>
        %parallel_loop3A_859 = arith.addf %parallel_loop3A_787, %parallel_loop3A_858 : vector<16xf32>
        %parallel_loop3A_860 = arith.constant 112 : i32
        %parallel_loop3A_861 = arith.addi %parallel_loop3A_803, %parallel_loop3A_860 : i32
        %parallel_loop3A_862 = arith.index_cast %parallel_loop3A_861 : i32 to index
        %parallel_loop3A_863 = tpu.vector_load %arg7[%parallel_loop3A_862] {strides = array<i32>} : memref<32768xf32, #tpu.memory_space<vmem>>, vector<16xf32>,
        %parallel_loop3A_864 = vector.shape_cast %parallel_loop3A_863 : vector<16xf32> to vector<16xf32>
        %parallel_loop3A_865 = vector.broadcast %parallel_loop3A_797 : f32 to vector<16xf32>
        %parallel_loop3A_866 = arith.mulf %parallel_loop3A_865, %parallel_loop3A_864 : vector<16xf32>
        %parallel_loop3A_867 = arith.addf %parallel_loop3A_795, %parallel_loop3A_866 : vector<16xf32>
        %parallel_loop3A_868 = vector.extract_strided_slice %parallel_loop3A_147 {offsets = [10], sizes = [1], strides = [1]} : vector<16xf32> to vector<1xf32>
        %parallel_loop3A_869 = vector.extract %parallel_loop3A_868[0] : f32 from vector<1xf32>
        %parallel_loop3A_870 = arith.constant 16 : i32
        %parallel_loop3A_871 = arith.muli %parallel_loop3A_123, %parallel_loop3A_870 : i32
        %parallel_loop3A_872 = arith.constant 10 : i32
        %parallel_loop3A_873 = arith.addi %parallel_loop3A_871, %parallel_loop3A_872 : i32
        %parallel_loop3A_874 = arith.constant 128 : i32
        %parallel_loop3A_875 = arith.muli %parallel_loop3A_873, %parallel_loop3A_874 : i32
        %parallel_loop3A_876 = arith.constant 0 : i32
        %parallel_loop3A_877 = arith.addi %parallel_loop3A_875, %parallel_loop3A_876 : i32
        %parallel_loop3A_878 = arith.index_cast %parallel_loop3A_877 : i32 to index
        %parallel_loop3A_879 = tpu.vector_load %arg7[%parallel_loop3A_878] {strides = array<i32>} : memref<32768xf32, #tpu.memory_space<vmem>>, vector<16xf32>,
        %parallel_loop3A_880 = vector.shape_cast %parallel_loop3A_879 : vector<16xf32> to vector<16xf32>
        %parallel_loop3A_881 = vector.broadcast %parallel_loop3A_869 : f32 to vector<16xf32>
        %parallel_loop3A_882 = arith.mulf %parallel_loop3A_881, %parallel_loop3A_880 : vector<16xf32>
        %parallel_loop3A_883 = arith.addf %parallel_loop3A_811, %parallel_loop3A_882 : vector<16xf32>
        %parallel_loop3A_884 = arith.constant 16 : i32
        %parallel_loop3A_885 = arith.addi %parallel_loop3A_875, %parallel_loop3A_884 : i32
        %parallel_loop3A_886 = arith.index_cast %parallel_loop3A_885 : i32 to index
        %parallel_loop3A_887 = tpu.vector_load %arg7[%parallel_loop3A_886] {strides = array<i32>} : memref<32768xf32, #tpu.memory_space<vmem>>, vector<16xf32>,
        %parallel_loop3A_888 = vector.shape_cast %parallel_loop3A_887 : vector<16xf32> to vector<16xf32>
        %parallel_loop3A_889 = vector.broadcast %parallel_loop3A_869 : f32 to vector<16xf32>
        %parallel_loop3A_890 = arith.mulf %parallel_loop3A_889, %parallel_loop3A_888 : vector<16xf32>
        %parallel_loop3A_891 = arith.addf %parallel_loop3A_819, %parallel_loop3A_890 : vector<16xf32>
        %parallel_loop3A_892 = arith.constant 32 : i32
        %parallel_loop3A_893 = arith.addi %parallel_loop3A_875, %parallel_loop3A_892 : i32
        %parallel_loop3A_894 = arith.index_cast %parallel_loop3A_893 : i32 to index
        %parallel_loop3A_895 = tpu.vector_load %arg7[%parallel_loop3A_894] {strides = array<i32>} : memref<32768xf32, #tpu.memory_space<vmem>>, vector<16xf32>,
        %parallel_loop3A_896 = vector.shape_cast %parallel_loop3A_895 : vector<16xf32> to vector<16xf32>
        %parallel_loop3A_897 = vector.broadcast %parallel_loop3A_869 : f32 to vector<16xf32>
        %parallel_loop3A_898 = arith.mulf %parallel_loop3A_897, %parallel_loop3A_896 : vector<16xf32>
        %parallel_loop3A_899 = arith.addf %parallel_loop3A_827, %parallel_loop3A_898 : vector<16xf32>
        %parallel_loop3A_900 = arith.constant 48 : i32
        %parallel_loop3A_901 = arith.addi %parallel_loop3A_875, %parallel_loop3A_900 : i32
        %parallel_loop3A_902 = arith.index_cast %parallel_loop3A_901 : i32 to index
        %parallel_loop3A_903 = tpu.vector_load %arg7[%parallel_loop3A_902] {strides = array<i32>} : memref<32768xf32, #tpu.memory_space<vmem>>, vector<16xf32>,
        %parallel_loop3A_904 = vector.shape_cast %parallel_loop3A_903 : vector<16xf32> to vector<16xf32>
        %parallel_loop3A_905 = vector.broadcast %parallel_loop3A_869 : f32 to vector<16xf32>
        %parallel_loop3A_906 = arith.mulf %parallel_loop3A_905, %parallel_loop3A_904 : vector<16xf32>
        %parallel_loop3A_907 = arith.addf %parallel_loop3A_835, %parallel_loop3A_906 : vector<16xf32>
        %parallel_loop3A_908 = arith.constant 64 : i32
        %parallel_loop3A_909 = arith.addi %parallel_loop3A_875, %parallel_loop3A_908 : i32
        %parallel_loop3A_910 = arith.index_cast %parallel_loop3A_909 : i32 to index
        %parallel_loop3A_911 = tpu.vector_load %arg7[%parallel_loop3A_910] {strides = array<i32>} : memref<32768xf32, #tpu.memory_space<vmem>>, vector<16xf32>,
        %parallel_loop3A_912 = vector.shape_cast %parallel_loop3A_911 : vector<16xf32> to vector<16xf32>
        %parallel_loop3A_913 = vector.broadcast %parallel_loop3A_869 : f32 to vector<16xf32>
        %parallel_loop3A_914 = arith.mulf %parallel_loop3A_913, %parallel_loop3A_912 : vector<16xf32>
        %parallel_loop3A_915 = arith.addf %parallel_loop3A_843, %parallel_loop3A_914 : vector<16xf32>
        %parallel_loop3A_916 = arith.constant 80 : i32
        %parallel_loop3A_917 = arith.addi %parallel_loop3A_875, %parallel_loop3A_916 : i32
        %parallel_loop3A_918 = arith.index_cast %parallel_loop3A_917 : i32 to index
        %parallel_loop3A_919 = tpu.vector_load %arg7[%parallel_loop3A_918] {strides = array<i32>} : memref<32768xf32, #tpu.memory_space<vmem>>, vector<16xf32>,
        %parallel_loop3A_920 = vector.shape_cast %parallel_loop3A_919 : vector<16xf32> to vector<16xf32>
        %parallel_loop3A_921 = vector.broadcast %parallel_loop3A_869 : f32 to vector<16xf32>
        %parallel_loop3A_922 = arith.mulf %parallel_loop3A_921, %parallel_loop3A_920 : vector<16xf32>
        %parallel_loop3A_923 = arith.addf %parallel_loop3A_851, %parallel_loop3A_922 : vector<16xf32>
        %parallel_loop3A_924 = arith.constant 96 : i32
        %parallel_loop3A_925 = arith.addi %parallel_loop3A_875, %parallel_loop3A_924 : i32
        %parallel_loop3A_926 = arith.index_cast %parallel_loop3A_925 : i32 to index
        %parallel_loop3A_927 = tpu.vector_load %arg7[%parallel_loop3A_926] {strides = array<i32>} : memref<32768xf32, #tpu.memory_space<vmem>>, vector<16xf32>,
        %parallel_loop3A_928 = vector.shape_cast %parallel_loop3A_927 : vector<16xf32> to vector<16xf32>
        %parallel_loop3A_929 = vector.broadcast %parallel_loop3A_869 : f32 to vector<16xf32>
        %parallel_loop3A_930 = arith.mulf %parallel_loop3A_929, %parallel_loop3A_928 : vector<16xf32>
        %parallel_loop3A_931 = arith.addf %parallel_loop3A_859, %parallel_loop3A_930 : vector<16xf32>
        %parallel_loop3A_932 = arith.constant 112 : i32
        %parallel_loop3A_933 = arith.addi %parallel_loop3A_875, %parallel_loop3A_932 : i32
        %parallel_loop3A_934 = arith.index_cast %parallel_loop3A_933 : i32 to index
        %parallel_loop3A_935 = tpu.vector_load %arg7[%parallel_loop3A_934] {strides = array<i32>} : memref<32768xf32, #tpu.memory_space<vmem>>, vector<16xf32>,
        %parallel_loop3A_936 = vector.shape_cast %parallel_loop3A_935 : vector<16xf32> to vector<16xf32>
        %parallel_loop3A_937 = vector.broadcast %parallel_loop3A_869 : f32 to vector<16xf32>
        %parallel_loop3A_938 = arith.mulf %parallel_loop3A_937, %parallel_loop3A_936 : vector<16xf32>
        %parallel_loop3A_939 = arith.addf %parallel_loop3A_867, %parallel_loop3A_938 : vector<16xf32>
        %parallel_loop3A_940 = vector.extract_strided_slice %parallel_loop3A_147 {offsets = [11], sizes = [1], strides = [1]} : vector<16xf32> to vector<1xf32>
        %parallel_loop3A_941 = vector.extract %parallel_loop3A_940[0] : f32 from vector<1xf32>
        %parallel_loop3A_942 = arith.constant 16 : i32
        %parallel_loop3A_943 = arith.muli %parallel_loop3A_123, %parallel_loop3A_942 : i32
        %parallel_loop3A_944 = arith.constant 11 : i32
        %parallel_loop3A_945 = arith.addi %parallel_loop3A_943, %parallel_loop3A_944 : i32
        %parallel_loop3A_946 = arith.constant 128 : i32
        %parallel_loop3A_947 = arith.muli %parallel_loop3A_945, %parallel_loop3A_946 : i32
        %parallel_loop3A_948 = arith.constant 0 : i32
        %parallel_loop3A_949 = arith.addi %parallel_loop3A_947, %parallel_loop3A_948 : i32
        %parallel_loop3A_950 = arith.index_cast %parallel_loop3A_949 : i32 to index
        %parallel_loop3A_951 = tpu.vector_load %arg7[%parallel_loop3A_950] {strides = array<i32>} : memref<32768xf32, #tpu.memory_space<vmem>>, vector<16xf32>,
        %parallel_loop3A_952 = vector.shape_cast %parallel_loop3A_951 : vector<16xf32> to vector<16xf32>
        %parallel_loop3A_953 = vector.broadcast %parallel_loop3A_941 : f32 to vector<16xf32>
        %parallel_loop3A_954 = arith.mulf %parallel_loop3A_953, %parallel_loop3A_952 : vector<16xf32>
        %parallel_loop3A_955 = arith.addf %parallel_loop3A_883, %parallel_loop3A_954 : vector<16xf32>
        %parallel_loop3A_956 = arith.constant 16 : i32
        %parallel_loop3A_957 = arith.addi %parallel_loop3A_947, %parallel_loop3A_956 : i32
        %parallel_loop3A_958 = arith.index_cast %parallel_loop3A_957 : i32 to index
        %parallel_loop3A_959 = tpu.vector_load %arg7[%parallel_loop3A_958] {strides = array<i32>} : memref<32768xf32, #tpu.memory_space<vmem>>, vector<16xf32>,
        %parallel_loop3A_960 = vector.shape_cast %parallel_loop3A_959 : vector<16xf32> to vector<16xf32>
        %parallel_loop3A_961 = vector.broadcast %parallel_loop3A_941 : f32 to vector<16xf32>
        %parallel_loop3A_962 = arith.mulf %parallel_loop3A_961, %parallel_loop3A_960 : vector<16xf32>
        %parallel_loop3A_963 = arith.addf %parallel_loop3A_891, %parallel_loop3A_962 : vector<16xf32>
        %parallel_loop3A_964 = arith.constant 32 : i32
        %parallel_loop3A_965 = arith.addi %parallel_loop3A_947, %parallel_loop3A_964 : i32
        %parallel_loop3A_966 = arith.index_cast %parallel_loop3A_965 : i32 to index
        %parallel_loop3A_967 = tpu.vector_load %arg7[%parallel_loop3A_966] {strides = array<i32>} : memref<32768xf32, #tpu.memory_space<vmem>>, vector<16xf32>,
        %parallel_loop3A_968 = vector.shape_cast %parallel_loop3A_967 : vector<16xf32> to vector<16xf32>
        %parallel_loop3A_969 = vector.broadcast %parallel_loop3A_941 : f32 to vector<16xf32>
        %parallel_loop3A_970 = arith.mulf %parallel_loop3A_969, %parallel_loop3A_968 : vector<16xf32>
        %parallel_loop3A_971 = arith.addf %parallel_loop3A_899, %parallel_loop3A_970 : vector<16xf32>
        %parallel_loop3A_972 = arith.constant 48 : i32
        %parallel_loop3A_973 = arith.addi %parallel_loop3A_947, %parallel_loop3A_972 : i32
        %parallel_loop3A_974 = arith.index_cast %parallel_loop3A_973 : i32 to index
        %parallel_loop3A_975 = tpu.vector_load %arg7[%parallel_loop3A_974] {strides = array<i32>} : memref<32768xf32, #tpu.memory_space<vmem>>, vector<16xf32>,
        %parallel_loop3A_976 = vector.shape_cast %parallel_loop3A_975 : vector<16xf32> to vector<16xf32>
        %parallel_loop3A_977 = vector.broadcast %parallel_loop3A_941 : f32 to vector<16xf32>
        %parallel_loop3A_978 = arith.mulf %parallel_loop3A_977, %parallel_loop3A_976 : vector<16xf32>
        %parallel_loop3A_979 = arith.addf %parallel_loop3A_907, %parallel_loop3A_978 : vector<16xf32>
        %parallel_loop3A_980 = arith.constant 64 : i32
        %parallel_loop3A_981 = arith.addi %parallel_loop3A_947, %parallel_loop3A_980 : i32
        %parallel_loop3A_982 = arith.index_cast %parallel_loop3A_981 : i32 to index
        %parallel_loop3A_983 = tpu.vector_load %arg7[%parallel_loop3A_982] {strides = array<i32>} : memref<32768xf32, #tpu.memory_space<vmem>>, vector<16xf32>,
        %parallel_loop3A_984 = vector.shape_cast %parallel_loop3A_983 : vector<16xf32> to vector<16xf32>
        %parallel_loop3A_985 = vector.broadcast %parallel_loop3A_941 : f32 to vector<16xf32>
        %parallel_loop3A_986 = arith.mulf %parallel_loop3A_985, %parallel_loop3A_984 : vector<16xf32>
        %parallel_loop3A_987 = arith.addf %parallel_loop3A_915, %parallel_loop3A_986 : vector<16xf32>
        %parallel_loop3A_988 = arith.constant 80 : i32
        %parallel_loop3A_989 = arith.addi %parallel_loop3A_947, %parallel_loop3A_988 : i32
        %parallel_loop3A_990 = arith.index_cast %parallel_loop3A_989 : i32 to index
        %parallel_loop3A_991 = tpu.vector_load %arg7[%parallel_loop3A_990] {strides = array<i32>} : memref<32768xf32, #tpu.memory_space<vmem>>, vector<16xf32>,
        %parallel_loop3A_992 = vector.shape_cast %parallel_loop3A_991 : vector<16xf32> to vector<16xf32>
        %parallel_loop3A_993 = vector.broadcast %parallel_loop3A_941 : f32 to vector<16xf32>
        %parallel_loop3A_994 = arith.mulf %parallel_loop3A_993, %parallel_loop3A_992 : vector<16xf32>
        %parallel_loop3A_995 = arith.addf %parallel_loop3A_923, %parallel_loop3A_994 : vector<16xf32>
        %parallel_loop3A_996 = arith.constant 96 : i32
        %parallel_loop3A_997 = arith.addi %parallel_loop3A_947, %parallel_loop3A_996 : i32
        %parallel_loop3A_998 = arith.index_cast %parallel_loop3A_997 : i32 to index
        %parallel_loop3A_999 = tpu.vector_load %arg7[%parallel_loop3A_998] {strides = array<i32>} : memref<32768xf32, #tpu.memory_space<vmem>>, vector<16xf32>,
        %parallel_loop3A_1000 = vector.shape_cast %parallel_loop3A_999 : vector<16xf32> to vector<16xf32>
        %parallel_loop3A_1001 = vector.broadcast %parallel_loop3A_941 : f32 to vector<16xf32>
        %parallel_loop3A_1002 = arith.mulf %parallel_loop3A_1001, %parallel_loop3A_1000 : vector<16xf32>
        %parallel_loop3A_1003 = arith.addf %parallel_loop3A_931, %parallel_loop3A_1002 : vector<16xf32>
        %parallel_loop3A_1004 = arith.constant 112 : i32
        %parallel_loop3A_1005 = arith.addi %parallel_loop3A_947, %parallel_loop3A_1004 : i32
        %parallel_loop3A_1006 = arith.index_cast %parallel_loop3A_1005 : i32 to index
        %parallel_loop3A_1007 = tpu.vector_load %arg7[%parallel_loop3A_1006] {strides = array<i32>} : memref<32768xf32, #tpu.memory_space<vmem>>, vector<16xf32>,
        %parallel_loop3A_1008 = vector.shape_cast %parallel_loop3A_1007 : vector<16xf32> to vector<16xf32>
        %parallel_loop3A_1009 = vector.broadcast %parallel_loop3A_941 : f32 to vector<16xf32>
        %parallel_loop3A_1010 = arith.mulf %parallel_loop3A_1009, %parallel_loop3A_1008 : vector<16xf32>
        %parallel_loop3A_1011 = arith.addf %parallel_loop3A_939, %parallel_loop3A_1010 : vector<16xf32>
        %parallel_loop3A_1012 = vector.extract_strided_slice %parallel_loop3A_147 {offsets = [12], sizes = [1], strides = [1]} : vector<16xf32> to vector<1xf32>
        %parallel_loop3A_1013 = vector.extract %parallel_loop3A_1012[0] : f32 from vector<1xf32>
        %parallel_loop3A_1014 = arith.constant 16 : i32
        %parallel_loop3A_1015 = arith.muli %parallel_loop3A_123, %parallel_loop3A_1014 : i32
        %parallel_loop3A_1016 = arith.constant 12 : i32
        %parallel_loop3A_1017 = arith.addi %parallel_loop3A_1015, %parallel_loop3A_1016 : i32
        %parallel_loop3A_1018 = arith.constant 128 : i32
        %parallel_loop3A_1019 = arith.muli %parallel_loop3A_1017, %parallel_loop3A_1018 : i32
        %parallel_loop3A_1020 = arith.constant 0 : i32
        %parallel_loop3A_1021 = arith.addi %parallel_loop3A_1019, %parallel_loop3A_1020 : i32
        %parallel_loop3A_1022 = arith.index_cast %parallel_loop3A_1021 : i32 to index
        %parallel_loop3A_1023 = tpu.vector_load %arg7[%parallel_loop3A_1022] {strides = array<i32>} : memref<32768xf32, #tpu.memory_space<vmem>>, vector<16xf32>,
        %parallel_loop3A_1024 = vector.shape_cast %parallel_loop3A_1023 : vector<16xf32> to vector<16xf32>
        %parallel_loop3A_1025 = vector.broadcast %parallel_loop3A_1013 : f32 to vector<16xf32>
        %parallel_loop3A_1026 = arith.mulf %parallel_loop3A_1025, %parallel_loop3A_1024 : vector<16xf32>
        %parallel_loop3A_1027 = arith.addf %parallel_loop3A_955, %parallel_loop3A_1026 : vector<16xf32>
        %parallel_loop3A_1028 = arith.constant 16 : i32
        %parallel_loop3A_1029 = arith.addi %parallel_loop3A_1019, %parallel_loop3A_1028 : i32
        %parallel_loop3A_1030 = arith.index_cast %parallel_loop3A_1029 : i32 to index
        %parallel_loop3A_1031 = tpu.vector_load %arg7[%parallel_loop3A_1030] {strides = array<i32>} : memref<32768xf32, #tpu.memory_space<vmem>>, vector<16xf32>,
        %parallel_loop3A_1032 = vector.shape_cast %parallel_loop3A_1031 : vector<16xf32> to vector<16xf32>
        %parallel_loop3A_1033 = vector.broadcast %parallel_loop3A_1013 : f32 to vector<16xf32>
        %parallel_loop3A_1034 = arith.mulf %parallel_loop3A_1033, %parallel_loop3A_1032 : vector<16xf32>
        %parallel_loop3A_1035 = arith.addf %parallel_loop3A_963, %parallel_loop3A_1034 : vector<16xf32>
        %parallel_loop3A_1036 = arith.constant 32 : i32
        %parallel_loop3A_1037 = arith.addi %parallel_loop3A_1019, %parallel_loop3A_1036 : i32
        %parallel_loop3A_1038 = arith.index_cast %parallel_loop3A_1037 : i32 to index
        %parallel_loop3A_1039 = tpu.vector_load %arg7[%parallel_loop3A_1038] {strides = array<i32>} : memref<32768xf32, #tpu.memory_space<vmem>>, vector<16xf32>,
        %parallel_loop3A_1040 = vector.shape_cast %parallel_loop3A_1039 : vector<16xf32> to vector<16xf32>
        %parallel_loop3A_1041 = vector.broadcast %parallel_loop3A_1013 : f32 to vector<16xf32>
        %parallel_loop3A_1042 = arith.mulf %parallel_loop3A_1041, %parallel_loop3A_1040 : vector<16xf32>
        %parallel_loop3A_1043 = arith.addf %parallel_loop3A_971, %parallel_loop3A_1042 : vector<16xf32>
        %parallel_loop3A_1044 = arith.constant 48 : i32
        %parallel_loop3A_1045 = arith.addi %parallel_loop3A_1019, %parallel_loop3A_1044 : i32
        %parallel_loop3A_1046 = arith.index_cast %parallel_loop3A_1045 : i32 to index
        %parallel_loop3A_1047 = tpu.vector_load %arg7[%parallel_loop3A_1046] {strides = array<i32>} : memref<32768xf32, #tpu.memory_space<vmem>>, vector<16xf32>,
        %parallel_loop3A_1048 = vector.shape_cast %parallel_loop3A_1047 : vector<16xf32> to vector<16xf32>
        %parallel_loop3A_1049 = vector.broadcast %parallel_loop3A_1013 : f32 to vector<16xf32>
        %parallel_loop3A_1050 = arith.mulf %parallel_loop3A_1049, %parallel_loop3A_1048 : vector<16xf32>
        %parallel_loop3A_1051 = arith.addf %parallel_loop3A_979, %parallel_loop3A_1050 : vector<16xf32>
        %parallel_loop3A_1052 = arith.constant 64 : i32
        %parallel_loop3A_1053 = arith.addi %parallel_loop3A_1019, %parallel_loop3A_1052 : i32
        %parallel_loop3A_1054 = arith.index_cast %parallel_loop3A_1053 : i32 to index
        %parallel_loop3A_1055 = tpu.vector_load %arg7[%parallel_loop3A_1054] {strides = array<i32>} : memref<32768xf32, #tpu.memory_space<vmem>>, vector<16xf32>,
        %parallel_loop3A_1056 = vector.shape_cast %parallel_loop3A_1055 : vector<16xf32> to vector<16xf32>
        %parallel_loop3A_1057 = vector.broadcast %parallel_loop3A_1013 : f32 to vector<16xf32>
        %parallel_loop3A_1058 = arith.mulf %parallel_loop3A_1057, %parallel_loop3A_1056 : vector<16xf32>
        %parallel_loop3A_1059 = arith.addf %parallel_loop3A_987, %parallel_loop3A_1058 : vector<16xf32>
        %parallel_loop3A_1060 = arith.constant 80 : i32
        %parallel_loop3A_1061 = arith.addi %parallel_loop3A_1019, %parallel_loop3A_1060 : i32
        %parallel_loop3A_1062 = arith.index_cast %parallel_loop3A_1061 : i32 to index
        %parallel_loop3A_1063 = tpu.vector_load %arg7[%parallel_loop3A_1062] {strides = array<i32>} : memref<32768xf32, #tpu.memory_space<vmem>>, vector<16xf32>,
        %parallel_loop3A_1064 = vector.shape_cast %parallel_loop3A_1063 : vector<16xf32> to vector<16xf32>
        %parallel_loop3A_1065 = vector.broadcast %parallel_loop3A_1013 : f32 to vector<16xf32>
        %parallel_loop3A_1066 = arith.mulf %parallel_loop3A_1065, %parallel_loop3A_1064 : vector<16xf32>
        %parallel_loop3A_1067 = arith.addf %parallel_loop3A_995, %parallel_loop3A_1066 : vector<16xf32>
        %parallel_loop3A_1068 = arith.constant 96 : i32
        %parallel_loop3A_1069 = arith.addi %parallel_loop3A_1019, %parallel_loop3A_1068 : i32
        %parallel_loop3A_1070 = arith.index_cast %parallel_loop3A_1069 : i32 to index
        %parallel_loop3A_1071 = tpu.vector_load %arg7[%parallel_loop3A_1070] {strides = array<i32>} : memref<32768xf32, #tpu.memory_space<vmem>>, vector<16xf32>,
        %parallel_loop3A_1072 = vector.shape_cast %parallel_loop3A_1071 : vector<16xf32> to vector<16xf32>
        %parallel_loop3A_1073 = vector.broadcast %parallel_loop3A_1013 : f32 to vector<16xf32>
        %parallel_loop3A_1074 = arith.mulf %parallel_loop3A_1073, %parallel_loop3A_1072 : vector<16xf32>
        %parallel_loop3A_1075 = arith.addf %parallel_loop3A_1003, %parallel_loop3A_1074 : vector<16xf32>
        %parallel_loop3A_1076 = arith.constant 112 : i32
        %parallel_loop3A_1077 = arith.addi %parallel_loop3A_1019, %parallel_loop3A_1076 : i32
        %parallel_loop3A_1078 = arith.index_cast %parallel_loop3A_1077 : i32 to index
        %parallel_loop3A_1079 = tpu.vector_load %arg7[%parallel_loop3A_1078] {strides = array<i32>} : memref<32768xf32, #tpu.memory_space<vmem>>, vector<16xf32>,
        %parallel_loop3A_1080 = vector.shape_cast %parallel_loop3A_1079 : vector<16xf32> to vector<16xf32>
        %parallel_loop3A_1081 = vector.broadcast %parallel_loop3A_1013 : f32 to vector<16xf32>
        %parallel_loop3A_1082 = arith.mulf %parallel_loop3A_1081, %parallel_loop3A_1080 : vector<16xf32>
        %parallel_loop3A_1083 = arith.addf %parallel_loop3A_1011, %parallel_loop3A_1082 : vector<16xf32>
        %parallel_loop3A_1084 = vector.extract_strided_slice %parallel_loop3A_147 {offsets = [13], sizes = [1], strides = [1]} : vector<16xf32> to vector<1xf32>
        %parallel_loop3A_1085 = vector.extract %parallel_loop3A_1084[0] : f32 from vector<1xf32>
        %parallel_loop3A_1086 = arith.constant 16 : i32
        %parallel_loop3A_1087 = arith.muli %parallel_loop3A_123, %parallel_loop3A_1086 : i32
        %parallel_loop3A_1088 = arith.constant 13 : i32
        %parallel_loop3A_1089 = arith.addi %parallel_loop3A_1087, %parallel_loop3A_1088 : i32
        %parallel_loop3A_1090 = arith.constant 128 : i32
        %parallel_loop3A_1091 = arith.muli %parallel_loop3A_1089, %parallel_loop3A_1090 : i32
        %parallel_loop3A_1092 = arith.constant 0 : i32
        %parallel_loop3A_1093 = arith.addi %parallel_loop3A_1091, %parallel_loop3A_1092 : i32
        %parallel_loop3A_1094 = arith.index_cast %parallel_loop3A_1093 : i32 to index
        %parallel_loop3A_1095 = tpu.vector_load %arg7[%parallel_loop3A_1094] {strides = array<i32>} : memref<32768xf32, #tpu.memory_space<vmem>>, vector<16xf32>,
        %parallel_loop3A_1096 = vector.shape_cast %parallel_loop3A_1095 : vector<16xf32> to vector<16xf32>
        %parallel_loop3A_1097 = vector.broadcast %parallel_loop3A_1085 : f32 to vector<16xf32>
        %parallel_loop3A_1098 = arith.mulf %parallel_loop3A_1097, %parallel_loop3A_1096 : vector<16xf32>
        %parallel_loop3A_1099 = arith.addf %parallel_loop3A_1027, %parallel_loop3A_1098 : vector<16xf32>
        %parallel_loop3A_1100 = arith.constant 16 : i32
        %parallel_loop3A_1101 = arith.addi %parallel_loop3A_1091, %parallel_loop3A_1100 : i32
        %parallel_loop3A_1102 = arith.index_cast %parallel_loop3A_1101 : i32 to index
        %parallel_loop3A_1103 = tpu.vector_load %arg7[%parallel_loop3A_1102] {strides = array<i32>} : memref<32768xf32, #tpu.memory_space<vmem>>, vector<16xf32>,
        %parallel_loop3A_1104 = vector.shape_cast %parallel_loop3A_1103 : vector<16xf32> to vector<16xf32>
        %parallel_loop3A_1105 = vector.broadcast %parallel_loop3A_1085 : f32 to vector<16xf32>
        %parallel_loop3A_1106 = arith.mulf %parallel_loop3A_1105, %parallel_loop3A_1104 : vector<16xf32>
        %parallel_loop3A_1107 = arith.addf %parallel_loop3A_1035, %parallel_loop3A_1106 : vector<16xf32>
        %parallel_loop3A_1108 = arith.constant 32 : i32
        %parallel_loop3A_1109 = arith.addi %parallel_loop3A_1091, %parallel_loop3A_1108 : i32
        %parallel_loop3A_1110 = arith.index_cast %parallel_loop3A_1109 : i32 to index
        %parallel_loop3A_1111 = tpu.vector_load %arg7[%parallel_loop3A_1110] {strides = array<i32>} : memref<32768xf32, #tpu.memory_space<vmem>>, vector<16xf32>,
        %parallel_loop3A_1112 = vector.shape_cast %parallel_loop3A_1111 : vector<16xf32> to vector<16xf32>
        %parallel_loop3A_1113 = vector.broadcast %parallel_loop3A_1085 : f32 to vector<16xf32>
        %parallel_loop3A_1114 = arith.mulf %parallel_loop3A_1113, %parallel_loop3A_1112 : vector<16xf32>
        %parallel_loop3A_1115 = arith.addf %parallel_loop3A_1043, %parallel_loop3A_1114 : vector<16xf32>
        %parallel_loop3A_1116 = arith.constant 48 : i32
        %parallel_loop3A_1117 = arith.addi %parallel_loop3A_1091, %parallel_loop3A_1116 : i32
        %parallel_loop3A_1118 = arith.index_cast %parallel_loop3A_1117 : i32 to index
        %parallel_loop3A_1119 = tpu.vector_load %arg7[%parallel_loop3A_1118] {strides = array<i32>} : memref<32768xf32, #tpu.memory_space<vmem>>, vector<16xf32>,
        %parallel_loop3A_1120 = vector.shape_cast %parallel_loop3A_1119 : vector<16xf32> to vector<16xf32>
        %parallel_loop3A_1121 = vector.broadcast %parallel_loop3A_1085 : f32 to vector<16xf32>
        %parallel_loop3A_1122 = arith.mulf %parallel_loop3A_1121, %parallel_loop3A_1120 : vector<16xf32>
        %parallel_loop3A_1123 = arith.addf %parallel_loop3A_1051, %parallel_loop3A_1122 : vector<16xf32>
        %parallel_loop3A_1124 = arith.constant 64 : i32
        %parallel_loop3A_1125 = arith.addi %parallel_loop3A_1091, %parallel_loop3A_1124 : i32
        %parallel_loop3A_1126 = arith.index_cast %parallel_loop3A_1125 : i32 to index
        %parallel_loop3A_1127 = tpu.vector_load %arg7[%parallel_loop3A_1126] {strides = array<i32>} : memref<32768xf32, #tpu.memory_space<vmem>>, vector<16xf32>,
        %parallel_loop3A_1128 = vector.shape_cast %parallel_loop3A_1127 : vector<16xf32> to vector<16xf32>
        %parallel_loop3A_1129 = vector.broadcast %parallel_loop3A_1085 : f32 to vector<16xf32>
        %parallel_loop3A_1130 = arith.mulf %parallel_loop3A_1129, %parallel_loop3A_1128 : vector<16xf32>
        %parallel_loop3A_1131 = arith.addf %parallel_loop3A_1059, %parallel_loop3A_1130 : vector<16xf32>
        %parallel_loop3A_1132 = arith.constant 80 : i32
        %parallel_loop3A_1133 = arith.addi %parallel_loop3A_1091, %parallel_loop3A_1132 : i32
        %parallel_loop3A_1134 = arith.index_cast %parallel_loop3A_1133 : i32 to index
        %parallel_loop3A_1135 = tpu.vector_load %arg7[%parallel_loop3A_1134] {strides = array<i32>} : memref<32768xf32, #tpu.memory_space<vmem>>, vector<16xf32>,
        %parallel_loop3A_1136 = vector.shape_cast %parallel_loop3A_1135 : vector<16xf32> to vector<16xf32>
        %parallel_loop3A_1137 = vector.broadcast %parallel_loop3A_1085 : f32 to vector<16xf32>
        %parallel_loop3A_1138 = arith.mulf %parallel_loop3A_1137, %parallel_loop3A_1136 : vector<16xf32>
        %parallel_loop3A_1139 = arith.addf %parallel_loop3A_1067, %parallel_loop3A_1138 : vector<16xf32>
        %parallel_loop3A_1140 = arith.constant 96 : i32
        %parallel_loop3A_1141 = arith.addi %parallel_loop3A_1091, %parallel_loop3A_1140 : i32
        %parallel_loop3A_1142 = arith.index_cast %parallel_loop3A_1141 : i32 to index
        %parallel_loop3A_1143 = tpu.vector_load %arg7[%parallel_loop3A_1142] {strides = array<i32>} : memref<32768xf32, #tpu.memory_space<vmem>>, vector<16xf32>,
        %parallel_loop3A_1144 = vector.shape_cast %parallel_loop3A_1143 : vector<16xf32> to vector<16xf32>
        %parallel_loop3A_1145 = vector.broadcast %parallel_loop3A_1085 : f32 to vector<16xf32>
        %parallel_loop3A_1146 = arith.mulf %parallel_loop3A_1145, %parallel_loop3A_1144 : vector<16xf32>
        %parallel_loop3A_1147 = arith.addf %parallel_loop3A_1075, %parallel_loop3A_1146 : vector<16xf32>
        %parallel_loop3A_1148 = arith.constant 112 : i32
        %parallel_loop3A_1149 = arith.addi %parallel_loop3A_1091, %parallel_loop3A_1148 : i32
        %parallel_loop3A_1150 = arith.index_cast %parallel_loop3A_1149 : i32 to index
        %parallel_loop3A_1151 = tpu.vector_load %arg7[%parallel_loop3A_1150] {strides = array<i32>} : memref<32768xf32, #tpu.memory_space<vmem>>, vector<16xf32>,
        %parallel_loop3A_1152 = vector.shape_cast %parallel_loop3A_1151 : vector<16xf32> to vector<16xf32>
        %parallel_loop3A_1153 = vector.broadcast %parallel_loop3A_1085 : f32 to vector<16xf32>
        %parallel_loop3A_1154 = arith.mulf %parallel_loop3A_1153, %parallel_loop3A_1152 : vector<16xf32>
        %parallel_loop3A_1155 = arith.addf %parallel_loop3A_1083, %parallel_loop3A_1154 : vector<16xf32>
        %parallel_loop3A_1156 = vector.extract_strided_slice %parallel_loop3A_147 {offsets = [14], sizes = [1], strides = [1]} : vector<16xf32> to vector<1xf32>
        %parallel_loop3A_1157 = vector.extract %parallel_loop3A_1156[0] : f32 from vector<1xf32>
        %parallel_loop3A_1158 = arith.constant 16 : i32
        %parallel_loop3A_1159 = arith.muli %parallel_loop3A_123, %parallel_loop3A_1158 : i32
        %parallel_loop3A_1160 = arith.constant 14 : i32
        %parallel_loop3A_1161 = arith.addi %parallel_loop3A_1159, %parallel_loop3A_1160 : i32
        %parallel_loop3A_1162 = arith.constant 128 : i32
        %parallel_loop3A_1163 = arith.muli %parallel_loop3A_1161, %parallel_loop3A_1162 : i32
        %parallel_loop3A_1164 = arith.constant 0 : i32
        %parallel_loop3A_1165 = arith.addi %parallel_loop3A_1163, %parallel_loop3A_1164 : i32
        %parallel_loop3A_1166 = arith.index_cast %parallel_loop3A_1165 : i32 to index
        %parallel_loop3A_1167 = tpu.vector_load %arg7[%parallel_loop3A_1166] {strides = array<i32>} : memref<32768xf32, #tpu.memory_space<vmem>>, vector<16xf32>,
        %parallel_loop3A_1168 = vector.shape_cast %parallel_loop3A_1167 : vector<16xf32> to vector<16xf32>
        %parallel_loop3A_1169 = vector.broadcast %parallel_loop3A_1157 : f32 to vector<16xf32>
        %parallel_loop3A_1170 = arith.mulf %parallel_loop3A_1169, %parallel_loop3A_1168 : vector<16xf32>
        %parallel_loop3A_1171 = arith.addf %parallel_loop3A_1099, %parallel_loop3A_1170 : vector<16xf32>
        %parallel_loop3A_1172 = arith.constant 16 : i32
        %parallel_loop3A_1173 = arith.addi %parallel_loop3A_1163, %parallel_loop3A_1172 : i32
        %parallel_loop3A_1174 = arith.index_cast %parallel_loop3A_1173 : i32 to index
        %parallel_loop3A_1175 = tpu.vector_load %arg7[%parallel_loop3A_1174] {strides = array<i32>} : memref<32768xf32, #tpu.memory_space<vmem>>, vector<16xf32>,
        %parallel_loop3A_1176 = vector.shape_cast %parallel_loop3A_1175 : vector<16xf32> to vector<16xf32>
        %parallel_loop3A_1177 = vector.broadcast %parallel_loop3A_1157 : f32 to vector<16xf32>
        %parallel_loop3A_1178 = arith.mulf %parallel_loop3A_1177, %parallel_loop3A_1176 : vector<16xf32>
        %parallel_loop3A_1179 = arith.addf %parallel_loop3A_1107, %parallel_loop3A_1178 : vector<16xf32>
        %parallel_loop3A_1180 = arith.constant 32 : i32
        %parallel_loop3A_1181 = arith.addi %parallel_loop3A_1163, %parallel_loop3A_1180 : i32
        %parallel_loop3A_1182 = arith.index_cast %parallel_loop3A_1181 : i32 to index
        %parallel_loop3A_1183 = tpu.vector_load %arg7[%parallel_loop3A_1182] {strides = array<i32>} : memref<32768xf32, #tpu.memory_space<vmem>>, vector<16xf32>,
        %parallel_loop3A_1184 = vector.shape_cast %parallel_loop3A_1183 : vector<16xf32> to vector<16xf32>
        %parallel_loop3A_1185 = vector.broadcast %parallel_loop3A_1157 : f32 to vector<16xf32>
        %parallel_loop3A_1186 = arith.mulf %parallel_loop3A_1185, %parallel_loop3A_1184 : vector<16xf32>
        %parallel_loop3A_1187 = arith.addf %parallel_loop3A_1115, %parallel_loop3A_1186 : vector<16xf32>
        %parallel_loop3A_1188 = arith.constant 48 : i32
        %parallel_loop3A_1189 = arith.addi %parallel_loop3A_1163, %parallel_loop3A_1188 : i32
        %parallel_loop3A_1190 = arith.index_cast %parallel_loop3A_1189 : i32 to index
        %parallel_loop3A_1191 = tpu.vector_load %arg7[%parallel_loop3A_1190] {strides = array<i32>} : memref<32768xf32, #tpu.memory_space<vmem>>, vector<16xf32>,
        %parallel_loop3A_1192 = vector.shape_cast %parallel_loop3A_1191 : vector<16xf32> to vector<16xf32>
        %parallel_loop3A_1193 = vector.broadcast %parallel_loop3A_1157 : f32 to vector<16xf32>
        %parallel_loop3A_1194 = arith.mulf %parallel_loop3A_1193, %parallel_loop3A_1192 : vector<16xf32>
        %parallel_loop3A_1195 = arith.addf %parallel_loop3A_1123, %parallel_loop3A_1194 : vector<16xf32>
        %parallel_loop3A_1196 = arith.constant 64 : i32
        %parallel_loop3A_1197 = arith.addi %parallel_loop3A_1163, %parallel_loop3A_1196 : i32
        %parallel_loop3A_1198 = arith.index_cast %parallel_loop3A_1197 : i32 to index
        %parallel_loop3A_1199 = tpu.vector_load %arg7[%parallel_loop3A_1198] {strides = array<i32>} : memref<32768xf32, #tpu.memory_space<vmem>>, vector<16xf32>,
        %parallel_loop3A_1200 = vector.shape_cast %parallel_loop3A_1199 : vector<16xf32> to vector<16xf32>
        %parallel_loop3A_1201 = vector.broadcast %parallel_loop3A_1157 : f32 to vector<16xf32>
        %parallel_loop3A_1202 = arith.mulf %parallel_loop3A_1201, %parallel_loop3A_1200 : vector<16xf32>
        %parallel_loop3A_1203 = arith.addf %parallel_loop3A_1131, %parallel_loop3A_1202 : vector<16xf32>
        %parallel_loop3A_1204 = arith.constant 80 : i32
        %parallel_loop3A_1205 = arith.addi %parallel_loop3A_1163, %parallel_loop3A_1204 : i32
        %parallel_loop3A_1206 = arith.index_cast %parallel_loop3A_1205 : i32 to index
        %parallel_loop3A_1207 = tpu.vector_load %arg7[%parallel_loop3A_1206] {strides = array<i32>} : memref<32768xf32, #tpu.memory_space<vmem>>, vector<16xf32>,
        %parallel_loop3A_1208 = vector.shape_cast %parallel_loop3A_1207 : vector<16xf32> to vector<16xf32>
        %parallel_loop3A_1209 = vector.broadcast %parallel_loop3A_1157 : f32 to vector<16xf32>
        %parallel_loop3A_1210 = arith.mulf %parallel_loop3A_1209, %parallel_loop3A_1208 : vector<16xf32>
        %parallel_loop3A_1211 = arith.addf %parallel_loop3A_1139, %parallel_loop3A_1210 : vector<16xf32>
        %parallel_loop3A_1212 = arith.constant 96 : i32
        %parallel_loop3A_1213 = arith.addi %parallel_loop3A_1163, %parallel_loop3A_1212 : i32
        %parallel_loop3A_1214 = arith.index_cast %parallel_loop3A_1213 : i32 to index
        %parallel_loop3A_1215 = tpu.vector_load %arg7[%parallel_loop3A_1214] {strides = array<i32>} : memref<32768xf32, #tpu.memory_space<vmem>>, vector<16xf32>,
        %parallel_loop3A_1216 = vector.shape_cast %parallel_loop3A_1215 : vector<16xf32> to vector<16xf32>
        %parallel_loop3A_1217 = vector.broadcast %parallel_loop3A_1157 : f32 to vector<16xf32>
        %parallel_loop3A_1218 = arith.mulf %parallel_loop3A_1217, %parallel_loop3A_1216 : vector<16xf32>
        %parallel_loop3A_1219 = arith.addf %parallel_loop3A_1147, %parallel_loop3A_1218 : vector<16xf32>
        %parallel_loop3A_1220 = arith.constant 112 : i32
        %parallel_loop3A_1221 = arith.addi %parallel_loop3A_1163, %parallel_loop3A_1220 : i32
        %parallel_loop3A_1222 = arith.index_cast %parallel_loop3A_1221 : i32 to index
        %parallel_loop3A_1223 = tpu.vector_load %arg7[%parallel_loop3A_1222] {strides = array<i32>} : memref<32768xf32, #tpu.memory_space<vmem>>, vector<16xf32>,
        %parallel_loop3A_1224 = vector.shape_cast %parallel_loop3A_1223 : vector<16xf32> to vector<16xf32>
        %parallel_loop3A_1225 = vector.broadcast %parallel_loop3A_1157 : f32 to vector<16xf32>
        %parallel_loop3A_1226 = arith.mulf %parallel_loop3A_1225, %parallel_loop3A_1224 : vector<16xf32>
        %parallel_loop3A_1227 = arith.addf %parallel_loop3A_1155, %parallel_loop3A_1226 : vector<16xf32>
        %parallel_loop3A_1228 = vector.extract_strided_slice %parallel_loop3A_147 {offsets = [15], sizes = [1], strides = [1]} : vector<16xf32> to vector<1xf32>
        %parallel_loop3A_1229 = vector.extract %parallel_loop3A_1228[0] : f32 from vector<1xf32>
        %parallel_loop3A_1230 = arith.constant 16 : i32
        %parallel_loop3A_1231 = arith.muli %parallel_loop3A_123, %parallel_loop3A_1230 : i32
        %parallel_loop3A_1232 = arith.constant 15 : i32
        %parallel_loop3A_1233 = arith.addi %parallel_loop3A_1231, %parallel_loop3A_1232 : i32
        %parallel_loop3A_1234 = arith.constant 128 : i32
        %parallel_loop3A_1235 = arith.muli %parallel_loop3A_1233, %parallel_loop3A_1234 : i32
        %parallel_loop3A_1236 = arith.constant 0 : i32
        %parallel_loop3A_1237 = arith.addi %parallel_loop3A_1235, %parallel_loop3A_1236 : i32
        %parallel_loop3A_1238 = arith.index_cast %parallel_loop3A_1237 : i32 to index
        %parallel_loop3A_1239 = tpu.vector_load %arg7[%parallel_loop3A_1238] {strides = array<i32>} : memref<32768xf32, #tpu.memory_space<vmem>>, vector<16xf32>,
        %parallel_loop3A_1240 = vector.shape_cast %parallel_loop3A_1239 : vector<16xf32> to vector<16xf32>
        %parallel_loop3A_1241 = vector.broadcast %parallel_loop3A_1229 : f32 to vector<16xf32>
        %parallel_loop3A_1242 = arith.mulf %parallel_loop3A_1241, %parallel_loop3A_1240 : vector<16xf32>
        %parallel_loop3A_1243 = arith.addf %parallel_loop3A_1171, %parallel_loop3A_1242 : vector<16xf32>
        %parallel_loop3A_1244 = arith.constant 16 : i32
        %parallel_loop3A_1245 = arith.addi %parallel_loop3A_1235, %parallel_loop3A_1244 : i32
        %parallel_loop3A_1246 = arith.index_cast %parallel_loop3A_1245 : i32 to index
        %parallel_loop3A_1247 = tpu.vector_load %arg7[%parallel_loop3A_1246] {strides = array<i32>} : memref<32768xf32, #tpu.memory_space<vmem>>, vector<16xf32>,
        %parallel_loop3A_1248 = vector.shape_cast %parallel_loop3A_1247 : vector<16xf32> to vector<16xf32>
        %parallel_loop3A_1249 = vector.broadcast %parallel_loop3A_1229 : f32 to vector<16xf32>
        %parallel_loop3A_1250 = arith.mulf %parallel_loop3A_1249, %parallel_loop3A_1248 : vector<16xf32>
        %parallel_loop3A_1251 = arith.addf %parallel_loop3A_1179, %parallel_loop3A_1250 : vector<16xf32>
        %parallel_loop3A_1252 = arith.constant 32 : i32
        %parallel_loop3A_1253 = arith.addi %parallel_loop3A_1235, %parallel_loop3A_1252 : i32
        %parallel_loop3A_1254 = arith.index_cast %parallel_loop3A_1253 : i32 to index
        %parallel_loop3A_1255 = tpu.vector_load %arg7[%parallel_loop3A_1254] {strides = array<i32>} : memref<32768xf32, #tpu.memory_space<vmem>>, vector<16xf32>,
        %parallel_loop3A_1256 = vector.shape_cast %parallel_loop3A_1255 : vector<16xf32> to vector<16xf32>
        %parallel_loop3A_1257 = vector.broadcast %parallel_loop3A_1229 : f32 to vector<16xf32>
        %parallel_loop3A_1258 = arith.mulf %parallel_loop3A_1257, %parallel_loop3A_1256 : vector<16xf32>
        %parallel_loop3A_1259 = arith.addf %parallel_loop3A_1187, %parallel_loop3A_1258 : vector<16xf32>
        %parallel_loop3A_1260 = arith.constant 48 : i32
        %parallel_loop3A_1261 = arith.addi %parallel_loop3A_1235, %parallel_loop3A_1260 : i32
        %parallel_loop3A_1262 = arith.index_cast %parallel_loop3A_1261 : i32 to index
        %parallel_loop3A_1263 = tpu.vector_load %arg7[%parallel_loop3A_1262] {strides = array<i32>} : memref<32768xf32, #tpu.memory_space<vmem>>, vector<16xf32>,
        %parallel_loop3A_1264 = vector.shape_cast %parallel_loop3A_1263 : vector<16xf32> to vector<16xf32>
        %parallel_loop3A_1265 = vector.broadcast %parallel_loop3A_1229 : f32 to vector<16xf32>
        %parallel_loop3A_1266 = arith.mulf %parallel_loop3A_1265, %parallel_loop3A_1264 : vector<16xf32>
        %parallel_loop3A_1267 = arith.addf %parallel_loop3A_1195, %parallel_loop3A_1266 : vector<16xf32>
        %parallel_loop3A_1268 = arith.constant 64 : i32
        %parallel_loop3A_1269 = arith.addi %parallel_loop3A_1235, %parallel_loop3A_1268 : i32
        %parallel_loop3A_1270 = arith.index_cast %parallel_loop3A_1269 : i32 to index
        %parallel_loop3A_1271 = tpu.vector_load %arg7[%parallel_loop3A_1270] {strides = array<i32>} : memref<32768xf32, #tpu.memory_space<vmem>>, vector<16xf32>,
        %parallel_loop3A_1272 = vector.shape_cast %parallel_loop3A_1271 : vector<16xf32> to vector<16xf32>
        %parallel_loop3A_1273 = vector.broadcast %parallel_loop3A_1229 : f32 to vector<16xf32>
        %parallel_loop3A_1274 = arith.mulf %parallel_loop3A_1273, %parallel_loop3A_1272 : vector<16xf32>
        %parallel_loop3A_1275 = arith.addf %parallel_loop3A_1203, %parallel_loop3A_1274 : vector<16xf32>
        %parallel_loop3A_1276 = arith.constant 80 : i32
        %parallel_loop3A_1277 = arith.addi %parallel_loop3A_1235, %parallel_loop3A_1276 : i32
        %parallel_loop3A_1278 = arith.index_cast %parallel_loop3A_1277 : i32 to index
        %parallel_loop3A_1279 = tpu.vector_load %arg7[%parallel_loop3A_1278] {strides = array<i32>} : memref<32768xf32, #tpu.memory_space<vmem>>, vector<16xf32>,
        %parallel_loop3A_1280 = vector.shape_cast %parallel_loop3A_1279 : vector<16xf32> to vector<16xf32>
        %parallel_loop3A_1281 = vector.broadcast %parallel_loop3A_1229 : f32 to vector<16xf32>
        %parallel_loop3A_1282 = arith.mulf %parallel_loop3A_1281, %parallel_loop3A_1280 : vector<16xf32>
        %parallel_loop3A_1283 = arith.addf %parallel_loop3A_1211, %parallel_loop3A_1282 : vector<16xf32>
        %parallel_loop3A_1284 = arith.constant 96 : i32
        %parallel_loop3A_1285 = arith.addi %parallel_loop3A_1235, %parallel_loop3A_1284 : i32
        %parallel_loop3A_1286 = arith.index_cast %parallel_loop3A_1285 : i32 to index
        %parallel_loop3A_1287 = tpu.vector_load %arg7[%parallel_loop3A_1286] {strides = array<i32>} : memref<32768xf32, #tpu.memory_space<vmem>>, vector<16xf32>,
        %parallel_loop3A_1288 = vector.shape_cast %parallel_loop3A_1287 : vector<16xf32> to vector<16xf32>
        %parallel_loop3A_1289 = vector.broadcast %parallel_loop3A_1229 : f32 to vector<16xf32>
        %parallel_loop3A_1290 = arith.mulf %parallel_loop3A_1289, %parallel_loop3A_1288 : vector<16xf32>
        %parallel_loop3A_1291 = arith.addf %parallel_loop3A_1219, %parallel_loop3A_1290 : vector<16xf32>
        %parallel_loop3A_1292 = arith.constant 112 : i32
        %parallel_loop3A_1293 = arith.addi %parallel_loop3A_1235, %parallel_loop3A_1292 : i32
        %parallel_loop3A_1294 = arith.index_cast %parallel_loop3A_1293 : i32 to index
        %parallel_loop3A_1295 = tpu.vector_load %arg7[%parallel_loop3A_1294] {strides = array<i32>} : memref<32768xf32, #tpu.memory_space<vmem>>, vector<16xf32>,
        %parallel_loop3A_1296 = vector.shape_cast %parallel_loop3A_1295 : vector<16xf32> to vector<16xf32>
        %parallel_loop3A_1297 = vector.broadcast %parallel_loop3A_1229 : f32 to vector<16xf32>
        %parallel_loop3A_1298 = arith.mulf %parallel_loop3A_1297, %parallel_loop3A_1296 : vector<16xf32>
        %parallel_loop3A_1299 = arith.addf %parallel_loop3A_1227, %parallel_loop3A_1298 : vector<16xf32>
        scf.yield %parallel_loop3A_667, %parallel_loop3A_675, %parallel_loop3A_683, %parallel_loop3A_691, %parallel_loop3A_699, %parallel_loop3A_707, %parallel_loop3A_715, %parallel_loop3A_723, %parallel_loop3A_1243, %parallel_loop3A_1251, %parallel_loop3A_1259, %parallel_loop3A_1267, %parallel_loop3A_1275, %parallel_loop3A_1283, %parallel_loop3A_1291, %parallel_loop3A_1299 : vector<16xf32>, vector<16xf32>, vector<16xf32>, vector<16xf32>, vector<16xf32>, vector<16xf32>, vector<16xf32>, vector<16xf32>, vector<16xf32>, vector<16xf32>, vector<16xf32>, vector<16xf32>, vector<16xf32>, vector<16xf32>, vector<16xf32>, vector<16xf32>
      } {sc.loop_unroll_factor = 2 : i64, sc.parallel_access}
      %add3A_116 = arith.constant 2 : i32
      %add3A_117 = arith.addi %add3A_107, %add3A_116 : i32
      %lt3A_118 = arith.constant 16 : i32
      %lt3A_119 = arith.cmpi slt, %add3A_117, %lt3A_118 : i32
      %convert_element_type3A_120 = arith.extui %lt3A_119 : i1 to i32
      %cond3A_121 = arith.constant 0 : i32
      %cond3A_122 = arith.cmpi ne, %convert_element_type3A_120, %cond3A_121 : i32
      scf.if %cond3A_122 {
        %add3A_123 = arith.constant 2 : i32
        %add3A_124 = arith.addi %add3A_107, %add3A_123 : i32
        %mul3A_125 = arith.constant 256 : i32
        %mul3A_126 = arith.muli %add3A_124, %mul3A_125 : i32
        %add3A_127 = arith.addi %mul3A_2, %mul3A_126 : i32
        %mul3A_128 = arith.constant 128 : i32
        %mul3A_129 = arith.muli %add3A_127, %mul3A_128 : i32
        %dma_start3A_130 = tpu.memref_slice %arg3[%mul3A_129] : memref<33554432xf32, #tpu.memory_space<hbm>> -> memref<32768xf32, #tpu.memory_space<hbm>>
        %dma_start3A_131 = tpu.memref_slice %arg3[%mul3A_129] : memref<33554432xf32, #tpu.memory_space<hbm>> -> memref<32768xf32, #tpu.memory_space<hbm>>
        tpu.enqueue_dma source(%dma_start3A_131 : memref<32768xf32, #tpu.memory_space<hbm>>) target(%arg7 : memref<32768xf32, #tpu.memory_space<vmem>>) target_semaphore(%arg10 : memref<!tpu.dma_semaphore, #tpu.memory_space<semaphore_mem>>)
      } else {
      }
      scf.yield %parallel_loop3A_115#0, %parallel_loop3A_115#1, %parallel_loop3A_115#2, %parallel_loop3A_115#3, %parallel_loop3A_115#4, %parallel_loop3A_115#5, %parallel_loop3A_115#6, %parallel_loop3A_115#7, %parallel_loop3A_115#8, %parallel_loop3A_115#9, %parallel_loop3A_115#10, %parallel_loop3A_115#11, %parallel_loop3A_115#12, %parallel_loop3A_115#13, %parallel_loop3A_115#14, %parallel_loop3A_115#15 : vector<16xf32>, vector<16xf32>, vector<16xf32>, vector<16xf32>, vector<16xf32>, vector<16xf32>, vector<16xf32>, vector<16xf32>, vector<16xf32>, vector<16xf32>, vector<16xf32>, vector<16xf32>, vector<16xf32>, vector<16xf32>, vector<16xf32>, vector<16xf32>
    }
    %scan3A_33 = arith.constant 8 : i32
    %add3A_34 = arith.addf %scan3A_32#0, %scan3A_32#8 : vector<16xf32>
    %swap3A = arith.constant 0 : index
    %swap3A_35 = tpu.vector_load %arg8[%swap3A] {strides = array<i32>} : memref<128xf32, #tpu.memory_space<vmem>>, vector<16xf32>,
    %swap3A_36 = vector.shape_cast %swap3A_35 : vector<16xf32> to vector<16xf32>
    %swap3A_37 = vector.shape_cast %add3A_34 : vector<16xf32> to vector<16xf32>
    tpu.vector_store %arg8[%swap3A], %swap3A_37 {strides = array<i32>} : memref<128xf32, #tpu.memory_space<vmem>>, vector<16xf32>,
    %add3A_38 = arith.addf %scan3A_32#1, %scan3A_32#9 : vector<16xf32>
    %swap3A_39 = arith.constant 16 : index
    %swap3A_40 = tpu.vector_load %arg8[%swap3A_39] {strides = array<i32>} : memref<128xf32, #tpu.memory_space<vmem>>, vector<16xf32>,
    %swap3A_41 = vector.shape_cast %swap3A_40 : vector<16xf32> to vector<16xf32>
    %swap3A_42 = vector.shape_cast %add3A_38 : vector<16xf32> to vector<16xf32>
    tpu.vector_store %arg8[%swap3A_39], %swap3A_42 {strides = array<i32>} : memref<128xf32, #tpu.memory_space<vmem>>, vector<16xf32>,
    %add3A_43 = arith.addf %scan3A_32#2, %scan3A_32#10 : vector<16xf32>
    %swap3A_44 = arith.constant 32 : index
    %swap3A_45 = tpu.vector_load %arg8[%swap3A_44] {strides = array<i32>} : memref<128xf32, #tpu.memory_space<vmem>>, vector<16xf32>,
    %swap3A_46 = vector.shape_cast %swap3A_45 : vector<16xf32> to vector<16xf32>
    %swap3A_47 = vector.shape_cast %add3A_43 : vector<16xf32> to vector<16xf32>
    tpu.vector_store %arg8[%swap3A_44], %swap3A_47 {strides = array<i32>} : memref<128xf32, #tpu.memory_space<vmem>>, vector<16xf32>,
    %add3A_48 = arith.addf %scan3A_32#3, %scan3A_32#11 : vector<16xf32>
    %swap3A_49 = arith.constant 48 : index
    %swap3A_50 = tpu.vector_load %arg8[%swap3A_49] {strides = array<i32>} : memref<128xf32, #tpu.memory_space<vmem>>, vector<16xf32>,
    %swap3A_51 = vector.shape_cast %swap3A_50 : vector<16xf32> to vector<16xf32>
    %swap3A_52 = vector.shape_cast %add3A_48 : vector<16xf32> to vector<16xf32>
    tpu.vector_store %arg8[%swap3A_49], %swap3A_52 {strides = array<i32>} : memref<128xf32, #tpu.memory_space<vmem>>, vector<16xf32>,
    %add3A_53 = arith.addf %scan3A_32#4, %scan3A_32#12 : vector<16xf32>
    %swap3A_54 = arith.constant 64 : index
    %swap3A_55 = tpu.vector_load %arg8[%swap3A_54] {strides = array<i32>} : memref<128xf32, #tpu.memory_space<vmem>>, vector<16xf32>,
    %swap3A_56 = vector.shape_cast %swap3A_55 : vector<16xf32> to vector<16xf32>
    %swap3A_57 = vector.shape_cast %add3A_53 : vector<16xf32> to vector<16xf32>
    tpu.vector_store %arg8[%swap3A_54], %swap3A_57 {strides = array<i32>} : memref<128xf32, #tpu.memory_space<vmem>>, vector<16xf32>,
    %add3A_58 = arith.addf %scan3A_32#5, %scan3A_32#13 : vector<16xf32>
    %swap3A_59 = arith.constant 80 : index
    %swap3A_60 = tpu.vector_load %arg8[%swap3A_59] {strides = array<i32>} : memref<128xf32, #tpu.memory_space<vmem>>, vector<16xf32>,
    %swap3A_61 = vector.shape_cast %swap3A_60 : vector<16xf32> to vector<16xf32>
    %swap3A_62 = vector.shape_cast %add3A_58 : vector<16xf32> to vector<16xf32>
    tpu.vector_store %arg8[%swap3A_59], %swap3A_62 {strides = array<i32>} : memref<128xf32, #tpu.memory_space<vmem>>, vector<16xf32>,
    %add3A_63 = arith.addf %scan3A_32#6, %scan3A_32#14 : vector<16xf32>
    %swap3A_64 = arith.constant 96 : index
    %swap3A_65 = tpu.vector_load %arg8[%swap3A_64] {strides = array<i32>} : memref<128xf32, #tpu.memory_space<vmem>>, vector<16xf32>,
    %swap3A_66 = vector.shape_cast %swap3A_65 : vector<16xf32> to vector<16xf32>
    %swap3A_67 = vector.shape_cast %add3A_63 : vector<16xf32> to vector<16xf32>
    tpu.vector_store %arg8[%swap3A_64], %swap3A_67 {strides = array<i32>} : memref<128xf32, #tpu.memory_space<vmem>>, vector<16xf32>,
    %add3A_68 = arith.addf %scan3A_32#7, %scan3A_32#15 : vector<16xf32>
    %swap3A_69 = arith.constant 112 : index
    %swap3A_70 = tpu.vector_load %arg8[%swap3A_69] {strides = array<i32>} : memref<128xf32, #tpu.memory_space<vmem>>, vector<16xf32>,
    %swap3A_71 = vector.shape_cast %swap3A_70 : vector<16xf32> to vector<16xf32>
    %swap3A_72 = vector.shape_cast %add3A_68 : vector<16xf32> to vector<16xf32>
    tpu.vector_store %arg8[%swap3A_69], %swap3A_72 {strides = array<i32>} : memref<128xf32, #tpu.memory_space<vmem>>, vector<16xf32>,
    "tpu.region"() ({
      %run_scoped3A = tpu.sem_alloc : memref<!tpu.dma_semaphore, #tpu.memory_space<semaphore_mem>>
      %dma_start3A_73 = arith.constant 0 : i32
      %dma_start3A_74 = tpu.memref_slice %arg4[%add3A, %dma_start3A_73] : memref<32x128xf32, #tpu.memory_space<hbm>> -> memref<1x128xf32, #tpu.memory_space<hbm>>
      %dma_start3A_75 = tpu.memref_squeeze %dma_start3A_74 : memref<1x128xf32, #tpu.memory_space<hbm>> -> memref<128xf32, #tpu.memory_space<hbm>>
      %dma_start3A_76 = arith.constant 0 : i32
      %dma_start3A_77 = tpu.memref_slice %arg4[%add3A, %dma_start3A_76] : memref<32x128xf32, #tpu.memory_space<hbm>> -> memref<1x128xf32, #tpu.memory_space<hbm>>
      %dma_start3A_78 = tpu.memref_squeeze %dma_start3A_77 : memref<1x128xf32, #tpu.memory_space<hbm>> -> memref<128xf32, #tpu.memory_space<hbm>>
      tpu.enqueue_dma source(%arg8 : memref<128xf32, #tpu.memory_space<vmem>>) target(%dma_start3A_78 : memref<128xf32, #tpu.memory_space<hbm>>) target_semaphore(%run_scoped3A : memref<!tpu.dma_semaphore, #tpu.memory_space<semaphore_mem>>)
      %dma_wait3A = arith.constant 0 : i32
      %dma_wait3A_79 = tpu.memref_slice %arg4[%add3A, %dma_wait3A] : memref<32x128xf32, #tpu.memory_space<hbm>> -> memref<1x128xf32, #tpu.memory_space<hbm>>
      %dma_wait3A_80 = tpu.memref_squeeze %dma_wait3A_79 : memref<1x128xf32, #tpu.memory_space<hbm>> -> memref<128xf32, #tpu.memory_space<hbm>>
      %dma_wait3A_81 = arith.constant 0 : i32
      %dma_wait3A_82 = tpu.memref_slice %arg4[%add3A, %dma_wait3A_81] : memref<32x128xf32, #tpu.memory_space<hbm>> -> memref<1x128xf32, #tpu.memory_space<hbm>>
      %dma_wait3A_83 = tpu.memref_squeeze %dma_wait3A_82 : memref<1x128xf32, #tpu.memory_space<hbm>> -> memref<128xf32, #tpu.memory_space<hbm>>
      tpu.wait_dma2 semaphore(%run_scoped3A : memref<!tpu.dma_semaphore, #tpu.memory_space<semaphore_mem>>) src(%arg8 : memref<128xf32, #tpu.memory_space<vmem>>) dst(%dma_wait3A_83 : memref<128xf32, #tpu.memory_space<hbm>>)
      tpu.yield
    }) : () -> ()
    return
  }
}

module attributes {stable_mosaic.version = 14 : i64} {
  func.func @_tc_gemv_kernel(%arg0: i32, %arg1: memref<16x16384xf32, #tpu.memory_space<vmem>>, %arg2: memref<1x4096x128xf32, #tpu.memory_space<vmem>>, %arg3: memref<1x128xf32, #tpu.memory_space<vmem>>) attributes {dimension_semantics = [#tpu.dimension_semantics<arbitrary>], iteration_bounds = array<i64: 32>, scalar_prefetch = 0 : i64, scratch_operands = 0 : i64, tpu.core_type = #tpu.core_type<tc>, window_params = [{pipeline_mode = #tpu.pipeline_mode<synchronous>, transform_indices = @transform_0, window_bounds = array<i64: 16, 16384>}, {transform_indices = @transform_1, window_bounds = array<i64: 1, 4096, 128>}, {pipeline_mode = #tpu.pipeline_mode<synchronous>, transform_indices = @transform_2, window_bounds = array<i64: 1, 128>}]} {
    %eq3A = arith.constant 0 : i32
    %eq3A_0 = arith.cmpi eq, %arg0, %eq3A : i32
    %convert_element_type3A = arith.extui %eq3A_0 : i1 to i32
    %cond3A = arith.constant 0 : i32
    %cond3A_1 = arith.cmpi ne, %convert_element_type3A, %cond3A : i32
    scf.if %cond3A_1 {
      %broadcast_in_dim3A = arith.constant 0.000000e+00 : f32
      %broadcast_in_dim3A_37 = vector.broadcast %broadcast_in_dim3A : f32 to vector<1x128xf32>
      %swap3A_38 = arith.constant 0 : index
      %swap3A_39 = arith.constant 0 : index
      %swap3A_40 = vector.load %arg3[%swap3A_38, %swap3A_39] : memref<1x128xf32, #tpu.memory_space<vmem>>, vector<1x128xf32>
      tpu.vector_store %arg3[%swap3A_38, %swap3A_39], %broadcast_in_dim3A_37 {strides = array<i32>} : memref<1x128xf32, #tpu.memory_space<vmem>>, vector<1x128xf32>,
    } else {
    }
    %mul3A = arith.constant 4096 : i32
    %mul3A_2 = arith.muli %arg0, %mul3A : i32
    %add3A = arith.constant 131072 : i32
    %add3A_3 = arith.addi %add3A, %mul3A_2 : i32
    %jit3A = arith.constant 16384 : i32
    %div3A = arith.divsi %add3A_3, %jit3A : i32
    %sign3A = arith.constant 0 : i32
    %sign3A_4 = arith.cmpi sgt, %add3A_3, %sign3A : i32
    %sign3A_5 = arith.extui %sign3A_4 : i1 to i32
    %sign3A_6 = arith.constant 0 : i32
    %sign3A_7 = arith.cmpi slt, %add3A_3, %sign3A_6 : i32
    %sign3A_8 = arith.extui %sign3A_7 : i1 to i32
    %sign3A_9 = arith.subi %sign3A_5, %sign3A_8 : i32
    %sign3A_10 = arith.constant 0 : i32
    %sign3A_11 = arith.cmpi sgt, %jit3A, %sign3A_10 : i32
    %sign3A_12 = arith.extui %sign3A_11 : i1 to i32
    %sign3A_13 = arith.constant 0 : i32
    %sign3A_14 = arith.cmpi slt, %jit3A, %sign3A_13 : i32
    %sign3A_15 = arith.extui %sign3A_14 : i1 to i32
    %sign3A_16 = arith.subi %sign3A_12, %sign3A_15 : i32
    %ne3A = arith.cmpi ne, %sign3A_9, %sign3A_16 : i32
    %rem3A = arith.remsi %add3A_3, %jit3A : i32
    %ne3A_17 = arith.constant 0 : i32
    %ne3A_18 = arith.cmpi ne, %rem3A, %ne3A_17 : i32
    %and3A = arith.andi %ne3A, %ne3A_18 : i1
    %sub3A = arith.constant 1 : i32
    %sub3A_19 = arith.subi %div3A, %sub3A : i32
    %select_n3A = arith.select %and3A, %sub3A_19, %div3A : i32
    %mul3A_20 = arith.constant 16384 : i32
    %mul3A_21 = arith.muli %select_n3A, %mul3A_20 : i32
    %sub3A_22 = arith.subi %add3A_3, %mul3A_21 : i32
    %get3A = arith.index_cast %select_n3A : i32 to index
    %get3A_23 = arith.index_cast %sub3A_22 : i32 to index
    %get3A_24 = vector.load %arg1[%get3A, %get3A_23] : memref<16x16384xf32, #tpu.memory_space<vmem>>, vector<1x4096xf32>
    %get3A_25 = arith.constant 0 : index
    %get3A_26 = arith.constant 0 : index
    %get3A_27 = vector.load %arg3[%get3A_25, %get3A_26] : memref<1x128xf32, #tpu.memory_space<vmem>>, vector<1x128xf32>
    %get3A_28 = arith.constant 0 : index
    %get3A_29 = arith.constant 0 : index
    %get3A_30 = arith.constant 0 : index
    %get3A_31 = vector.load %arg2[%get3A_28, %get3A_29, %get3A_30] : memref<1x4096x128xf32, #tpu.memory_space<vmem>>, vector<1x4096x128xf32>
    %get3A_32 = vector.shape_cast %get3A_31 : vector<1x4096x128xf32> to vector<4096x128xf32>
    %dot_general3A = arith.constant dense<0.000000e+00> : vector<1x128xf32>
    %dot_general3A_33 = tpu.matmul %get3A_24, %get3A_32, %dot_general3A {dimension_numbers = #tpu.dot_dimension_numbers<[1], [0], [0], [1], [0, 0, 1, 1], [], []>, transpose_lhs_hint = false} : vector<1x4096xf32>, vector<4096x128xf32>, vector<1x128xf32> -> vector<1x128xf32>
    %add3A_34 = arith.addf %get3A_27, %dot_general3A_33 : vector<1x128xf32>
    %swap3A = arith.constant 0 : index
    %swap3A_35 = arith.constant 0 : index
    %swap3A_36 = vector.load %arg3[%swap3A, %swap3A_35] : memref<1x128xf32, #tpu.memory_space<vmem>>, vector<1x128xf32>
    tpu.vector_store %arg3[%swap3A, %swap3A_35], %add3A_34 {strides = array<i32>} : memref<1x128xf32, #tpu.memory_space<vmem>>, vector<1x128xf32>,
    return
  }
  func.func @transform_0(%arg0: i32) -> (i32, i32) {
    %c0_i32 = arith.constant 0 : i32
    %c0_i32_0 = arith.constant 0 : i32
    %c0_i32_1 = arith.constant 0 : i32
    return %c0_i32, %c0_i32_0 : i32, i32
  }
  func.func @transform_1(%arg0: i32) -> (i32, i32, i32) {
    %add3A = arith.constant 32 : i32
    %add3A_0 = arith.addi %add3A, %arg0 : i32
    %c0_i32 = arith.constant 0 : i32
    %c0_i32_1 = arith.constant 0 : i32
    %c0_i32_2 = arith.constant 0 : i32
    return %add3A_0, %c0_i32, %c0_i32_1 : i32, i32, i32
  }
  func.func @transform_2(%arg0: i32) -> (i32, i32) {
    %c0_i32 = arith.constant 0 : i32
    %c0_i32_0 = arith.constant 0 : i32
    %c0_i32_1 = arith.constant 0 : i32
    return %c0_i32, %c0_i32_0 : i32, i32
  }
}

module attributes {stable_mosaic.version = 14 : i64} {
  func.func @_head_kernel(%arg0: i32, %arg1: memref<16x16384xf32, #tpu.memory_space<vmem>>, %arg2: memref<1x128xf32, #tpu.memory_space<vmem>>, %arg3: memref<32x128xf32, #tpu.memory_space<vmem>>, %arg4: memref<64x256xf32, #tpu.memory_space<vmem>>, %arg5: memref<1x128xf32, #tpu.memory_space<vmem>>, %arg6: memref<128x256xf32, #tpu.memory_space<vmem>>, %arg7: memref<1x256xf32, #tpu.memory_space<vmem>>, %arg8: memref<1x256xf32, #tpu.memory_space<vmem>>, %arg9: memref<1x16384xf32, #tpu.memory_space<vmem>>, %arg10: memref<1x16384xf32, #tpu.memory_space<vmem>>, %arg11: memref<1x16384xf32, #tpu.memory_space<vmem>>) attributes {dimension_semantics = [#tpu.dimension_semantics<arbitrary>], iteration_bounds = array<i64: 1>, scalar_prefetch = 0 : i64, scratch_operands = 0 : i64, tpu.core_type = #tpu.core_type<tc>, window_params = [{pipeline_mode = #tpu.pipeline_mode<synchronous>, transform_indices = @transform_0, window_bounds = array<i64: 16, 16384>}, {pipeline_mode = #tpu.pipeline_mode<synchronous>, transform_indices = @transform_1, window_bounds = array<i64: 1, 128>}, {pipeline_mode = #tpu.pipeline_mode<synchronous>, transform_indices = @transform_2, window_bounds = array<i64: 32, 128>}, {pipeline_mode = #tpu.pipeline_mode<synchronous>, transform_indices = @transform_3, window_bounds = array<i64: 64, 256>}, {pipeline_mode = #tpu.pipeline_mode<synchronous>, transform_indices = @transform_4, window_bounds = array<i64: 1, 128>}, {pipeline_mode = #tpu.pipeline_mode<synchronous>, transform_indices = @transform_5, window_bounds = array<i64: 128, 256>}, {pipeline_mode = #tpu.pipeline_mode<synchronous>, transform_indices = @transform_6, window_bounds = array<i64: 1, 256>}, {pipeline_mode = #tpu.pipeline_mode<synchronous>, transform_indices = @transform_7, window_bounds = array<i64: 1, 256>}, {pipeline_mode = #tpu.pipeline_mode<synchronous>, transform_indices = @transform_8, window_bounds = array<i64: 1, 16384>}, {pipeline_mode = #tpu.pipeline_mode<synchronous>, transform_indices = @transform_9, window_bounds = array<i64: 1, 16384>}, {pipeline_mode = #tpu.pipeline_mode<synchronous>, transform_indices = @transform_10, window_bounds = array<i64: 1, 16384>}]} {
    %get3A = arith.constant 0 : index
    %get3A_0 = arith.constant 0 : index
    %get3A_1 = vector.load %arg2[%get3A, %get3A_0] : memref<1x128xf32, #tpu.memory_space<vmem>>, vector<1x128xf32>
    %get3A_2 = arith.constant 0 : index
    %get3A_3 = arith.constant 0 : index
    %get3A_4 = vector.load %arg3[%get3A_2, %get3A_3] : memref<32x128xf32, #tpu.memory_space<vmem>>, vector<32x128xf32>
    %reduce_sum3A = arith.constant dense<0.000000e+00> : vector<128xf32>
    %reduce_sum3A_5 = vector.multi_reduction <add>, %get3A_4, %reduce_sum3A [0] : vector<32x128xf32> to vector<128xf32>
    %broadcast_in_dim3A = vector.shape_cast %reduce_sum3A_5 : vector<128xf32> to vector<1x128xf32>
    %add3A = arith.addf %get3A_1, %broadcast_in_dim3A : vector<1x128xf32>
    %get3A_6 = arith.constant 0 : index
    %get3A_7 = arith.constant 0 : index
    %get3A_8 = vector.load %arg5[%get3A_6, %get3A_7] : memref<1x128xf32, #tpu.memory_space<vmem>>, vector<1x128xf32>
    %add3A_9 = arith.addf %add3A, %get3A_8 : vector<1x128xf32>
    %tanh3A = math.tanh %add3A_9 : vector<1x128xf32>
    %get3A_10 = arith.constant 0 : index
    %get3A_11 = arith.constant 0 : index
    %get3A_12 = vector.load %arg6[%get3A_10, %get3A_11] : memref<128x256xf32, #tpu.memory_space<vmem>>, vector<128x256xf32>
    %dot_general3A = arith.constant dense<0.000000e+00> : vector<1x256xf32>
    %dot_general3A_13 = tpu.matmul %tanh3A, %get3A_12, %dot_general3A {dimension_numbers = #tpu.dot_dimension_numbers<[1], [0], [0], [1], [0, 0, 1, 1], [], []>, transpose_lhs_hint = false} : vector<1x128xf32>, vector<128x256xf32>, vector<1x256xf32> -> vector<1x256xf32>
    %get3A_14 = arith.constant 0 : index
    %get3A_15 = arith.constant 0 : index
    %get3A_16 = vector.load %arg7[%get3A_14, %get3A_15] : memref<1x256xf32, #tpu.memory_space<vmem>>, vector<1x256xf32>
    %add3A_17 = arith.addf %dot_general3A_13, %get3A_16 : vector<1x256xf32>
    %logistic3A = arith.negf %add3A_17 : vector<1x256xf32>
    %logistic3A_18 = math.exp %logistic3A : vector<1x256xf32>
    %logistic3A_19 = arith.constant 1.000000e+00 : f32
    %logistic3A_20 = vector.broadcast %logistic3A_19 : f32 to vector<1x256xf32>
    %logistic3A_21 = arith.addf %logistic3A_20, %logistic3A_18 : vector<1x256xf32>
    %logistic3A_22 = arith.divf %logistic3A_20, %logistic3A_21 : vector<1x256xf32>
    %get3A_23 = arith.constant 0 : index
    %get3A_24 = arith.constant 0 : index
    %get3A_25 = vector.load %arg8[%get3A_23, %get3A_24] : memref<1x256xf32, #tpu.memory_space<vmem>>, vector<1x256xf32>
    %lt3A = arith.cmpf olt, %get3A_25, %logistic3A_22 : vector<1x256xf32>
    %convert_element_type3A = arith.extui %lt3A : vector<1x256xi1> to vector<1x256xi32>
    %convert_element_type3A_26 = arith.sitofp %convert_element_type3A : vector<1x256xi32> to vector<1x256xf32>
    %iota3A = tpu.iota {dimensions = array<i32: 0>} : vector<256x16xi32>
    %iota3A_27 = tpu.iota {dimensions = array<i32: 1>} : vector<256x16xi32>
    %rem3A = arith.constant 16 : i32
    %rem3A_28 = vector.broadcast %rem3A : i32 to vector<256x16xi32>
    %rem3A_29 = arith.remsi %iota3A, %rem3A_28 : vector<256x16xi32>
    %eq3A = arith.cmpi eq, %rem3A_29, %iota3A_27 : vector<256x16xi32>
    %convert_element_type3A_30 = arith.extui %eq3A : vector<256x16xi1> to vector<256x16xi32>
    %convert_element_type3A_31 = arith.sitofp %convert_element_type3A_30 : vector<256x16xi32> to vector<256x16xf32>
    %dot_general3A_32 = arith.constant dense<0.000000e+00> : vector<1x16xf32>
    %dot_general3A_33 = tpu.matmul %convert_element_type3A_26, %convert_element_type3A_31, %dot_general3A_32 {dimension_numbers = #tpu.dot_dimension_numbers<[1], [0], [0], [1], [0, 0, 1, 1], [], []>, transpose_lhs_hint = false} : vector<1x256xf32>, vector<256x16xf32>, vector<1x16xf32> -> vector<1x16xf32>
    %mul3A = arith.constant 3.000000e+00 : f32
    %mul3A_34 = vector.broadcast %mul3A : f32 to vector<1x16xf32>
    %mul3A_35 = arith.mulf %mul3A_34, %dot_general3A_33 : vector<1x16xf32>
    %get3A_36 = arith.constant 0 : index
    %get3A_37 = arith.constant 0 : index
    %get3A_38 = vector.load %arg1[%get3A_36, %get3A_37] : memref<16x16384xf32, #tpu.memory_space<vmem>>, vector<16x16384xf32>
    %dot_general3A_39 = arith.constant dense<0.000000e+00> : vector<1x16384xf32>
    %dot_general3A_40 = tpu.matmul %mul3A_35, %get3A_38, %dot_general3A_39 {dimension_numbers = #tpu.dot_dimension_numbers<[1], [0], [0], [1], [0, 0, 1, 1], [], []>, transpose_lhs_hint = false} : vector<1x16xf32>, vector<16x16384xf32>, vector<1x16384xf32> -> vector<1x16384xf32>
    %get3A_41 = arith.constant 0 : index
    %get3A_42 = arith.constant 0 : index
    %get3A_43 = vector.load %arg4[%get3A_41, %get3A_42] : memref<64x256xf32, #tpu.memory_space<vmem>>, vector<64x256xf32>
    %reduce_sum3A_44 = vector.shape_cast %get3A_43 : vector<64x256xf32> to vector<1x64x256xf32>
    %reduce_sum3A_45 = arith.constant dense<0.000000e+00> : vector<1xf32>
    %reduce_sum3A_46 = vector.multi_reduction <add>, %reduce_sum3A_44, %reduce_sum3A_45 [1, 2] : vector<1x64x256xf32> to vector<1xf32>
    %reduce_sum3A_47 = vector.shape_cast %reduce_sum3A_46 : vector<1xf32> to vector<1x1x1xf32>
    %reduce_sum3A_48 = vector.extract %reduce_sum3A_47[0, 0, 0] : f32 from vector<1x1x1xf32>
    %div3A = arith.constant 1.638400e+04 : f32
    %div3A_49 = arith.divf %reduce_sum3A_48, %div3A : f32
    %add3A_50 = arith.constant 2.000000e-02 : f32
    %add3A_51 = arith.addf %div3A_49, %add3A_50 : f32
    %jit3A = arith.constant 0.000000e+00 : f32
    %jit3A_52 = arith.constant 1.000000e+00 : f32
    %max3A = arith.maximumf %jit3A, %add3A_51 : f32
    %min3A = arith.minimumf %jit3A_52, %max3A : f32
    %get3A_53 = arith.constant 0 : index
    %get3A_54 = arith.constant 0 : index
    %get3A_55 = vector.load %arg9[%get3A_53, %get3A_54] : memref<1x16384xf32, #tpu.memory_space<vmem>>, vector<1x16384xf32>
    %lt3A_56 = vector.broadcast %min3A : f32 to vector<1x16384xf32>
    %lt3A_57 = arith.cmpf olt, %get3A_55, %lt3A_56 : vector<1x16384xf32>
    %convert_element_type3A_58 = arith.extui %lt3A_57 : vector<1x16384xi1> to vector<1x16384xi32>
    %convert_element_type3A_59 = arith.sitofp %convert_element_type3A_58 : vector<1x16384xi32> to vector<1x16384xf32>
    %mul3A_60 = arith.constant 5.000000e-01 : f32
    %mul3A_61 = vector.broadcast %mul3A_60 : f32 to vector<1x16384xf32>
    %mul3A_62 = arith.mulf %dot_general3A_40, %mul3A_61 : vector<1x16384xf32>
    %mul3A_63 = arith.constant 1.500000e+00 : f32
    %mul3A_64 = vector.broadcast %mul3A_63 : f32 to vector<1x16384xf32>
    %mul3A_65 = arith.mulf %convert_element_type3A_59, %mul3A_64 : vector<1x16384xf32>
    %add3A_66 = arith.addf %mul3A_62, %mul3A_65 : vector<1x16384xf32>
    %reduce_sum3A_67 = vector.shape_cast %add3A_66 : vector<1x16384xf32> to vector<1x1x16384xf32>
    %reduce_sum3A_68 = arith.constant dense<0.000000e+00> : vector<1xf32>
    %reduce_sum3A_69 = vector.multi_reduction <add>, %reduce_sum3A_67, %reduce_sum3A_68 [1, 2] : vector<1x1x16384xf32> to vector<1xf32>
    %reduce_sum3A_70 = vector.shape_cast %reduce_sum3A_69 : vector<1xf32> to vector<1x1x1xf32>
    %reduce_sum3A_71 = vector.extract %reduce_sum3A_70[0, 0, 0] : f32 from vector<1x1x1xf32>
    %div3A_72 = arith.constant 1.638400e+04 : f32
    %div3A_73 = arith.divf %reduce_sum3A_71, %div3A_72 : f32
    %mul3A_74 = arith.constant 1.000000e+01 : f32
    %mul3A_75 = arith.mulf %div3A_49, %mul3A_74 : f32
    %add3A_76 = arith.constant 2.000000e-01 : f32
    %add3A_77 = arith.addf %mul3A_75, %add3A_76 : f32
    %lt3A_78 = arith.constant 2.000000e-01 : f32
    %lt3A_79 = arith.cmpf olt, %div3A_73, %lt3A_78 : f32
    %sub3A = arith.subf %add3A_77, %div3A_73 : f32
    %max3A_80 = arith.constant 0.000000e+00 : f32
    %max3A_81 = arith.maximumf %max3A_80, %sub3A : f32
    %jit3A_82 = arith.constant 0.000000e+00 : f32
    %select_n3A = arith.select %lt3A_79, %max3A_81, %jit3A_82 : f32
    %get3A_83 = arith.constant 0 : index
    %get3A_84 = arith.constant 0 : index
    %get3A_85 = vector.load %arg10[%get3A_83, %get3A_84] : memref<1x16384xf32, #tpu.memory_space<vmem>>, vector<1x16384xf32>
    %mul3A_86 = vector.broadcast %select_n3A : f32 to vector<1x16384xf32>
    %mul3A_87 = arith.mulf %get3A_85, %mul3A_86 : vector<1x16384xf32>
    %mul3A_88 = arith.constant 2.000000e+00 : f32
    %mul3A_89 = vector.broadcast %mul3A_88 : f32 to vector<1x16384xf32>
    %mul3A_90 = arith.mulf %mul3A_87, %mul3A_89 : vector<1x16384xf32>
    %add3A_91 = arith.addf %add3A_66, %mul3A_90 : vector<1x16384xf32>
    %swap3A = arith.constant 0 : index
    %swap3A_92 = arith.constant 0 : index
    %swap3A_93 = vector.load %arg11[%swap3A, %swap3A_92] : memref<1x16384xf32, #tpu.memory_space<vmem>>, vector<1x16384xf32>
    tpu.vector_store %arg11[%swap3A, %swap3A_92], %add3A_91 {strides = array<i32>} : memref<1x16384xf32, #tpu.memory_space<vmem>>, vector<1x16384xf32>,
    return
  }
  func.func @transform_0(%arg0: i32) -> (i32, i32) {
    %c0_i32 = arith.constant 0 : i32
    %c0_i32_0 = arith.constant 0 : i32
    %c0_i32_1 = arith.constant 0 : i32
    return %c0_i32, %c0_i32_0 : i32, i32
  }
  func.func @transform_1(%arg0: i32) -> (i32, i32) {
    %c0_i32 = arith.constant 0 : i32
    %c0_i32_0 = arith.constant 0 : i32
    %c0_i32_1 = arith.constant 0 : i32
    return %c0_i32, %c0_i32_0 : i32, i32
  }
  func.func @transform_2(%arg0: i32) -> (i32, i32) {
    %c0_i32 = arith.constant 0 : i32
    %c0_i32_0 = arith.constant 0 : i32
    %c0_i32_1 = arith.constant 0 : i32
    return %c0_i32, %c0_i32_0 : i32, i32
  }
  func.func @transform_3(%arg0: i32) -> (i32, i32) {
    %c0_i32 = arith.constant 0 : i32
    %c0_i32_0 = arith.constant 0 : i32
    %c0_i32_1 = arith.constant 0 : i32
    return %c0_i32, %c0_i32_0 : i32, i32
  }
  func.func @transform_4(%arg0: i32) -> (i32, i32) {
    %c0_i32 = arith.constant 0 : i32
    %c0_i32_0 = arith.constant 0 : i32
    %c0_i32_1 = arith.constant 0 : i32
    return %c0_i32, %c0_i32_0 : i32, i32
  }
  func.func @transform_5(%arg0: i32) -> (i32, i32) {
    %c0_i32 = arith.constant 0 : i32
    %c0_i32_0 = arith.constant 0 : i32
    %c0_i32_1 = arith.constant 0 : i32
    return %c0_i32, %c0_i32_0 : i32, i32
  }
  func.func @transform_6(%arg0: i32) -> (i32, i32) {
    %c0_i32 = arith.constant 0 : i32
    %c0_i32_0 = arith.constant 0 : i32
    %c0_i32_1 = arith.constant 0 : i32
    return %c0_i32, %c0_i32_0 : i32, i32
  }
  func.func @transform_7(%arg0: i32) -> (i32, i32) {
    %c0_i32 = arith.constant 0 : i32
    %c0_i32_0 = arith.constant 0 : i32
    %c0_i32_1 = arith.constant 0 : i32
    return %c0_i32, %c0_i32_0 : i32, i32
  }
  func.func @transform_8(%arg0: i32) -> (i32, i32) {
    %c0_i32 = arith.constant 0 : i32
    %c0_i32_0 = arith.constant 0 : i32
    %c0_i32_1 = arith.constant 0 : i32
    return %c0_i32, %c0_i32_0 : i32, i32
  }
  func.func @transform_9(%arg0: i32) -> (i32, i32) {
    %c0_i32 = arith.constant 0 : i32
    %c0_i32_0 = arith.constant 0 : i32
    %c0_i32_1 = arith.constant 0 : i32
    return %c0_i32, %c0_i32_0 : i32, i32
  }
  func.func @transform_10(%arg0: i32) -> (i32, i32) {
    %c0_i32 = arith.constant 0 : i32
    %c0_i32_0 = arith.constant 0 : i32
    %c0_i32_1 = arith.constant 0 : i32
    return %c0_i32, %c0_i32_0 : i32, i32
  }
}

module attributes {stable_mosaic.version = 14 : i64} {
  func.func @_unit_fwd_kernel(%arg0: i32, %arg1: memref<64x256xf32, #tpu.memory_space<vmem>>, %arg2: memref<16x256x256xf32, #tpu.memory_space<vmem>>, %arg3: memref<16x16384xf32, #tpu.memory_space<vmem>>, %arg4: memref<64x16x256xf32, #tpu.memory_space<vmem>>) attributes {dimension_semantics = [#tpu.dimension_semantics<arbitrary>], iteration_bounds = array<i64: 1>, scalar_prefetch = 0 : i64, scratch_operands = 1 : i64, tpu.core_type = #tpu.core_type<tc>, window_params = [{pipeline_mode = #tpu.pipeline_mode<synchronous>, transform_indices = @transform_0, window_bounds = array<i64: 64, 256>}, {pipeline_mode = #tpu.pipeline_mode<synchronous>, transform_indices = @transform_1, window_bounds = array<i64: 16, 256, 256>}, {pipeline_mode = #tpu.pipeline_mode<synchronous>, transform_indices = @transform_2, window_bounds = array<i64: 16, 16384>}]} {
    %get3A = arith.constant 0 : index
    %get3A_0 = arith.constant 0 : index
    %get3A_1 = vector.load %arg1[%get3A, %get3A_0] : memref<64x256xf32, #tpu.memory_space<vmem>>, vector<64x256xf32>
    %get3A_2 = arith.constant 0 : index
    %get3A_3 = arith.constant 0 : index
    %get3A_4 = arith.constant 0 : index
    %get3A_5 = vector.load %arg2[%get3A_2, %get3A_3, %get3A_4] : memref<16x256x256xf32, #tpu.memory_space<vmem>>, vector<1x256x256xf32>
    %get3A_6 = vector.shape_cast %get3A_5 : vector<1x256x256xf32> to vector<256x256xf32>
    %dot_general3A = arith.constant dense<0.000000e+00> : vector<64x256xf32>
    %dot_general3A_7 = tpu.matmul %get3A_1, %get3A_6, %dot_general3A {dimension_numbers = #tpu.dot_dimension_numbers<[1], [0], [0], [1], [0, 0, 1, 1], [], []>, transpose_lhs_hint = false} : vector<64x256xf32>, vector<256x256xf32>, vector<64x256xf32> -> vector<64x256xf32>
    %reshape3A = vector.shape_cast %dot_general3A_7 : vector<64x256xf32> to vector<64x1x256xf32>
    %swap3A = arith.constant 0 : index
    %swap3A_8 = arith.constant 0 : index
    %swap3A_9 = arith.constant 0 : index
    %swap3A_10 = vector.load %arg4[%swap3A, %swap3A_8, %swap3A_9] : memref<64x16x256xf32, #tpu.memory_space<vmem>>, vector<64x1x256xf32>
    tpu.vector_store %arg4[%swap3A, %swap3A_8, %swap3A_9], %reshape3A {strides = array<i32>} : memref<64x16x256xf32, #tpu.memory_space<vmem>>, vector<64x1x256xf32>,
    %get3A_11 = arith.constant 1 : index
    %get3A_12 = arith.constant 0 : index
    %get3A_13 = arith.constant 0 : index
    %get3A_14 = vector.load %arg2[%get3A_11, %get3A_12, %get3A_13] : memref<16x256x256xf32, #tpu.memory_space<vmem>>, vector<1x256x256xf32>
    %get3A_15 = vector.shape_cast %get3A_14 : vector<1x256x256xf32> to vector<256x256xf32>
    %dot_general3A_16 = arith.constant dense<0.000000e+00> : vector<64x256xf32>
    %dot_general3A_17 = tpu.matmul %get3A_1, %get3A_15, %dot_general3A_16 {dimension_numbers = #tpu.dot_dimension_numbers<[1], [0], [0], [1], [0, 0, 1, 1], [], []>, transpose_lhs_hint = false} : vector<64x256xf32>, vector<256x256xf32>, vector<64x256xf32> -> vector<64x256xf32>
    %reshape3A_18 = vector.shape_cast %dot_general3A_17 : vector<64x256xf32> to vector<64x1x256xf32>
    %swap3A_19 = arith.constant 0 : index
    %swap3A_20 = arith.constant 1 : index
    %swap3A_21 = arith.constant 0 : index
    %swap3A_22 = vector.load %arg4[%swap3A_19, %swap3A_20, %swap3A_21] : memref<64x16x256xf32, #tpu.memory_space<vmem>>, vector<64x1x256xf32>
    tpu.vector_store %arg4[%swap3A_19, %swap3A_20, %swap3A_21], %reshape3A_18 {strides = array<i32>} : memref<64x16x256xf32, #tpu.memory_space<vmem>>, vector<64x1x256xf32>,
    %get3A_23 = arith.constant 2 : index
    %get3A_24 = arith.constant 0 : index
    %get3A_25 = arith.constant 0 : index
    %get3A_26 = vector.load %arg2[%get3A_23, %get3A_24, %get3A_25] : memref<16x256x256xf32, #tpu.memory_space<vmem>>, vector<1x256x256xf32>
    %get3A_27 = vector.shape_cast %get3A_26 : vector<1x256x256xf32> to vector<256x256xf32>
    %dot_general3A_28 = arith.constant dense<0.000000e+00> : vector<64x256xf32>
    %dot_general3A_29 = tpu.matmul %get3A_1, %get3A_27, %dot_general3A_28 {dimension_numbers = #tpu.dot_dimension_numbers<[1], [0], [0], [1], [0, 0, 1, 1], [], []>, transpose_lhs_hint = false} : vector<64x256xf32>, vector<256x256xf32>, vector<64x256xf32> -> vector<64x256xf32>
    %reshape3A_30 = vector.shape_cast %dot_general3A_29 : vector<64x256xf32> to vector<64x1x256xf32>
    %swap3A_31 = arith.constant 0 : index
    %swap3A_32 = arith.constant 2 : index
    %swap3A_33 = arith.constant 0 : index
    %swap3A_34 = vector.load %arg4[%swap3A_31, %swap3A_32, %swap3A_33] : memref<64x16x256xf32, #tpu.memory_space<vmem>>, vector<64x1x256xf32>
    tpu.vector_store %arg4[%swap3A_31, %swap3A_32, %swap3A_33], %reshape3A_30 {strides = array<i32>} : memref<64x16x256xf32, #tpu.memory_space<vmem>>, vector<64x1x256xf32>,
    %get3A_35 = arith.constant 3 : index
    %get3A_36 = arith.constant 0 : index
    %get3A_37 = arith.constant 0 : index
    %get3A_38 = vector.load %arg2[%get3A_35, %get3A_36, %get3A_37] : memref<16x256x256xf32, #tpu.memory_space<vmem>>, vector<1x256x256xf32>
    %get3A_39 = vector.shape_cast %get3A_38 : vector<1x256x256xf32> to vector<256x256xf32>
    %dot_general3A_40 = arith.constant dense<0.000000e+00> : vector<64x256xf32>
    %dot_general3A_41 = tpu.matmul %get3A_1, %get3A_39, %dot_general3A_40 {dimension_numbers = #tpu.dot_dimension_numbers<[1], [0], [0], [1], [0, 0, 1, 1], [], []>, transpose_lhs_hint = false} : vector<64x256xf32>, vector<256x256xf32>, vector<64x256xf32> -> vector<64x256xf32>
    %reshape3A_42 = vector.shape_cast %dot_general3A_41 : vector<64x256xf32> to vector<64x1x256xf32>
    %swap3A_43 = arith.constant 0 : index
    %swap3A_44 = arith.constant 3 : index
    %swap3A_45 = arith.constant 0 : index
    %swap3A_46 = vector.load %arg4[%swap3A_43, %swap3A_44, %swap3A_45] : memref<64x16x256xf32, #tpu.memory_space<vmem>>, vector<64x1x256xf32>
    tpu.vector_store %arg4[%swap3A_43, %swap3A_44, %swap3A_45], %reshape3A_42 {strides = array<i32>} : memref<64x16x256xf32, #tpu.memory_space<vmem>>, vector<64x1x256xf32>,
    %get3A_47 = arith.constant 4 : index
    %get3A_48 = arith.constant 0 : index
    %get3A_49 = arith.constant 0 : index
    %get3A_50 = vector.load %arg2[%get3A_47, %get3A_48, %get3A_49] : memref<16x256x256xf32, #tpu.memory_space<vmem>>, vector<1x256x256xf32>
    %get3A_51 = vector.shape_cast %get3A_50 : vector<1x256x256xf32> to vector<256x256xf32>
    %dot_general3A_52 = arith.constant dense<0.000000e+00> : vector<64x256xf32>
    %dot_general3A_53 = tpu.matmul %get3A_1, %get3A_51, %dot_general3A_52 {dimension_numbers = #tpu.dot_dimension_numbers<[1], [0], [0], [1], [0, 0, 1, 1], [], []>, transpose_lhs_hint = false} : vector<64x256xf32>, vector<256x256xf32>, vector<64x256xf32> -> vector<64x256xf32>
    %reshape3A_54 = vector.shape_cast %dot_general3A_53 : vector<64x256xf32> to vector<64x1x256xf32>
    %swap3A_55 = arith.constant 0 : index
    %swap3A_56 = arith.constant 4 : index
    %swap3A_57 = arith.constant 0 : index
    %swap3A_58 = vector.load %arg4[%swap3A_55, %swap3A_56, %swap3A_57] : memref<64x16x256xf32, #tpu.memory_space<vmem>>, vector<64x1x256xf32>
    tpu.vector_store %arg4[%swap3A_55, %swap3A_56, %swap3A_57], %reshape3A_54 {strides = array<i32>} : memref<64x16x256xf32, #tpu.memory_space<vmem>>, vector<64x1x256xf32>,
    %get3A_59 = arith.constant 5 : index
    %get3A_60 = arith.constant 0 : index
    %get3A_61 = arith.constant 0 : index
    %get3A_62 = vector.load %arg2[%get3A_59, %get3A_60, %get3A_61] : memref<16x256x256xf32, #tpu.memory_space<vmem>>, vector<1x256x256xf32>
    %get3A_63 = vector.shape_cast %get3A_62 : vector<1x256x256xf32> to vector<256x256xf32>
    %dot_general3A_64 = arith.constant dense<0.000000e+00> : vector<64x256xf32>
    %dot_general3A_65 = tpu.matmul %get3A_1, %get3A_63, %dot_general3A_64 {dimension_numbers = #tpu.dot_dimension_numbers<[1], [0], [0], [1], [0, 0, 1, 1], [], []>, transpose_lhs_hint = false} : vector<64x256xf32>, vector<256x256xf32>, vector<64x256xf32> -> vector<64x256xf32>
    %reshape3A_66 = vector.shape_cast %dot_general3A_65 : vector<64x256xf32> to vector<64x1x256xf32>
    %swap3A_67 = arith.constant 0 : index
    %swap3A_68 = arith.constant 5 : index
    %swap3A_69 = arith.constant 0 : index
    %swap3A_70 = vector.load %arg4[%swap3A_67, %swap3A_68, %swap3A_69] : memref<64x16x256xf32, #tpu.memory_space<vmem>>, vector<64x1x256xf32>
    tpu.vector_store %arg4[%swap3A_67, %swap3A_68, %swap3A_69], %reshape3A_66 {strides = array<i32>} : memref<64x16x256xf32, #tpu.memory_space<vmem>>, vector<64x1x256xf32>,
    %get3A_71 = arith.constant 6 : index
    %get3A_72 = arith.constant 0 : index
    %get3A_73 = arith.constant 0 : index
    %get3A_74 = vector.load %arg2[%get3A_71, %get3A_72, %get3A_73] : memref<16x256x256xf32, #tpu.memory_space<vmem>>, vector<1x256x256xf32>
    %get3A_75 = vector.shape_cast %get3A_74 : vector<1x256x256xf32> to vector<256x256xf32>
    %dot_general3A_76 = arith.constant dense<0.000000e+00> : vector<64x256xf32>
    %dot_general3A_77 = tpu.matmul %get3A_1, %get3A_75, %dot_general3A_76 {dimension_numbers = #tpu.dot_dimension_numbers<[1], [0], [0], [1], [0, 0, 1, 1], [], []>, transpose_lhs_hint = false} : vector<64x256xf32>, vector<256x256xf32>, vector<64x256xf32> -> vector<64x256xf32>
    %reshape3A_78 = vector.shape_cast %dot_general3A_77 : vector<64x256xf32> to vector<64x1x256xf32>
    %swap3A_79 = arith.constant 0 : index
    %swap3A_80 = arith.constant 6 : index
    %swap3A_81 = arith.constant 0 : index
    %swap3A_82 = vector.load %arg4[%swap3A_79, %swap3A_80, %swap3A_81] : memref<64x16x256xf32, #tpu.memory_space<vmem>>, vector<64x1x256xf32>
    tpu.vector_store %arg4[%swap3A_79, %swap3A_80, %swap3A_81], %reshape3A_78 {strides = array<i32>} : memref<64x16x256xf32, #tpu.memory_space<vmem>>, vector<64x1x256xf32>,
    %get3A_83 = arith.constant 7 : index
    %get3A_84 = arith.constant 0 : index
    %get3A_85 = arith.constant 0 : index
    %get3A_86 = vector.load %arg2[%get3A_83, %get3A_84, %get3A_85] : memref<16x256x256xf32, #tpu.memory_space<vmem>>, vector<1x256x256xf32>
    %get3A_87 = vector.shape_cast %get3A_86 : vector<1x256x256xf32> to vector<256x256xf32>
    %dot_general3A_88 = arith.constant dense<0.000000e+00> : vector<64x256xf32>
    %dot_general3A_89 = tpu.matmul %get3A_1, %get3A_87, %dot_general3A_88 {dimension_numbers = #tpu.dot_dimension_numbers<[1], [0], [0], [1], [0, 0, 1, 1], [], []>, transpose_lhs_hint = false} : vector<64x256xf32>, vector<256x256xf32>, vector<64x256xf32> -> vector<64x256xf32>
    %reshape3A_90 = vector.shape_cast %dot_general3A_89 : vector<64x256xf32> to vector<64x1x256xf32>
    %swap3A_91 = arith.constant 0 : index
    %swap3A_92 = arith.constant 7 : index
    %swap3A_93 = arith.constant 0 : index
    %swap3A_94 = vector.load %arg4[%swap3A_91, %swap3A_92, %swap3A_93] : memref<64x16x256xf32, #tpu.memory_space<vmem>>, vector<64x1x256xf32>
    tpu.vector_store %arg4[%swap3A_91, %swap3A_92, %swap3A_93], %reshape3A_90 {strides = array<i32>} : memref<64x16x256xf32, #tpu.memory_space<vmem>>, vector<64x1x256xf32>,
    %get3A_95 = arith.constant 8 : index
    %get3A_96 = arith.constant 0 : index
    %get3A_97 = arith.constant 0 : index
    %get3A_98 = vector.load %arg2[%get3A_95, %get3A_96, %get3A_97] : memref<16x256x256xf32, #tpu.memory_space<vmem>>, vector<1x256x256xf32>
    %get3A_99 = vector.shape_cast %get3A_98 : vector<1x256x256xf32> to vector<256x256xf32>
    %dot_general3A_100 = arith.constant dense<0.000000e+00> : vector<64x256xf32>
    %dot_general3A_101 = tpu.matmul %get3A_1, %get3A_99, %dot_general3A_100 {dimension_numbers = #tpu.dot_dimension_numbers<[1], [0], [0], [1], [0, 0, 1, 1], [], []>, transpose_lhs_hint = false} : vector<64x256xf32>, vector<256x256xf32>, vector<64x256xf32> -> vector<64x256xf32>
    %reshape3A_102 = vector.shape_cast %dot_general3A_101 : vector<64x256xf32> to vector<64x1x256xf32>
    %swap3A_103 = arith.constant 0 : index
    %swap3A_104 = arith.constant 8 : index
    %swap3A_105 = arith.constant 0 : index
    %swap3A_106 = vector.load %arg4[%swap3A_103, %swap3A_104, %swap3A_105] : memref<64x16x256xf32, #tpu.memory_space<vmem>>, vector<64x1x256xf32>
    tpu.vector_store %arg4[%swap3A_103, %swap3A_104, %swap3A_105], %reshape3A_102 {strides = array<i32>} : memref<64x16x256xf32, #tpu.memory_space<vmem>>, vector<64x1x256xf32>,
    %get3A_107 = arith.constant 9 : index
    %get3A_108 = arith.constant 0 : index
    %get3A_109 = arith.constant 0 : index
    %get3A_110 = vector.load %arg2[%get3A_107, %get3A_108, %get3A_109] : memref<16x256x256xf32, #tpu.memory_space<vmem>>, vector<1x256x256xf32>
    %get3A_111 = vector.shape_cast %get3A_110 : vector<1x256x256xf32> to vector<256x256xf32>
    %dot_general3A_112 = arith.constant dense<0.000000e+00> : vector<64x256xf32>
    %dot_general3A_113 = tpu.matmul %get3A_1, %get3A_111, %dot_general3A_112 {dimension_numbers = #tpu.dot_dimension_numbers<[1], [0], [0], [1], [0, 0, 1, 1], [], []>, transpose_lhs_hint = false} : vector<64x256xf32>, vector<256x256xf32>, vector<64x256xf32> -> vector<64x256xf32>
    %reshape3A_114 = vector.shape_cast %dot_general3A_113 : vector<64x256xf32> to vector<64x1x256xf32>
    %swap3A_115 = arith.constant 0 : index
    %swap3A_116 = arith.constant 9 : index
    %swap3A_117 = arith.constant 0 : index
    %swap3A_118 = vector.load %arg4[%swap3A_115, %swap3A_116, %swap3A_117] : memref<64x16x256xf32, #tpu.memory_space<vmem>>, vector<64x1x256xf32>
    tpu.vector_store %arg4[%swap3A_115, %swap3A_116, %swap3A_117], %reshape3A_114 {strides = array<i32>} : memref<64x16x256xf32, #tpu.memory_space<vmem>>, vector<64x1x256xf32>,
    %get3A_119 = arith.constant 10 : index
    %get3A_120 = arith.constant 0 : index
    %get3A_121 = arith.constant 0 : index
    %get3A_122 = vector.load %arg2[%get3A_119, %get3A_120, %get3A_121] : memref<16x256x256xf32, #tpu.memory_space<vmem>>, vector<1x256x256xf32>
    %get3A_123 = vector.shape_cast %get3A_122 : vector<1x256x256xf32> to vector<256x256xf32>
    %dot_general3A_124 = arith.constant dense<0.000000e+00> : vector<64x256xf32>
    %dot_general3A_125 = tpu.matmul %get3A_1, %get3A_123, %dot_general3A_124 {dimension_numbers = #tpu.dot_dimension_numbers<[1], [0], [0], [1], [0, 0, 1, 1], [], []>, transpose_lhs_hint = false} : vector<64x256xf32>, vector<256x256xf32>, vector<64x256xf32> -> vector<64x256xf32>
    %reshape3A_126 = vector.shape_cast %dot_general3A_125 : vector<64x256xf32> to vector<64x1x256xf32>
    %swap3A_127 = arith.constant 0 : index
    %swap3A_128 = arith.constant 10 : index
    %swap3A_129 = arith.constant 0 : index
    %swap3A_130 = vector.load %arg4[%swap3A_127, %swap3A_128, %swap3A_129] : memref<64x16x256xf32, #tpu.memory_space<vmem>>, vector<64x1x256xf32>
    tpu.vector_store %arg4[%swap3A_127, %swap3A_128, %swap3A_129], %reshape3A_126 {strides = array<i32>} : memref<64x16x256xf32, #tpu.memory_space<vmem>>, vector<64x1x256xf32>,
    %get3A_131 = arith.constant 11 : index
    %get3A_132 = arith.constant 0 : index
    %get3A_133 = arith.constant 0 : index
    %get3A_134 = vector.load %arg2[%get3A_131, %get3A_132, %get3A_133] : memref<16x256x256xf32, #tpu.memory_space<vmem>>, vector<1x256x256xf32>
    %get3A_135 = vector.shape_cast %get3A_134 : vector<1x256x256xf32> to vector<256x256xf32>
    %dot_general3A_136 = arith.constant dense<0.000000e+00> : vector<64x256xf32>
    %dot_general3A_137 = tpu.matmul %get3A_1, %get3A_135, %dot_general3A_136 {dimension_numbers = #tpu.dot_dimension_numbers<[1], [0], [0], [1], [0, 0, 1, 1], [], []>, transpose_lhs_hint = false} : vector<64x256xf32>, vector<256x256xf32>, vector<64x256xf32> -> vector<64x256xf32>
    %reshape3A_138 = vector.shape_cast %dot_general3A_137 : vector<64x256xf32> to vector<64x1x256xf32>
    %swap3A_139 = arith.constant 0 : index
    %swap3A_140 = arith.constant 11 : index
    %swap3A_141 = arith.constant 0 : index
    %swap3A_142 = vector.load %arg4[%swap3A_139, %swap3A_140, %swap3A_141] : memref<64x16x256xf32, #tpu.memory_space<vmem>>, vector<64x1x256xf32>
    tpu.vector_store %arg4[%swap3A_139, %swap3A_140, %swap3A_141], %reshape3A_138 {strides = array<i32>} : memref<64x16x256xf32, #tpu.memory_space<vmem>>, vector<64x1x256xf32>,
    %get3A_143 = arith.constant 12 : index
    %get3A_144 = arith.constant 0 : index
    %get3A_145 = arith.constant 0 : index
    %get3A_146 = vector.load %arg2[%get3A_143, %get3A_144, %get3A_145] : memref<16x256x256xf32, #tpu.memory_space<vmem>>, vector<1x256x256xf32>
    %get3A_147 = vector.shape_cast %get3A_146 : vector<1x256x256xf32> to vector<256x256xf32>
    %dot_general3A_148 = arith.constant dense<0.000000e+00> : vector<64x256xf32>
    %dot_general3A_149 = tpu.matmul %get3A_1, %get3A_147, %dot_general3A_148 {dimension_numbers = #tpu.dot_dimension_numbers<[1], [0], [0], [1], [0, 0, 1, 1], [], []>, transpose_lhs_hint = false} : vector<64x256xf32>, vector<256x256xf32>, vector<64x256xf32> -> vector<64x256xf32>
    %reshape3A_150 = vector.shape_cast %dot_general3A_149 : vector<64x256xf32> to vector<64x1x256xf32>
    %swap3A_151 = arith.constant 0 : index
    %swap3A_152 = arith.constant 12 : index
    %swap3A_153 = arith.constant 0 : index
    %swap3A_154 = vector.load %arg4[%swap3A_151, %swap3A_152, %swap3A_153] : memref<64x16x256xf32, #tpu.memory_space<vmem>>, vector<64x1x256xf32>
    tpu.vector_store %arg4[%swap3A_151, %swap3A_152, %swap3A_153], %reshape3A_150 {strides = array<i32>} : memref<64x16x256xf32, #tpu.memory_space<vmem>>, vector<64x1x256xf32>,
    %get3A_155 = arith.constant 13 : index
    %get3A_156 = arith.constant 0 : index
    %get3A_157 = arith.constant 0 : index
    %get3A_158 = vector.load %arg2[%get3A_155, %get3A_156, %get3A_157] : memref<16x256x256xf32, #tpu.memory_space<vmem>>, vector<1x256x256xf32>
    %get3A_159 = vector.shape_cast %get3A_158 : vector<1x256x256xf32> to vector<256x256xf32>
    %dot_general3A_160 = arith.constant dense<0.000000e+00> : vector<64x256xf32>
    %dot_general3A_161 = tpu.matmul %get3A_1, %get3A_159, %dot_general3A_160 {dimension_numbers = #tpu.dot_dimension_numbers<[1], [0], [0], [1], [0, 0, 1, 1], [], []>, transpose_lhs_hint = false} : vector<64x256xf32>, vector<256x256xf32>, vector<64x256xf32> -> vector<64x256xf32>
    %reshape3A_162 = vector.shape_cast %dot_general3A_161 : vector<64x256xf32> to vector<64x1x256xf32>
    %swap3A_163 = arith.constant 0 : index
    %swap3A_164 = arith.constant 13 : index
    %swap3A_165 = arith.constant 0 : index
    %swap3A_166 = vector.load %arg4[%swap3A_163, %swap3A_164, %swap3A_165] : memref<64x16x256xf32, #tpu.memory_space<vmem>>, vector<64x1x256xf32>
    tpu.vector_store %arg4[%swap3A_163, %swap3A_164, %swap3A_165], %reshape3A_162 {strides = array<i32>} : memref<64x16x256xf32, #tpu.memory_space<vmem>>, vector<64x1x256xf32>,
    %get3A_167 = arith.constant 14 : index
    %get3A_168 = arith.constant 0 : index
    %get3A_169 = arith.constant 0 : index
    %get3A_170 = vector.load %arg2[%get3A_167, %get3A_168, %get3A_169] : memref<16x256x256xf32, #tpu.memory_space<vmem>>, vector<1x256x256xf32>
    %get3A_171 = vector.shape_cast %get3A_170 : vector<1x256x256xf32> to vector<256x256xf32>
    %dot_general3A_172 = arith.constant dense<0.000000e+00> : vector<64x256xf32>
    %dot_general3A_173 = tpu.matmul %get3A_1, %get3A_171, %dot_general3A_172 {dimension_numbers = #tpu.dot_dimension_numbers<[1], [0], [0], [1], [0, 0, 1, 1], [], []>, transpose_lhs_hint = false} : vector<64x256xf32>, vector<256x256xf32>, vector<64x256xf32> -> vector<64x256xf32>
    %reshape3A_174 = vector.shape_cast %dot_general3A_173 : vector<64x256xf32> to vector<64x1x256xf32>
    %swap3A_175 = arith.constant 0 : index
    %swap3A_176 = arith.constant 14 : index
    %swap3A_177 = arith.constant 0 : index
    %swap3A_178 = vector.load %arg4[%swap3A_175, %swap3A_176, %swap3A_177] : memref<64x16x256xf32, #tpu.memory_space<vmem>>, vector<64x1x256xf32>
    tpu.vector_store %arg4[%swap3A_175, %swap3A_176, %swap3A_177], %reshape3A_174 {strides = array<i32>} : memref<64x16x256xf32, #tpu.memory_space<vmem>>, vector<64x1x256xf32>,
    %get3A_179 = arith.constant 15 : index
    %get3A_180 = arith.constant 0 : index
    %get3A_181 = arith.constant 0 : index
    %get3A_182 = vector.load %arg2[%get3A_179, %get3A_180, %get3A_181] : memref<16x256x256xf32, #tpu.memory_space<vmem>>, vector<1x256x256xf32>
    %get3A_183 = vector.shape_cast %get3A_182 : vector<1x256x256xf32> to vector<256x256xf32>
    %dot_general3A_184 = arith.constant dense<0.000000e+00> : vector<64x256xf32>
    %dot_general3A_185 = tpu.matmul %get3A_1, %get3A_183, %dot_general3A_184 {dimension_numbers = #tpu.dot_dimension_numbers<[1], [0], [0], [1], [0, 0, 1, 1], [], []>, transpose_lhs_hint = false} : vector<64x256xf32>, vector<256x256xf32>, vector<64x256xf32> -> vector<64x256xf32>
    %reshape3A_186 = vector.shape_cast %dot_general3A_185 : vector<64x256xf32> to vector<64x1x256xf32>
    %swap3A_187 = arith.constant 0 : index
    %swap3A_188 = arith.constant 15 : index
    %swap3A_189 = arith.constant 0 : index
    %swap3A_190 = vector.load %arg4[%swap3A_187, %swap3A_188, %swap3A_189] : memref<64x16x256xf32, #tpu.memory_space<vmem>>, vector<64x1x256xf32>
    tpu.vector_store %arg4[%swap3A_187, %swap3A_188, %swap3A_189], %reshape3A_186 {strides = array<i32>} : memref<64x16x256xf32, #tpu.memory_space<vmem>>, vector<64x1x256xf32>,
    %broadcast_in_dim3A = arith.constant 0.000000e+00 : f32
    %broadcast_in_dim3A_191 = vector.broadcast %broadcast_in_dim3A : f32 to vector<16x256xf32>
    %scan3A = arith.constant 0 : i32
    %scan3A_192 = arith.constant 64 : i32
    %scan3A_193 = arith.addi %scan3A, %scan3A_192 : i32
    %scan3A_194 = arith.constant 1 : i32
    %scan3A_195 = scf.for %scan3A_197 = %scan3A to %scan3A_193 step %scan3A_194 iter_args(%scan3A_198 = %broadcast_in_dim3A_191) -> (vector<16x256xf32>)  : i32 {
      %mul3A = arith.constant 0.899999976 : f32
      %mul3A_199 = vector.broadcast %mul3A : f32 to vector<16x256xf32>
      %mul3A_200 = arith.mulf %scan3A_198, %mul3A_199 : vector<16x256xf32>
      %get3A_201 = arith.index_cast %scan3A_197 : i32 to index
      %get3A_202 = arith.constant 0 : index
      %get3A_203 = arith.constant 0 : index
      %get3A_204 = vector.load %arg4[%get3A_201, %get3A_202, %get3A_203] : memref<64x16x256xf32, #tpu.memory_space<vmem>>, vector<1x16x256xf32>
      %reshape3A_205 = vector.shape_cast %get3A_204 : vector<1x16x256xf32> to vector<16x256xf32>
      %add3A = arith.addf %mul3A_200, %reshape3A_205 : vector<16x256xf32>
      %sub3A = arith.constant 1.000000e+00 : f32
      %sub3A_206 = vector.broadcast %sub3A : f32 to vector<16x256xf32>
      %sub3A_207 = arith.subf %add3A, %sub3A_206 : vector<16x256xf32>
      %mul3A_208 = arith.constant 4.000000e+00 : f32
      %mul3A_209 = vector.broadcast %mul3A_208 : f32 to vector<16x256xf32>
      %mul3A_210 = arith.mulf %mul3A_209, %sub3A_207 : vector<16x256xf32>
      %logistic3A = arith.negf %mul3A_210 : vector<16x256xf32>
      %logistic3A_211 = math.exp %logistic3A : vector<16x256xf32>
      %logistic3A_212 = arith.constant 1.000000e+00 : f32
      %logistic3A_213 = vector.broadcast %logistic3A_212 : f32 to vector<16x256xf32>
      %logistic3A_214 = arith.addf %logistic3A_213, %logistic3A_211 : vector<16x256xf32>
      %logistic3A_215 = arith.divf %logistic3A_213, %logistic3A_214 : vector<16x256xf32>
      %mul3A_216 = arith.constant 256 : i32
      %mul3A_217 = arith.muli %scan3A_197, %mul3A_216 : i32
      %swap3A_218 = arith.constant 0 : index
      %swap3A_219 = arith.index_cast %mul3A_217 : i32 to index
      %swap3A_220 = vector.load %arg3[%swap3A_218, %swap3A_219] : memref<16x16384xf32, #tpu.memory_space<vmem>>, vector<16x256xf32>
      tpu.vector_store %arg3[%swap3A_218, %swap3A_219], %logistic3A_215 {strides = array<i32>} : memref<16x16384xf32, #tpu.memory_space<vmem>>, vector<16x256xf32>,
      %sub3A_221 = arith.subf %add3A, %logistic3A_215 : vector<16x256xf32>
      scf.yield %sub3A_221 : vector<16x256xf32>
    }
    %scan3A_196 = arith.constant 64 : i32
    return
  }
  func.func @transform_0(%arg0: i32) -> (i32, i32) {
    %c0_i32 = arith.constant 0 : i32
    %c0_i32_0 = arith.constant 0 : i32
    %c0_i32_1 = arith.constant 0 : i32
    return %c0_i32, %c0_i32_0 : i32, i32
  }
  func.func @transform_1(%arg0: i32) -> (i32, i32, i32) {
    %c0_i32 = arith.constant 0 : i32
    %c0_i32_0 = arith.constant 0 : i32
    %c0_i32_1 = arith.constant 0 : i32
    %c0_i32_2 = arith.constant 0 : i32
    return %c0_i32, %c0_i32_0, %c0_i32_1 : i32, i32, i32
  }
  func.func @transform_2(%arg0: i32) -> (i32, i32) {
    %c0_i32 = arith.constant 0 : i32
    %c0_i32_0 = arith.constant 0 : i32
    %c0_i32_1 = arith.constant 0 : i32
    return %c0_i32, %c0_i32_0 : i32, i32
  }
}

</mosaic_0001>

<sc_bundles>
// kernel: _run.6.cloned.1.call-start
scs
__scs_entry_jumppad:
0x0: {  	(pc) =	sbr.rel $0x88, $3  }
0x1: {  	(tag) =	ssettag $0x0;
	lr =	simm.s32 $0x1  }
0x2: {  	[smem:$0x3F9B] =	sst lr;
	_ =	strace $0xD0000000  }
0x3: {  	_ = 	snop  }
0x4: {  	_ = 	snop  }
0x5: {  	_ = 	snop  }
0x6: {  	_ = 	snop  }
0x7: {  	_ = 	snop  }
__scs_overlays_trampoline_lowered:
0x8: {  	[smem:$0x3FAA] =	sst s0  }
0x9: {  	[smem:$0x3FAB] =	sst s1  }
0xa: {  	[smem:$0x3FAC] =	sst s2  }
0xb: {  	[smem:$0x3FAD] =	sst s3  }
0xc: {  	[smem:$0x3FAE] =	sst s4  }
0xd: {  	[smem:$0x3FAF] =	sst s5  }
0xe: {  	[smem:$0x3FB0] =	sst s6  }
0xf: {  	[smem:$0x3FB1] =	sst s7  }
0x10: {  	[smem:$0x3FB2] =	sst s8  }
0x11: {  	[smem:$0x3FB3] =	sst s9;
	s0 =	simm.s32 @!p0 $0x0  }
0x12: {  	s1 =	sld [smem:$0x3F99];
	s0 =	simm.s32 @p0 $0x1  }
0x13: {  	[smem:$0x3FB4] =	sst s0;
	s0 =	simm.s32 @!p1 $0x0  }
0x14: {  	s2 =	sld [smem:$0x3F98];
	s0 =	simm.s32 @p1 $0x1  }
0x15: {  	[smem:$0x3FB5] =	sst s0;
	s0 =	simm.s32 @!p2 $0x0  }
0x16: {  	s3 =	sld [smem:$0x3FDB];
	s0 =	simm.s32 @p2 $0x1  }
0x17: {  	s4 =	simm.s32 $0x1BF5;
	[smem:$0x3FB7] =	sst s0  }
0x18: {  	s0 =	sld [smem:$0x3F9A];
	_ =	swait.ge [sflag:s4], $0x0  }
0x19: {  	s7 =	sld [smem:$0x3F9B]  }
0x1a: {  	s8 =	sadd.s32 $0xFFFFE003, lr  }
0x1b: {  	s9 =	sadd.s32 $0xFFFFFEF7, lr;
	s5 =	simm.s32 $0xFFFFFFFF;
	p2 =	slt.u32 s8, $0xFFFFF086  }
0x1c: {  	p1 =	slt.u32 s9, $0xF7A;
	s5 =	simm.s32 @!p2 $0x0  }
0x1d: {  	s5 =	simm.s32 @p1 $0x1;
	p0 =	seq.s32 s7, s2  }
0x1e: {  	s7 =	smul.u32 @!p0 $0xF7A, s2;
	p2 =	seq.s32 @!p0 s5, $0x0  }
0x1f: {  	s9 =	smul.u32 $0xF7A, s1;
	s8 =	simm.s32 @!p0 $0x1BF5;
	p2 =	por !p2, p0  }
0x20: {  	[sflag:s8] =	ssyncset.s32 @!p0 $0xFFFFF086;
	s6 =	sadd.s32 @!p0 s3, s7;
	s7 =	simm.s32 @!p0 $0x108  }
0x21: {  	s3 =	sadd.s32 s3, s9;
	s6 =	sadd.s32 @!p0 $0x88, s6;
	s7 =	simm.s32 @p2 $0x1082  }
0x22: {  	[simem:s7], [sflag:s8] =	dma.local @!p0 [hbm:s6], $0xF7A  }
0x23: {  	s9 =	sor.u32 $0xD0000000, s2;
	s6 =	simm.s32 $0x108;
	_ =	swait.ge @!p0 [sflag:s8], $0x0  }
0x24: {  	s3 =	sadd.s32 $0x88, s3;
	s6 =	simm.s32 @!p1 $0x1082;
	[sflag:s4] =	ssyncset.s32 $0xFFFFF086  }
0x25: {  	[simem:s6], [sflag:s4] =	dma.local [hbm:s3], $0xF7A  }
0x26: {  	[smem:$0x3F9B] =	sst s1;
	(tag) =	ssettag s2;
	_ =	strace s9  }
0x27: {  	s1 =	sld [smem:$0x3FAB]  }
0x28: {  	s2 =	sld [smem:$0x3FAC]  }
0x29: {  	s4 =	sld [smem:$0x3FAE]  }
0x2a: {  	p0 =	seq.s32 s5, $0x0;
	s5 =	sld [smem:$0x3FAF]  }
0x2b: {  	s6 =	sld [smem:$0x3FB0]  }
0x2c: {  	s7 =	sld [smem:$0x3FB1]  }
0x2d: {  	s3 =	simm.s32 $0x108;
	s8 =	sld [smem:$0x3FB2]  }
0x2e: {  	s3 =	simm.s32 @!p0 $0x1082;
	s9 =	sld [smem:$0x3FB3]  }
0x2f: {  	lr =	sadd.s32 s0, s3;
	s0 =	sld [smem:$0x3FAA]  }
0x30: {  	s3 =	sld [smem:$0x3FAD]  }
0x31: {  	[smem:$0x3FB6] =	sst s10  }
0x32: {  	s10 =	sld [smem:$0x3FB4];
	_ =	sdelay $0x3  }
0x33: {  	p0 =	seq.s32 s10, $0x1;
	s10 =	sld [smem:$0x3FB6];
	_ =	sdelay $0x3  }
0x34: {  	[smem:$0x3FB6] =	sst s10  }
0x35: {  	s10 =	sld [smem:$0x3FB5];
	_ =	sdelay $0x3  }
0x36: {  	p1 =	seq.s32 s10, $0x1;
	s10 =	sld [smem:$0x3FB6];
	_ =	sdelay $0x3  }
0x37: {  	[smem:$0x3FB6] =	sst s10  }
0x38: {  	s10 =	sld [smem:$0x3FB7]  }
0x39: {  	_ = 	snop;
	(pc) =	sbr.ind lr, $3  }
0x3a: {  	_ = 	snop  }
0x3b: {  	_ = 	snop  }
0x3c: {  	p2 =	seq.s32 s10, $0x1;
	s10 =	sld [smem:$0x3FB6]  }
0x3d: {  	_ =	shalt  }
0x3e: {  	_ =	shalt  }
0x3f: {  	_ =	shalt  }
0x40: {  	_ =	shalt  }
0x41: {  	_ =	shalt  }
0x42: {  	_ =	shalt  }
0x43: {  	_ =	shalt  }
0x44: {  	_ =	shalt  }
0x45: {  	_ =	shalt  }
0x46: {  	_ =	shalt  }
0x47: {  	_ =	shalt  }
0x48: {  	_ =	shalt  }
0x49: {  	_ =	shalt  }
0x4a: {  	_ =	shalt  }
0x4b: {  	_ =	shalt  }
0x4c: {  	_ =	shalt  }
0x4d: {  	_ =	shalt  }
0x4e: {  	_ =	shalt  }
0x4f: {  	_ =	shalt  }
0x50: {  	_ =	shalt  }
0x51: {  	_ =	shalt  }
0x52: {  	_ =	shalt  }
0x53: {  	_ =	shalt  }
0x54: {  	_ =	shalt  }
0x55: {  	_ =	shalt  }
0x56: {  	_ =	shalt  }
0x57: {  	_ =	shalt  }
0x58: {  	_ =	shalt  }
0x59: {  	_ =	shalt  }
0x5a: {  	_ =	shalt  }
0x5b: {  	_ =	shalt  }
0x5c: {  	_ =	shalt  }
0x5d: {  	_ =	shalt  }
0x5e: {  	_ =	shalt  }
0x5f: {  	_ =	shalt  }
0x60: {  	_ =	shalt  }
0x61: {  	_ =	shalt  }
0x62: {  	_ =	shalt  }
0x63: {  	_ =	shalt  }
0x64: {  	_ =	shalt  }
0x65: {  	_ =	shalt  }
0x66: {  	_ =	shalt  }
0x67: {  	_ =	shalt  }
0x68: {  	_ =	shalt  }
0x69: {  	_ =	shalt  }
0x6a: {  	_ =	shalt  }
0x6b: {  	_ =	shalt  }
0x6c: {  	_ =	shalt  }
0x6d: {  	_ =	shalt  }
0x6e: {  	_ =	shalt  }
0x6f: {  	_ =	shalt  }
0x70: {  	_ =	shalt  }
0x71: {  	_ =	shalt  }
0x72: {  	_ =	shalt  }
0x73: {  	_ =	shalt  }
0x74: {  	_ =	shalt  }
0x75: {  	_ =	shalt  }
0x76: {  	_ =	shalt  }
0x77: {  	_ =	shalt  }
0x78: {  	_ =	shalt  }
0x79: {  	_ =	shalt  }
0x7a: {  	_ =	shalt  }
0x7b: {  	_ =	shalt  }
0x7c: {  	_ =	shalt  }
0x7d: {  	_ =	shalt  }
0x7e: {  	_ =	shalt  }
0x7f: {  	_ =	shalt  }
0x80: {  	_ =	shalt  }
0x81: {  	_ =	shalt  }
0x82: {  	_ =	shalt  }
0x83: {  	_ =	shalt  }
0x84: {  	_ =	shalt  }
0x85: {  	_ =	shalt  }
0x86: {  	_ =	shalt  }
0x87: {  	_ =	shalt  }
.Lfunc_end0:
.L_simem_size_0:
called_computation_lowered:
.L_overlay_start_0:
0x88: {  	s2 =	sld [smem:$0x3FD9]  }
0x89: {  	s3 =	sld [smem:$0x3FFE];
	_ =	sdelay $0x1  }
0x8a: {  	s1 =	srdreg.scid  }
0x8b: {  	s0 =	sand.u32 $0x1, s1  }
0x8c: {  	s17 =	sshll.u32 s0, $0xA;
	s2 =	sadd.s32 s3, s2  }
0x8d: {  	s2 =	sadd.s32 s2, s17  }
0x8e: {  	[smem:$0x3FC2] =	sst s2  }
0x8f: {  	_ = 	snop  }
0x90: {  	s2 =	sld [smem:$0x3FC7]  }
0x91: {  	s18 =	sld [smem:$0x3FD0];
	(tm) =	ssettm $0x1  }
0x92: {  	s4 =	sld [smem:$0x3FFB];
	_ =	sdelay $0x3  }
0x93: {  	_ =	strace s4  }
0x94: {  	s4 =	sld [smem:$0x3FFC];
	_ =	sdelay $0x3  }
0x95: {  	_ =	strace s4  }
0x96: {  	s4 =	sld [smem:$0x3FFD];
	_ =	sdelay $0x3  }
0x97: {  	_ =	strace s4  }
0x98: {  	_ =	strace $0x8FFFFFFF  }
0x99: {  	s19 =	sld [smem:$0x3FDB];
	_ =	sdelay $0x1  }
0x9a: {  	s5 =	simm.s32 $_scs_section_size  }
0x9b: {  	s6 =	simm.s32 $_size__tile_overlayer_lowered;
	s7 =	simm.s32 $_tile_overlayer_lowered  }
0x9c: {  	s22 =	simm.s32 $0x1BFF;
	s21 =	sshll.u32 s7, $0x1;
	s4 =	sadd.s32 s5, s19  }
0x9d: {  	s8 =	simm.s32 $0x0;
	s20 =	sshll.u32 s6, $0x1;
	s6 =	sadd.s32 s21, s4  }
0x9e: {  	[timem:s8], [sflag:s22] =	dma.local [hbm:s6], s20  }
0x9f: {  	_ =	swait.ge [sflag:s22], s20  }
0xa0: {  	s5 =	ssub.s32 $0x0, s20;
	[sflag:s22] =	ssyncset.done $0x0  }
0xa1: {  	[sflag:s22] =	ssyncadd.s32 s5;
	_ =	sdelay $0x1  }
0xa2: {  	s23 =	simm.s32 $0x1B8B  }
0xa3: {  	_ =	swait.ge [sflag:s23], $0x1  }
0xa4: {  	[sflag:s23] =	ssyncset.done $0x0  }
0xa5: {  	s25 =	simm.s32 $0x1B8E;
	s24 =	sld [smem:$0x3FFE];
	[sflag:s23] =	ssyncadd.s32 $0xFFFFFFFF  }
0xa6: {  	s26 =	simm.s32 $execute0_lowered;
	[smem:$0x3FD2] =	sst s25  }
0xa7: {  	s6 =	sshll.u32 s26, $0x1;
	_ =	strace $0x80000046;
	[dreg:$0x1] =	wrdreg $0xFFFFFFFF  }
0xa8: {  	s28 =	simm.s32 $_size_execute0_lowered;
	s4 =	sadd.s32 s4, s6;
	[dreg:$0x0] =	wrdreg $0x0  }
0xa9: {  	s6 =	sshll.u32 s28, $0x1;
	[dreg:$0x2] =	wrdreg s4  }
0xaa: {  	[dreg:$0x3] =	wrdreg s6  }
0xab: {  	[dreg:$0x4] =	wrdreg $0xC0  }
0xac: {  	_ =	task [dreg:s8], $0x5FFFF  }
0xad: {  	[dreg:$0x1] =	wrdreg $0xFFFFFFFF  }
0xae: {  	[dreg:$0x0] =	wrdreg $0x60  }
0xaf: {  	[dreg:$0x2] =	wrdreg s24  }
0xb0: {  	[dreg:$0x3] =	wrdreg s2  }
0xb1: {  	[dreg:$0x4] =	wrdreg s18  }
0xb2: {  	[dreg:$0x5] =	wrdreg $0x9  }
0xb3: {  	_ =	task.clear_ibuf [dreg:s8], $0x6FFFF;
	_ =	strace $0x90000046  }
0xb4: {  	s29 =	simm.s32 $0x9;
	_ =	strace $0x80000048  }
0xb5: {  	_ =	swait.ge [sflag:s29], $0x1  }
0xb6: {  	[sflag:s29] =	ssyncadd.s32 $0xFFFFFFFF  }
0xb7: {  	_ =	strace $0x90000048  }
0xb8: {  	_ =	sfence  }
0xb9: {  	s30 =	sld [smem:$0x0];
	_ =	sdelay $0x2  }
0xba: {  	s31 =	sshll.u32 s1, $0xD;
	s1 =	sshrl.u32 s1, $0x2  }
0xbb: {  	s3 =	sand.u32 $0x4000, s31;
	s1 =	sadd.s32 s1, s30  }
0xbc: {  	s0 =	sor.u32 s3, s0;
	s1 =	sshll.u32 s1, $0x11  }
0xbd: {  	s0 =	sor.u32 s1, s0  }
0xbe: {  	s0 =	sadd.s32 $0x8F2B, s0  }
0xbf: {  	[sflag:s0] =	ssyncadd.remote.s32 $0x1  }
0xc0: {  	_ =	sfence.sel $0xFFFF  }
0xc1: {  	[dreg:$0x0] =	wrdreg $0xFFFFFFFF;
	(pc) =	sbr.abs _section_cstart, $3  }
0xc2: {  	[dreg:$0x1] =	wrdreg $0xFFFFFFFF  }
0xc3: {  	_ =	task.clear_ibuf [dreg:s8], $0x2FFFF;
	_ =	strace $0x9FFFFFFF  }
0xc4: {  	(tm) =	ssettm $0x7FFFFFFF  }
0xc5: {  	_ =	shalt  }
tec
execute0_lowered:
.L_overlay_start_1:
0x0: {  	(tag) =	ssettag $0x1  }
0x1: {  	s3 =	rddreg [dreg:$0x0]  }
0x2: {  	s4 =	rddreg [dreg:$0x1]  }
0x3: {  	s8 =	rddreg [dreg:$0x2]  }
0x4: {  	s0 =	rddreg [dreg:$0x3]  }
0x5: {  	s2 =	simm.s32 $0x0;
	s5 =	srdreg.scid;
	s1 =	stileid.u32  }
0x6: {  	s11 =	simm.s32 $0x1000;
	s12 =	simm.s32 $0x9000;
	s13 =	simm.s32 $0x1  }
0x7: {  	s14 =	simm.s32 $0x2;
	s15 =	simm.s32 $0x11000;
	s16 =	simm.s32 $0x0  }
0x8: {  	[smem:$0x7FF] =	sst s2;
	s5 =	sand.u32 $0x1, s5;
	s6 =	sshll.u32 s1, $0x1  }
0x9: {  	_ =	strace $0x80000047;
	s9 =	sor.u32 s5, s6;
	s5 =	ssub.s32 $0x2, s5  }
.Ltmp0:
0xa: {  	s6 =	sshll.u32 s9, $0x9;
	s7 =	sshll.u32 s9, $0x10;
	(pc) =	sbr.rel .LBB2_1-.Ltmp0, $4  }
0xb: {  	s10 =	sshrl.u32 s5, $0x1;
	s9 =	sshll.u32 s9, $0x4;
	s6 =	sadd.s32 s6, s3  }
0xc: {  	s3 =	sadd.s32 s4, s7;
	s10 =	ssub.s32 s5, s10;
	s8 =	sadd.s32 s8, s9  }
0xd: {  	s4 =	sadd.s32 $0x1400, s6;
	s5 =	sadd.s32 $0x1000, s3;
	s6 =	sadd.s32 $0x2000, s3  }
0xe: {  	s7 =	sadd.s32 $0x3000, s3;
	s9 =	smax.u32 s10, $0x1;
	s10 =	simm.s32 $0x3  }
.LBB2_8:
0xf: {  	v0 =	vadd.f32 v63, v61  }
0x10: {  	v1 =	vadd.f32 v30, v56  }
0x11: {  	v58 =	vadd.f32 v45, v50;
	[tilespmem:$0x11000] =	vst v0  }
0x12: {  	v59 =	vadd.f32 v44, v59;
	[tilespmem:$0x11010] =	vst v1  }
0x13: {  	v60 =	vadd.f32 v7, v34;
	[tilespmem:$0x11020] =	vst v58  }
0x14: {  	v61 =	vadd.f32 v6, v35;
	[tilespmem:$0x11030] =	vst v59  }
0x15: {  	v62 =	vadd.f32 v3, v27;
	[tilespmem:$0x11040] =	vst v60  }
0x16: {  	v63 =	vadd.f32 v2, v26;
	s16 =	sadd.s32 $0x1, s16;
	[tilespmem:$0x11050] =	vst v61  }
0x17: {  	p0 =	sne.s32 s16, s9;
	[tilespmem:$0x11060] =	vst v62  }
.Ltmp1:
0x18: {  	[tilespmem:$0x11070] =	vst v63;
	(pc) =	sbr.rel @!p0 .LBB2_9-.Ltmp1, $4  }
0x19: {  	[hbm4b:s8+s2] =	stream.linear.scatter [tilespmem:s15], [sflag:$0x3], $0x80, $0x38;
	[tilespmem:$0x11080] =	vst v63  }
0x1a: {  	_ =	swait.ge [sflag:s10], $0x80  }
0x1b: {  	[sflag:s10] =	ssyncset.done $0x0  }
0x1c: {  	[sflag:s10] =	ssyncadd.s32 $0xFFFFFF80  }
.LBB2_1:
0x1d: {  	[tilespmem:s2], [sflag:$0x3] =	stream.linear.gather [hbm4b:s4+s2], $0x1000, $0x38;
	[tilespmem:$0x11080] =	vst v63  }
0x1e: {  	v0 =	vimm.f32 $0.0e+00;
	_ =	swait.ge [sflag:s10], $0x1000  }
0x1f: {  	v61 =	vimm.f32 $0.0e+00;
	[tilespmem:$0x1FFC0] =	vst v0  }
0x20: {  	v62 =	vimm.f32 $0.0e+00;
	v63 =	vimm.f32 $0.0e+00;
	[sflag:s10] =	ssyncset.done $0x0;
	[tilespmem:$0x1FFD0] =	vst v61  }
0x21: {  	v44 =	vimm.f32 $0.0e+00;
	v45 =	vimm.f32 $0.0e+00;
	v30 =	vimm.f32 $0.0e+00;
	[tilespmem:$0x1FFE0] =	vst v62;
	[sflag:s10] =	ssyncadd.s32 $0xFFFFF000  }
0x22: {  	v19 =	vimm.f32 $0.0e+00;
	v15 =	vimm.f32 $0.0e+00;
	v35 =	vimm.f32 $0.0e+00;
	[tilespmem:s11], [sflag:$0x1] =	stream.linear.gather [hbm4b:s3+s2], $0x8000, $0x38;
	[tilespmem:$0x11080] =	vst v63  }
0x23: {  	v34 =	vimm.f32 $0.0e+00;
	v60 =	vimm.f32 $0.0e+00;
	v59 =	vimm.f32 $0.0e+00;
	s17 =	simm.s32 $0x0;
	[tilespmem:$0x1FFF0] =	vst v63  }
0x24: {  	v63 =	vimm.f32 $0.0e+00;
	v62 =	vimm.f32 $0.0e+00;
	v61 =	vimm.f32 $0.0e+00;
	[tilespmem:s12], [sflag:$0x2] =	stream.linear.gather [hbm4b:s5+s2], $0x8000, $0x38;
	[tilespmem:$0x11080] =	vst v63  }
.LBB2_2:
0x25: {  	_ =	swait.ge [sflag:s13], $0x8000  }
0x26: {  	[sflag:s13] =	ssyncset.done $0x0  }
0x27: {  	s20 =	simm.s32 $0x1400;
	[sflag:s13] =	ssyncadd.s32 $0xFFFF8000  }
0x28: {  	v0 =	vld [tilespmem:s20+$0xFFFFFF80]  }
0x29: {  	v4 =	vld [tilespmem:s20+$0x3A0]  }
0x2a: {  	v1 =	vld [tilespmem:s20+$0xFFFFFF90]  }
0x2b: {  	v2 =	vld [tilespmem:s20+$0xFFFFFFA0]  }
0x2c: {  	v3 =	vld [tilespmem:s20+$0xFFFFFFB0]  }
0x2d: {  	v5 =	vld [tilespmem:s20+$0xFFFFFFC0]  }
0x2e: {  	[tilespmem:$0x1FE80] =	vst v4;
	v4 =	vld [tilespmem:s20+$0x3B0]  }
0x2f: {  	v6 =	vld [tilespmem:s20+$0xFFFFFFD0]  }
0x30: {  	v7 =	vld [tilespmem:s20+$0xFFFFFFE0]  }
0x31: {  	v8 =	vld [tilespmem:s20+$0xFFFFFFF0]  }
0x32: {  	v9 =	vld [tilespmem:s20+$0xFFFFFF00]  }
0x33: {  	[tilespmem:$0x1FEA0] =	vst v4;
	v4 =	vld [tilespmem:s20+$0x3C0]  }
0x34: {  	v10 =	vld [tilespmem:s20+$0xFFFFFF10]  }
0x35: {  	v11 =	vld [tilespmem:s20+$0xFFFFFF20]  }
0x36: {  	v12 =	vld [tilespmem:s20+$0xFFFFFF30]  }
0x37: {  	v13 =	vld [tilespmem:s20+$0xFFFFFF40]  }
0x38: {  	[tilespmem:$0x1FEC0] =	vst v4;
	v4 =	vld [tilespmem:s20+$0x3D0]  }
0x39: {  	s18 =	sshll.u32 s17, $0x9;
	s19 =	simm.s32 $0x0;
	v14 =	vld [tilespmem:s20+$0xFFFFFF50]  }
0x3a: {  	s18 =	sand.u32 $0x3FFFFE00, s18;
	s21 =	sand.u32 $0x80, s19;
	v17 =	vld [tilespmem:s20+$0xFFFFFF60]  }
0x3b: {  	s19 =	sand.u32 $0x70, s19;
	s21 =	sadd.s32 s21, s18;
	v18 =	vld [tilespmem:s20+$0xFFFFFF70]  }
0x3c: {  	s19 =	sadd.s32 s19, s21;
	v21 =	vld [tilespmem:s20+$0xFFFFFE80]  }
0x3d: {  	[tilespmem:$0x1FEE0] =	vst v4;
	v4 =	vld [tilespmem:s19+$0x0]  }
0x3e: {  	v22 =	vld [tilespmem:s20+$0xFFFFFE90]  }
0x3f: {  	v23 =	vld [tilespmem:s20+$0xFFFFFEA0]  }
0x40: {  	v26 =	vld [tilespmem:s20+$0xFFFFFEB0]  }
0x41: {  	v27 =	vld [tilespmem:s20+$0xFFFFFEC0]  }
0x42: {  	v28 =	vld [tilespmem:s20+$0xFFFFFED0];
	v36 =	vbroadcast v4, $0x7  }
0x43: {  	v33 =	vld [tilespmem:s20+$0xFFFFFE00]  }
0x44: {  	v50 =	vld [tilespmem:s20+$0xFFFFFE10];
	v48 =	vbroadcast v4, $0x6;
	v53 =	vmul.f32 v0, v36  }
0x45: {  	v56 =	vld [tilespmem:s20+$0xFFFFFC80];
	v55 =	vmul.f32 v1, v36;
	v2 =	vmul.f32 v2, v36  }
0x46: {  	v3 =	vmul.f32 v3, v36;
	v47 =	vmul.f32 v5, v36;
	v5 =	vld [tilespmem:s20+$0xFFFFFC90]  }
0x47: {  	v46 =	vmul.f32 v6, v36;
	v31 =	vmul.f32 v7, v36;
	v6 =	vld [tilespmem:s20+$0xFFFFFC00]  }
0x48: {  	v0 =	vmul.f32 v8, v36;
	v7 =	vmul.f32 v9, v48;
	v8 =	vld [tilespmem:s20+$0xFFFFFC10]  }
0x49: {  	v9 =	vmul.f32 v10, v48;
	v10 =	vmul.f32 v11, v48;
	v11 =	vld [tilespmem:s20+$0xFFFFFC20]  }
0x4a: {  	v1 =	vmul.f32 v13, v48;
	v13 =	vld [tilespmem:s20+$0xFFFFFC30];
	v39 =	vmul.f32 v14, v48  }
0x4b: {  	v36 =	vmul.f32 v17, v48;
	v14 =	vld [tilespmem:s20+$0xFFFFFCA0];
	v17 =	vbroadcast v4, $0x1  }
0x4c: {  	v54 =	vld [tilespmem:s20+$0xFFFFFD00];
	v52 =	vbroadcast v4, $0x0;
	v12 =	vmul.f32 v12, v48  }
0x4d: {  	v57 =	vld [tilespmem:s20+$0xFFFFFCB0];
	v24 =	vmul.f32 v18, v48;
	v56 =	vmul.f32 v56, v17  }
0x4e: {  	v58 =	vld [tilespmem:s20+$0xFFFFFD20];
	v6 =	vmul.f32 v6, v52;
	v8 =	vmul.f32 v8, v52  }
0x4f: {  	v18 =	vld [tilespmem:s20+$0xFFFFFD10];
	v11 =	vmul.f32 v11, v52;
	v5 =	vmul.f32 v5, v17  }
0x50: {  	v48 =	vld [tilespmem:s20+$0xFFFFFD30];
	v13 =	vmul.f32 v13, v52;
	v14 =	vmul.f32 v14, v17;
	v6 =	vadd.f32 v6, v61  }
0x51: {  	v8 =	vadd.f32 v8, v59;
	v11 =	vadd.f32 v11, v60;
	v60 =	vbroadcast v4, $0x2;
	v61 =	vld [tilespmem:s20+$0xFFFFFD80]  }
0x52: {  	v13 =	vadd.f32 v13, v62;
	v62 =	vmul.f32 v57, v17;
	v57 =	vld [tilespmem:s20+$0xFFFFFD90];
	v6 =	vadd.f32 v56, v6  }
0x53: {  	v5 =	vadd.f32 v5, v8;
	v8 =	vadd.f32 v14, v11;
	v11 =	vmul.f32 v54, v60;
	v14 =	vld [tilespmem:s20+$0xFFFFFDA0]  }
0x54: {  	v13 =	vadd.f32 v62, v13;
	v18 =	vmul.f32 v18, v60;
	v54 =	vbroadcast v4, $0x3;
	v56 =	vld [tilespmem:s20+$0xFFFFFDB0]  }
0x55: {  	v51 =	vld [tilespmem:s20+$0xFFFFFE20];
	v48 =	vmul.f32 v48, v60;
	v6 =	vadd.f32 v11, v6;
	v11 =	vmul.f32 v58, v60  }
0x56: {  	v59 =	vld [tilespmem:s20+$0xFFFFFE30];
	v5 =	vadd.f32 v18, v5;
	v18 =	vmul.f32 v61, v54;
	v61 =	vbroadcast v4, $0x4  }
0x57: {  	v29 =	vld [tilespmem:s20+$0xFFFFFEE0];
	v8 =	vadd.f32 v11, v8;
	v11 =	vadd.f32 v48, v13;
	v13 =	vmul.f32 v57, v54  }
0x58: {  	v32 =	vld [tilespmem:s20+$0xFFFFFEF0];
	v6 =	vadd.f32 v18, v6;
	v18 =	vmul.f32 v33, v61;
	v14 =	vmul.f32 v14, v54  }
0x59: {  	v62 =	vld [tilespmem:s20+$0xFFFFFE40];
	v5 =	vadd.f32 v13, v5;
	v13 =	vmul.f32 v50, v61;
	v50 =	vmul.f32 v56, v54  }
0x5a: {  	v58 =	vld [tilespmem:s20+$0xFFFFFDC0];
	v8 =	vadd.f32 v14, v8;
	v14 =	vmul.f32 v51, v61;
	v51 =	vbroadcast v4, $0x5  }
0x5b: {  	v57 =	vld [tilespmem:s20+$0xFFFFFE50];
	v6 =	vadd.f32 v18, v6;
	v18 =	vmul.f32 v59, v61  }
0x5c: {  	v56 =	vld [tilespmem:s20+$0xFFFFFE70];
	v11 =	vadd.f32 v50, v11;
	v5 =	vadd.f32 v13, v5;
	v13 =	vmul.f32 v21, v51  }
0x5d: {  	v59 =	vld [tilespmem:s20+$0xFFFFFC40];
	v8 =	vadd.f32 v14, v8;
	v21 =	vmul.f32 v23, v51  }
0x5e: {  	v50 =	vld [tilespmem:s20+$0xFFFFFD40];
	v11 =	vadd.f32 v18, v11;
	v18 =	vmul.f32 v22, v51;
	v6 =	vadd.f32 v13, v6  }
0x5f: {  	v14 =	vld [tilespmem:s20+$0xFFFFFCC0];
	v13 =	vmul.f32 v26, v51;
	v8 =	vadd.f32 v21, v8  }
0x60: {  	v22 =	vld [tilespmem:s20+$0xFFFFFCD0];
	v5 =	vadd.f32 v18, v5;
	v6 =	vadd.f32 v7, v6  }
0x61: {  	v23 =	vmul.f32 v27, v51;
	v18 =	vld [tilespmem:s20+$0xFFFFFC50];
	v11 =	vadd.f32 v13, v11;
	v8 =	vadd.f32 v10, v8  }
0x62: {  	v27 =	vmul.f32 v28, v51;
	v13 =	vld [tilespmem:s20+$0xFFFFFC60];
	v5 =	vadd.f32 v9, v5;
	v6 =	vadd.f32 v53, v6  }
0x63: {  	v28 =	vmul.f32 v29, v51;
	v9 =	vld [tilespmem:s20+$0xFFFFFC70];
	v12 =	vadd.f32 v12, v11;
	v2 =	vadd.f32 v2, v8  }
0x64: {  	v29 =	vmul.f32 v32, v51;
	v7 =	vmul.f32 v62, v61;
	v62 =	vld [tilespmem:s20+$0xFFFFFCE0];
	v5 =	vadd.f32 v55, v5;
	[tilespmem:$0x1FE20] =	vst v6  }
0x65: {  	v21 =	vmul.f32 v57, v61;
	v26 =	vmul.f32 v59, v52;
	v6 =	vld [tilespmem:s20+$0xFFFFFCF0];
	[tilespmem:$0x1FE40] =	vst v2;
	v2 =	vadd.f32 v3, v12  }
0x66: {  	v14 =	vmul.f32 v14, v17;
	v18 =	vmul.f32 v18, v52;
	[tilespmem:$0x1FE30] =	vst v5;
	v5 =	vld [tilespmem:s20+$0xFFFFFD50]  }
0x67: {  	v22 =	vmul.f32 v22, v17;
	v3 =	vmul.f32 v13, v52;
	[tilespmem:$0x1FE50] =	vst v2;
	v2 =	vld [tilespmem:s20+$0xFFFFFD60]  }
0x68: {  	v13 =	vld [tilespmem:s20+$0xFFFFFD70];
	v8 =	vmul.f32 v9, v52;
	v9 =	vadd.f32 v26, v34;
	v12 =	vadd.f32 v18, v35  }
0x69: {  	v56 =	vmul.f32 v56, v61;
	v57 =	vmul.f32 v62, v17;
	v18 =	vld [tilespmem:s20+$0xFFFFFDD0];
	v3 =	vadd.f32 v3, v15  }
0x6a: {  	v9 =	vadd.f32 v14, v9;
	v14 =	vmul.f32 v50, v60;
	v12 =	vadd.f32 v22, v12;
	v22 =	vld [tilespmem:s20+$0xFFFFFDF0]  }
0x6b: {  	v8 =	vadd.f32 v8, v19;
	v6 =	vmul.f32 v6, v17;
	v3 =	vadd.f32 v57, v3  }
0x6c: {  	v17 =	vld [tilespmem:s20+$0xFFFFFDE0];
	v5 =	vmul.f32 v5, v60;
	v9 =	vadd.f32 v14, v9;
	v2 =	vmul.f32 v2, v60  }
0x6d: {  	v6 =	vadd.f32 v6, v8;
	v8 =	vmul.f32 v13, v60;
	v13 =	vmul.f32 v58, v54  }
0x6e: {  	v14 =	vmul.f32 v18, v54;
	v18 =	vbroadcast v4, $0xB;
	v5 =	vadd.f32 v5, v12  }
0x6f: {  	v12 =	vbroadcast v4, $0xF;
	v6 =	vadd.f32 v8, v6;
	v8 =	vmul.f32 v22, v54  }
0x70: {  	v49 =	vld [tilespmem:s20+$0x380];
	v2 =	vadd.f32 v2, v3;
	v9 =	vadd.f32 v13, v9;
	v13 =	vbroadcast v4, $0xE  }
0x71: {  	v22 =	vbroadcast v4, $0x9;
	v17 =	vmul.f32 v17, v54;
	v6 =	vadd.f32 v8, v6  }
0x72: {  	v25 =	vld [tilespmem:s20+$0x390];
	v5 =	vadd.f32 v14, v5;
	v14 =	vbroadcast v4, $0xD;
	v7 =	vadd.f32 v7, v9  }
0x73: {  	v2 =	vadd.f32 v17, v2;
	v17 =	vbroadcast v4, $0xC;
	v6 =	vadd.f32 v56, v6  }
0x74: {  	v5 =	vadd.f32 v21, v5;
	v21 =	vbroadcast v4, $0xA;
	v7 =	vadd.f32 v23, v7  }
0x75: {  	v23 =	vbroadcast v4, $0x8;
	v4 =	vadd.f32 v29, v6;
	v6 =	vmul.f32 v49, v12;
	_ =	sdelay $0x1  }
0x76: {  	v16 =	vld [tilespmem:s20+$0x310];
	[tilespmem:$0x1FE60] =	vst v6;
	v6 =	vmul.f32 v25, v12  }
0x77: {  	v1 =	vadd.f32 v1, v7;
	v7 =	vld [tilespmem:$0x1FEC0]  }
0x78: {  	[tilespmem:$0x1FE70] =	vst v6;
	v6 =	vld [tilespmem:$0x1FE80];
	_ =	sdelay $0x1  }
0x79: {  	v37 =	vld [tilespmem:s20+$0x320]  }
0x7a: {  	v10 =	vmul.f32 v16, v13  }
0x7b: {  	v41 =	vld [tilespmem:s20+$0x330];
	v7 =	vmul.f32 v7, v12  }
0x7c: {  	v20 =	vld [tilespmem:s20+$0x300];
	[tilespmem:$0x1FF00] =	vst v10;
	v6 =	vmul.f32 v6, v12  }
0x7d: {  	[tilespmem:$0x1FED0] =	vst v7;
	v7 =	vld [tilespmem:$0x1FEE0]  }
0x7e: {  	v10 =	vmul.f32 v37, v13;
	[tilespmem:$0x1FE90] =	vst v6;
	v6 =	vld [tilespmem:$0x1FEA0]  }
0x7f: {  	v38 =	vld [tilespmem:s20+$0x340]  }
0x80: {  	v40 =	vld [tilespmem:s20+$0x350];
	[tilespmem:$0x1FF10] =	vst v10;
	v10 =	vmul.f32 v41, v13  }
0x81: {  	v43 =	vld [tilespmem:s20+$0x280];
	v5 =	vadd.f32 v27, v5;
	v1 =	vadd.f32 v47, v1  }
0x82: {  	v42 =	vld [tilespmem:s20+$0x290];
	[tilespmem:$0x1FF20] =	vst v10;
	v7 =	vmul.f32 v7, v12  }
0x83: {  	v62 =	vld [tilespmem:s20+$0x2C0];
	v5 =	vadd.f32 v39, v5;
	[tilespmem:$0x1FF30] =	vst v1;
	v6 =	vmul.f32 v6, v12  }
0x84: {  	v10 =	vmul.f32 v38, v13;
	[tilespmem:$0x1FEF0] =	vst v7;
	v7 =	vld [tilespmem:s20+$0x10]  }
0x85: {  	v5 =	vadd.f32 v46, v5;
	[tilespmem:$0x1FEB0] =	vst v6;
	v6 =	vld [tilespmem:s20+$0x0]  }
0x86: {  	v1 =	vld [tilespmem:s20+$0x30];
	[tilespmem:$0x1FF40] =	vst v10  }
0x87: {  	v4 =	vadd.f32 v24, v4;
	v10 =	vmul.f32 v40, v13;
	[tilespmem:$0x1FF60] =	vst v5;
	v5 =	vld [tilespmem:s20+$0x80]  }
0x88: {  	v33 =	vld [tilespmem:s20+$0xFFFFFE60]  }
0x89: {  	v0 =	vadd.f32 v0, v4;
	[tilespmem:$0x1FF50] =	vst v10;
	v10 =	vmul.f32 v62, v14;
	v4 =	vmul.f32 v7, v23;
	v7 =	vld [tilespmem:s20+$0xB0]  }
0x8a: {  	v48 =	vld [tilespmem:s20+$0x200];
	v6 =	vmul.f32 v6, v23  }
0x8b: {  	[tilespmem:$0x1FF90] =	vst v10;
	v10 =	vld [tilespmem:s20+$0x130]  }
0x8c: {  	v51 =	vld [tilespmem:s20+$0x240];
	v1 =	vmul.f32 v1, v23;
	v5 =	vmul.f32 v5, v22;
	v6 =	vadd.f32 v6, v63  }
0x8d: {  	v32 =	vmul.f32 v33, v61;
	v59 =	vld [tilespmem:s20+$0x2A0]  }
0x8e: {  	v61 =	vld [tilespmem:s20+$0x2B0];
	v1 =	vadd.f32 v1, v44;
	v5 =	vadd.f32 v5, v6;
	v6 =	vmul.f32 v7, v22  }
0x8f: {  	v11 =	vld [tilespmem:s20+$0x250]  }
0x90: {  	v55 =	vld [tilespmem:s20+$0x190];
	v10 =	vmul.f32 v10, v21;
	v62 =	vadd.f32 v6, v1  }
0x91: {  	v19 =	vld [tilespmem:s20+$0x210];
	v2 =	vadd.f32 v32, v2  }
0x92: {  	v33 =	vadd.f32 v10, v62;
	v10 =	vld [tilespmem:$0x1FFC0]  }
0x93: {  	v58 =	vld [tilespmem:s20+$0x100];
	v2 =	vadd.f32 v28, v2  }
0x94: {  	v60 =	vld [tilespmem:s20+$0x110]  }
0x95: {  	v3 =	vld [tilespmem:s20+$0x2D0];
	v2 =	vadd.f32 v36, v2  }
0x96: {  	v9 =	vld [tilespmem:s20+$0x230]  }
0x97: {  	v2 =	vadd.f32 v31, v2;
	[tilespmem:$0x1FFC0] =	vst v10;
	v10 =	vld [tilespmem:$0x1FFD0]  }
0x98: {  	v56 =	vld [tilespmem:s20+$0x20]  }
0x99: {  	[tilespmem:$0x1FF70] =	vst v2;
	v2 =	vld [tilespmem:s20+$0x90]  }
0x9a: {  	v54 =	vld [tilespmem:s20+$0x180]  }
0x9b: {  	v3 =	vmul.f32 v3, v14;
	v32 =	vmul.f32 v55, v18;
	[tilespmem:$0x1FF80] =	vst v0;
	v0 =	vld [tilespmem:s20+$0xA0]  }
0x9c: {  	v41 =	vmul.f32 v42, v14;
	v42 =	vmul.f32 v59, v14;
	[tilespmem:$0x1FFD0] =	vst v10;
	v10 =	vld [tilespmem:$0x1FFE0]  }
0x9d: {  	v8 =	vld [tilespmem:s20+$0x220];
	v39 =	vmul.f32 v20, v13;
	v47 =	vmul.f32 v9, v17  }
0x9e: {  	[tilespmem:$0x1FFA0] =	vst v3;
	v3 =	vld [tilespmem:s20+$0x120];
	v57 =	vmul.f32 v56, v23;
	v2 =	vmul.f32 v2, v22;
	v4 =	vadd.f32 v4, v30  }
0x9f: {  	v40 =	vmul.f32 v43, v14;
	v43 =	vmul.f32 v61, v14;
	v61 =	vld [tilespmem:s20+$0x1B0]  }
0xa0: {  	v59 =	vadd.f32 v57, v45;
	v0 =	vmul.f32 v0, v22;
	v2 =	vadd.f32 v2, v4;
	v4 =	vld [tilespmem:s20+$0x1A0]  }
0xa1: {  	v9 =	vmul.f32 v60, v21;
	v38 =	vmul.f32 v11, v17;
	[tilespmem:$0x1FFE0] =	vst v10;
	v10 =	vld [tilespmem:$0x1FFF0]  }
0xa2: {  	v46 =	vmul.f32 v8, v17;
	v8 =	vadd.f32 v0, v59;
	v0 =	vld [tilespmem:s20+$0x1C0];
	v7 =	vmul.f32 v58, v21  }
0xa3: {  	v63 =	vmul.f32 v3, v21;
	v3 =	vld [tilespmem:s20+$0x140];
	v1 =	vmul.f32 v51, v17  }
0xa4: {  	v45 =	vmul.f32 v19, v17;
	v6 =	vadd.f32 v7, v5;
	v7 =	vadd.f32 v9, v2;
	v5 =	vld [tilespmem:s20+$0x150]  }
0xa5: {  	v2 =	vmul.f32 v54, v18;
	v9 =	vadd.f32 v63, v8;
	v8 =	vmul.f32 v4, v18;
	v4 =	vld [tilespmem:s20+$0xC0];
	[tilespmem:$0x1FFB0] =	vst v1  }
0xa6: {  	s19 =	simm.s32 $0x10;
	v50 =	vmul.f32 v61, v18;
	v44 =	vmul.f32 v48, v17;
	v1 =	vld [tilespmem:s20+$0x1D0];
	[tilespmem:$0x1FFF0] =	vst v10  }
.LBB2_3:
0xa7: {  	v2 =	vadd.f32 v2, v6;
	v6 =	vadd.f32 v32, v7  }
0xa8: {  	v10 =	vld [tilespmem:$0x1FF00]  }
0xa9: {  	v6 =	vadd.f32 v45, v6;
	_ =	sdelay $0x1  }
0xaa: {  	v6 =	vadd.f32 v41, v6  }
0xab: {  	v8 =	vadd.f32 v8, v9  }
0xac: {  	v6 =	vadd.f32 v10, v6;
	v10 =	vld [tilespmem:$0x1FF10]  }
0xad: {  	v8 =	vadd.f32 v46, v8;
	_ =	sdelay $0x1  }
0xae: {  	v8 =	vadd.f32 v42, v8  }
0xaf: {  	v9 =	vadd.f32 v50, v33  }
0xb0: {  	v8 =	vadd.f32 v10, v8;
	v10 =	vld [tilespmem:$0x1FF20]  }
0xb1: {  	v9 =	vadd.f32 v47, v9;
	_ =	sdelay $0x1  }
0xb2: {  	v9 =	vadd.f32 v43, v9  }
0xb3: {  	v2 =	vadd.f32 v44, v2  }
0xb4: {  	v9 =	vadd.f32 v10, v9;
	v10 =	vld [tilespmem:$0x1FE60]  }
0xb5: {  	v2 =	vadd.f32 v40, v2;
	_ =	sdelay $0x1  }
0xb6: {  	v2 =	vadd.f32 v39, v2;
	_ =	sdelay $0x1  }
0xb7: {  	v2 =	vadd.f32 v10, v2;
	v10 =	vld [tilespmem:$0x1FE90];
	_ =	sdelay $0x4  }
0xb8: {  	v30 =	vld [tilespmem:s20+$0xD0];
	v8 =	vadd.f32 v10, v8  }
0xb9: {  	v31 =	vld [tilespmem:s20+$0x50]  }
0xba: {  	[tilespmem:$0x1FE00] =	vst v8;
	v8 =	vld [tilespmem:$0x1FEB0]  }
0xbb: {  	v59 =	vld [tilespmem:s20+$0x60]  }
0xbc: {  	v60 =	vld [tilespmem:s20+$0x70]  }
0xbd: {  	v61 =	vld [tilespmem:s20+$0xE0]  }
0xbe: {  	v7 =	vld [tilespmem:s20+$0x40]  }
0xbf: {  	v10 =	vld [tilespmem:$0x1FFD0];
	v8 =	vadd.f32 v8, v9  }
0xc0: {  	[tilespmem:$0x1FDE0] =	vst v2;
	v2 =	vld [tilespmem:$0x1FE70]  }
0xc1: {  	[tilespmem:$0x1FE10] =	vst v8;
	v8 =	vld [tilespmem:$0x1FFF0]  }
0xc2: {  	v62 =	vld [tilespmem:s20+$0xF0];
	v32 =	vmul.f32 v59, v23  }
0xc3: {  	v36 =	vld [tilespmem:s20+$0x160]  }
0xc4: {  	v7 =	vmul.f32 v7, v23;
	v26 =	vadd.f32 v32, v10;
	v10 =	vld [tilespmem:$0x1FFC0]  }
0xc5: {  	v35 =	vld [tilespmem:s20+$0x170];
	v2 =	vadd.f32 v2, v6  }
0xc6: {  	v4 =	vmul.f32 v4, v22;
	v7 =	vadd.f32 v7, v8;
	v8 =	vld [tilespmem:$0x1FFE0]  }
0xc7: {  	v27 =	vld [tilespmem:s20+$0x260];
	[tilespmem:$0x1FDF0] =	vst v2;
	v2 =	vmul.f32 v60, v23  }
0xc8: {  	v28 =	vld [tilespmem:s20+$0x270];
	s21 =	sand.u32 $0x80, s19;
	v3 =	vmul.f32 v3, v21;
	v4 =	vadd.f32 v4, v7  }
0xc9: {  	s22 =	sand.u32 $0x70, s19;
	s21 =	sadd.s32 s21, s18;
	v31 =	vmul.f32 v31, v23;
	v2 =	vadd.f32 v2, v10;
	v10 =	vld [tilespmem:$0x1FFB0]  }
0xca: {  	s21 =	sadd.s32 s22, s21;
	v0 =	vmul.f32 v0, v18;
	v30 =	vmul.f32 v30, v22;
	v6 =	vld [tilespmem:s20+$0x1E0];
	v3 =	vadd.f32 v3, v4  }
0xcb: {  	v16 =	vld [tilespmem:s21+$0x0];
	v9 =	vmul.f32 v61, v22;
	v22 =	vmul.f32 v62, v22;
	v8 =	vadd.f32 v31, v8  }
0xcc: {  	v23 =	vld [tilespmem:s20+$0x1F0];
	v0 =	vadd.f32 v0, v3  }
0xcd: {  	v5 =	vmul.f32 v5, v21;
	v2 =	vadd.f32 v22, v2;
	v22 =	vld [tilespmem:s20+$0x2E0];
	v7 =	vadd.f32 v30, v8  }
0xce: {  	v9 =	vadd.f32 v9, v26;
	v8 =	vmul.f32 v36, v21;
	v0 =	vadd.f32 v10, v0;
	v10 =	vld [tilespmem:$0x1FF40]  }
0xcf: {  	v21 =	vmul.f32 v35, v21;
	v4 =	vadd.f32 v5, v7;
	v5 =	vmul.f32 v6, v18;
	v6 =	vld [tilespmem:s20+$0x2F0]  }
0xd0: {  	v1 =	vmul.f32 v1, v18;
	v7 =	vadd.f32 v8, v9;
	v9 =	vld [tilespmem:s20+$0x360]  }
0xd1: {  	v2 =	vadd.f32 v21, v2;
	v8 =	vmul.f32 v23, v18;
	v18 =	vld [tilespmem:s20+$0x3F0]  }
0xd2: {  	v1 =	vadd.f32 v1, v4;
	v4 =	vld [tilespmem:s20+$0x370]  }
0xd3: {  	v2 =	vadd.f32 v8, v2;
	v8 =	vld [tilespmem:s20+$0x3E0];
	s20 =	sadd.s32 $0x800, s20  }
0xd4: {  	v63 =	vld [tilespmem:s20+$0xFFFFFF80]  }
0xd5: {  	v19 =	vld [tilespmem:s20+$0xFFFFFFC0]  }
0xd6: {  	v15 =	vld [tilespmem:s20+$0x3C0]  }
0xd7: {  	v20 =	vld [tilespmem:s20+$0x3D0]  }
0xd8: {  	v24 =	vld [tilespmem:s20+$0xFFFFFF00]  }
0xd9: {  	v25 =	vld [tilespmem:s20+$0xFFFFFF10]  }
0xda: {  	v30 =	vld [tilespmem:s20+$0xFFFFFF20]  }
0xdb: {  	v31 =	vld [tilespmem:s20+$0xFFFFFF30]  }
0xdc: {  	v33 =	vld [tilespmem:s20+$0xFFFFFF40]  }
0xdd: {  	v34 =	vld [tilespmem:s20+$0xFFFFFF50]  }
0xde: {  	v35 =	vld [tilespmem:s20+$0xFFFFFF60]  }
0xdf: {  	v36 =	vld [tilespmem:s20+$0xFFFFFF70]  }
0xe0: {  	v37 =	vld [tilespmem:s20+$0x300]  }
0xe1: {  	v40 =	vld [tilespmem:s20+$0x320]  }
0xe2: {  	v41 =	vld [tilespmem:s20+$0x330]  }
0xe3: {  	v42 =	vld [tilespmem:s20+$0x340]  }
0xe4: {  	v43 =	vld [tilespmem:s20+$0x350]  }
0xe5: {  	v5 =	vadd.f32 v5, v7;
	v7 =	vmul.f32 v28, v17;
	v44 =	vld [tilespmem:s20+$0xFFFFFE80]  }
0xe6: {  	v45 =	vld [tilespmem:s20+$0xFFFFFE90]  }
0xe7: {  	v2 =	vadd.f32 v7, v2;
	v7 =	vld [tilespmem:$0x1FF90]  }
0xe8: {  	v46 =	vld [tilespmem:s20+$0xFFFFFEA0]  }
0xe9: {  	v47 =	vld [tilespmem:s20+$0xFFFFFEB0]  }
0xea: {  	v11 =	vld [tilespmem:s20+$0xFFFFFEC0]  }
0xeb: {  	v29 =	vld [tilespmem:s20+$0xFFFFFED0]  }
0xec: {  	v0 =	vadd.f32 v7, v0;
	v7 =	vld [tilespmem:$0x1FFA0]  }
0xed: {  	v26 =	vld [tilespmem:s20+$0xFFFFFEE0]  }
0xee: {  	v3 =	vmul.f32 v27, v17;
	v0 =	vadd.f32 v10, v0;
	v10 =	vld [tilespmem:$0x1FF50]  }
0xef: {  	v48 =	vld [tilespmem:s20+$0xFFFFFEF0];
	v1 =	vadd.f32 v38, v1  }
0xf0: {  	v39 =	vbroadcast v16, $0x6;
	v17 =	vmul.f32 v22, v14;
	v49 =	vld [tilespmem:s20+$0x280];
	v3 =	vadd.f32 v3, v5  }
0xf1: {  	v52 =	vbroadcast v16, $0x3;
	v53 =	vbroadcast v16, $0x2;
	v51 =	vld [tilespmem:s20+$0x290];
	v1 =	vadd.f32 v7, v1  }
0xf2: {  	v58 =	vbroadcast v16, $0x1;
	v57 =	vld [tilespmem:s20+$0x2D0];
	v3 =	vadd.f32 v17, v3;
	v7 =	vmul.f32 v9, v13  }
0xf3: {  	v59 =	vbroadcast v16, $0x0;
	v27 =	vbroadcast v16, $0x7;
	v1 =	vadd.f32 v10, v1;
	v10 =	vld [tilespmem:$0x1FED0]  }
0xf4: {  	v21 =	vbroadcast v16, $0xA;
	v5 =	vmul.f32 v6, v14;
	v3 =	vadd.f32 v7, v3;
	v7 =	vld [tilespmem:s20+$0xFFFFFFD0]  }
0xf5: {  	v23 =	vbroadcast v16, $0x8;
	v28 =	vbroadcast v16, $0x4;
	v6 =	vld [tilespmem:s20+$0xFFFFFF90]  }
0xf6: {  	v22 =	vbroadcast v16, $0x9;
	v14 =	vbroadcast v16, $0xD;
	v2 =	vadd.f32 v5, v2;
	v5 =	vld [tilespmem:s20+$0xFFFFFFB0]  }
0xf7: {  	v17 =	vbroadcast v16, $0xC;
	v4 =	vmul.f32 v4, v13;
	v9 =	vld [tilespmem:s20+$0xFFFFFFA0]  }
0xf8: {  	v55 =	vld [tilespmem:s20+$0x220];
	v8 =	vmul.f32 v8, v12;
	v62 =	vmul.f32 v63, v27;
	v0 =	vadd.f32 v10, v0  }
0xf9: {  	v38 =	vld [tilespmem:s20+$0x310];
	v2 =	vadd.f32 v4, v2;
	v4 =	vmul.f32 v18, v12;
	v7 =	vmul.f32 v7, v27  }
0xfa: {  	v12 =	vbroadcast v16, $0xF;
	v63 =	vmul.f32 v6, v27;
	v6 =	vld [tilespmem:s20+$0x2A0];
	[tilespmem:$0x1FFF0] =	vst v0  }
0xfb: {  	v18 =	vbroadcast v16, $0xB;
	v0 =	vld [tilespmem:$0x1FEF0];
	[tilespmem:$0x1FDB0] =	vst v7;
	v7 =	vmul.f32 v34, v39  }
0xfc: {  	v61 =	vmul.f32 v5, v27;
	v5 =	vld [tilespmem:s20+$0x2B0];
	v60 =	vmul.f32 v9, v27  }
0xfd: {  	v9 =	vmul.f32 v19, v27;
	v19 =	vld [tilespmem:s20+$0xFFFFFE00];
	[tilespmem:$0x1FD70] =	vst v7;
	v7 =	vmul.f32 v35, v39  }
0xfe: {  	v13 =	vbroadcast v16, $0xE;
	v10 =	vbroadcast v16, $0x5;
	v16 =	vld [tilespmem:s20+$0x2C0]  }
0xff: {  	v34 =	vld [tilespmem:s20+$0xFFFFFE60];
	[tilespmem:$0x1FD80] =	vst v7;
	v7 =	vmul.f32 v36, v39  }
0x100: {  	v50 =	vmul.f32 v33, v39;
	v33 =	vmul.f32 v29, v10;
	v29 =	vld [tilespmem:s20+$0xFFFFFCB0];
	v0 =	vadd.f32 v0, v1  }
0x101: {  	v36 =	vld [tilespmem:s20+$0x230];
	v1 =	vadd.f32 v8, v3;
	[tilespmem:$0x1FD90] =	vst v7  }
0x102: {  	v3 =	vld [tilespmem:s20+$0x390];
	v7 =	vmul.f32 v38, v13;
	[tilespmem:$0x1FFE0] =	vst v0  }
0x103: {  	v0 =	vld [tilespmem:s20+$0xFFFFFFE0];
	[tilespmem:$0x1FFD0] =	vst v1;
	v1 =	vadd.f32 v4, v2  }
0x104: {  	v8 =	vld [tilespmem:s20+$0x3B0];
	[tilespmem:$0x1FF00] =	vst v7  }
0x105: {  	v7 =	vmul.f32 v40, v13;
	[tilespmem:$0x1FFC0] =	vst v1;
	v1 =	vld [tilespmem:s20+$0xFFFFFFF0]  }
0x106: {  	v4 =	vld [tilespmem:s20+$0x3A0]  }
0x107: {  	v38 =	vld [tilespmem:s20+$0x200];
	[tilespmem:$0x1FF10] =	vst v7;
	v7 =	vmul.f32 v41, v13  }
0x108: {  	[tilespmem:$0x1FDA0] =	vst v9;
	v9 =	vmul.f32 v47, v10;
	v2 =	vld [tilespmem:s20+$0x380];
	v0 =	vmul.f32 v0, v27  }
0x109: {  	v47 =	vmul.f32 v36, v17;
	v36 =	vld [tilespmem:$0x1FE20];
	[tilespmem:$0x1FF20] =	vst v7;
	v7 =	vmul.f32 v42, v13  }
0x10a: {  	v41 =	vmul.f32 v51, v14;
	v51 =	vld [tilespmem:s20+$0xFFFFFD00];
	[tilespmem:$0x1FDC0] =	vst v0;
	v0 =	vmul.f32 v1, v27  }
0x10b: {  	v1 =	vmul.f32 v4, v12;
	v4 =	vld [tilespmem:s20+$0xFFFFFE20];
	[tilespmem:$0x1FF40] =	vst v7;
	v7 =	vmul.f32 v43, v13  }
0x10c: {  	v43 =	vmul.f32 v5, v14;
	v5 =	vmul.f32 v16, v14;
	v16 =	vld [tilespmem:s20+$0xFFFFFC80];
	[tilespmem:$0x1FDD0] =	vst v0  }
0x10d: {  	v0 =	vmul.f32 v2, v12;
	[tilespmem:$0x1FE90] =	vst v1;
	v1 =	vmul.f32 v8, v12;
	v8 =	vld [tilespmem:s20+$0xFFFFFE30]  }
0x10e: {  	v2 =	vmul.f32 v24, v39;
	v24 =	vld [tilespmem:s20+$0xFFFFFE70];
	[tilespmem:$0x1FF90] =	vst v5  }
0x10f: {  	v32 =	vmul.f32 v31, v39;
	v5 =	vmul.f32 v57, v14;
	v57 =	vld [tilespmem:s20+$0xFFFFFC90];
	[tilespmem:$0x1FE60] =	vst v0  }
0x110: {  	v0 =	vmul.f32 v3, v12;
	[tilespmem:$0x1FEB0] =	vst v1;
	v1 =	vmul.f32 v15, v12;
	v15 =	vld [tilespmem:s20+$0xFFFFFE40]  }
0x111: {  	v40 =	vmul.f32 v49, v14;
	v3 =	vmul.f32 v25, v39;
	v25 =	vld [tilespmem:s20+$0x210]  }
0x112: {  	v49 =	vmul.f32 v4, v28;
	v4 =	vmul.f32 v34, v28;
	v34 =	vld [tilespmem:s20+$0xFFFFFC30];
	[tilespmem:$0x1FE70] =	vst v0  }
0x113: {  	v54 =	vmul.f32 v45, v10;
	v0 =	vld [tilespmem:s20+$0xFFFFFE10];
	[tilespmem:$0x1FED0] =	vst v1;
	v1 =	vmul.f32 v20, v12  }
0x114: {  	v31 =	vmul.f32 v11, v10;
	v11 =	vmul.f32 v26, v10;
	v20 =	vld [tilespmem:s20+$0xFFFFFE50]  }
0x115: {  	[tilespmem:$0x1FEF0] =	vst v1;
	v1 =	vmul.f32 v30, v39;
	v39 =	vmul.f32 v37, v13;
	v37 =	vld [tilespmem:s20+$0x240]  }
0x116: {  	v35 =	vmul.f32 v44, v10;
	[tilespmem:$0x1FFA0] =	vst v5;
	v5 =	vmul.f32 v15, v28;
	v15 =	vld [tilespmem:s20+$0xFFFFFC00]  }
0x117: {  	[tilespmem:$0x1FF50] =	vst v7;
	v7 =	vmul.f32 v46, v10;
	v30 =	vmul.f32 v48, v10;
	v10 =	vld [tilespmem:s20+$0x250]  }
0x118: {  	v56 =	vmul.f32 v8, v28;
	v8 =	vmul.f32 v24, v28;
	v24 =	vld [tilespmem:s20+$0xFFFFFC20]  }
0x119: {  	v19 =	vmul.f32 v19, v28;
	v44 =	vmul.f32 v38, v17;
	v48 =	vld [tilespmem:s20+$0xFFFFFD90]  }
0x11a: {  	v42 =	vmul.f32 v6, v14;
	v38 =	vmul.f32 v37, v17;
	v37 =	vld [tilespmem:$0x1FE40]  }
0x11b: {  	v6 =	vmul.f32 v20, v28;
	v20 =	vld [tilespmem:s20+$0xFFFFFC10];
	v15 =	vmul.f32 v15, v59  }
0x11c: {  	v46 =	vmul.f32 v55, v17;
	[tilespmem:$0x1FFB0] =	vst v38;
	v38 =	vmul.f32 v10, v17;
	v10 =	vld [tilespmem:s20+$0xFFFFFCA0]  }
0x11d: {  	v16 =	vmul.f32 v16, v58;
	v24 =	vmul.f32 v24, v59;
	v15 =	vadd.f32 v15, v36;
	v36 =	vld [tilespmem:$0x1FE30]  }
0x11e: {  	v55 =	vld [tilespmem:s20+$0xFFFFFD20];
	v45 =	vmul.f32 v25, v17;
	v25 =	vmul.f32 v34, v59  }
0x11f: {  	v0 =	vmul.f32 v0, v28;
	v28 =	vmul.f32 v48, v52;
	v24 =	vadd.f32 v24, v37;
	v37 =	vld [tilespmem:$0x1FE50]  }
0x120: {  	v34 =	vld [tilespmem:s20+$0xFFFFFDA0];
	v48 =	vmul.f32 v51, v53;
	v20 =	vmul.f32 v20, v59  }
0x121: {  	v51 =	vmul.f32 v57, v58;
	v57 =	vld [tilespmem:s20+$0xFFFFFD30];
	v10 =	vmul.f32 v10, v58  }
0x122: {  	v20 =	vadd.f32 v20, v36  }
0x123: {  	v29 =	vmul.f32 v29, v58;
	v15 =	vadd.f32 v16, v15;
	v36 =	vld [tilespmem:s20+$0xFFFFFDB0];
	v10 =	vadd.f32 v10, v24  }
0x124: {  	v25 =	vadd.f32 v25, v37;
	v16 =	vadd.f32 v51, v20;
	v20 =	vmul.f32 v55, v53  }
0x125: {  	v34 =	vmul.f32 v34, v52  }
0x126: {  	v57 =	vmul.f32 v57, v53;
	v55 =	vadd.f32 v29, v25;
	v10 =	vadd.f32 v20, v10;
	_ =	sdelay $0x1  }
0x127: {  	v27 =	vld [tilespmem:s20+$0xFFFFFD10];
	v20 =	vadd.f32 v57, v55;
	v55 =	vmul.f32 v36, v52;
	v10 =	vadd.f32 v34, v10;
	_ =	sdelay $0x1  }
0x128: {  	v20 =	vadd.f32 v55, v20;
	v10 =	vadd.f32 v49, v10;
	_ =	sdelay $0x1  }
0x129: {  	v20 =	vadd.f32 v56, v20;
	v7 =	vadd.f32 v7, v10  }
0x12a: {  	v27 =	vmul.f32 v27, v53  }
0x12b: {  	v26 =	vld [tilespmem:s20+$0xFFFFFD80];
	v9 =	vadd.f32 v9, v20;
	v1 =	vadd.f32 v1, v7  }
0x12c: {  	v15 =	vadd.f32 v48, v15;
	v16 =	vadd.f32 v27, v16  }
0x12d: {  	v48 =	vld [tilespmem:s20+$0xFFFFFCC0];
	v7 =	vadd.f32 v32, v9;
	v1 =	vadd.f32 v60, v1  }
0x12e: {  	v37 =	vld [tilespmem:s20+$0xFFFFFDC0]  }
0x12f: {  	v16 =	vadd.f32 v28, v16;
	v28 =	vld [tilespmem:s20+$0xFFFFFC40];
	[tilespmem:$0x1FE40] =	vst v1;
	v1 =	vadd.f32 v61, v7  }
0x130: {  	v26 =	vmul.f32 v26, v52;
	v51 =	vld [tilespmem:s20+$0xFFFFFDD0]  }
0x131: {  	[tilespmem:$0x1FE50] =	vst v1;
	v1 =	vld [tilespmem:$0x1FF30]  }
0x132: {  	v15 =	vadd.f32 v26, v15;
	v29 =	vld [tilespmem:s20+$0xFFFFFD40]  }
0x133: {  	v25 =	vld [tilespmem:s20+$0xFFFFFCD0]  }
0x134: {  	v15 =	vadd.f32 v19, v15;
	v57 =	vld [tilespmem:s20+$0xFFFFFC50];
	v10 =	vmul.f32 v28, v59  }
0x135: {  	v24 =	vmul.f32 v51, v52;
	v51 =	vld [tilespmem:s20+$0xFFFFFC70];
	v0 =	vadd.f32 v0, v16  }
0x136: {  	v15 =	vadd.f32 v35, v15;
	v16 =	vld [tilespmem:s20+$0xFFFFFC60];
	v55 =	vmul.f32 v48, v58;
	v1 =	vadd.f32 v10, v1  }
0x137: {  	v0 =	vadd.f32 v54, v0;
	v56 =	vld [tilespmem:s20+$0xFFFFFCE0]  }
0x138: {  	v2 =	vadd.f32 v2, v15;
	v29 =	vmul.f32 v29, v53;
	v7 =	vld [tilespmem:$0x1FF60];
	v1 =	vadd.f32 v55, v1  }
0x139: {  	v0 =	vadd.f32 v3, v0;
	v3 =	vmul.f32 v57, v59;
	v57 =	vld [tilespmem:$0x1FF70]  }
0x13a: {  	v27 =	vld [tilespmem:s20+$0xFFFFFD50];
	v26 =	vmul.f32 v37, v52;
	v2 =	vadd.f32 v62, v2;
	v1 =	vadd.f32 v29, v1  }
0x13b: {  	v15 =	vld [tilespmem:s20+$0xFFFFFD60];
	v0 =	vadd.f32 v63, v0  }
0x13c: {  	[tilespmem:$0x1FE20] =	vst v2;
	v2 =	vld [tilespmem:s20+$0xFFFFFDE0];
	v9 =	vmul.f32 v16, v59;
	v1 =	vadd.f32 v26, v1  }
0x13d: {  	v25 =	vmul.f32 v25, v58;
	v20 =	vld [tilespmem:s20+$0xFFFFFCF0];
	[tilespmem:$0x1FE30] =	vst v0;
	v0 =	vmul.f32 v51, v59;
	v3 =	vadd.f32 v3, v7  }
0x13e: {  	v59 =	vld [tilespmem:$0x1FF80];
	v9 =	vadd.f32 v9, v57;
	v7 =	vmul.f32 v56, v58;
	v1 =	vadd.f32 v5, v1  }
0x13f: {  	v19 =	vmul.f32 v27, v53;
	v62 =	vld [tilespmem:$0x1FDA0];
	v3 =	vadd.f32 v25, v3  }
0x140: {  	v15 =	vmul.f32 v15, v53;
	v16 =	vld [tilespmem:s20+$0xFFFFFD70];
	v7 =	vadd.f32 v7, v9;
	v1 =	vadd.f32 v31, v1  }
0x141: {  	v3 =	vadd.f32 v19, v3  }
0x142: {  	v10 =	vld [tilespmem:s20+$0xFFFFFDF0];
	v19 =	vmul.f32 v2, v52;
	v7 =	vadd.f32 v15, v7;
	v1 =	vadd.f32 v50, v1  }
0x143: {  	v20 =	vmul.f32 v20, v58;
	v0 =	vadd.f32 v0, v59;
	v3 =	vadd.f32 v24, v3  }
0x144: {  	v7 =	vadd.f32 v19, v7;
	v19 =	vld [tilespmem:$0x1FD70];
	v1 =	vadd.f32 v62, v1  }
0x145: {  	v0 =	vadd.f32 v20, v0;
	v9 =	vmul.f32 v16, v53;
	v20 =	vld [tilespmem:s20+$0x110];
	v3 =	vadd.f32 v6, v3  }
0x146: {  	[tilespmem:$0x1FF30] =	vst v1;
	v1 =	vld [tilespmem:$0x1FDB0]  }
0x147: {  	v0 =	vadd.f32 v9, v0;
	v9 =	vmul.f32 v10, v52;
	v3 =	vadd.f32 v33, v3  }
0x148: {  	v4 =	vadd.f32 v4, v7;
	v7 =	vld [tilespmem:s20+$0x20]  }
0x149: {  	v0 =	vadd.f32 v9, v0;
	v3 =	vadd.f32 v19, v3;
	_ =	sdelay $0x1  }
0x14a: {  	v0 =	vadd.f32 v8, v0;
	v8 =	vmul.f32 v20, v21;
	v20 =	vld [tilespmem:$0x1FD80];
	v1 =	vadd.f32 v1, v3;
	_ =	sdelay $0x1  }
0x14b: {  	[tilespmem:$0x1FF60] =	vst v1;
	v1 =	vmul.f32 v7, v23;
	v7 =	vld [tilespmem:$0x1FDC0]  }
0x14c: {  	v4 =	vadd.f32 v11, v4;
	_ =	sdelay $0x1  }
0x14d: {  	v4 =	vadd.f32 v20, v4  }
0x14e: {  	v16 =	vld [tilespmem:s20+$0x100]  }
0x14f: {  	v20 =	vld [tilespmem:$0x1FD90];
	v4 =	vadd.f32 v7, v4  }
0x150: {  	v60 =	vld [tilespmem:s20+$0x180]  }
0x151: {  	[tilespmem:$0x1FF70] =	vst v4;
	v4 =	vld [tilespmem:$0x1FDD0]  }
0x152: {  	v9 =	vld [tilespmem:s20+$0x0];
	v0 =	vadd.f32 v30, v0  }
0x153: {  	v6 =	vmul.f32 v16, v21;
	v16 =	vld [tilespmem:s20+$0x30]  }
0x154: {  	v0 =	vadd.f32 v20, v0;
	v7 =	vld [tilespmem:$0x1FDE0]  }
0x155: {  	v15 =	vld [tilespmem:s20+$0x90]  }
0x156: {  	v10 =	vld [tilespmem:s20+$0x80];
	v0 =	vadd.f32 v4, v0  }
0x157: {  	v5 =	vld [tilespmem:s20+$0x10];
	v9 =	vmul.f32 v9, v23  }
0x158: {  	[tilespmem:$0x1FF80] =	vst v0;
	v0 =	vmul.f32 v16, v23;
	v16 =	vld [tilespmem:$0x1FE00]  }
0x159: {  	v7 =	vadd.f32 v9, v7;
	v9 =	vld [tilespmem:$0x1FDF0]  }
0x15a: {  	v11 =	vmul.f32 v15, v22;
	v15 =	vld [tilespmem:s20+$0xA0]  }
0x15b: {  	v19 =	vld [tilespmem:s20+$0xB0]  }
0x15c: {  	v5 =	vmul.f32 v5, v23;
	v20 =	vld [tilespmem:s20+$0x120]  }
0x15d: {  	v10 =	vmul.f32 v10, v22;
	v16 =	vadd.f32 v1, v16;
	v1 =	vld [tilespmem:$0x1FE10]  }
0x15e: {  	v4 =	vld [tilespmem:s20+$0x1A0];
	v5 =	vadd.f32 v5, v9  }
0x15f: {  	v3 =	vld [tilespmem:s20+$0x130];
	v7 =	vadd.f32 v10, v7  }
0x160: {  	v61 =	vld [tilespmem:s20+$0x190];
	v5 =	vadd.f32 v11, v5  }
0x161: {  	p0 =	sne.s32 s19, $0xF0;
	v6 =	vadd.f32 v6, v7;
	v9 =	vmul.f32 v15, v22;
	v15 =	vld [tilespmem:s20+$0x1B0]  }
.Ltmp2:
0x162: {  	v19 =	vmul.f32 v19, v22;
	v7 =	vadd.f32 v8, v5;
	v5 =	vld [tilespmem:s20+$0x150];
	v63 =	vadd.f32 v0, v1;
	(pc) =	sbr.rel @p0 .LBB2_3-.Ltmp2, $4  }
0x163: {  	v10 =	vmul.f32 v20, v21;
	v8 =	vmul.f32 v4, v18;
	v4 =	vld [tilespmem:s20+$0xC0]  }
0x164: {  	v9 =	vadd.f32 v9, v16;
	v16 =	vmul.f32 v3, v21;
	v3 =	vld [tilespmem:s20+$0x140];
	v11 =	vadd.f32 v19, v63  }
0x165: {  	v32 =	vmul.f32 v61, v18;
	v2 =	vmul.f32 v60, v18;
	v0 =	vld [tilespmem:s20+$0x1C0]  }
0x166: {  	s19 =	sadd.s32 $0x10, s19;
	v50 =	vmul.f32 v15, v18;
	v9 =	vadd.f32 v10, v9;
	v1 =	vld [tilespmem:s20+$0x1D0];
	v33 =	vadd.f32 v16, v11  }
0x167: {  	v15 =	vld [tilespmem:s20+$0xD0]  }
0x168: {  	v16 =	vld [tilespmem:s20+$0x40]  }
0x169: {  	v19 =	vld [tilespmem:s20+$0x50]  }
0x16a: {  	v20 =	vld [tilespmem:s20+$0x60]  }
0x16b: {  	v24 =	vld [tilespmem:s20+$0x70]  }
0x16c: {  	v25 =	vld [tilespmem:s20+$0xE0]  }
0x16d: {  	v27 =	vld [tilespmem:s20+$0xF0]  }
0x16e: {  	v28 =	vld [tilespmem:s20+$0x160]  }
0x16f: {  	v34 =	vld [tilespmem:s20+$0x170]  }
0x170: {  	v36 =	vld [tilespmem:s20+$0x1E0]  }
0x171: {  	v49 =	vld [tilespmem:s20+$0x1F0]  }
0x172: {  	v51 =	vld [tilespmem:s20+$0x260]  }
0x173: {  	v53 =	vld [tilespmem:s20+$0x270]  }
0x174: {  	v54 =	vld [tilespmem:s20+$0x2E0]  }
0x175: {  	v55 =	vld [tilespmem:s20+$0x2F0]  }
0x176: {  	v56 =	vld [tilespmem:s20+$0x360]  }
0x177: {  	v57 =	vld [tilespmem:s20+$0x370];
	s19 =	sshll.u32 s17, $0xD;
	p0 =	seq.s32 s17, $0x7  }
0x178: {  	v58 =	vld [tilespmem:s20+$0x3E0];
	s21 =	sadd.s32 @!p0 s19, s6;
	s22 =	simm.s32 @!p0 $0x0;
	s23 =	simm.s32 @!p0 $0x1000  }
0x179: {  	v59 =	vld [tilespmem:s20+$0x3F0];
	v2 =	vadd.f32 v2, v6;
	v7 =	vadd.f32 v32, v7;
	[tilespmem:s23], [sflag:$0x1] =	stream.linear.gather @!p0 [hbm4b:s21+s22], $0x8000, $0x38  }
0x17a: {  	v8 =	vadd.f32 v8, v9;
	v9 =	vadd.f32 v50, v33;
	_ =	swait.ge [sflag:s14], $0x8000  }
0x17b: {  	v7 =	vadd.f32 v45, v7;
	v45 =	vld [tilespmem:$0x1FF20]  }
0x17c: {  	v2 =	vadd.f32 v44, v2;
	v9 =	vadd.f32 v47, v9;
	_ =	sdelay $0x1  }
0x17d: {  	v2 =	vadd.f32 v40, v2;
	v31 =	vadd.f32 v43, v9;
	_ =	sdelay $0x1  }
0x17e: {  	v2 =	vadd.f32 v39, v2;
	v39 =	vadd.f32 v45, v31;
	v31 =	vld [tilespmem:$0x1FE60];
	_ =	sdelay $0x2  }
0x17f: {  	v9 =	vld [tilespmem:$0x1FF00];
	_ =	sdelay $0x1  }
0x180: {  	v31 =	vadd.f32 v31, v2;
	v2 =	vmul.f32 v16, v23;
	v16 =	vld [tilespmem:$0x1FE70]  }
0x181: {  	v7 =	vadd.f32 v41, v7;
	_ =	sdelay $0x1  }
0x182: {  	v7 =	vadd.f32 v9, v7;
	v9 =	vld [tilespmem:$0x1FF10]  }
0x183: {  	v8 =	vadd.f32 v46, v8  }
0x184: {  	v44 =	vadd.f32 v16, v7;
	v16 =	vmul.f32 v20, v23;
	v20 =	vld [tilespmem:$0x1FE90]  }
0x185: {  	v8 =	vadd.f32 v42, v8;
	_ =	sdelay $0x1  }
0x186: {  	v8 =	vadd.f32 v9, v8;
	_ =	sdelay $0x1  }
0x187: {  	v45 =	vadd.f32 v20, v8;
	v8 =	vld [tilespmem:$0x1FEB0];
	_ =	sdelay $0x3  }
0x188: {  	v20 =	vld [tilespmem:$0x1FFD0]  }
0x189: {  	v39 =	vadd.f32 v8, v39;
	v8 =	vld [tilespmem:$0x1FFF0];
	_ =	sdelay $0x3  }
0x18a: {  	[sflag:s14] =	ssyncset.done $0x0;
	v16 =	vadd.f32 v16, v20;
	v20 =	vld [tilespmem:$0x1FFC0]  }
0x18b: {  	s20 =	simm.s32 $0x9400;
	[sflag:s14] =	ssyncadd.s32 $0xFFFF8000;
	v2 =	vadd.f32 v2, v8;
	v8 =	vld [tilespmem:$0x1FFE0]  }
0x18c: {  	v60 =	vld [tilespmem:s20+$0xFFFFFF80]  }
0x18d: {  	v4 =	vmul.f32 v4, v22;
	v3 =	vmul.f32 v3, v21;
	v61 =	vld [tilespmem:s20+$0xFFFFFF90]  }
0x18e: {  	v62 =	vld [tilespmem:s20+$0xFFFFFFA0];
	v7 =	vmul.f32 v19, v23;
	v19 =	vmul.f32 v24, v23  }
0x18f: {  	v1 =	vmul.f32 v1, v18;
	v15 =	vmul.f32 v15, v22;
	v63 =	vld [tilespmem:s20+$0xFFFFFFB0]  }
0x190: {  	v10 =	vld [tilespmem:s20+$0xFFFFFFC0];
	v19 =	vadd.f32 v19, v20;
	v20 =	vmul.f32 v25, v22;
	v8 =	vadd.f32 v7, v8  }
0x191: {  	v26 =	vld [tilespmem:s20+$0xFFFFFFD0];
	v24 =	vmul.f32 v5, v21;
	v22 =	vmul.f32 v27, v22;
	v2 =	vadd.f32 v4, v2  }
0x192: {  	v30 =	vld [tilespmem:s20+$0xFFFFFFE0];
	v16 =	vadd.f32 v20, v16;
	v20 =	vmul.f32 v28, v21;
	v8 =	vadd.f32 v15, v8  }
0x193: {  	v37 =	vld [tilespmem:s20+$0xFFFFFFF0];
	v19 =	vadd.f32 v22, v19;
	v21 =	vmul.f32 v34, v21;
	v2 =	vadd.f32 v3, v2  }
0x194: {  	v48 =	vld [tilespmem:s20+$0x380];
	v16 =	vadd.f32 v20, v16;
	v20 =	vmul.f32 v36, v18;
	v3 =	vadd.f32 v24, v8  }
0x195: {  	v52 =	vld [tilespmem:s20+$0x390];
	v19 =	vadd.f32 v21, v19  }
0x196: {  	v21 =	vmul.f32 v49, v18;
	v1 =	vadd.f32 v1, v3;
	v3 =	vadd.f32 v20, v16;
	v20 =	vld [tilespmem:$0x1FFB0]  }
0x197: {  	s30 =	simm.s32 $0x0;
	v0 =	vmul.f32 v0, v18;
	v11 =	vld [tilespmem:s20+$0x3A0]  }
0x198: {  	s31 =	sand.u32 $0x80, s30;
	v16 =	vadd.f32 v21, v19;
	v21 =	vld [tilespmem:$0x1FF90]  }
0x199: {  	s21 =	sand.u32 $0x70, s30;
	s22 =	sadd.s32 s31, s18;
	v35 =	vld [tilespmem:s20+$0xFFFFFF00];
	v2 =	vadd.f32 v0, v2  }
0x19a: {  	s21 =	sadd.s32 s21, s22;
	v29 =	vld [tilespmem:s20+$0xFFFFFF20];
	v19 =	vmul.f32 v51, v17  }
0x19b: {  	v23 =	vld [tilespmem:s21+$0x100];
	v17 =	vmul.f32 v53, v17;
	v2 =	vadd.f32 v20, v2  }
0x19c: {  	v6 =	vld [tilespmem:s20+$0xFFFFFF30];
	v3 =	vadd.f32 v19, v3;
	v19 =	vmul.f32 v54, v14  }
0x19d: {  	v14 =	vmul.f32 v55, v14;
	v16 =	vadd.f32 v17, v16;
	v2 =	vadd.f32 v21, v2;
	v21 =	vld [tilespmem:$0x1FFA0]  }
0x19e: {  	v33 =	vld [tilespmem:s20+$0xFFFFFF40]  }
0x19f: {  	v14 =	vadd.f32 v14, v16;
	v16 =	vld [tilespmem:$0x1FF50]  }
0x1a0: {  	[tilespmem:$0x1FCF0] =	vst v11;
	v11 =	vld [tilespmem:s20+$0x3B0];
	v1 =	vadd.f32 v38, v1;
	v20 =	vbroadcast v23, $0x7  }
0x1a1: {  	v46 =	vld [tilespmem:s20+$0xFFFFFF50]  }
0x1a2: {  	v1 =	vadd.f32 v21, v1;
	v21 =	vmul.f32 v10, v20;
	v10 =	vld [tilespmem:$0x1FF40]  }
0x1a3: {  	v47 =	vld [tilespmem:s20+$0xFFFFFF60]  }
0x1a4: {  	v17 =	vmul.f32 v56, v13;
	v13 =	vmul.f32 v57, v13;
	v57 =	vadd.f32 v16, v1;
	v16 =	vld [tilespmem:$0x1FED0]  }
0x1a5: {  	[tilespmem:$0x1FD00] =	vst v11;
	v11 =	vld [tilespmem:s20+$0x3C0]  }
0x1a6: {  	v50 =	vld [tilespmem:s20+$0xFFFFFF70]  }
0x1a7: {  	v40 =	vld [tilespmem:s20+$0x300];
	v2 =	vadd.f32 v10, v2  }
0x1a8: {  	v32 =	vld [tilespmem:s20+$0x320]  }
0x1a9: {  	v49 =	vmul.f32 v62, v20;
	v62 =	vadd.f32 v16, v2;
	v2 =	vld [tilespmem:$0x1FEF0]  }
0x1aa: {  	[tilespmem:$0x1FD10] =	vst v11;
	v11 =	vld [tilespmem:s20+$0x3D0]  }
0x1ab: {  	v41 =	vld [tilespmem:s20+$0x330]  }
0x1ac: {  	v42 =	vld [tilespmem:s20+$0x350];
	v3 =	vadd.f32 v19, v3  }
0x1ad: {  	v43 =	vld [tilespmem:s20+$0x290]  }
0x1ae: {  	v9 =	vld [tilespmem:s20+$0x310];
	v25 =	vmul.f32 v58, v12;
	v3 =	vadd.f32 v17, v3;
	v2 =	vadd.f32 v2, v57  }
0x1af: {  	v5 =	vld [tilespmem:s20+$0xFFFFFE90];
	[tilespmem:$0x1FD20] =	vst v11  }
0x1b0: {  	v11 =	vld [tilespmem:s20+$0xFFFFFF10];
	v12 =	vmul.f32 v59, v12;
	v13 =	vadd.f32 v13, v14;
	[tilespmem:$0x1FCC0] =	vst v2;
	v2 =	vadd.f32 v25, v3  }
0x1b1: {  	v27 =	vld [tilespmem:s20+$0xFFFFFEE0]  }
0x1b2: {  	v10 =	vmul.f32 v26, v20;
	v26 =	vmul.f32 v30, v20;
	v30 =	vld [tilespmem:s20+$0xFFFFFC00];
	[tilespmem:$0x1FCD0] =	vst v2;
	v2 =	vadd.f32 v12, v13  }
0x1b3: {  	v4 =	vld [tilespmem:s20+$0xFFFFFE80]  }
0x1b4: {  	[tilespmem:$0x1FCE0] =	vst v2;
	v2 =	vld [tilespmem:$0x1FE20]  }
0x1b5: {  	v58 =	vbroadcast v23, $0x0;
	v22 =	vld [tilespmem:s20+$0xFFFFFEC0]  }
0x1b6: {  	v28 =	vld [tilespmem:s20+$0xFFFFFE10]  }
0x1b7: {  	v1 =	vmul.f32 v37, v20;
	v37 =	vld [tilespmem:s20+$0xFFFFFC10];
	v25 =	vmul.f32 v30, v58  }
0x1b8: {  	v18 =	vld [tilespmem:s20+$0xFFFFFED0]  }
0x1b9: {  	v25 =	vadd.f32 v25, v2;
	v2 =	vld [tilespmem:$0x1FE30]  }
0x1ba: {  	v51 =	vld [tilespmem:s20+$0xFFFFFD00];
	v55 =	vbroadcast v23, $0x6  }
0x1bb: {  	v54 =	vld [tilespmem:s20+$0xFFFFFC80]  }
0x1bc: {  	v14 =	vmul.f32 v29, v55;
	v29 =	vld [tilespmem:s20+$0xFFFFFC20];
	v12 =	vmul.f32 v37, v58  }
0x1bd: {  	v19 =	vmul.f32 v61, v20;
	v61 =	vld [tilespmem:s20+$0xFFFFFC30]  }
0x1be: {  	v12 =	vadd.f32 v12, v2;
	v2 =	vld [tilespmem:$0x1FE40]  }
0x1bf: {  	v56 =	vld [tilespmem:s20+$0xFFFFFC90];
	v35 =	vmul.f32 v35, v55  }
0x1c0: {  	v34 =	vmul.f32 v60, v20;
	v53 =	vmul.f32 v63, v20;
	v63 =	vld [tilespmem:s20+$0xFFFFFCA0]  }
0x1c1: {  	v29 =	vmul.f32 v29, v58;
	v20 =	vmul.f32 v47, v55;
	v47 =	vld [tilespmem:s20+$0xFFFFFCB0]  }
0x1c2: {  	v17 =	vmul.f32 v46, v55;
	v30 =	vbroadcast v23, $0x1;
	v13 =	vld [tilespmem:s20+$0xFFFFFD10]  }
0x1c3: {  	v61 =	vmul.f32 v61, v58;
	v16 =	vmul.f32 v33, v55;
	v29 =	vadd.f32 v29, v2;
	v2 =	vld [tilespmem:$0x1FE50]  }
0x1c4: {  	v33 =	vmul.f32 v50, v55;
	v50 =	vld [tilespmem:s20+$0xFFFFFD20];
	v60 =	vmul.f32 v54, v30  }
0x1c5: {  	v57 =	vbroadcast v23, $0x2;
	v46 =	vmul.f32 v63, v30;
	v63 =	vld [tilespmem:s20+$0xFFFFFD80]  }
0x1c6: {  	v54 =	vmul.f32 v56, v30;
	v25 =	vadd.f32 v60, v25;
	v60 =	vmul.f32 v47, v30;
	v47 =	vld [tilespmem:s20+$0xFFFFFD90]  }
0x1c7: {  	v11 =	vmul.f32 v11, v55;
	v6 =	vmul.f32 v6, v55;
	v56 =	vld [tilespmem:s20+$0xFFFFFD30]  }
0x1c8: {  	v24 =	vld [tilespmem:s20+$0xFFFFFE00];
	v13 =	vmul.f32 v13, v57;
	v12 =	vadd.f32 v54, v12;
	v55 =	vadd.f32 v61, v2  }
0x1c9: {  	v59 =	vbroadcast v23, $0x4;
	v36 =	vld [tilespmem:s20+$0xFFFFFE20];
	v54 =	vbroadcast v23, $0x3  }
0x1ca: {  	v12 =	vadd.f32 v13, v12;
	v61 =	vmul.f32 v51, v57;
	v37 =	vadd.f32 v60, v55;
	v55 =	vld [tilespmem:s20+$0xFFFFFDB0]  }
0x1cb: {  	v7 =	vld [tilespmem:s20+$0x340];
	v13 =	vmul.f32 v63, v54;
	v63 =	vmul.f32 v47, v54;
	v29 =	vadd.f32 v46, v29  }
0x1cc: {  	v46 =	vmul.f32 v50, v57;
	v50 =	vmul.f32 v56, v57;
	v56 =	vld [tilespmem:s20+$0xFFFFFE30];
	v25 =	vadd.f32 v61, v25  }
0x1cd: {  	v0 =	vld [tilespmem:s20+$0xFFFFFEF0];
	v24 =	vmul.f32 v24, v59  }
0x1ce: {  	v8 =	vld [tilespmem:s20+$0xFFFFFEB0];
	v12 =	vadd.f32 v63, v12;
	v63 =	vbroadcast v23, $0x5;
	v13 =	vadd.f32 v13, v25  }
0x1cf: {  	v15 =	vld [tilespmem:s20+$0xFFFFFEA0];
	v29 =	vadd.f32 v46, v29;
	v37 =	vadd.f32 v50, v37;
	v46 =	vmul.f32 v55, v54  }
0x1d0: {  	v38 =	vld [tilespmem:s20+$0x280];
	v4 =	vmul.f32 v4, v63;
	v13 =	vadd.f32 v24, v13  }
0x1d1: {  	v3 =	vld [tilespmem:s20+$0x2D0];
	v24 =	vmul.f32 v56, v59;
	v37 =	vadd.f32 v46, v37  }
0x1d2: {  	v4 =	vadd.f32 v4, v13;
	v13 =	vld [tilespmem:s20+$0xFFFFFC40]  }
0x1d3: {  	v28 =	vmul.f32 v28, v59;
	v8 =	vmul.f32 v8, v63;
	v51 =	vld [tilespmem:s20+$0xFFFFFDA0];
	v24 =	vadd.f32 v24, v37  }
0x1d4: {  	v2 =	vld [tilespmem:$0x1FF30]  }
0x1d5: {  	v47 =	vld [tilespmem:s20+$0xFFFFFE50];
	v12 =	vadd.f32 v28, v12;
	v5 =	vmul.f32 v5, v63;
	v8 =	vadd.f32 v8, v24  }
0x1d6: {  	v28 =	vld [tilespmem:s20+$0xFFFFFCC0]  }
0x1d7: {  	v5 =	vadd.f32 v5, v12;
	v12 =	vld [tilespmem:s20+$0xFFFFFC50];
	v6 =	vadd.f32 v6, v8;
	v8 =	vmul.f32 v13, v58  }
0x1d8: {  	v60 =	vld [tilespmem:s20+$0xFFFFFE40]  }
0x1d9: {  	v25 =	vmul.f32 v51, v54;
	v8 =	vadd.f32 v8, v2;
	v2 =	vld [tilespmem:$0x1FF60]  }
0x1da: {  	v61 =	vld [tilespmem:s20+$0xFFFFFE70]  }
0x1db: {  	v50 =	vld [tilespmem:s20+$0xFFFFFE60];
	v25 =	vadd.f32 v25, v29;
	v29 =	vmul.f32 v36, v59  }
0x1dc: {  	v12 =	vmul.f32 v12, v58;
	v37 =	vmul.f32 v18, v63;
	v18 =	vld [tilespmem:s20+$0xFFFFFC60]  }
0x1dd: {  	v15 =	vmul.f32 v15, v63;
	v46 =	vld [tilespmem:s20+$0xFFFFFD40];
	v25 =	vadd.f32 v29, v25  }
0x1de: {  	v12 =	vadd.f32 v12, v2;
	v2 =	vld [tilespmem:$0x1FF70]  }
0x1df: {  	v15 =	vadd.f32 v15, v25;
	v24 =	vld [tilespmem:s20+$0xFFFFFC70]  }
0x1e0: {  	v29 =	vld [tilespmem:s20+$0xFFFFFCD0];
	v4 =	vadd.f32 v35, v4  }
0x1e1: {  	v14 =	vadd.f32 v14, v15;
	v15 =	vld [tilespmem:s20+$0xFFFFFCE0];
	v13 =	vmul.f32 v18, v58  }
0x1e2: {  	v36 =	vmul.f32 v61, v59;
	v61 =	vadd.f32 v34, v4;
	v4 =	vld [tilespmem:s20+$0xFFFFFCF0]  }
0x1e3: {  	v5 =	vadd.f32 v11, v5;
	v11 =	vmul.f32 v60, v59;
	v13 =	vadd.f32 v13, v2;
	v2 =	vld [tilespmem:$0x1FF80]  }
0x1e4: {  	v55 =	vld [tilespmem:s20+$0xFFFFFDC0];
	v35 =	vmul.f32 v50, v59;
	v50 =	vadd.f32 v49, v14;
	v14 =	vmul.f32 v24, v58  }
0x1e5: {  	v18 =	vld [tilespmem:s20+$0xFFFFFD70];
	v24 =	vmul.f32 v28, v30;
	v28 =	vmul.f32 v29, v30  }
0x1e6: {  	v51 =	vld [tilespmem:s20+$0x200];
	v56 =	vadd.f32 v19, v5;
	v25 =	vmul.f32 v47, v59;
	v15 =	vmul.f32 v15, v30  }
0x1e7: {  	v8 =	vadd.f32 v24, v8;
	v24 =	vmul.f32 v46, v57;
	v12 =	vadd.f32 v28, v12;
	v28 =	vld [tilespmem:s20+$0xFFFFFDF0]  }
0x1e8: {  	v5 =	vld [tilespmem:s20+$0xFFFFFD50];
	v59 =	vadd.f32 v53, v6;
	v4 =	vmul.f32 v4, v30;
	v14 =	vadd.f32 v14, v2  }
0x1e9: {  	v19 =	vld [tilespmem:s20+$0xFFFFFDD0];
	v8 =	vadd.f32 v24, v8;
	v13 =	vadd.f32 v15, v13  }
0x1ea: {  	v6 =	vld [tilespmem:s20+$0xFFFFFD60];
	v15 =	vmul.f32 v55, v54;
	v4 =	vadd.f32 v4, v14;
	v14 =	vmul.f32 v18, v57  }
0x1eb: {  	v47 =	vld [tilespmem:s20+$0x2C0]  }
0x1ec: {  	v53 =	vld [tilespmem:s20+$0x220];
	v24 =	vmul.f32 v28, v54;
	v8 =	vadd.f32 v15, v8;
	v4 =	vadd.f32 v14, v4  }
0x1ed: {  	v5 =	vmul.f32 v5, v57;
	v29 =	vld [tilespmem:s20+$0xFFFFFDE0]  }
0x1ee: {  	v22 =	vmul.f32 v22, v63;
	v30 =	vld [tilespmem:s20+$0x2A0];
	v8 =	vadd.f32 v11, v8;
	v4 =	vadd.f32 v24, v4  }
0x1ef: {  	v46 =	vld [tilespmem:s20+$0x2B0];
	v6 =	vmul.f32 v6, v57;
	v5 =	vadd.f32 v5, v12;
	v18 =	vmul.f32 v19, v54  }
0x1f0: {  	v0 =	vmul.f32 v0, v63;
	v28 =	vld [tilespmem:s20+$0x210];
	v8 =	vadd.f32 v22, v8;
	v4 =	vadd.f32 v36, v4  }
0x1f1: {  	v6 =	vadd.f32 v6, v13;
	v13 =	vbroadcast v23, $0xE;
	v2 =	vld [tilespmem:s20+$0x190];
	v5 =	vadd.f32 v18, v5  }
0x1f2: {  	v12 =	vbroadcast v23, $0xF;
	v0 =	vadd.f32 v0, v4;
	v4 =	vadd.f32 v16, v8;
	v8 =	vld [tilespmem:$0x1FCF0]  }
0x1f3: {  	v27 =	vmul.f32 v27, v63;
	v11 =	vld [tilespmem:s20+$0x230];
	v9 =	vmul.f32 v9, v13  }
0x1f4: {  	v58 =	vmul.f32 v48, v12;
	v19 =	vmul.f32 v29, v54;
	v54 =	vld [tilespmem:s20+$0x240];
	v5 =	vadd.f32 v25, v5  }
0x1f5: {  	v60 =	vmul.f32 v52, v12;
	v15 =	vbroadcast v23, $0xC;
	[tilespmem:$0x1FD40] =	vst v9;
	v9 =	vld [tilespmem:s20+$0x20]  }
0x1f6: {  	v63 =	vmul.f32 v32, v13;
	v52 =	vmul.f32 v7, v13;
	v5 =	vadd.f32 v37, v5;
	v16 =	vld [tilespmem:$0x1FD10]  }
0x1f7: {  	v22 =	vbroadcast v23, $0x9;
	v6 =	vadd.f32 v19, v6;
	v57 =	vmul.f32 v8, v12;
	v8 =	vld [tilespmem:$0x1FD00]  }
0x1f8: {  	v29 =	vld [tilespmem:s20+$0x10];
	v14 =	vbroadcast v23, $0xD;
	v18 =	vbroadcast v23, $0xB;
	v5 =	vadd.f32 v17, v5  }
0x1f9: {  	v19 =	vbroadcast v23, $0xA;
	v23 =	vbroadcast v23, $0x8;
	v6 =	vadd.f32 v35, v6;
	v24 =	vld [tilespmem:s20+$0x250]  }
0x1fa: {  	v55 =	vmul.f32 v42, v13;
	v42 =	vmul.f32 v30, v14;
	v35 =	vadd.f32 v10, v5;
	v5 =	vld [tilespmem:s20+$0x80]  }
0x1fb: {  	v6 =	vadd.f32 v27, v6;
	v9 =	vmul.f32 v9, v23;
	v48 =	vmul.f32 v16, v12;
	v16 =	vld [tilespmem:$0x1FD20]  }
0x1fc: {  	v3 =	vmul.f32 v3, v14;
	v0 =	vadd.f32 v33, v0;
	v37 =	vmul.f32 v8, v12;
	v8 =	vld [tilespmem:s20+$0x0]  }
0x1fd: {  	v30 =	vld [tilespmem:s20+$0x110];
	v6 =	vadd.f32 v20, v6;
	v9 =	vadd.f32 v9, v45;
	v45 =	vmul.f32 v28, v15  }
0x1fe: {  	v34 =	vadd.f32 v21, v4;
	v4 =	vld [tilespmem:s20+$0x30];
	v36 =	vadd.f32 v1, v0;
	v1 =	vmul.f32 v29, v23  }
0x1ff: {  	v27 =	vadd.f32 v26, v6;
	v6 =	vld [tilespmem:s20+$0x90];
	v29 =	vmul.f32 v47, v14;
	v47 =	vmul.f32 v11, v15  }
0x200: {  	v10 =	vld [tilespmem:s20+$0x100];
	v49 =	vmul.f32 v16, v12;
	v16 =	vmul.f32 v40, v13  }
0x201: {  	v0 =	vld [tilespmem:s20+$0xA0];
	v5 =	vmul.f32 v5, v22;
	v7 =	vmul.f32 v8, v23  }
0x202: {  	[tilespmem:$0x1FD30] =	vst v16;
	v16 =	vmul.f32 v41, v13;
	v41 =	vmul.f32 v43, v14;
	v8 =	vld [tilespmem:s20+$0xB0]  }
0x203: {  	v43 =	vmul.f32 v46, v14;
	v46 =	vmul.f32 v53, v15;
	v53 =	vld [tilespmem:s20+$0x1B0];
	v7 =	vadd.f32 v7, v31  }
0x204: {  	v1 =	vadd.f32 v1, v44;
	v44 =	vmul.f32 v51, v15;
	v4 =	vmul.f32 v4, v23;
	v31 =	vld [tilespmem:s20+$0x120]  }
0x205: {  	v6 =	vmul.f32 v6, v22;
	v10 =	vmul.f32 v10, v19;
	v5 =	vadd.f32 v5, v7;
	v7 =	vld [tilespmem:s20+$0x130]  }
0x206: {  	v25 =	vld [tilespmem:s20+$0x180];
	v4 =	vadd.f32 v4, v39;
	v0 =	vmul.f32 v0, v22;
	v39 =	vmul.f32 v24, v15  }
0x207: {  	v1 =	vadd.f32 v6, v1;
	v6 =	vld [tilespmem:s20+$0x1A0];
	v40 =	vmul.f32 v38, v14;
	v8 =	vmul.f32 v8, v22  }
0x208: {  	v38 =	vmul.f32 v54, v15;
	v51 =	vadd.f32 v0, v9;
	v9 =	vadd.f32 v10, v5;
	v5 =	vld [tilespmem:s20+$0x1D0]  }
0x209: {  	[tilespmem:$0x1FD60] =	vst v3;
	v0 =	vmul.f32 v30, v19;
	v32 =	vmul.f32 v53, v18;
	v3 =	vadd.f32 v8, v4;
	v4 =	vld [tilespmem:s20+$0x1C0]  }
0x20a: {  	v11 =	vmul.f32 v31, v19;
	v8 =	vld [tilespmem:s20+$0x140];
	v31 =	vmul.f32 v7, v19  }
0x20b: {  	v10 =	vadd.f32 v0, v1;
	v0 =	vmul.f32 v25, v18;
	v1 =	vmul.f32 v2, v18;
	v7 =	vld [tilespmem:s20+$0x150]  }
0x20c: {  	s21 =	simm.s32 $0x10;
	[tilespmem:$0x1FD50] =	vst v16;
	v30 =	vadd.f32 v11, v51;
	v11 =	vmul.f32 v6, v18;
	v6 =	vld [tilespmem:s20+$0xC0];
	v31 =	vadd.f32 v31, v3  }
.LBB2_5:
0x20d: {  	v0 =	vadd.f32 v0, v9  }
0x20e: {  	v2 =	vld [tilespmem:$0x1FD30]  }
0x20f: {  	v0 =	vadd.f32 v44, v0;
	_ =	sdelay $0x1  }
0x210: {  	v0 =	vadd.f32 v40, v0  }
0x211: {  	v1 =	vadd.f32 v1, v10  }
0x212: {  	v0 =	vadd.f32 v2, v0;
	v2 =	vld [tilespmem:$0x1FD40]  }
0x213: {  	v1 =	vadd.f32 v45, v1  }
0x214: {  	v10 =	vadd.f32 v11, v30  }
0x215: {  	v1 =	vadd.f32 v41, v1  }
0x216: {  	v11 =	vadd.f32 v32, v31;
	v10 =	vadd.f32 v46, v10  }
0x217: {  	v1 =	vadd.f32 v2, v1;
	v2 =	vld [tilespmem:$0x1FD50]  }
0x218: {  	v11 =	vadd.f32 v47, v11;
	v10 =	vadd.f32 v42, v10;
	_ =	sdelay $0x1  }
0x219: {  	v11 =	vadd.f32 v43, v11;
	v10 =	vadd.f32 v63, v10  }
0x21a: {  	v33 =	vld [tilespmem:s20+$0xD0]  }
0x21b: {  	v53 =	vld [tilespmem:s20+$0xF0];
	v11 =	vadd.f32 v2, v11;
	v2 =	vadd.f32 v57, v10  }
0x21c: {  	v9 =	vld [tilespmem:s20+$0x40]  }
0x21d: {  	v30 =	vld [tilespmem:s20+$0x50];
	[tilespmem:$0x1FCA0] =	vst v2;
	v2 =	vadd.f32 v37, v11  }
0x21e: {  	v47 =	vld [tilespmem:s20+$0x70]  }
0x21f: {  	[tilespmem:$0x1FCB0] =	vst v2;
	v2 =	vld [tilespmem:$0x1FCC0]  }
0x220: {  	v31 =	vld [tilespmem:s20+$0x60];
	v0 =	vadd.f32 v58, v0  }
0x221: {  	v3 =	vld [tilespmem:$0x1FCE0]  }
0x222: {  	v51 =	vld [tilespmem:s20+$0xE0];
	v9 =	vmul.f32 v9, v23;
	v30 =	vmul.f32 v30, v23;
	[tilespmem:$0x1FC80] =	vst v0;
	v0 =	vadd.f32 v60, v1  }
0x223: {  	v6 =	vmul.f32 v6, v22;
	v63 =	vld [tilespmem:s20+$0x170]  }
0x224: {  	v9 =	vadd.f32 v9, v62;
	[tilespmem:$0x1FC90] =	vst v0;
	v0 =	vmul.f32 v47, v23;
	v10 =	vadd.f32 v30, v2;
	v2 =	vld [tilespmem:$0x1FCD0]  }
0x225: {  	v54 =	vld [tilespmem:s20+$0x160];
	v8 =	vmul.f32 v8, v19;
	v31 =	vmul.f32 v31, v23  }
0x226: {  	v6 =	vadd.f32 v6, v9;
	v23 =	vld [tilespmem:s20+$0x1F0];
	v0 =	vadd.f32 v0, v3;
	v3 =	vmul.f32 v53, v22  }
0x227: {  	v24 =	vld [tilespmem:s20+$0x270]  }
0x228: {  	v6 =	vadd.f32 v8, v6;
	v8 =	vld [tilespmem:s20+$0x2F0];
	v0 =	vadd.f32 v3, v0;
	v3 =	vmul.f32 v63, v19  }
0x229: {  	s22 =	sand.u32 $0x80, s21;
	v33 =	vmul.f32 v33, v22;
	v1 =	vld [tilespmem:s20+$0x1E0];
	v11 =	vmul.f32 v51, v22;
	v2 =	vadd.f32 v31, v2  }
0x22a: {  	s23 =	sand.u32 $0x70, s21;
	s22 =	sadd.s32 s22, s18;
	v7 =	vmul.f32 v7, v19;
	v22 =	vld [tilespmem:s20+$0x260];
	v0 =	vadd.f32 v3, v0  }
0x22b: {  	s22 =	sadd.s32 s23, s22;
	v3 =	vmul.f32 v23, v18;
	v9 =	vadd.f32 v33, v10;
	v2 =	vadd.f32 v11, v2;
	v11 =	vld [tilespmem:s20+$0x2E0]  }
0x22c: {  	v4 =	vmul.f32 v4, v18;
	v23 =	vld [tilespmem:s22+$0x100];
	v10 =	vmul.f32 v54, v19  }
0x22d: {  	v5 =	vmul.f32 v5, v18;
	v0 =	vadd.f32 v3, v0;
	v3 =	vld [tilespmem:s20+$0x3E0];
	v7 =	vadd.f32 v7, v9  }
0x22e: {  	v1 =	vmul.f32 v1, v18;
	v9 =	vld [tilespmem:s20+$0x360];
	v2 =	vadd.f32 v10, v2  }
0x22f: {  	v4 =	vadd.f32 v4, v6;
	v5 =	vadd.f32 v5, v7;
	v7 =	vld [tilespmem:s20+$0x370]  }
0x230: {  	v6 =	vmul.f32 v22, v15;
	v1 =	vadd.f32 v1, v2;
	v10 =	vmul.f32 v11, v14;
	v11 =	vld [tilespmem:s20+$0x3F0];
	s20 =	sadd.s32 $0x800, s20  }
0x231: {  	v2 =	vmul.f32 v24, v15;
	v24 =	vld [tilespmem:s20+$0xFFFFFF80]  }
0x232: {  	v1 =	vadd.f32 v6, v1;
	v6 =	vld [tilespmem:s20+$0xFFFFFF90]  }
0x233: {  	v0 =	vadd.f32 v2, v0;
	v2 =	vmul.f32 v8, v14;
	v8 =	vld [tilespmem:$0x1FD60]  }
0x234: {  	v16 =	vld [tilespmem:s20+$0x3B0]  }
0x235: {  	v17 =	vld [tilespmem:s20+$0x3C0]  }
0x236: {  	v20 =	vld [tilespmem:s20+$0x3D0]  }
0x237: {  	v4 =	vadd.f32 v38, v4;
	v21 =	vld [tilespmem:s20+$0xFFFFFF00]  }
0x238: {  	v26 =	vld [tilespmem:s20+$0xFFFFFF10]  }
0x239: {  	v4 =	vadd.f32 v29, v4;
	v29 =	vld [tilespmem:s20+$0xFFFFFF20]  }
0x23a: {  	v30 =	vld [tilespmem:s20+$0xFFFFFF30]  }
0x23b: {  	v31 =	vld [tilespmem:s20+$0xFFFFFF40]  }
0x23c: {  	v32 =	vld [tilespmem:s20+$0xFFFFFF50]  }
0x23d: {  	[tilespmem:$0x1FB70] =	vst v34;
	v34 =	vld [tilespmem:s20+$0xFFFFFF60]  }
0x23e: {  	[tilespmem:$0x1FB80] =	vst v35;
	v35 =	vld [tilespmem:s20+$0xFFFFFF70]  }
0x23f: {  	[tilespmem:$0x1FBA0] =	vst v36;
	v36 =	vld [tilespmem:s20+$0x300]  }
0x240: {  	v37 =	vld [tilespmem:s20+$0x310]  }
0x241: {  	v38 =	vld [tilespmem:s20+$0x320]  }
0x242: {  	v5 =	vadd.f32 v39, v5;
	v39 =	vld [tilespmem:s20+$0x330]  }
0x243: {  	v40 =	vld [tilespmem:s20+$0x340]  }
0x244: {  	v41 =	vld [tilespmem:s20+$0x350]  }
0x245: {  	v42 =	vld [tilespmem:s20+$0xFFFFFE80]  }
0x246: {  	v43 =	vld [tilespmem:s20+$0xFFFFFE90]  }
0x247: {  	v44 =	vld [tilespmem:s20+$0xFFFFFEA0]  }
0x248: {  	v45 =	vld [tilespmem:s20+$0xFFFFFEB0]  }
0x249: {  	[tilespmem:$0x1FB90] =	vst v27;
	v27 =	vld [tilespmem:s20+$0xFFFFFED0]  }
0x24a: {  	v28 =	vld [tilespmem:s20+$0xFFFFFEE0]  }
0x24b: {  	v60 =	vmov v50;
	v50 =	vld [tilespmem:s20+$0x290];
	v1 =	vadd.f32 v10, v1;
	v0 =	vadd.f32 v2, v0  }
0x24c: {  	v62 =	vmovc v56;
	v56 =	vld [tilespmem:s20+$0xFFFFFE50];
	v2 =	vmul.f32 v7, v13;
	v5 =	vadd.f32 v8, v5;
	v8 =	vmul.f32 v9, v13  }
0x24d: {  	v57 =	vld [tilespmem:s20+$0xFFFFFE60]  }
0x24e: {  	v51 =	vld [tilespmem:s20+$0x200];
	v0 =	vadd.f32 v2, v0;
	v1 =	vadd.f32 v8, v1;
	v8 =	vmul.f32 v11, v12  }
0x24f: {  	v4 =	vadd.f32 v52, v4;
	v7 =	vld [tilespmem:s20+$0xFFFFFFB0]  }
0x250: {  	v3 =	vmul.f32 v3, v12;
	v10 =	vld [tilespmem:s20+$0xFFFFFFC0];
	v0 =	vadd.f32 v8, v0  }
0x251: {  	v25 =	vbroadcast v23, $0x7;
	v2 =	vadd.f32 v48, v4;
	v9 =	vld [tilespmem:s20+$0xFFFFFFA0]  }
0x252: {  	v46 =	vbroadcast v23, $0x6;
	v47 =	vbroadcast v23, $0x5;
	v1 =	vadd.f32 v3, v1;
	[tilespmem:$0x1FCE0] =	vst v0;
	v0 =	vld [tilespmem:s20+$0xFFFFFFF0]  }
0x253: {  	v52 =	vbroadcast v23, $0x3;
	v4 =	vld [tilespmem:s20+$0xFFFFFFE0];
	v24 =	vmul.f32 v24, v25;
	[tilespmem:$0x1FAF0] =	vst v2;
	v5 =	vadd.f32 v55, v5  }
0x254: {  	v53 =	vbroadcast v23, $0x2;
	v6 =	vmul.f32 v6, v25;
	[tilespmem:$0x1FCD0] =	vst v1;
	v1 =	vld [tilespmem:s20+$0x380]  }
0x255: {  	v58 =	vbroadcast v23, $0x1;
	v33 =	vmovc v59;
	v59 =	vbroadcast v23, $0x0;
	v48 =	vld [tilespmem:s20+$0xFFFFFEF0];
	[tilespmem:$0x1FB30] =	vst v24;
	v2 =	vadd.f32 v49, v5  }
0x256: {  	v13 =	vbroadcast v23, $0xE;
	v11 =	vld [tilespmem:s20+$0xFFFFFFD0];
	[tilespmem:$0x1FB40] =	vst v6;
	v6 =	vmul.f32 v9, v25  }
0x257: {  	v12 =	vbroadcast v23, $0xF;
	v24 =	vld [tilespmem:s20+$0x2A0];
	[tilespmem:$0x1FCC0] =	vst v2;
	v0 =	vmul.f32 v0, v25  }
0x258: {  	v55 =	vld [tilespmem:s20+$0xFFFFFE10];
	v63 =	vmul.f32 v38, v13;
	[tilespmem:$0x1FB50] =	vst v6;
	v6 =	vmul.f32 v7, v25  }
0x259: {  	v38 =	vld [tilespmem:s20+$0x210];
	[tilespmem:$0x1FC70] =	vst v0;
	v0 =	vmul.f32 v1, v12;
	v1 =	vmul.f32 v16, v12  }
0x25a: {  	v15 =	vbroadcast v23, $0xC;
	v8 =	vld [tilespmem:s20+$0x3A0];
	[tilespmem:$0x1FB60] =	vst v6;
	v6 =	vmul.f32 v10, v25  }
0x25b: {  	v14 =	vbroadcast v23, $0xD;
	v49 =	vld [tilespmem:s20+$0x280];
	[tilespmem:$0x1FB00] =	vst v1;
	v1 =	vmul.f32 v17, v12  }
0x25c: {  	v30 =	vmul.f32 v30, v46;
	v4 =	vmul.f32 v4, v25;
	v9 =	vld [tilespmem:s20+$0x2B0];
	[tilespmem:$0x1FC40] =	vst v6  }
0x25d: {  	v6 =	vmul.f32 v11, v25;
	v25 =	vld [tilespmem:s20+$0xFFFFFE00];
	[tilespmem:$0x1FB10] =	vst v1;
	v1 =	vmul.f32 v20, v12  }
0x25e: {  	v54 =	vmul.f32 v42, v47;
	v3 =	vbroadcast v23, $0x4;
	[tilespmem:$0x1FC60] =	vst v4;
	v16 =	vld [tilespmem:s20+$0xFFFFFE30]  }
0x25f: {  	v2 =	vld [tilespmem:s20+$0xFFFFFEC0];
	v7 =	vmul.f32 v26, v46;
	[tilespmem:$0x1FBC0] =	vst v1;
	v1 =	vmul.f32 v29, v46  }
0x260: {  	v4 =	vld [tilespmem:s20+$0x230];
	v42 =	vmul.f32 v24, v14;
	v55 =	vmul.f32 v55, v3;
	[tilespmem:$0x1FC50] =	vst v6  }
0x261: {  	v26 =	vld [tilespmem:s20+$0xFFFFFE40];
	v6 =	vmul.f32 v21, v46;
	[tilespmem:$0x1FB20] =	vst v1;
	v1 =	vmul.f32 v31, v46  }
0x262: {  	v10 =	vld [tilespmem:s20+$0x2C0];
	[tilespmem:$0x1FBB0] =	vst v0;
	v0 =	vmul.f32 v8, v12;
	v25 =	vmul.f32 v25, v3  }
0x263: {  	v11 =	vld [tilespmem:s20+$0x2D0];
	v16 =	vmul.f32 v16, v3;
	[tilespmem:$0x1FC00] =	vst v1;
	v1 =	vmul.f32 v32, v46  }
0x264: {  	v8 =	vld [tilespmem:s20+$0xFFFFFE20];
	v29 =	vmul.f32 v43, v47;
	v43 =	vmul.f32 v9, v14  }
0x265: {  	v17 =	vld [tilespmem:s20+$0xFFFFFC80];
	v31 =	vmul.f32 v40, v13;
	[tilespmem:$0x1FC10] =	vst v1;
	v1 =	vmul.f32 v34, v46  }
0x266: {  	v20 =	vld [tilespmem:s20+$0xFFFFFD10];
	v32 =	vmul.f32 v2, v47;
	v2 =	vmul.f32 v27, v47  }
0x267: {  	v40 =	vmul.f32 v49, v14;
	v49 =	vld [tilespmem:s20+$0xFFFFFD90];
	[tilespmem:$0x1FC20] =	vst v1;
	v1 =	vmul.f32 v35, v46  }
0x268: {  	v9 =	vmul.f32 v11, v14;
	v11 =	vmul.f32 v56, v3;
	v27 =	vld [tilespmem:s20+$0x240];
	[tilespmem:$0x1FBD0] =	vst v2  }
0x269: {  	v2 =	vmul.f32 v28, v47;
	v28 =	vld [tilespmem:s20+$0x250];
	[tilespmem:$0x1FC30] =	vst v1;
	v1 =	vmul.f32 v36, v13  }
0x26a: {  	v21 =	vmul.f32 v8, v3;
	v8 =	vmul.f32 v57, v3;
	v46 =	vld [tilespmem:s20+$0xFFFFFE70]  }
0x26b: {  	v17 =	vmul.f32 v17, v58;
	v34 =	vld [tilespmem:s20+$0xFFFFFC90];
	[tilespmem:$0x1FD30] =	vst v1;
	v1 =	vmul.f32 v37, v13  }
0x26c: {  	v20 =	vmul.f32 v20, v53;
	[tilespmem:$0x1FBE0] =	vst v2;
	v2 =	vmul.f32 v48, v47;
	v48 =	vld [tilespmem:s20+$0xFFFFFD80]  }
0x26d: {  	v36 =	vmul.f32 v41, v13;
	[tilespmem:$0x1FD40] =	vst v1;
	v1 =	vmul.f32 v39, v13;
	v39 =	vld [tilespmem:s20+$0x220]  }
0x26e: {  	v35 =	vld [tilespmem:s20+$0xFFFFFC20];
	[tilespmem:$0x1FBF0] =	vst v2;
	v2 =	vmul.f32 v10, v14;
	v10 =	vmul.f32 v26, v3  }
0x26f: {  	[tilespmem:$0x1FD60] =	vst v9;
	v26 =	vld [tilespmem:s20+$0xFFFFFC00];
	v37 =	vmul.f32 v44, v47;
	v9 =	vmul.f32 v46, v3  }
0x270: {  	v3 =	vld [tilespmem:s20+$0xFFFFFC10];
	[tilespmem:$0x1FD50] =	vst v1;
	v1 =	vmul.f32 v45, v47;
	v45 =	vmul.f32 v38, v15  }
0x271: {  	v47 =	vmul.f32 v4, v15;
	v4 =	vld [tilespmem:s20+$0xFFFFFC30];
	v38 =	vmul.f32 v27, v15  }
0x272: {  	v27 =	vld [tilespmem:s20+$0xFFFFFCA0];
	v46 =	vmul.f32 v39, v15;
	v39 =	vmul.f32 v28, v15  }
0x273: {  	v28 =	vmul.f32 v48, v52;
	v48 =	vmul.f32 v49, v52;
	v49 =	vld [tilespmem:s20+$0xFFFFFCB0]  }
0x274: {  	v57 =	vld [tilespmem:s20+$0xFFFFFD30];
	v44 =	vmul.f32 v51, v15;
	v51 =	vmul.f32 v35, v59  }
0x275: {  	v56 =	vld [tilespmem:s20+$0xFFFFFD20];
	v26 =	vmul.f32 v26, v59;
	v3 =	vmul.f32 v3, v59  }
0x276: {  	v24 =	vld [tilespmem:s20+$0xFFFFFD00];
	v41 =	vmul.f32 v50, v14;
	v51 =	vadd.f32 v51, v60;
	v4 =	vmul.f32 v4, v59  }
0x277: {  	v50 =	vmul.f32 v34, v58;
	v35 =	vld [tilespmem:s20+$0xFFFFFDB0];
	v26 =	vadd.f32 v26, v61;
	v3 =	vadd.f32 v3, v62  }
0x278: {  	v27 =	vmul.f32 v27, v58;
	v4 =	vadd.f32 v4, v33;
	v49 =	vmul.f32 v49, v58  }
0x279: {  	v61 =	vmul.f32 v57, v53;
	v17 =	vadd.f32 v17, v26;
	v3 =	vadd.f32 v50, v3  }
0x27a: {  	v26 =	vmul.f32 v56, v53;
	v27 =	vadd.f32 v27, v51;
	v4 =	vadd.f32 v49, v4  }
0x27b: {  	v24 =	vmul.f32 v24, v53;
	v3 =	vadd.f32 v20, v3  }
0x27c: {  	v26 =	vadd.f32 v26, v27;
	v27 =	vmul.f32 v35, v52;
	v4 =	vadd.f32 v61, v4  }
0x27d: {  	v3 =	vadd.f32 v48, v3  }
0x27e: {  	v17 =	vadd.f32 v24, v17;
	v4 =	vadd.f32 v27, v4;
	v27 =	vld [tilespmem:s20+$0xFFFFFC50]  }
0x27f: {  	v3 =	vadd.f32 v55, v3  }
0x280: {  	v17 =	vadd.f32 v28, v17  }
0x281: {  	v34 =	vld [tilespmem:s20+$0xFFFFFDA0];
	v3 =	vadd.f32 v29, v3  }
0x282: {  	v17 =	vadd.f32 v25, v17;
	v61 =	vld [tilespmem:s20+$0xFFFFFC40]  }
0x283: {  	v3 =	vadd.f32 v7, v3;
	v7 =	vmul.f32 v27, v59;
	v27 =	vld [tilespmem:$0x1FB30]  }
0x284: {  	v5 =	vld [tilespmem:s20+$0x390];
	v17 =	vadd.f32 v54, v17  }
0x285: {  	v60 =	vld [tilespmem:s20+$0xFFFFFDC0]  }
0x286: {  	v56 =	vld [tilespmem:s20+$0xFFFFFD40];
	v6 =	vadd.f32 v6, v17;
	v4 =	vadd.f32 v16, v4  }
0x287: {  	v24 =	vmul.f32 v34, v52;
	v16 =	vld [tilespmem:s20+$0xFFFFFC70]  }
0x288: {  	v1 =	vadd.f32 v1, v4;
	v4 =	vmul.f32 v61, v59;
	v61 =	vadd.f32 v27, v6;
	v6 =	vld [tilespmem:$0x1FB40]  }
0x289: {  	v5 =	vmul.f32 v5, v12  }
0x28a: {  	v24 =	vadd.f32 v24, v26  }
0x28b: {  	v28 =	vmul.f32 v60, v52;
	v60 =	vmov v5;
	v5 =	vld [tilespmem:$0x1FB20]  }
0x28c: {  	v50 =	vld [tilespmem:s20+$0xFFFFFDD0];
	v21 =	vadd.f32 v21, v24  }
0x28d: {  	v49 =	vmul.f32 v56, v53;
	v56 =	vadd.f32 v6, v3;
	v3 =	vmul.f32 v16, v59;
	v16 =	vld [tilespmem:$0x1FB50]  }
0x28e: {  	v57 =	vmov v0;
	v0 =	vadd.f32 v37, v21;
	_ =	sdelay $0x1  }
0x28f: {  	v34 =	vld [tilespmem:s20+$0xFFFFFCC0];
	v0 =	vadd.f32 v5, v0  }
0x290: {  	v25 =	vld [tilespmem:s20+$0xFFFFFC60]  }
0x291: {  	v26 =	vmul.f32 v50, v52;
	v50 =	vadd.f32 v16, v0;
	v0 =	vld [tilespmem:$0x1FB60]  }
0x292: {  	v35 =	vld [tilespmem:s20+$0xFFFFFCD0]  }
0x293: {  	v16 =	vld [tilespmem:$0x1FB90]  }
0x294: {  	v24 =	vmul.f32 v34, v58;
	v34 =	vld [tilespmem:s20+$0xFFFFFCE0];
	v1 =	vadd.f32 v30, v1  }
0x295: {  	v21 =	vld [tilespmem:s20+$0xFFFFFCF0]  }
0x296: {  	v5 =	vmul.f32 v25, v59;
	v59 =	vadd.f32 v0, v1;
	v0 =	vld [tilespmem:$0x1FB70]  }
0x297: {  	v1 =	vld [tilespmem:$0x1FB80]  }
0x298: {  	v5 =	vadd.f32 v5, v16;
	v16 =	vld [tilespmem:$0x1FBA0]  }
0x299: {  	v20 =	vld [tilespmem:s20+$0xFFFFFD50]  }
0x29a: {  	v17 =	vld [tilespmem:s20+$0xFFFFFD60]  }
0x29b: {  	v25 =	vld [tilespmem:s20+$0xFFFFFD70];
	v0 =	vadd.f32 v4, v0  }
0x29c: {  	v29 =	vmul.f32 v35, v58;
	v6 =	vld [tilespmem:s20+$0xFFFFFDE0];
	v1 =	vadd.f32 v7, v1;
	v4 =	vmul.f32 v34, v58  }
0x29d: {  	v3 =	vadd.f32 v3, v16;
	v16 =	vmul.f32 v21, v58;
	v21 =	vld [tilespmem:s20+$0x180];
	v0 =	vadd.f32 v24, v0  }
0x29e: {  	v62 =	vld [tilespmem:$0x1FAF0];
	v20 =	vmul.f32 v20, v53;
	v1 =	vadd.f32 v29, v1  }
0x29f: {  	v17 =	vmul.f32 v17, v53;
	v7 =	vld [tilespmem:s20+$0xFFFFFDF0];
	v4 =	vadd.f32 v4, v5;
	v0 =	vadd.f32 v49, v0  }
0x2a0: {  	v18 =	vbroadcast v23, $0xB;
	v48 =	vld [tilespmem:$0x1FB10];
	v3 =	vadd.f32 v16, v3;
	v1 =	vadd.f32 v20, v1  }
0x2a1: {  	v37 =	vld [tilespmem:$0x1FB00];
	v6 =	vmul.f32 v6, v52;
	v4 =	vadd.f32 v17, v4;
	v17 =	vadd.f32 v28, v0  }
0x2a2: {  	v5 =	vmul.f32 v25, v53;
	v25 =	vadd.f32 v26, v1;
	v0 =	vmul.f32 v21, v18;
	v21 =	vld [tilespmem:$0x1FC00]  }
0x2a3: {  	v29 =	vmov v2;
	v2 =	vld [tilespmem:$0x1FBD0];
	v4 =	vadd.f32 v6, v4;
	v6 =	vadd.f32 v10, v17  }
0x2a4: {  	v3 =	vadd.f32 v5, v3;
	v5 =	vmul.f32 v7, v52;
	v10 =	vadd.f32 v11, v25;
	v25 =	vld [tilespmem:$0x1FC40]  }
0x2a5: {  	v58 =	vld [tilespmem:$0x1FBB0];
	v6 =	vadd.f32 v32, v6  }
0x2a6: {  	v24 =	vld [tilespmem:s20+$0x190];
	v3 =	vadd.f32 v5, v3  }
0x2a7: {  	v6 =	vadd.f32 v21, v6;
	v21 =	vld [tilespmem:$0x1FC10]  }
0x2a8: {  	v3 =	vadd.f32 v9, v3;
	v9 =	vadd.f32 v2, v10;
	v2 =	vld [tilespmem:$0x1FBE0]  }
0x2a9: {  	v34 =	vadd.f32 v25, v6;
	v6 =	vld [tilespmem:$0x1FC50]  }
0x2aa: {  	v16 =	vld [tilespmem:s20+$0x100]  }
0x2ab: {  	v20 =	vld [tilespmem:s20+$0x110];
	v4 =	vadd.f32 v8, v4  }
0x2ac: {  	v1 =	vmul.f32 v24, v18;
	v24 =	vld [tilespmem:$0x1FC20];
	v9 =	vadd.f32 v21, v9  }
0x2ad: {  	v2 =	vadd.f32 v2, v4;
	v4 =	vld [tilespmem:$0x1FBF0]  }
0x2ae: {  	v35 =	vadd.f32 v6, v9;
	v9 =	vld [tilespmem:$0x1FC60]  }
0x2af: {  	v7 =	vld [tilespmem:s20+$0x80]  }
0x2b0: {  	v10 =	vld [tilespmem:s20+$0x30]  }
0x2b1: {  	v2 =	vadd.f32 v24, v2;
	v24 =	vld [tilespmem:$0x1FC30]  }
0x2b2: {  	v3 =	vadd.f32 v4, v3;
	v4 =	vld [tilespmem:s20+$0xA0]  }
0x2b3: {  	v27 =	vadd.f32 v9, v2;
	v2 =	vld [tilespmem:$0x1FC70]  }
0x2b4: {  	v26 =	vld [tilespmem:s20+$0x90]  }
0x2b5: {  	v22 =	vbroadcast v23, $0x9;
	v5 =	vld [tilespmem:s20+$0x0]  }
0x2b6: {  	v19 =	vbroadcast v23, $0xA;
	v23 =	vbroadcast v23, $0x8;
	v8 =	vld [tilespmem:s20+$0x20];
	v3 =	vadd.f32 v24, v3  }
0x2b7: {  	v9 =	vld [tilespmem:$0x1FC80]  }
0x2b8: {  	v55 =	vmovc v36;
	v36 =	vadd.f32 v2, v3;
	v2 =	vmul.f32 v10, v23;
	v10 =	vmul.f32 v4, v22;
	v4 =	vld [tilespmem:$0x1FCA0]  }
0x2b9: {  	v11 =	vld [tilespmem:s20+$0x10]  }
0x2ba: {  	v5 =	vmul.f32 v5, v23;
	v21 =	vld [tilespmem:s20+$0xB0]  }
0x2bb: {  	v6 =	vmul.f32 v8, v23;
	v8 =	vld [tilespmem:s20+$0x130]  }
0x2bc: {  	v5 =	vadd.f32 v5, v9;
	v9 =	vld [tilespmem:$0x1FC90]  }
0x2bd: {  	v6 =	vadd.f32 v6, v4;
	v4 =	vld [tilespmem:$0x1FCB0]  }
0x2be: {  	v24 =	vld [tilespmem:s20+$0x120]  }
0x2bf: {  	v49 =	vld [tilespmem:$0x1FBC0];
	v16 =	vmul.f32 v16, v19;
	v11 =	vmul.f32 v11, v23  }
0x2c0: {  	v17 =	vmul.f32 v20, v19;
	v7 =	vmul.f32 v7, v22;
	v25 =	vld [tilespmem:s20+$0x1B0]  }
0x2c1: {  	p1 =	sne.s32 s21, $0xF0;
	v20 =	vmul.f32 v26, v22;
	v26 =	vmul.f32 v8, v19;
	v3 =	vld [tilespmem:s20+$0x1A0];
	v9 =	vadd.f32 v11, v9  }
.Ltmp3:
0x2c2: {  	v8 =	vld [tilespmem:s20+$0x140];
	v7 =	vadd.f32 v7, v5;
	v11 =	vmul.f32 v21, v22;
	v2 =	vadd.f32 v2, v4;
	(pc) =	sbr.rel @p1 .LBB2_5-.Ltmp3, $4  }
0x2c3: {  	v5 =	vld [tilespmem:s20+$0x1D0];
	v21 =	vmul.f32 v24, v19;
	v20 =	vadd.f32 v20, v9;
	v24 =	vadd.f32 v10, v6  }
0x2c4: {  	v9 =	vadd.f32 v16, v7;
	v7 =	vld [tilespmem:s20+$0x150];
	v2 =	vadd.f32 v11, v2  }
0x2c5: {  	v32 =	vmul.f32 v25, v18;
	v6 =	vld [tilespmem:s20+$0xC0];
	v10 =	vadd.f32 v17, v20  }
0x2c6: {  	s21 =	sadd.s32 $0x10, s21;
	v52 =	vmovc v31;
	v30 =	vadd.f32 v21, v24;
	v4 =	vld [tilespmem:s20+$0x1C0];
	v11 =	vmul.f32 v3, v18;
	v31 =	vadd.f32 v26, v2  }
0x2c7: {  	v2 =	vld [tilespmem:s20+$0xD0]  }
0x2c8: {  	v26 =	vmov v36;
	v36 =	vld [tilespmem:s20+$0x50]  }
0x2c9: {  	v16 =	vld [tilespmem:s20+$0x60]  }
0x2ca: {  	v0 =	vadd.f32 v0, v9;
	v17 =	vld [tilespmem:s20+$0x70]  }
0x2cb: {  	v24 =	vld [tilespmem:$0x1FD30]  }
0x2cc: {  	v20 =	vld [tilespmem:s20+$0xE0];
	v21 =	vadd.f32 v11, v30;
	v0 =	vadd.f32 v44, v0  }
0x2cd: {  	v25 =	vld [tilespmem:$0x1FD50];
	v33 =	vadd.f32 v32, v31  }
0x2ce: {  	v9 =	vadd.f32 v46, v21;
	v21 =	vld [tilespmem:s20+$0xF0];
	v0 =	vadd.f32 v40, v0  }
0x2cf: {  	v1 =	vadd.f32 v1, v10;
	v3 =	vmul.f32 v4, v18;
	v4 =	vld [tilespmem:s20+$0x40]  }
0x2d0: {  	v10 =	vadd.f32 v47, v33;
	v0 =	vadd.f32 v24, v0;
	v24 =	vld [tilespmem:$0x1FD40]  }
0x2d1: {  	v1 =	vadd.f32 v45, v1;
	v46 =	vld [tilespmem:$0x1FCE0];
	v9 =	vadd.f32 v42, v9  }
0x2d2: {  	v8 =	vmul.f32 v8, v19;
	v40 =	vld [tilespmem:$0x1FCC0];
	v10 =	vadd.f32 v43, v10  }
0x2d3: {  	v6 =	vmul.f32 v6, v22;
	v1 =	vadd.f32 v41, v1;
	v43 =	vld [tilespmem:$0x1FCD0];
	v9 =	vadd.f32 v63, v9  }
0x2d4: {  	v10 =	vadd.f32 v25, v10;
	v25 =	vld [tilespmem:s20+$0x170];
	v63 =	vadd.f32 v58, v0;
	v0 =	vmul.f32 v17, v23  }
0x2d5: {  	v11 =	vmul.f32 v36, v23;
	v4 =	vmul.f32 v4, v23;
	v1 =	vadd.f32 v24, v1;
	v24 =	vld [tilespmem:s20+$0x160]  }
0x2d6: {  	v16 =	vmul.f32 v16, v23;
	v42 =	vld [tilespmem:s20+$0x1F0];
	v45 =	vadd.f32 v57, v9;
	v0 =	vadd.f32 v0, v46  }
0x2d7: {  	v47 =	vmul.f32 v21, v22;
	v4 =	vadd.f32 v4, v62;
	v30 =	vadd.f32 v60, v1;
	v1 =	vld [tilespmem:s20+$0x1E0]  }
0x2d8: {  	v41 =	vmul.f32 v20, v22;
	v44 =	vadd.f32 v37, v10;
	v16 =	vadd.f32 v16, v43  }
0x2d9: {  	v53 =	vld [tilespmem:s20+$0x270];
	v0 =	vadd.f32 v47, v0;
	v54 =	vmul.f32 v25, v19;
	v4 =	vadd.f32 v6, v4  }
0x2da: {  	v9 =	vadd.f32 v11, v40;
	v10 =	vadd.f32 v41, v16;
	v6 =	vmul.f32 v24, v19  }
0x2db: {  	v2 =	vmul.f32 v2, v22;
	v0 =	vadd.f32 v54, v0;
	v4 =	vadd.f32 v8, v4  }
0x2dc: {  	v51 =	vld [tilespmem:s20+$0x260];
	v8 =	vmul.f32 v42, v18;
	v1 =	vmul.f32 v1, v18;
	v6 =	vadd.f32 v6, v10  }
0x2dd: {  	v7 =	vmul.f32 v7, v19;
	v58 =	vld [tilespmem:s20+$0x360];
	v2 =	vadd.f32 v2, v9  }
0x2de: {  	v57 =	vld [tilespmem:s20+$0x2E0];
	v0 =	vadd.f32 v8, v0;
	v1 =	vadd.f32 v1, v6;
	v6 =	vmul.f32 v53, v15  }
0x2df: {  	v5 =	vmul.f32 v5, v18;
	v2 =	vadd.f32 v7, v2;
	v7 =	vld [tilespmem:s20+$0x2F0]  }
0x2e0: {  	v3 =	vadd.f32 v3, v4;
	v0 =	vadd.f32 v6, v0;
	v6 =	vld [tilespmem:$0x1FD60]  }
0x2e1: {  	v2 =	vadd.f32 v5, v2;
	v5 =	vld [tilespmem:s20+$0x370];
	v4 =	vmul.f32 v51, v15  }
0x2e2: {  	v8 =	vld [tilespmem:s20+$0x3E0];
	v3 =	vadd.f32 v38, v3  }
0x2e3: {  	v62 =	vld [tilespmem:s20+$0x3F0];
	v60 =	vmul.f32 v57, v14;
	v2 =	vadd.f32 v39, v2;
	v1 =	vadd.f32 v4, v1  }
0x2e4: {  	v3 =	vadd.f32 v29, v3;
	v4 =	vmul.f32 v7, v14  }
0x2e5: {  	v1 =	vadd.f32 v60, v1;
	v2 =	vadd.f32 v6, v2  }
.Ltmp4:
0x2e6: {  	v0 =	vadd.f32 v4, v0;
	v4 =	vmul.f32 v5, v13;
	v6 =	vmul.f32 v58, v13;
	(pc) =	sbr.rel @p0 .LBB2_8-.Ltmp4, $4  }
0x2e7: {  	v3 =	vadd.f32 v52, v3;
	v5 =	vmul.f32 v8, v12;
	v2 =	vadd.f32 v55, v2  }
0x2e8: {  	v0 =	vadd.f32 v4, v0;
	v4 =	vmul.f32 v62, v12;
	v1 =	vadd.f32 v6, v1  }
0x2e9: {  	v7 =	vadd.f32 v48, v3;
	v6 =	vadd.f32 v49, v2  }
0x2ea: {  	v3 =	vadd.f32 v5, v1;
	v2 =	vadd.f32 v4, v0  }
.Ltmp5:
0x2eb: {  	[tilespmem:$0x1FFF0] =	vst v7;
	(pc) =	sbr.rel .LBB2_2-.Ltmp5, $4  }
0x2ec: {  	[tilespmem:$0x1FFE0] =	vst v6  }
0x2ed: {  	[tilespmem:$0x1FFD0] =	vst v3  }
0x2ee: {  	s18 =	sadd.s32 s19, s7;
	s17 =	sadd.s32 $0x1, s17;
	[tilespmem:$0x1FFC0] =	vst v2  }
0x2ef: {  	v62 =	vmovc v59;
	v59 =	vmovc v56;
	v60 =	vmov v50;
	v15 =	vmov v27;
	v19 =	vmov v26;
	[tilespmem:s12], [sflag:$0x2] =	stream.linear.gather [hbm4b:s18+s2], $0x8000, $0x38;
	[tilespmem:$0x11080] =	vst v63  }
.LBB2_9:
0x2f0: {  	_ =	sfence.sel $0x180000  }
0x2f1: {  	[bflag:$0x0] =	sbarrier.arrive $0xFFFF  }
0x2f2: {  	p0 =	sne.s32 s1, $0x0;
	_ =	strace $0x90000047  }
0x2f3: {  	s0 =	sadd.s32 @!p0 $0x100000, s0;
	[bflag:$0x2] =	sbarrier.arrive $0xFFFF  }
0x2f4: {  	[sflag:s0] =	ssyncadd.tile.s32 @!p0 $0x1;
	_ =	shalt  }
.Lfunc_end2:
_tile_overlayer_lowered:
.L_overlay_start_2:
0x2f5: {  	(tag) =	ssettag $0x2  }
0x2f6: {  	s0 =	rddreg [dreg:$0x0];
	s2 =	stileid.u32  }
0x2f7: {  	s1 =	rddreg [dreg:$0x1];
	p0 =	sne.s32 s2, $0x0  }
0x2f8: {  	s3 =	rddreg [dreg:$0x2];
	[bflag:$0x3] =	sbarrier.arrive $0xFFFF;
	s2 =	simm.s32 @!p0 $0x1C03  }
0x2f9: {  	[timem:s3], [sflag:s2] =	dma.local @!p0 [hbm:s0], s1  }
0x2fa: {  	s0 =	simm.s32 @!p0 $0x3  }
0x2fb: {  	_ =	swait.ge @!p0 [sflag:s0], s1  }
0x2fc: {  	s1 =	ssub.s32 @!p0 $0x0, s1;
	[sflag:s0] =	ssyncset.done @!p0 $0x0  }
0x2fd: {  	[sflag:s0] =	ssyncadd.s32 @!p0 s1  }
0x2fe: {  	[bflag:$0x3] =	sbarrier.arrive $0xFFFF  }
0x2ff: {  	_ =	shalt  }

</sc_bundles>
